<compile_context>
chip_gen: v7x
topology: tpu7x:2x2x1
jax: 0.10.2.dev20260603
libtpu: 0.0.44.dev20260713+nightly
codegen_flags: <defaults>
</compile_context>

<pallas_src>
import functools

import jax
import jax.numpy as jnp
from jax import lax
from jax.experimental import pallas as pl
from jax.experimental.pallas import tpu as pltpu
from jax.experimental.pallas import tpu_sc as plsc

N = 10000
E = 320000
D = 128
C = 40
DP = 48
NC = 2
NS = 16
NW = NC * NS
EPW = E // NW
CH = 125
NCH = EPW // CH
NPAD = N
RING = 8
GDEPTH = 6
NPS = N // NS
PCH = 125
BR = 2000
NB = N // BR

_MESH = plsc.VectorSubcoreMesh(core_axis_name="c", subcore_axis_name="s")
_SC_PARAMS = pltpu.CompilerParams(use_tc_tiling_on_sc=False)



def _deg_body(dst_hbm, ones_hbm, zeros_hbm, out_hbm, idx_d, ones_v, acc, sem):
    c = lax.axis_index("c")
    s = lax.axis_index("s")

    pltpu.sync_copy(zeros_hbm.at[pl.ds(s * NPS, NPS)],
                    acc.at[pl.ds(s * NPS, NPS)])
    pltpu.sync_copy(ones_hbm, ones_v)
    wid = s * NC + c
    pltpu.sync_copy(dst_hbm.at[wid], idx_d)
    plsc.subcore_barrier()

    @pl.loop(0, NCH, step=8)
    def _(j):
        for b in range(8):
            pltpu.async_copy(ones_v, acc.at[idx_d.at[j + b]], sem, add=True)
        for b in range(8):
            pltpu.make_async_copy(ones_v, acc.at[idx_d.at[j + b]], sem).wait()

    plsc.subcore_barrier()
    pltpu.sync_copy(acc.at[pl.ds(s * NPS, NPS)],
                    out_hbm.at[c, pl.ds(s * NPS, NPS)])


@functools.partial(
    pl.kernel,
    out_type=jax.ShapeDtypeStruct((NC, N, 16), jnp.float32),
    mesh=_MESH,
    scratch_types=[
        pltpu.VMEM((NCH, CH), jnp.int32),
        pltpu.VMEM((CH, 16), jnp.float32),
        pltpu.VMEM_SHARED((NPAD, 16), jnp.float32),
        pltpu.SemaphoreType.DMA,
    ],
    compiler_params=_SC_PARAMS,
)
def _deg_kernel(dst_hbm, ones_hbm, zeros_hbm, out_hbm, idx_d, ones_v, acc,
                sem):
    _deg_body(dst_hbm, ones_hbm, zeros_hbm, out_hbm, idx_d, ones_v, acc, sem)



def _hop_pipeline(src_hbm, dst_hbm, zeros_hbm, out_hbm,
                  idx_s, idx_d, rows, acc, gs, gsems, ssems, c, s,
                  stage_src=None):
    wid = s * NC + c
    zslice = pl.ds(s * NPS, NPS)
    pltpu.async_copy(src_hbm.at[wid], idx_s, ssems[0])
    pltpu.async_copy(dst_hbm.at[wid], idx_d, ssems[1])
    pltpu.async_copy(zeros_hbm.at[zslice], acc.at[zslice], ssems[2])
    if stage_src is not None:
        pltpu.async_copy(stage_src.at[zslice], gs.at[zslice], ssems[3])
        pltpu.make_async_copy(stage_src.at[zslice], gs.at[zslice],
                              ssems[3]).wait()
    pltpu.make_async_copy(src_hbm.at[wid], idx_s, ssems[0]).wait()
    pltpu.make_async_copy(dst_hbm.at[wid], idx_d, ssems[1]).wait()
    pltpu.make_async_copy(zeros_hbm.at[zslice], acc.at[zslice], ssems[2]).wait()
    plsc.subcore_barrier()

    for m in range(GDEPTH):
        pltpu.async_copy(gs.at[idx_s.at[m]], rows[m], gsems[m])

    @pl.loop(0, NCH, step=RING)
    def _(j):
        for r in range(RING):
            k = j + r
            b2 = (r + GDEPTH) % RING

            @pl.when((k >= RING - GDEPTH) & (k + GDEPTH < NCH))
            def _():
                pltpu.make_async_copy(rows[b2], acc.at[idx_d.at[k]],
                                      ssems[b2]).wait()

            @pl.when(k + GDEPTH < NCH)
            def _():
                pltpu.async_copy(gs.at[idx_s.at[k + GDEPTH]], rows[b2],
                                 gsems[b2])

            pltpu.make_async_copy(gs.at[idx_s.at[k]], rows[r],
                                  gsems[r]).wait()
            pltpu.async_copy(rows[r], acc.at[idx_d.at[k]], ssems[r],
                             add=True)

    for r in range(RING):
        pltpu.make_async_copy(rows[r], acc.at[idx_d.at[r]], ssems[r]).wait()

    plsc.subcore_barrier()
    pltpu.sync_copy(acc.at[pl.ds(s * NPS, NPS)],
                    out_hbm.at[c, pl.ds(s * NPS, NPS)])


def _hop1_body(g_hbm, src_hbm, dst_hbm, zeros_hbm, out_hbm,
               idx_s, idx_d, rows, acc, gs, gsems, ssems):
    c = lax.axis_index("c")
    s = lax.axis_index("s")
    _hop_pipeline(src_hbm, dst_hbm, zeros_hbm, out_hbm,
                  idx_s, idx_d, rows, acc, gs, gsems, ssems, c, s,
                  stage_src=g_hbm)


def _hop2_body(sp_hbm, g1_hbm, r2_hbm, src_hbm, dst_hbm, zeros_hbm, out_hbm,
               g2_hbm, idx_s, idx_d, rows, acc, gs, r2v,
               gsems, ssems):
    c = lax.axis_index("c")
    s = lax.axis_index("s")
    p0v, p1v, g1v = rows[0], rows[1], rows[2]
    @pl.loop(0, NPS, step=PCH)
    def _(q):
        r0 = s * NPS + q
        pltpu.async_copy(sp_hbm.at[0, pl.ds(r0, PCH)], p0v, gsems[0])
        pltpu.async_copy(sp_hbm.at[1, pl.ds(r0, PCH)], p1v, gsems[1])
        pltpu.async_copy(g1_hbm.at[pl.ds(r0, PCH)], g1v, gsems[2])
        pltpu.async_copy(r2_hbm.at[pl.ds(r0, PCH)], r2v, gsems[3])
        pltpu.make_async_copy(sp_hbm.at[0, pl.ds(r0, PCH)], p0v, gsems[0]).wait()
        pltpu.make_async_copy(sp_hbm.at[1, pl.ds(r0, PCH)], p1v, gsems[1]).wait()
        pltpu.make_async_copy(g1_hbm.at[pl.ds(r0, PCH)], g1v, gsems[2]).wait()
        pltpu.make_async_copy(r2_hbm.at[pl.ds(r0, PCH)], r2v, gsems[3]).wait()

        @pl.loop(0, PCH)
        def _(r):
            rr = r2v[r, pl.ds(0, 16)]
            for cc in range(DP // 16):
                sl = pl.ds(16 * cc, 16)
                g1v[r, sl] = (p0v[r, sl] + p1v[r, sl] + g1v[r, sl]) * rr

        pltpu.sync_copy(g1v, gs.at[pl.ds(r0, PCH)])

        @pl.when(c == 0)
        def _():
            pltpu.sync_copy(g1v, g2_hbm.at[pl.ds(r0, PCH)])

    _hop_pipeline(src_hbm, dst_hbm, zeros_hbm, out_hbm,
                  idx_s, idx_d, rows, acc, gs, gsems, ssems, c, s)


_HOP_SCRATCH = [
    pltpu.VMEM((NCH, CH), jnp.int32),
    pltpu.VMEM((NCH, CH), jnp.int32),
    [pltpu.VMEM((CH, DP), jnp.float32)] * RING,
    pltpu.VMEM_SHARED((NPAD, DP), jnp.float32),
    pltpu.VMEM_SHARED((N, DP), jnp.float32),
]
_HOP_SEMS = [
    [pltpu.SemaphoreType.DMA] * RING,
    [pltpu.SemaphoreType.DMA] * RING,
]


@functools.partial(
    pl.kernel,
    out_type=jax.ShapeDtypeStruct((NC, N, DP), jnp.float32),
    mesh=_MESH,
    scratch_types=_HOP_SCRATCH + _HOP_SEMS,
    compiler_params=_SC_PARAMS,
)
def _hop1_kernel(g_hbm, src_hbm, dst_hbm, zeros_hbm, out_hbm,
                 idx_s, idx_d, rows, acc, gs, gsems, ssems):
    _hop1_body(g_hbm, src_hbm, dst_hbm, zeros_hbm, out_hbm,
               idx_s, idx_d, rows, acc, gs, gsems, ssems)


@functools.partial(
    pl.kernel,
    out_type=[jax.ShapeDtypeStruct((NC, N, DP), jnp.float32),
              jax.ShapeDtypeStruct((N, DP), jnp.float32)],
    mesh=_MESH,
    scratch_types=_HOP_SCRATCH + [
        pltpu.VMEM((PCH, 16), jnp.float32),
    ] + _HOP_SEMS,
    compiler_params=_SC_PARAMS,
)
def _hop2_kernel(sp_hbm, g1_hbm, r2_hbm, src_hbm, dst_hbm, zeros_hbm, out_hbm,
                 g2_hbm, idx_s, idx_d, rows, acc, gs, r2v, gsems, ssems):
    _hop2_body(sp_hbm, g1_hbm, r2_hbm, src_hbm, dst_hbm, zeros_hbm, out_hbm,
               g2_hbm, idx_s, idx_d, rows, acc, gs, r2v, gsems, ssems)



def _prep_body(x_ref, w_ref, d0_ref, d1_ref, g_ref, r2_ref):
    deg = 1.0 + d0_ref[0, :, 0:1] + d1_ref[0, :, 0:1]
    z = lax.dot_general(x_ref[...], w_ref[...], (((1,), (1,)), ((), ())),
                        preferred_element_type=jnp.float32)
    g_ref[...] = z * lax.rsqrt(deg)
    r2_ref[...] = jnp.broadcast_to(1.0 / deg, (BR, 16))


def _prep(x, wp, degp):
    return pl.pallas_call(
        _prep_body,
        grid=(NB,),
        in_specs=[
            pl.BlockSpec((BR, D), lambda i: (i, 0)),
            pl.BlockSpec((DP, D), lambda i: (0, 0)),
            pl.BlockSpec((1, BR, 16), lambda i: (0, i, 0)),
            pl.BlockSpec((1, BR, 16), lambda i: (1, i, 0)),
        ],
        out_specs=[
            pl.BlockSpec((BR, DP), lambda i: (i, 0)),
            pl.BlockSpec((BR, 16), lambda i: (i, 0)),
        ],
        out_shape=[
            jax.ShapeDtypeStruct((N, DP), jnp.float32),
            jax.ShapeDtypeStruct((N, 16), jnp.float32),
        ],
    )(x, wp, degp, degp)


def _final_body(s2p0, s2p1, g2_ref, d0_ref, d1_ref, b_ref, o_ref):
    deg = 1.0 + d0_ref[0, :, 0:1] + d1_ref[0, :, 0:1]
    logits = (s2p0[0] + s2p1[0] + g2_ref[...]) * lax.rsqrt(deg) + b_ref[...]
    col = lax.broadcasted_iota(jnp.int32, (BR, DP), 1)
    valid = col < C
    masked = jnp.where(valid, logits, -1e30)
    m = jnp.max(masked, axis=1, keepdims=True)
    e = jnp.where(valid, jnp.exp(logits - m), 0.0)
    lse = jnp.log(jnp.sum(e, axis=1, keepdims=True))
    o_ref[...] = (logits - m - lse)[:, :C]


def _final(s2p, g2, degp, bp):
    return pl.pallas_call(
        _final_body,
        grid=(NB,),
        in_specs=[
            pl.BlockSpec((1, BR, DP), lambda i: (0, i, 0)),
            pl.BlockSpec((1, BR, DP), lambda i: (1, i, 0)),
            pl.BlockSpec((BR, DP), lambda i: (i, 0)),
            pl.BlockSpec((1, BR, 16), lambda i: (0, i, 0)),
            pl.BlockSpec((1, BR, 16), lambda i: (1, i, 0)),
            pl.BlockSpec((1, DP), lambda i: (0, 0)),
        ],
        out_specs=pl.BlockSpec((BR, C), lambda i: (i, 0)),
        out_shape=jax.ShapeDtypeStruct((N, C), jnp.float32),
    )(s2p, s2p, g2, degp, degp, bp)



def kernel(x, edge_index, W, b):
    src = edge_index[0].astype(jnp.int32)
    dst = edge_index[1].astype(jnp.int32)
    src3 = src.reshape(NW, NCH, CH)
    dst3 = dst.reshape(NW, NCH, CH)

    wp = jnp.zeros((DP, D), jnp.float32).at[:C].set(W)
    bp = jnp.zeros((1, DP), jnp.float32).at[0, :C].set(b)
    ones16 = jnp.ones((CH, 16), jnp.float32)
    zeros16 = jnp.zeros((N, 16), jnp.float32)
    zerosdp = jnp.zeros((N, DP), jnp.float32)

    degp = _deg_kernel(dst3, ones16, zeros16)
    g1, r2 = _prep(x, wp, degp)
    s1p = _hop1_kernel(g1, src3, dst3, zerosdp)
    s2p, g2 = _hop2_kernel(s1p, g1, r2, src3, dst3, zerosdp)
    return _final(s2p, g2, degp, bp)

# --- scband reference (transcript-rebuilt; emitter-appended) ---
"""Pipeline reference for scband-sgcmodel-25795573580201 (READ-ONLY COPY).

The authoritative reference and input builder live on the scoring server;
editing this copy changes nothing except your own understanding.
"""

import jax, jax.numpy as jnp
import numpy as np

N_NODES = 10000
N_EDGES = 320000
D_FEAT = 128
N_CLASSES = 40
K_HOPS = 2


def setup_inputs(seed: int = 0) -> dict:
    key = jax.random.key(seed)
    k1, k2, k3, k4 = jax.random.split(key, 4)
    x = jax.random.normal(k1, (N_NODES, D_FEAT), dtype=jnp.float32)
    edge_index = jax.random.randint(k2, (2, N_EDGES), 0, N_NODES, dtype=jnp.int64)
    W = jax.random.normal(k3, (N_CLASSES, D_FEAT), dtype=jnp.float32) * (1.0 / np.sqrt(D_FEAT))
    b = jnp.zeros((N_CLASSES,), dtype=jnp.float32)
    return {"x": x, "edge_index": edge_index, "W": W, "b": b}


def reference(x, edge_index, W, b):
    # SGConv (PyG): gcn-normalized adjacency with self-loops, K propagation hops, then linear.
    N = x.shape[0]
    self_loops = jnp.arange(N, dtype=edge_index.dtype)
    src = jnp.concatenate([edge_index[0], self_loops])
    dst = jnp.concatenate([edge_index[1], self_loops])
    # symmetric normalization D^{-1/2} (A + I) D^{-1/2}
    deg = jnp.zeros((N,), dtype=x.dtype).at[dst].add(1.0)
    deg_inv_sqrt = jnp.where(deg > 0, jax.lax.rsqrt(jnp.maximum(deg, 1e-12)), 0.0)
    norm = deg_inv_sqrt[src] * deg_inv_sqrt[dst]
    h = x
    for _ in range(K_HOPS):
        msgs = norm[:, None] * h[src]          # gather from src nodes
        h = jnp.zeros_like(h).at[dst].add(msgs)  # scatter-add to dst nodes
    out = h @ W.T + b
    return jax.nn.log_softmax(out, axis=1)

if __name__ == "__main__":
    import jax
    _d = setup_inputs()
    print(jax.jit(kernel)(*tuple(_d.values())))

</pallas_src>

<mosaic_0001>
#map = affine_map<(d0, d1) -> (0, 0)>
#map1 = affine_map<(d0, d1) -> (0, 0, 0)>
module attributes {stable_mosaic.version = 14 : i64} {
  func.func @_hop1_kernel(%arg0: i32, %arg1: i32, %arg2: memref<10000x48xf32, #tpu.memory_space<hbm>>, %arg3: memref<32x80x125xi32, #tpu.memory_space<hbm>>, %arg4: memref<32x80x125xi32, #tpu.memory_space<hbm>>, %arg5: memref<10000x48xf32, #tpu.memory_space<hbm>>, %arg6: memref<2x10000x48xf32, #tpu.memory_space<hbm>>, %arg7: memref<80x125xi32, #tpu.memory_space<vmem>>, %arg8: memref<80x125xi32, #tpu.memory_space<vmem>>, %arg9: memref<125x48xf32, #tpu.memory_space<vmem>>, %arg10: memref<125x48xf32, #tpu.memory_space<vmem>>, %arg11: memref<125x48xf32, #tpu.memory_space<vmem>>, %arg12: memref<125x48xf32, #tpu.memory_space<vmem>>, %arg13: memref<125x48xf32, #tpu.memory_space<vmem>>, %arg14: memref<125x48xf32, #tpu.memory_space<vmem>>, %arg15: memref<125x48xf32, #tpu.memory_space<vmem>>, %arg16: memref<125x48xf32, #tpu.memory_space<vmem>>, %arg17: memref<10000x48xf32, #tpu.memory_space<vmem_shared>>, %arg18: memref<10000x48xf32, #tpu.memory_space<vmem_shared>>, %arg19: memref<!tpu.dma_semaphore, #tpu.memory_space<semaphore_mem>>, %arg20: memref<!tpu.dma_semaphore, #tpu.memory_space<semaphore_mem>>, %arg21: memref<!tpu.dma_semaphore, #tpu.memory_space<semaphore_mem>>, %arg22: memref<!tpu.dma_semaphore, #tpu.memory_space<semaphore_mem>>, %arg23: memref<!tpu.dma_semaphore, #tpu.memory_space<semaphore_mem>>, %arg24: memref<!tpu.dma_semaphore, #tpu.memory_space<semaphore_mem>>, %arg25: memref<!tpu.dma_semaphore, #tpu.memory_space<semaphore_mem>>, %arg26: memref<!tpu.dma_semaphore, #tpu.memory_space<semaphore_mem>>, %arg27: memref<!tpu.dma_semaphore, #tpu.memory_space<semaphore_mem>>, %arg28: memref<!tpu.dma_semaphore, #tpu.memory_space<semaphore_mem>>, %arg29: memref<!tpu.dma_semaphore, #tpu.memory_space<semaphore_mem>>, %arg30: memref<!tpu.dma_semaphore, #tpu.memory_space<semaphore_mem>>, %arg31: memref<!tpu.dma_semaphore, #tpu.memory_space<semaphore_mem>>, %arg32: memref<!tpu.dma_semaphore, #tpu.memory_space<semaphore_mem>>, %arg33: memref<!tpu.dma_semaphore, #tpu.memory_space<semaphore_mem>>, %arg34: memref<!tpu.dma_semaphore, #tpu.memory_space<semaphore_mem>>) attributes {dimension_semantics = [#tpu.dimension_semantics<core_parallel>, #tpu.dimension_semantics<subcore_parallel>], iteration_bounds = array<i64: 2, 16>, scalar_prefetch = 0 : i64, scratch_operands = 28 : i64, tpu.core_type = #tpu.core_type<sc_vector_subcore>, window_params = [{transform_indices = #map}, {transform_indices = #map1}, {transform_indices = #map1}, {transform_indices = #map}, {transform_indices = #map1}]} {
    %mul3A = arith.constant 2 : i32
    %mul3A_0 = arith.muli %arg1, %mul3A : i32
    %add3A = arith.addi %mul3A_0, %arg0 : i32
    %mul3A_1 = arith.constant 625 : i32
    %mul3A_2 = arith.muli %arg1, %mul3A_1 : i32
    %dma_start3A = arith.constant 0 : i32
    %dma_start3A_3 = arith.constant 0 : i32
    %dma_start3A_4 = tpu.memref_slice %arg3[%add3A, %dma_start3A, %dma_start3A_3] : memref<32x80x125xi32, #tpu.memory_space<hbm>> -> memref<1x80x125xi32, #tpu.memory_space<hbm>>
    %dma_start3A_5 = tpu.memref_squeeze %dma_start3A_4 : memref<1x80x125xi32, #tpu.memory_space<hbm>> -> memref<80x125xi32, #tpu.memory_space<hbm>>
    %dma_start3A_6 = arith.constant 0 : i32
    %dma_start3A_7 = arith.constant 0 : i32
    %dma_start3A_8 = tpu.memref_slice %arg3[%add3A, %dma_start3A_6, %dma_start3A_7] : memref<32x80x125xi32, #tpu.memory_space<hbm>> -> memref<1x80x125xi32, #tpu.memory_space<hbm>>
    %dma_start3A_9 = tpu.memref_squeeze %dma_start3A_8 : memref<1x80x125xi32, #tpu.memory_space<hbm>> -> memref<80x125xi32, #tpu.memory_space<hbm>>
    tpu.enqueue_dma source(%dma_start3A_9 : memref<80x125xi32, #tpu.memory_space<hbm>>) target(%arg7 : memref<80x125xi32, #tpu.memory_space<vmem>>) target_semaphore(%arg27 : memref<!tpu.dma_semaphore, #tpu.memory_space<semaphore_mem>>)
    %dma_start3A_10 = arith.constant 0 : i32
    %dma_start3A_11 = arith.constant 0 : i32
    %dma_start3A_12 = tpu.memref_slice %arg4[%add3A, %dma_start3A_10, %dma_start3A_11] : memref<32x80x125xi32, #tpu.memory_space<hbm>> -> memref<1x80x125xi32, #tpu.memory_space<hbm>>
    %dma_start3A_13 = tpu.memref_squeeze %dma_start3A_12 : memref<1x80x125xi32, #tpu.memory_space<hbm>> -> memref<80x125xi32, #tpu.memory_space<hbm>>
    %dma_start3A_14 = arith.constant 0 : i32
    %dma_start3A_15 = arith.constant 0 : i32
    %dma_start3A_16 = tpu.memref_slice %arg4[%add3A, %dma_start3A_14, %dma_start3A_15] : memref<32x80x125xi32, #tpu.memory_space<hbm>> -> memref<1x80x125xi32, #tpu.memory_space<hbm>>
    %dma_start3A_17 = tpu.memref_squeeze %dma_start3A_16 : memref<1x80x125xi32, #tpu.memory_space<hbm>> -> memref<80x125xi32, #tpu.memory_space<hbm>>
    tpu.enqueue_dma source(%dma_start3A_17 : memref<80x125xi32, #tpu.memory_space<hbm>>) target(%arg8 : memref<80x125xi32, #tpu.memory_space<vmem>>) target_semaphore(%arg28 : memref<!tpu.dma_semaphore, #tpu.memory_space<semaphore_mem>>)
    %dma_start3A_18 = arith.constant 0 : i32
    %dma_start3A_19 = tpu.memref_slice %arg17[%mul3A_2, %dma_start3A_18] : memref<10000x48xf32, #tpu.memory_space<vmem_shared>> -> memref<625x48xf32, #tpu.memory_space<vmem_shared>>
    %dma_start3A_20 = arith.constant 0 : i32
    %dma_start3A_21 = tpu.memref_slice %arg5[%mul3A_2, %dma_start3A_20] : memref<10000x48xf32, #tpu.memory_space<hbm>> -> memref<625x48xf32, #tpu.memory_space<hbm>>
    tpu.enqueue_dma source(%dma_start3A_21 : memref<625x48xf32, #tpu.memory_space<hbm>>) target(%dma_start3A_19 : memref<625x48xf32, #tpu.memory_space<vmem_shared>>) target_semaphore(%arg29 : memref<!tpu.dma_semaphore, #tpu.memory_space<semaphore_mem>>)
    %dma_start3A_22 = arith.constant 0 : i32
    %dma_start3A_23 = tpu.memref_slice %arg18[%mul3A_2, %dma_start3A_22] : memref<10000x48xf32, #tpu.memory_space<vmem_shared>> -> memref<625x48xf32, #tpu.memory_space<vmem_shared>>
    %dma_start3A_24 = arith.constant 0 : i32
    %dma_start3A_25 = tpu.memref_slice %arg2[%mul3A_2, %dma_start3A_24] : memref<10000x48xf32, #tpu.memory_space<hbm>> -> memref<625x48xf32, #tpu.memory_space<hbm>>
    tpu.enqueue_dma source(%dma_start3A_25 : memref<625x48xf32, #tpu.memory_space<hbm>>) target(%dma_start3A_23 : memref<625x48xf32, #tpu.memory_space<vmem_shared>>) target_semaphore(%arg30 : memref<!tpu.dma_semaphore, #tpu.memory_space<semaphore_mem>>)
    %dma_wait3A = arith.constant 0 : i32
    %dma_wait3A_26 = tpu.memref_slice %arg18[%mul3A_2, %dma_wait3A] : memref<10000x48xf32, #tpu.memory_space<vmem_shared>> -> memref<625x48xf32, #tpu.memory_space<vmem_shared>>
    %dma_wait3A_27 = arith.constant 0 : i32
    %dma_wait3A_28 = tpu.memref_slice %arg2[%mul3A_2, %dma_wait3A_27] : memref<10000x48xf32, #tpu.memory_space<hbm>> -> memref<625x48xf32, #tpu.memory_space<hbm>>
    tpu.wait_dma2 semaphore(%arg30 : memref<!tpu.dma_semaphore, #tpu.memory_space<semaphore_mem>>) src(%dma_wait3A_28 : memref<625x48xf32, #tpu.memory_space<hbm>>) dst(%dma_wait3A_26 : memref<625x48xf32, #tpu.memory_space<vmem_shared>>)
    %dma_wait3A_29 = arith.constant 0 : i32
    %dma_wait3A_30 = arith.constant 0 : i32
    %dma_wait3A_31 = tpu.memref_slice %arg3[%add3A, %dma_wait3A_29, %dma_wait3A_30] : memref<32x80x125xi32, #tpu.memory_space<hbm>> -> memref<1x80x125xi32, #tpu.memory_space<hbm>>
    %dma_wait3A_32 = tpu.memref_squeeze %dma_wait3A_31 : memref<1x80x125xi32, #tpu.memory_space<hbm>> -> memref<80x125xi32, #tpu.memory_space<hbm>>
    %dma_wait3A_33 = arith.constant 0 : i32
    %dma_wait3A_34 = arith.constant 0 : i32
    %dma_wait3A_35 = tpu.memref_slice %arg3[%add3A, %dma_wait3A_33, %dma_wait3A_34] : memref<32x80x125xi32, #tpu.memory_space<hbm>> -> memref<1x80x125xi32, #tpu.memory_space<hbm>>
    %dma_wait3A_36 = tpu.memref_squeeze %dma_wait3A_35 : memref<1x80x125xi32, #tpu.memory_space<hbm>> -> memref<80x125xi32, #tpu.memory_space<hbm>>
    tpu.wait_dma2 semaphore(%arg27 : memref<!tpu.dma_semaphore, #tpu.memory_space<semaphore_mem>>) src(%dma_wait3A_36 : memref<80x125xi32, #tpu.memory_space<hbm>>) dst(%arg7 : memref<80x125xi32, #tpu.memory_space<vmem>>)
    %dma_wait3A_37 = arith.constant 0 : i32
    %dma_wait3A_38 = arith.constant 0 : i32
    %dma_wait3A_39 = tpu.memref_slice %arg4[%add3A, %dma_wait3A_37, %dma_wait3A_38] : memref<32x80x125xi32, #tpu.memory_space<hbm>> -> memref<1x80x125xi32, #tpu.memory_space<hbm>>
    %dma_wait3A_40 = tpu.memref_squeeze %dma_wait3A_39 : memref<1x80x125xi32, #tpu.memory_space<hbm>> -> memref<80x125xi32, #tpu.memory_space<hbm>>
    %dma_wait3A_41 = arith.constant 0 : i32
    %dma_wait3A_42 = arith.constant 0 : i32
    %dma_wait3A_43 = tpu.memref_slice %arg4[%add3A, %dma_wait3A_41, %dma_wait3A_42] : memref<32x80x125xi32, #tpu.memory_space<hbm>> -> memref<1x80x125xi32, #tpu.memory_space<hbm>>
    %dma_wait3A_44 = tpu.memref_squeeze %dma_wait3A_43 : memref<1x80x125xi32, #tpu.memory_space<hbm>> -> memref<80x125xi32, #tpu.memory_space<hbm>>
    tpu.wait_dma2 semaphore(%arg28 : memref<!tpu.dma_semaphore, #tpu.memory_space<semaphore_mem>>) src(%dma_wait3A_44 : memref<80x125xi32, #tpu.memory_space<hbm>>) dst(%arg8 : memref<80x125xi32, #tpu.memory_space<vmem>>)
    %dma_wait3A_45 = arith.constant 0 : i32
    %dma_wait3A_46 = tpu.memref_slice %arg17[%mul3A_2, %dma_wait3A_45] : memref<10000x48xf32, #tpu.memory_space<vmem_shared>> -> memref<625x48xf32, #tpu.memory_space<vmem_shared>>
    %dma_wait3A_47 = arith.constant 0 : i32
    %dma_wait3A_48 = tpu.memref_slice %arg5[%mul3A_2, %dma_wait3A_47] : memref<10000x48xf32, #tpu.memory_space<hbm>> -> memref<625x48xf32, #tpu.memory_space<hbm>>
    tpu.wait_dma2 semaphore(%arg29 : memref<!tpu.dma_semaphore, #tpu.memory_space<semaphore_mem>>) src(%dma_wait3A_48 : memref<625x48xf32, #tpu.memory_space<hbm>>) dst(%dma_wait3A_46 : memref<625x48xf32, #tpu.memory_space<vmem_shared>>)
    %barrier3A = arith.constant 0 : index
    tpu.barrier barrier_id(%barrier3A)
    %dma_start3A_49 = arith.constant 0 : i32
    %dma_start3A_50 = arith.constant 0 : i32
    %dma_start3A_51 = tpu.memref_slice %arg7[%dma_start3A_49, %dma_start3A_50] : memref<80x125xi32, #tpu.memory_space<vmem>> -> memref<1x125xi32, #tpu.memory_space<vmem>>
    %dma_start3A_52 = tpu.memref_squeeze %dma_start3A_51 : memref<1x125xi32, #tpu.memory_space<vmem>> -> memref<125xi32, #tpu.memory_space<vmem>>
    %dma_start3A_53 = arith.constant 0 : i32
    %dma_start3A_54 = arith.constant 0 : i32
    %dma_start3A_55 = tpu.memref_slice %arg18[%dma_start3A_53, %dma_start3A_54] : memref<10000x48xf32, #tpu.memory_space<vmem_shared>> -> memref<10000x48xf32, #tpu.memory_space<vmem_shared>>
    tpu.enqueue_indirect_dma source(%dma_start3A_55 : memref<10000x48xf32, #tpu.memory_space<vmem_shared>>) target(%arg9 : memref<125x48xf32, #tpu.memory_space<vmem>>) offsets(%dma_start3A_52 : memref<125xi32, #tpu.memory_space<vmem>>) semaphore(%arg19 : memref<!tpu.dma_semaphore, #tpu.memory_space<semaphore_mem>>)
    %dma_start3A_56 = arith.constant 1 : i32
    %dma_start3A_57 = arith.constant 0 : i32
    %dma_start3A_58 = tpu.memref_slice %arg7[%dma_start3A_56, %dma_start3A_57] : memref<80x125xi32, #tpu.memory_space<vmem>> -> memref<1x125xi32, #tpu.memory_space<vmem>>
    %dma_start3A_59 = tpu.memref_squeeze %dma_start3A_58 : memref<1x125xi32, #tpu.memory_space<vmem>> -> memref<125xi32, #tpu.memory_space<vmem>>
    %dma_start3A_60 = arith.constant 0 : i32
    %dma_start3A_61 = arith.constant 0 : i32
    %dma_start3A_62 = tpu.memref_slice %arg18[%dma_start3A_60, %dma_start3A_61] : memref<10000x48xf32, #tpu.memory_space<vmem_shared>> -> memref<10000x48xf32, #tpu.memory_space<vmem_shared>>
    tpu.enqueue_indirect_dma source(%dma_start3A_62 : memref<10000x48xf32, #tpu.memory_space<vmem_shared>>) target(%arg10 : memref<125x48xf32, #tpu.memory_space<vmem>>) offsets(%dma_start3A_59 : memref<125xi32, #tpu.memory_space<vmem>>) semaphore(%arg20 : memref<!tpu.dma_semaphore, #tpu.memory_space<semaphore_mem>>)
    %dma_start3A_63 = arith.constant 2 : i32
    %dma_start3A_64 = arith.constant 0 : i32
    %dma_start3A_65 = tpu.memref_slice %arg7[%dma_start3A_63, %dma_start3A_64] : memref<80x125xi32, #tpu.memory_space<vmem>> -> memref<1x125xi32, #tpu.memory_space<vmem>>
    %dma_start3A_66 = tpu.memref_squeeze %dma_start3A_65 : memref<1x125xi32, #tpu.memory_space<vmem>> -> memref<125xi32, #tpu.memory_space<vmem>>
    %dma_start3A_67 = arith.constant 0 : i32
    %dma_start3A_68 = arith.constant 0 : i32
    %dma_start3A_69 = tpu.memref_slice %arg18[%dma_start3A_67, %dma_start3A_68] : memref<10000x48xf32, #tpu.memory_space<vmem_shared>> -> memref<10000x48xf32, #tpu.memory_space<vmem_shared>>
    tpu.enqueue_indirect_dma source(%dma_start3A_69 : memref<10000x48xf32, #tpu.memory_space<vmem_shared>>) target(%arg11 : memref<125x48xf32, #tpu.memory_space<vmem>>) offsets(%dma_start3A_66 : memref<125xi32, #tpu.memory_space<vmem>>) semaphore(%arg21 : memref<!tpu.dma_semaphore, #tpu.memory_space<semaphore_mem>>)
    %dma_start3A_70 = arith.constant 3 : i32
    %dma_start3A_71 = arith.constant 0 : i32
    %dma_start3A_72 = tpu.memref_slice %arg7[%dma_start3A_70, %dma_start3A_71] : memref<80x125xi32, #tpu.memory_space<vmem>> -> memref<1x125xi32, #tpu.memory_space<vmem>>
    %dma_start3A_73 = tpu.memref_squeeze %dma_start3A_72 : memref<1x125xi32, #tpu.memory_space<vmem>> -> memref<125xi32, #tpu.memory_space<vmem>>
    %dma_start3A_74 = arith.constant 0 : i32
    %dma_start3A_75 = arith.constant 0 : i32
    %dma_start3A_76 = tpu.memref_slice %arg18[%dma_start3A_74, %dma_start3A_75] : memref<10000x48xf32, #tpu.memory_space<vmem_shared>> -> memref<10000x48xf32, #tpu.memory_space<vmem_shared>>
    tpu.enqueue_indirect_dma source(%dma_start3A_76 : memref<10000x48xf32, #tpu.memory_space<vmem_shared>>) target(%arg12 : memref<125x48xf32, #tpu.memory_space<vmem>>) offsets(%dma_start3A_73 : memref<125xi32, #tpu.memory_space<vmem>>) semaphore(%arg22 : memref<!tpu.dma_semaphore, #tpu.memory_space<semaphore_mem>>)
    %dma_start3A_77 = arith.constant 4 : i32
    %dma_start3A_78 = arith.constant 0 : i32
    %dma_start3A_79 = tpu.memref_slice %arg7[%dma_start3A_77, %dma_start3A_78] : memref<80x125xi32, #tpu.memory_space<vmem>> -> memref<1x125xi32, #tpu.memory_space<vmem>>
    %dma_start3A_80 = tpu.memref_squeeze %dma_start3A_79 : memref<1x125xi32, #tpu.memory_space<vmem>> -> memref<125xi32, #tpu.memory_space<vmem>>
    %dma_start3A_81 = arith.constant 0 : i32
    %dma_start3A_82 = arith.constant 0 : i32
    %dma_start3A_83 = tpu.memref_slice %arg18[%dma_start3A_81, %dma_start3A_82] : memref<10000x48xf32, #tpu.memory_space<vmem_shared>> -> memref<10000x48xf32, #tpu.memory_space<vmem_shared>>
    tpu.enqueue_indirect_dma source(%dma_start3A_83 : memref<10000x48xf32, #tpu.memory_space<vmem_shared>>) target(%arg13 : memref<125x48xf32, #tpu.memory_space<vmem>>) offsets(%dma_start3A_80 : memref<125xi32, #tpu.memory_space<vmem>>) semaphore(%arg23 : memref<!tpu.dma_semaphore, #tpu.memory_space<semaphore_mem>>)
    %dma_start3A_84 = arith.constant 5 : i32
    %dma_start3A_85 = arith.constant 0 : i32
    %dma_start3A_86 = tpu.memref_slice %arg7[%dma_start3A_84, %dma_start3A_85] : memref<80x125xi32, #tpu.memory_space<vmem>> -> memref<1x125xi32, #tpu.memory_space<vmem>>
    %dma_start3A_87 = tpu.memref_squeeze %dma_start3A_86 : memref<1x125xi32, #tpu.memory_space<vmem>> -> memref<125xi32, #tpu.memory_space<vmem>>
    %dma_start3A_88 = arith.constant 0 : i32
    %dma_start3A_89 = arith.constant 0 : i32
    %dma_start3A_90 = tpu.memref_slice %arg18[%dma_start3A_88, %dma_start3A_89] : memref<10000x48xf32, #tpu.memory_space<vmem_shared>> -> memref<10000x48xf32, #tpu.memory_space<vmem_shared>>
    tpu.enqueue_indirect_dma source(%dma_start3A_90 : memref<10000x48xf32, #tpu.memory_space<vmem_shared>>) target(%arg14 : memref<125x48xf32, #tpu.memory_space<vmem>>) offsets(%dma_start3A_87 : memref<125xi32, #tpu.memory_space<vmem>>) semaphore(%arg24 : memref<!tpu.dma_semaphore, #tpu.memory_space<semaphore_mem>>)
    %scan3A = arith.constant 0 : i32
    %scan3A_91 = arith.constant 10 : i32
    %scan3A_92 = arith.addi %scan3A, %scan3A_91 : i32
    %scan3A_93 = arith.constant 1 : i32
    scf.for %scan3A_156 = %scan3A to %scan3A_92 step %scan3A_93  : i32 {
      %mul3A_157 = arith.constant 8 : i32
      %mul3A_158 = arith.muli %scan3A_156, %mul3A_157 : i32
      %add3A_159 = arith.constant 0 : i32
      %add3A_160 = arith.addi %add3A_159, %mul3A_158 : i32
      %add3A_161 = arith.constant 0 : i32
      %add3A_162 = arith.addi %add3A_160, %add3A_161 : i32
      %ge3A = arith.constant 2 : i32
      %ge3A_163 = arith.cmpi sge, %add3A_162, %ge3A : i32
      %add3A_164 = arith.constant 6 : i32
      %add3A_165 = arith.addi %add3A_162, %add3A_164 : i32
      %lt3A = arith.constant 80 : i32
      %lt3A_166 = arith.cmpi slt, %add3A_165, %lt3A : i32
      %and3A = arith.andi %ge3A_163, %lt3A_166 : i1
      %convert_element_type3A = arith.extui %and3A : i1 to i32
      %cond3A = arith.constant 0 : i32
      %cond3A_167 = arith.cmpi ne, %convert_element_type3A, %cond3A : i32
      scf.if %cond3A_167 {
        %dma_wait3A_404 = arith.constant 0 : i32
        %dma_wait3A_405 = tpu.memref_slice %arg8[%add3A_162, %dma_wait3A_404] : memref<80x125xi32, #tpu.memory_space<vmem>> -> memref<1x125xi32, #tpu.memory_space<vmem>>
        %dma_wait3A_406 = tpu.memref_squeeze %dma_wait3A_405 : memref<1x125xi32, #tpu.memory_space<vmem>> -> memref<125xi32, #tpu.memory_space<vmem>>
        %dma_wait3A_407 = arith.constant 0 : i32
        %dma_wait3A_408 = arith.constant 0 : i32
        %dma_wait3A_409 = tpu.memref_slice %arg17[%dma_wait3A_407, %dma_wait3A_408] : memref<10000x48xf32, #tpu.memory_space<vmem_shared>> -> memref<10000x48xf32, #tpu.memory_space<vmem_shared>>
        tpu.wait_indirect_dma semaphore(%arg33 : memref<!tpu.dma_semaphore, #tpu.memory_space<semaphore_mem>>) src(%arg15 : memref<125x48xf32, #tpu.memory_space<vmem>>) dst(%dma_wait3A_409 : memref<10000x48xf32, #tpu.memory_space<vmem_shared>>)
      } else {
      }
      %add3A_168 = arith.constant 6 : i32
      %add3A_169 = arith.addi %add3A_162, %add3A_168 : i32
      %lt3A_170 = arith.constant 80 : i32
      %lt3A_171 = arith.cmpi slt, %add3A_169, %lt3A_170 : i32
      %convert_element_type3A_172 = arith.extui %lt3A_171 : i1 to i32
      %cond3A_173 = arith.constant 0 : i32
      %cond3A_174 = arith.cmpi ne, %convert_element_type3A_172, %cond3A_173 : i32
      scf.if %cond3A_174 {
        %add3A_404 = arith.constant 6 : i32
        %add3A_405 = arith.addi %add3A_162, %add3A_404 : i32
        %dma_start3A_406 = arith.constant 0 : i32
        %dma_start3A_407 = tpu.memref_slice %arg7[%add3A_405, %dma_start3A_406] : memref<80x125xi32, #tpu.memory_space<vmem>> -> memref<1x125xi32, #tpu.memory_space<vmem>>
        %dma_start3A_408 = tpu.memref_squeeze %dma_start3A_407 : memref<1x125xi32, #tpu.memory_space<vmem>> -> memref<125xi32, #tpu.memory_space<vmem>>
        %dma_start3A_409 = arith.constant 0 : i32
        %dma_start3A_410 = arith.constant 0 : i32
        %dma_start3A_411 = tpu.memref_slice %arg18[%dma_start3A_409, %dma_start3A_410] : memref<10000x48xf32, #tpu.memory_space<vmem_shared>> -> memref<10000x48xf32, #tpu.memory_space<vmem_shared>>
        tpu.enqueue_indirect_dma source(%dma_start3A_411 : memref<10000x48xf32, #tpu.memory_space<vmem_shared>>) target(%arg15 : memref<125x48xf32, #tpu.memory_space<vmem>>) offsets(%dma_start3A_408 : memref<125xi32, #tpu.memory_space<vmem>>) semaphore(%arg25 : memref<!tpu.dma_semaphore, #tpu.memory_space<semaphore_mem>>)
      } else {
      }
      %dma_wait3A_175 = arith.constant 0 : i32
      %dma_wait3A_176 = tpu.memref_slice %arg7[%add3A_162, %dma_wait3A_175] : memref<80x125xi32, #tpu.memory_space<vmem>> -> memref<1x125xi32, #tpu.memory_space<vmem>>
      %dma_wait3A_177 = tpu.memref_squeeze %dma_wait3A_176 : memref<1x125xi32, #tpu.memory_space<vmem>> -> memref<125xi32, #tpu.memory_space<vmem>>
      %dma_wait3A_178 = arith.constant 0 : i32
      %dma_wait3A_179 = arith.constant 0 : i32
      %dma_wait3A_180 = tpu.memref_slice %arg18[%dma_wait3A_178, %dma_wait3A_179] : memref<10000x48xf32, #tpu.memory_space<vmem_shared>> -> memref<10000x48xf32, #tpu.memory_space<vmem_shared>>
      tpu.wait_indirect_dma semaphore(%arg19 : memref<!tpu.dma_semaphore, #tpu.memory_space<semaphore_mem>>) src(%dma_wait3A_180 : memref<10000x48xf32, #tpu.memory_space<vmem_shared>>) dst(%arg9 : memref<125x48xf32, #tpu.memory_space<vmem>>)
      %dma_start3A_181 = arith.constant 0 : i32
      %dma_start3A_182 = tpu.memref_slice %arg8[%add3A_162, %dma_start3A_181] : memref<80x125xi32, #tpu.memory_space<vmem>> -> memref<1x125xi32, #tpu.memory_space<vmem>>
      %dma_start3A_183 = tpu.memref_squeeze %dma_start3A_182 : memref<1x125xi32, #tpu.memory_space<vmem>> -> memref<125xi32, #tpu.memory_space<vmem>>
      %dma_start3A_184 = arith.constant 0 : i32
      %dma_start3A_185 = arith.constant 0 : i32
      %dma_start3A_186 = tpu.memref_slice %arg17[%dma_start3A_184, %dma_start3A_185] : memref<10000x48xf32, #tpu.memory_space<vmem_shared>> -> memref<10000x48xf32, #tpu.memory_space<vmem_shared>>
      tpu.enqueue_indirect_dma source(%arg9 : memref<125x48xf32, #tpu.memory_space<vmem>>) target(%dma_start3A_186 : memref<10000x48xf32, #tpu.memory_space<vmem_shared>>) offsets(%dma_start3A_183 : memref<125xi32, #tpu.memory_space<vmem>>) semaphore(%arg27 : memref<!tpu.dma_semaphore, #tpu.memory_space<semaphore_mem>>) {add = true}
      %add3A_187 = arith.constant 1 : i32
      %add3A_188 = arith.addi %add3A_160, %add3A_187 : i32
      %ge3A_189 = arith.constant 2 : i32
      %ge3A_190 = arith.cmpi sge, %add3A_188, %ge3A_189 : i32
      %add3A_191 = arith.constant 6 : i32
      %add3A_192 = arith.addi %add3A_188, %add3A_191 : i32
      %lt3A_193 = arith.constant 80 : i32
      %lt3A_194 = arith.cmpi slt, %add3A_192, %lt3A_193 : i32
      %and3A_195 = arith.andi %ge3A_190, %lt3A_194 : i1
      %convert_element_type3A_196 = arith.extui %and3A_195 : i1 to i32
      %cond3A_197 = arith.constant 0 : i32
      %cond3A_198 = arith.cmpi ne, %convert_element_type3A_196, %cond3A_197 : i32
      scf.if %cond3A_198 {
        %dma_wait3A_404 = arith.constant 0 : i32
        %dma_wait3A_405 = tpu.memref_slice %arg8[%add3A_188, %dma_wait3A_404] : memref<80x125xi32, #tpu.memory_space<vmem>> -> memref<1x125xi32, #tpu.memory_space<vmem>>
        %dma_wait3A_406 = tpu.memref_squeeze %dma_wait3A_405 : memref<1x125xi32, #tpu.memory_space<vmem>> -> memref<125xi32, #tpu.memory_space<vmem>>
        %dma_wait3A_407 = arith.constant 0 : i32
        %dma_wait3A_408 = arith.constant 0 : i32
        %dma_wait3A_409 = tpu.memref_slice %arg17[%dma_wait3A_407, %dma_wait3A_408] : memref<10000x48xf32, #tpu.memory_space<vmem_shared>> -> memref<10000x48xf32, #tpu.memory_space<vmem_shared>>
        tpu.wait_indirect_dma semaphore(%arg34 : memref<!tpu.dma_semaphore, #tpu.memory_space<semaphore_mem>>) src(%arg16 : memref<125x48xf32, #tpu.memory_space<vmem>>) dst(%dma_wait3A_409 : memref<10000x48xf32, #tpu.memory_space<vmem_shared>>)
      } else {
      }
      %add3A_199 = arith.constant 6 : i32
      %add3A_200 = arith.addi %add3A_188, %add3A_199 : i32
      %lt3A_201 = arith.constant 80 : i32
      %lt3A_202 = arith.cmpi slt, %add3A_200, %lt3A_201 : i32
      %convert_element_type3A_203 = arith.extui %lt3A_202 : i1 to i32
      %cond3A_204 = arith.constant 0 : i32
      %cond3A_205 = arith.cmpi ne, %convert_element_type3A_203, %cond3A_204 : i32
      scf.if %cond3A_205 {
        %add3A_404 = arith.constant 6 : i32
        %add3A_405 = arith.addi %add3A_188, %add3A_404 : i32
        %dma_start3A_406 = arith.constant 0 : i32
        %dma_start3A_407 = tpu.memref_slice %arg7[%add3A_405, %dma_start3A_406] : memref<80x125xi32, #tpu.memory_space<vmem>> -> memref<1x125xi32, #tpu.memory_space<vmem>>
        %dma_start3A_408 = tpu.memref_squeeze %dma_start3A_407 : memref<1x125xi32, #tpu.memory_space<vmem>> -> memref<125xi32, #tpu.memory_space<vmem>>
        %dma_start3A_409 = arith.constant 0 : i32
        %dma_start3A_410 = arith.constant 0 : i32
        %dma_start3A_411 = tpu.memref_slice %arg18[%dma_start3A_409, %dma_start3A_410] : memref<10000x48xf32, #tpu.memory_space<vmem_shared>> -> memref<10000x48xf32, #tpu.memory_space<vmem_shared>>
        tpu.enqueue_indirect_dma source(%dma_start3A_411 : memref<10000x48xf32, #tpu.memory_space<vmem_shared>>) target(%arg16 : memref<125x48xf32, #tpu.memory_space<vmem>>) offsets(%dma_start3A_408 : memref<125xi32, #tpu.memory_space<vmem>>) semaphore(%arg26 : memref<!tpu.dma_semaphore, #tpu.memory_space<semaphore_mem>>)
      } else {
      }
      %dma_wait3A_206 = arith.constant 0 : i32
      %dma_wait3A_207 = tpu.memref_slice %arg7[%add3A_188, %dma_wait3A_206] : memref<80x125xi32, #tpu.memory_space<vmem>> -> memref<1x125xi32, #tpu.memory_space<vmem>>
      %dma_wait3A_208 = tpu.memref_squeeze %dma_wait3A_207 : memref<1x125xi32, #tpu.memory_space<vmem>> -> memref<125xi32, #tpu.memory_space<vmem>>
      %dma_wait3A_209 = arith.constant 0 : i32
      %dma_wait3A_210 = arith.constant 0 : i32
      %dma_wait3A_211 = tpu.memref_slice %arg18[%dma_wait3A_209, %dma_wait3A_210] : memref<10000x48xf32, #tpu.memory_space<vmem_shared>> -> memref<10000x48xf32, #tpu.memory_space<vmem_shared>>
      tpu.wait_indirect_dma semaphore(%arg20 : memref<!tpu.dma_semaphore, #tpu.memory_space<semaphore_mem>>) src(%dma_wait3A_211 : memref<10000x48xf32, #tpu.memory_space<vmem_shared>>) dst(%arg10 : memref<125x48xf32, #tpu.memory_space<vmem>>)
      %dma_start3A_212 = arith.constant 0 : i32
      %dma_start3A_213 = tpu.memref_slice %arg8[%add3A_188, %dma_start3A_212] : memref<80x125xi32, #tpu.memory_space<vmem>> -> memref<1x125xi32, #tpu.memory_space<vmem>>
      %dma_start3A_214 = tpu.memref_squeeze %dma_start3A_213 : memref<1x125xi32, #tpu.memory_space<vmem>> -> memref<125xi32, #tpu.memory_space<vmem>>
      %dma_start3A_215 = arith.constant 0 : i32
      %dma_start3A_216 = arith.constant 0 : i32
      %dma_start3A_217 = tpu.memref_slice %arg17[%dma_start3A_215, %dma_start3A_216] : memref<10000x48xf32, #tpu.memory_space<vmem_shared>> -> memref<10000x48xf32, #tpu.memory_space<vmem_shared>>
      tpu.enqueue_indirect_dma source(%arg10 : memref<125x48xf32, #tpu.memory_space<vmem>>) target(%dma_start3A_217 : memref<10000x48xf32, #tpu.memory_space<vmem_shared>>) offsets(%dma_start3A_214 : memref<125xi32, #tpu.memory_space<vmem>>) semaphore(%arg28 : memref<!tpu.dma_semaphore, #tpu.memory_space<semaphore_mem>>) {add = true}
      %add3A_218 = arith.constant 2 : i32
      %add3A_219 = arith.addi %add3A_160, %add3A_218 : i32
      %ge3A_220 = arith.constant 2 : i32
      %ge3A_221 = arith.cmpi sge, %add3A_219, %ge3A_220 : i32
      %add3A_222 = arith.constant 6 : i32
      %add3A_223 = arith.addi %add3A_219, %add3A_222 : i32
      %lt3A_224 = arith.constant 80 : i32
      %lt3A_225 = arith.cmpi slt, %add3A_223, %lt3A_224 : i32
      %and3A_226 = arith.andi %ge3A_221, %lt3A_225 : i1
      %convert_element_type3A_227 = arith.extui %and3A_226 : i1 to i32
      %cond3A_228 = arith.constant 0 : i32
      %cond3A_229 = arith.cmpi ne, %convert_element_type3A_227, %cond3A_228 : i32
      scf.if %cond3A_229 {
        %dma_wait3A_404 = arith.constant 0 : i32
        %dma_wait3A_405 = tpu.memref_slice %arg8[%add3A_219, %dma_wait3A_404] : memref<80x125xi32, #tpu.memory_space<vmem>> -> memref<1x125xi32, #tpu.memory_space<vmem>>
        %dma_wait3A_406 = tpu.memref_squeeze %dma_wait3A_405 : memref<1x125xi32, #tpu.memory_space<vmem>> -> memref<125xi32, #tpu.memory_space<vmem>>
        %dma_wait3A_407 = arith.constant 0 : i32
        %dma_wait3A_408 = arith.constant 0 : i32
        %dma_wait3A_409 = tpu.memref_slice %arg17[%dma_wait3A_407, %dma_wait3A_408] : memref<10000x48xf32, #tpu.memory_space<vmem_shared>> -> memref<10000x48xf32, #tpu.memory_space<vmem_shared>>
        tpu.wait_indirect_dma semaphore(%arg27 : memref<!tpu.dma_semaphore, #tpu.memory_space<semaphore_mem>>) src(%arg9 : memref<125x48xf32, #tpu.memory_space<vmem>>) dst(%dma_wait3A_409 : memref<10000x48xf32, #tpu.memory_space<vmem_shared>>)
      } else {
      }
      %add3A_230 = arith.constant 6 : i32
      %add3A_231 = arith.addi %add3A_219, %add3A_230 : i32
      %lt3A_232 = arith.constant 80 : i32
      %lt3A_233 = arith.cmpi slt, %add3A_231, %lt3A_232 : i32
      %convert_element_type3A_234 = arith.extui %lt3A_233 : i1 to i32
      %cond3A_235 = arith.constant 0 : i32
      %cond3A_236 = arith.cmpi ne, %convert_element_type3A_234, %cond3A_235 : i32
      scf.if %cond3A_236 {
        %add3A_404 = arith.constant 6 : i32
        %add3A_405 = arith.addi %add3A_219, %add3A_404 : i32
        %dma_start3A_406 = arith.constant 0 : i32
        %dma_start3A_407 = tpu.memref_slice %arg7[%add3A_405, %dma_start3A_406] : memref<80x125xi32, #tpu.memory_space<vmem>> -> memref<1x125xi32, #tpu.memory_space<vmem>>
        %dma_start3A_408 = tpu.memref_squeeze %dma_start3A_407 : memref<1x125xi32, #tpu.memory_space<vmem>> -> memref<125xi32, #tpu.memory_space<vmem>>
        %dma_start3A_409 = arith.constant 0 : i32
        %dma_start3A_410 = arith.constant 0 : i32
        %dma_start3A_411 = tpu.memref_slice %arg18[%dma_start3A_409, %dma_start3A_410] : memref<10000x48xf32, #tpu.memory_space<vmem_shared>> -> memref<10000x48xf32, #tpu.memory_space<vmem_shared>>
        tpu.enqueue_indirect_dma source(%dma_start3A_411 : memref<10000x48xf32, #tpu.memory_space<vmem_shared>>) target(%arg9 : memref<125x48xf32, #tpu.memory_space<vmem>>) offsets(%dma_start3A_408 : memref<125xi32, #tpu.memory_space<vmem>>) semaphore(%arg19 : memref<!tpu.dma_semaphore, #tpu.memory_space<semaphore_mem>>)
      } else {
      }
      %dma_wait3A_237 = arith.constant 0 : i32
      %dma_wait3A_238 = tpu.memref_slice %arg7[%add3A_219, %dma_wait3A_237] : memref<80x125xi32, #tpu.memory_space<vmem>> -> memref<1x125xi32, #tpu.memory_space<vmem>>
      %dma_wait3A_239 = tpu.memref_squeeze %dma_wait3A_238 : memref<1x125xi32, #tpu.memory_space<vmem>> -> memref<125xi32, #tpu.memory_space<vmem>>
      %dma_wait3A_240 = arith.constant 0 : i32
      %dma_wait3A_241 = arith.constant 0 : i32
      %dma_wait3A_242 = tpu.memref_slice %arg18[%dma_wait3A_240, %dma_wait3A_241] : memref<10000x48xf32, #tpu.memory_space<vmem_shared>> -> memref<10000x48xf32, #tpu.memory_space<vmem_shared>>
      tpu.wait_indirect_dma semaphore(%arg21 : memref<!tpu.dma_semaphore, #tpu.memory_space<semaphore_mem>>) src(%dma_wait3A_242 : memref<10000x48xf32, #tpu.memory_space<vmem_shared>>) dst(%arg11 : memref<125x48xf32, #tpu.memory_space<vmem>>)
      %dma_start3A_243 = arith.constant 0 : i32
      %dma_start3A_244 = tpu.memref_slice %arg8[%add3A_219, %dma_start3A_243] : memref<80x125xi32, #tpu.memory_space<vmem>> -> memref<1x125xi32, #tpu.memory_space<vmem>>
      %dma_start3A_245 = tpu.memref_squeeze %dma_start3A_244 : memref<1x125xi32, #tpu.memory_space<vmem>> -> memref<125xi32, #tpu.memory_space<vmem>>
      %dma_start3A_246 = arith.constant 0 : i32
      %dma_start3A_247 = arith.constant 0 : i32
      %dma_start3A_248 = tpu.memref_slice %arg17[%dma_start3A_246, %dma_start3A_247] : memref<10000x48xf32, #tpu.memory_space<vmem_shared>> -> memref<10000x48xf32, #tpu.memory_space<vmem_shared>>
      tpu.enqueue_indirect_dma source(%arg11 : memref<125x48xf32, #tpu.memory_space<vmem>>) target(%dma_start3A_248 : memref<10000x48xf32, #tpu.memory_space<vmem_shared>>) offsets(%dma_start3A_245 : memref<125xi32, #tpu.memory_space<vmem>>) semaphore(%arg29 : memref<!tpu.dma_semaphore, #tpu.memory_space<semaphore_mem>>) {add = true}
      %add3A_249 = arith.constant 3 : i32
      %add3A_250 = arith.addi %add3A_160, %add3A_249 : i32
      %ge3A_251 = arith.constant 2 : i32
      %ge3A_252 = arith.cmpi sge, %add3A_250, %ge3A_251 : i32
      %add3A_253 = arith.constant 6 : i32
      %add3A_254 = arith.addi %add3A_250, %add3A_253 : i32
      %lt3A_255 = arith.constant 80 : i32
      %lt3A_256 = arith.cmpi slt, %add3A_254, %lt3A_255 : i32
      %and3A_257 = arith.andi %ge3A_252, %lt3A_256 : i1
      %convert_element_type3A_258 = arith.extui %and3A_257 : i1 to i32
      %cond3A_259 = arith.constant 0 : i32
      %cond3A_260 = arith.cmpi ne, %convert_element_type3A_258, %cond3A_259 : i32
      scf.if %cond3A_260 {
        %dma_wait3A_404 = arith.constant 0 : i32
        %dma_wait3A_405 = tpu.memref_slice %arg8[%add3A_250, %dma_wait3A_404] : memref<80x125xi32, #tpu.memory_space<vmem>> -> memref<1x125xi32, #tpu.memory_space<vmem>>
        %dma_wait3A_406 = tpu.memref_squeeze %dma_wait3A_405 : memref<1x125xi32, #tpu.memory_space<vmem>> -> memref<125xi32, #tpu.memory_space<vmem>>
        %dma_wait3A_407 = arith.constant 0 : i32
        %dma_wait3A_408 = arith.constant 0 : i32
        %dma_wait3A_409 = tpu.memref_slice %arg17[%dma_wait3A_407, %dma_wait3A_408] : memref<10000x48xf32, #tpu.memory_space<vmem_shared>> -> memref<10000x48xf32, #tpu.memory_space<vmem_shared>>
        tpu.wait_indirect_dma semaphore(%arg28 : memref<!tpu.dma_semaphore, #tpu.memory_space<semaphore_mem>>) src(%arg10 : memref<125x48xf32, #tpu.memory_space<vmem>>) dst(%dma_wait3A_409 : memref<10000x48xf32, #tpu.memory_space<vmem_shared>>)
      } else {
      }
      %add3A_261 = arith.constant 6 : i32
      %add3A_262 = arith.addi %add3A_250, %add3A_261 : i32
      %lt3A_263 = arith.constant 80 : i32
      %lt3A_264 = arith.cmpi slt, %add3A_262, %lt3A_263 : i32
      %convert_element_type3A_265 = arith.extui %lt3A_264 : i1 to i32
      %cond3A_266 = arith.constant 0 : i32
      %cond3A_267 = arith.cmpi ne, %convert_element_type3A_265, %cond3A_266 : i32
      scf.if %cond3A_267 {
        %add3A_404 = arith.constant 6 : i32
        %add3A_405 = arith.addi %add3A_250, %add3A_404 : i32
        %dma_start3A_406 = arith.constant 0 : i32
        %dma_start3A_407 = tpu.memref_slice %arg7[%add3A_405, %dma_start3A_406] : memref<80x125xi32, #tpu.memory_space<vmem>> -> memref<1x125xi32, #tpu.memory_space<vmem>>
        %dma_start3A_408 = tpu.memref_squeeze %dma_start3A_407 : memref<1x125xi32, #tpu.memory_space<vmem>> -> memref<125xi32, #tpu.memory_space<vmem>>
        %dma_start3A_409 = arith.constant 0 : i32
        %dma_start3A_410 = arith.constant 0 : i32
        %dma_start3A_411 = tpu.memref_slice %arg18[%dma_start3A_409, %dma_start3A_410] : memref<10000x48xf32, #tpu.memory_space<vmem_shared>> -> memref<10000x48xf32, #tpu.memory_space<vmem_shared>>
        tpu.enqueue_indirect_dma source(%dma_start3A_411 : memref<10000x48xf32, #tpu.memory_space<vmem_shared>>) target(%arg10 : memref<125x48xf32, #tpu.memory_space<vmem>>) offsets(%dma_start3A_408 : memref<125xi32, #tpu.memory_space<vmem>>) semaphore(%arg20 : memref<!tpu.dma_semaphore, #tpu.memory_space<semaphore_mem>>)
      } else {
      }
      %dma_wait3A_268 = arith.constant 0 : i32
      %dma_wait3A_269 = tpu.memref_slice %arg7[%add3A_250, %dma_wait3A_268] : memref<80x125xi32, #tpu.memory_space<vmem>> -> memref<1x125xi32, #tpu.memory_space<vmem>>
      %dma_wait3A_270 = tpu.memref_squeeze %dma_wait3A_269 : memref<1x125xi32, #tpu.memory_space<vmem>> -> memref<125xi32, #tpu.memory_space<vmem>>
      %dma_wait3A_271 = arith.constant 0 : i32
      %dma_wait3A_272 = arith.constant 0 : i32
      %dma_wait3A_273 = tpu.memref_slice %arg18[%dma_wait3A_271, %dma_wait3A_272] : memref<10000x48xf32, #tpu.memory_space<vmem_shared>> -> memref<10000x48xf32, #tpu.memory_space<vmem_shared>>
      tpu.wait_indirect_dma semaphore(%arg22 : memref<!tpu.dma_semaphore, #tpu.memory_space<semaphore_mem>>) src(%dma_wait3A_273 : memref<10000x48xf32, #tpu.memory_space<vmem_shared>>) dst(%arg12 : memref<125x48xf32, #tpu.memory_space<vmem>>)
      %dma_start3A_274 = arith.constant 0 : i32
      %dma_start3A_275 = tpu.memref_slice %arg8[%add3A_250, %dma_start3A_274] : memref<80x125xi32, #tpu.memory_space<vmem>> -> memref<1x125xi32, #tpu.memory_space<vmem>>
      %dma_start3A_276 = tpu.memref_squeeze %dma_start3A_275 : memref<1x125xi32, #tpu.memory_space<vmem>> -> memref<125xi32, #tpu.memory_space<vmem>>
      %dma_start3A_277 = arith.constant 0 : i32
      %dma_start3A_278 = arith.constant 0 : i32
      %dma_start3A_279 = tpu.memref_slice %arg17[%dma_start3A_277, %dma_start3A_278] : memref<10000x48xf32, #tpu.memory_space<vmem_shared>> -> memref<10000x48xf32, #tpu.memory_space<vmem_shared>>
      tpu.enqueue_indirect_dma source(%arg12 : memref<125x48xf32, #tpu.memory_space<vmem>>) target(%dma_start3A_279 : memref<10000x48xf32, #tpu.memory_space<vmem_shared>>) offsets(%dma_start3A_276 : memref<125xi32, #tpu.memory_space<vmem>>) semaphore(%arg30 : memref<!tpu.dma_semaphore, #tpu.memory_space<semaphore_mem>>) {add = true}
      %add3A_280 = arith.constant 4 : i32
      %add3A_281 = arith.addi %add3A_160, %add3A_280 : i32
      %ge3A_282 = arith.constant 2 : i32
      %ge3A_283 = arith.cmpi sge, %add3A_281, %ge3A_282 : i32
      %add3A_284 = arith.constant 6 : i32
      %add3A_285 = arith.addi %add3A_281, %add3A_284 : i32
      %lt3A_286 = arith.constant 80 : i32
      %lt3A_287 = arith.cmpi slt, %add3A_285, %lt3A_286 : i32
      %and3A_288 = arith.andi %ge3A_283, %lt3A_287 : i1
      %convert_element_type3A_289 = arith.extui %and3A_288 : i1 to i32
      %cond3A_290 = arith.constant 0 : i32
      %cond3A_291 = arith.cmpi ne, %convert_element_type3A_289, %cond3A_290 : i32
      scf.if %cond3A_291 {
        %dma_wait3A_404 = arith.constant 0 : i32
        %dma_wait3A_405 = tpu.memref_slice %arg8[%add3A_281, %dma_wait3A_404] : memref<80x125xi32, #tpu.memory_space<vmem>> -> memref<1x125xi32, #tpu.memory_space<vmem>>
        %dma_wait3A_406 = tpu.memref_squeeze %dma_wait3A_405 : memref<1x125xi32, #tpu.memory_space<vmem>> -> memref<125xi32, #tpu.memory_space<vmem>>
        %dma_wait3A_407 = arith.constant 0 : i32
        %dma_wait3A_408 = arith.constant 0 : i32
        %dma_wait3A_409 = tpu.memref_slice %arg17[%dma_wait3A_407, %dma_wait3A_408] : memref<10000x48xf32, #tpu.memory_space<vmem_shared>> -> memref<10000x48xf32, #tpu.memory_space<vmem_shared>>
        tpu.wait_indirect_dma semaphore(%arg29 : memref<!tpu.dma_semaphore, #tpu.memory_space<semaphore_mem>>) src(%arg11 : memref<125x48xf32, #tpu.memory_space<vmem>>) dst(%dma_wait3A_409 : memref<10000x48xf32, #tpu.memory_space<vmem_shared>>)
      } else {
      }
      %add3A_292 = arith.constant 6 : i32
      %add3A_293 = arith.addi %add3A_281, %add3A_292 : i32
      %lt3A_294 = arith.constant 80 : i32
      %lt3A_295 = arith.cmpi slt, %add3A_293, %lt3A_294 : i32
      %convert_element_type3A_296 = arith.extui %lt3A_295 : i1 to i32
      %cond3A_297 = arith.constant 0 : i32
      %cond3A_298 = arith.cmpi ne, %convert_element_type3A_296, %cond3A_297 : i32
      scf.if %cond3A_298 {
        %add3A_404 = arith.constant 6 : i32
        %add3A_405 = arith.addi %add3A_281, %add3A_404 : i32
        %dma_start3A_406 = arith.constant 0 : i32
        %dma_start3A_407 = tpu.memref_slice %arg7[%add3A_405, %dma_start3A_406] : memref<80x125xi32, #tpu.memory_space<vmem>> -> memref<1x125xi32, #tpu.memory_space<vmem>>
        %dma_start3A_408 = tpu.memref_squeeze %dma_start3A_407 : memref<1x125xi32, #tpu.memory_space<vmem>> -> memref<125xi32, #tpu.memory_space<vmem>>
        %dma_start3A_409 = arith.constant 0 : i32
        %dma_start3A_410 = arith.constant 0 : i32
        %dma_start3A_411 = tpu.memref_slice %arg18[%dma_start3A_409, %dma_start3A_410] : memref<10000x48xf32, #tpu.memory_space<vmem_shared>> -> memref<10000x48xf32, #tpu.memory_space<vmem_shared>>
        tpu.enqueue_indirect_dma source(%dma_start3A_411 : memref<10000x48xf32, #tpu.memory_space<vmem_shared>>) target(%arg11 : memref<125x48xf32, #tpu.memory_space<vmem>>) offsets(%dma_start3A_408 : memref<125xi32, #tpu.memory_space<vmem>>) semaphore(%arg21 : memref<!tpu.dma_semaphore, #tpu.memory_space<semaphore_mem>>)
      } else {
      }
      %dma_wait3A_299 = arith.constant 0 : i32
      %dma_wait3A_300 = tpu.memref_slice %arg7[%add3A_281, %dma_wait3A_299] : memref<80x125xi32, #tpu.memory_space<vmem>> -> memref<1x125xi32, #tpu.memory_space<vmem>>
      %dma_wait3A_301 = tpu.memref_squeeze %dma_wait3A_300 : memref<1x125xi32, #tpu.memory_space<vmem>> -> memref<125xi32, #tpu.memory_space<vmem>>
      %dma_wait3A_302 = arith.constant 0 : i32
      %dma_wait3A_303 = arith.constant 0 : i32
      %dma_wait3A_304 = tpu.memref_slice %arg18[%dma_wait3A_302, %dma_wait3A_303] : memref<10000x48xf32, #tpu.memory_space<vmem_shared>> -> memref<10000x48xf32, #tpu.memory_space<vmem_shared>>
      tpu.wait_indirect_dma semaphore(%arg23 : memref<!tpu.dma_semaphore, #tpu.memory_space<semaphore_mem>>) src(%dma_wait3A_304 : memref<10000x48xf32, #tpu.memory_space<vmem_shared>>) dst(%arg13 : memref<125x48xf32, #tpu.memory_space<vmem>>)
      %dma_start3A_305 = arith.constant 0 : i32
      %dma_start3A_306 = tpu.memref_slice %arg8[%add3A_281, %dma_start3A_305] : memref<80x125xi32, #tpu.memory_space<vmem>> -> memref<1x125xi32, #tpu.memory_space<vmem>>
      %dma_start3A_307 = tpu.memref_squeeze %dma_start3A_306 : memref<1x125xi32, #tpu.memory_space<vmem>> -> memref<125xi32, #tpu.memory_space<vmem>>
      %dma_start3A_308 = arith.constant 0 : i32
      %dma_start3A_309 = arith.constant 0 : i32
      %dma_start3A_310 = tpu.memref_slice %arg17[%dma_start3A_308, %dma_start3A_309] : memref<10000x48xf32, #tpu.memory_space<vmem_shared>> -> memref<10000x48xf32, #tpu.memory_space<vmem_shared>>
      tpu.enqueue_indirect_dma source(%arg13 : memref<125x48xf32, #tpu.memory_space<vmem>>) target(%dma_start3A_310 : memref<10000x48xf32, #tpu.memory_space<vmem_shared>>) offsets(%dma_start3A_307 : memref<125xi32, #tpu.memory_space<vmem>>) semaphore(%arg31 : memref<!tpu.dma_semaphore, #tpu.memory_space<semaphore_mem>>) {add = true}
      %add3A_311 = arith.constant 5 : i32
      %add3A_312 = arith.addi %add3A_160, %add3A_311 : i32
      %ge3A_313 = arith.constant 2 : i32
      %ge3A_314 = arith.cmpi sge, %add3A_312, %ge3A_313 : i32
      %add3A_315 = arith.constant 6 : i32
      %add3A_316 = arith.addi %add3A_312, %add3A_315 : i32
      %lt3A_317 = arith.constant 80 : i32
      %lt3A_318 = arith.cmpi slt, %add3A_316, %lt3A_317 : i32
      %and3A_319 = arith.andi %ge3A_314, %lt3A_318 : i1
      %convert_element_type3A_320 = arith.extui %and3A_319 : i1 to i32
      %cond3A_321 = arith.constant 0 : i32
      %cond3A_322 = arith.cmpi ne, %convert_element_type3A_320, %cond3A_321 : i32
      scf.if %cond3A_322 {
        %dma_wait3A_404 = arith.constant 0 : i32
        %dma_wait3A_405 = tpu.memref_slice %arg8[%add3A_312, %dma_wait3A_404] : memref<80x125xi32, #tpu.memory_space<vmem>> -> memref<1x125xi32, #tpu.memory_space<vmem>>
        %dma_wait3A_406 = tpu.memref_squeeze %dma_wait3A_405 : memref<1x125xi32, #tpu.memory_space<vmem>> -> memref<125xi32, #tpu.memory_space<vmem>>
        %dma_wait3A_407 = arith.constant 0 : i32
        %dma_wait3A_408 = arith.constant 0 : i32
        %dma_wait3A_409 = tpu.memref_slice %arg17[%dma_wait3A_407, %dma_wait3A_408] : memref<10000x48xf32, #tpu.memory_space<vmem_shared>> -> memref<10000x48xf32, #tpu.memory_space<vmem_shared>>
        tpu.wait_indirect_dma semaphore(%arg30 : memref<!tpu.dma_semaphore, #tpu.memory_space<semaphore_mem>>) src(%arg12 : memref<125x48xf32, #tpu.memory_space<vmem>>) dst(%dma_wait3A_409 : memref<10000x48xf32, #tpu.memory_space<vmem_shared>>)
      } else {
      }
      %add3A_323 = arith.constant 6 : i32
      %add3A_324 = arith.addi %add3A_312, %add3A_323 : i32
      %lt3A_325 = arith.constant 80 : i32
      %lt3A_326 = arith.cmpi slt, %add3A_324, %lt3A_325 : i32
      %convert_element_type3A_327 = arith.extui %lt3A_326 : i1 to i32
      %cond3A_328 = arith.constant 0 : i32
      %cond3A_329 = arith.cmpi ne, %convert_element_type3A_327, %cond3A_328 : i32
      scf.if %cond3A_329 {
        %add3A_404 = arith.constant 6 : i32
        %add3A_405 = arith.addi %add3A_312, %add3A_404 : i32
        %dma_start3A_406 = arith.constant 0 : i32
        %dma_start3A_407 = tpu.memref_slice %arg7[%add3A_405, %dma_start3A_406] : memref<80x125xi32, #tpu.memory_space<vmem>> -> memref<1x125xi32, #tpu.memory_space<vmem>>
        %dma_start3A_408 = tpu.memref_squeeze %dma_start3A_407 : memref<1x125xi32, #tpu.memory_space<vmem>> -> memref<125xi32, #tpu.memory_space<vmem>>
        %dma_start3A_409 = arith.constant 0 : i32
        %dma_start3A_410 = arith.constant 0 : i32
        %dma_start3A_411 = tpu.memref_slice %arg18[%dma_start3A_409, %dma_start3A_410] : memref<10000x48xf32, #tpu.memory_space<vmem_shared>> -> memref<10000x48xf32, #tpu.memory_space<vmem_shared>>
        tpu.enqueue_indirect_dma source(%dma_start3A_411 : memref<10000x48xf32, #tpu.memory_space<vmem_shared>>) target(%arg12 : memref<125x48xf32, #tpu.memory_space<vmem>>) offsets(%dma_start3A_408 : memref<125xi32, #tpu.memory_space<vmem>>) semaphore(%arg22 : memref<!tpu.dma_semaphore, #tpu.memory_space<semaphore_mem>>)
      } else {
      }
      %dma_wait3A_330 = arith.constant 0 : i32
      %dma_wait3A_331 = tpu.memref_slice %arg7[%add3A_312, %dma_wait3A_330] : memref<80x125xi32, #tpu.memory_space<vmem>> -> memref<1x125xi32, #tpu.memory_space<vmem>>
      %dma_wait3A_332 = tpu.memref_squeeze %dma_wait3A_331 : memref<1x125xi32, #tpu.memory_space<vmem>> -> memref<125xi32, #tpu.memory_space<vmem>>
      %dma_wait3A_333 = arith.constant 0 : i32
      %dma_wait3A_334 = arith.constant 0 : i32
      %dma_wait3A_335 = tpu.memref_slice %arg18[%dma_wait3A_333, %dma_wait3A_334] : memref<10000x48xf32, #tpu.memory_space<vmem_shared>> -> memref<10000x48xf32, #tpu.memory_space<vmem_shared>>
      tpu.wait_indirect_dma semaphore(%arg24 : memref<!tpu.dma_semaphore, #tpu.memory_space<semaphore_mem>>) src(%dma_wait3A_335 : memref<10000x48xf32, #tpu.memory_space<vmem_shared>>) dst(%arg14 : memref<125x48xf32, #tpu.memory_space<vmem>>)
      %dma_start3A_336 = arith.constant 0 : i32
      %dma_start3A_337 = tpu.memref_slice %arg8[%add3A_312, %dma_start3A_336] : memref<80x125xi32, #tpu.memory_space<vmem>> -> memref<1x125xi32, #tpu.memory_space<vmem>>
      %dma_start3A_338 = tpu.memref_squeeze %dma_start3A_337 : memref<1x125xi32, #tpu.memory_space<vmem>> -> memref<125xi32, #tpu.memory_space<vmem>>
      %dma_start3A_339 = arith.constant 0 : i32
      %dma_start3A_340 = arith.constant 0 : i32
      %dma_start3A_341 = tpu.memref_slice %arg17[%dma_start3A_339, %dma_start3A_340] : memref<10000x48xf32, #tpu.memory_space<vmem_shared>> -> memref<10000x48xf32, #tpu.memory_space<vmem_shared>>
      tpu.enqueue_indirect_dma source(%arg14 : memref<125x48xf32, #tpu.memory_space<vmem>>) target(%dma_start3A_341 : memref<10000x48xf32, #tpu.memory_space<vmem_shared>>) offsets(%dma_start3A_338 : memref<125xi32, #tpu.memory_space<vmem>>) semaphore(%arg32 : memref<!tpu.dma_semaphore, #tpu.memory_space<semaphore_mem>>) {add = true}
      %add3A_342 = arith.constant 6 : i32
      %add3A_343 = arith.addi %add3A_160, %add3A_342 : i32
      %ge3A_344 = arith.constant 2 : i32
      %ge3A_345 = arith.cmpi sge, %add3A_343, %ge3A_344 : i32
      %add3A_346 = arith.constant 6 : i32
      %add3A_347 = arith.addi %add3A_343, %add3A_346 : i32
      %lt3A_348 = arith.constant 80 : i32
      %lt3A_349 = arith.cmpi slt, %add3A_347, %lt3A_348 : i32
      %and3A_350 = arith.andi %ge3A_345, %lt3A_349 : i1
      %convert_element_type3A_351 = arith.extui %and3A_350 : i1 to i32
      %cond3A_352 = arith.constant 0 : i32
      %cond3A_353 = arith.cmpi ne, %convert_element_type3A_351, %cond3A_352 : i32
      scf.if %cond3A_353 {
        %dma_wait3A_404 = arith.constant 0 : i32
        %dma_wait3A_405 = tpu.memref_slice %arg8[%add3A_343, %dma_wait3A_404] : memref<80x125xi32, #tpu.memory_space<vmem>> -> memref<1x125xi32, #tpu.memory_space<vmem>>
        %dma_wait3A_406 = tpu.memref_squeeze %dma_wait3A_405 : memref<1x125xi32, #tpu.memory_space<vmem>> -> memref<125xi32, #tpu.memory_space<vmem>>
        %dma_wait3A_407 = arith.constant 0 : i32
        %dma_wait3A_408 = arith.constant 0 : i32
        %dma_wait3A_409 = tpu.memref_slice %arg17[%dma_wait3A_407, %dma_wait3A_408] : memref<10000x48xf32, #tpu.memory_space<vmem_shared>> -> memref<10000x48xf32, #tpu.memory_space<vmem_shared>>
        tpu.wait_indirect_dma semaphore(%arg31 : memref<!tpu.dma_semaphore, #tpu.memory_space<semaphore_mem>>) src(%arg13 : memref<125x48xf32, #tpu.memory_space<vmem>>) dst(%dma_wait3A_409 : memref<10000x48xf32, #tpu.memory_space<vmem_shared>>)
      } else {
      }
      %add3A_354 = arith.constant 6 : i32
      %add3A_355 = arith.addi %add3A_343, %add3A_354 : i32
      %lt3A_356 = arith.constant 80 : i32
      %lt3A_357 = arith.cmpi slt, %add3A_355, %lt3A_356 : i32
      %convert_element_type3A_358 = arith.extui %lt3A_357 : i1 to i32
      %cond3A_359 = arith.constant 0 : i32
      %cond3A_360 = arith.cmpi ne, %convert_element_type3A_358, %cond3A_359 : i32
      scf.if %cond3A_360 {
        %add3A_404 = arith.constant 6 : i32
        %add3A_405 = arith.addi %add3A_343, %add3A_404 : i32
        %dma_start3A_406 = arith.constant 0 : i32
        %dma_start3A_407 = tpu.memref_slice %arg7[%add3A_405, %dma_start3A_406] : memref<80x125xi32, #tpu.memory_space<vmem>> -> memref<1x125xi32, #tpu.memory_space<vmem>>
        %dma_start3A_408 = tpu.memref_squeeze %dma_start3A_407 : memref<1x125xi32, #tpu.memory_space<vmem>> -> memref<125xi32, #tpu.memory_space<vmem>>
        %dma_start3A_409 = arith.constant 0 : i32
        %dma_start3A_410 = arith.constant 0 : i32
        %dma_start3A_411 = tpu.memref_slice %arg18[%dma_start3A_409, %dma_start3A_410] : memref<10000x48xf32, #tpu.memory_space<vmem_shared>> -> memref<10000x48xf32, #tpu.memory_space<vmem_shared>>
        tpu.enqueue_indirect_dma source(%dma_start3A_411 : memref<10000x48xf32, #tpu.memory_space<vmem_shared>>) target(%arg13 : memref<125x48xf32, #tpu.memory_space<vmem>>) offsets(%dma_start3A_408 : memref<125xi32, #tpu.memory_space<vmem>>) semaphore(%arg23 : memref<!tpu.dma_semaphore, #tpu.memory_space<semaphore_mem>>)
      } else {
      }
      %dma_wait3A_361 = arith.constant 0 : i32
      %dma_wait3A_362 = tpu.memref_slice %arg7[%add3A_343, %dma_wait3A_361] : memref<80x125xi32, #tpu.memory_space<vmem>> -> memref<1x125xi32, #tpu.memory_space<vmem>>
      %dma_wait3A_363 = tpu.memref_squeeze %dma_wait3A_362 : memref<1x125xi32, #tpu.memory_space<vmem>> -> memref<125xi32, #tpu.memory_space<vmem>>
      %dma_wait3A_364 = arith.constant 0 : i32
      %dma_wait3A_365 = arith.constant 0 : i32
      %dma_wait3A_366 = tpu.memref_slice %arg18[%dma_wait3A_364, %dma_wait3A_365] : memref<10000x48xf32, #tpu.memory_space<vmem_shared>> -> memref<10000x48xf32, #tpu.memory_space<vmem_shared>>
      tpu.wait_indirect_dma semaphore(%arg25 : memref<!tpu.dma_semaphore, #tpu.memory_space<semaphore_mem>>) src(%dma_wait3A_366 : memref<10000x48xf32, #tpu.memory_space<vmem_shared>>) dst(%arg15 : memref<125x48xf32, #tpu.memory_space<vmem>>)
      %dma_start3A_367 = arith.constant 0 : i32
      %dma_start3A_368 = tpu.memref_slice %arg8[%add3A_343, %dma_start3A_367] : memref<80x125xi32, #tpu.memory_space<vmem>> -> memref<1x125xi32, #tpu.memory_space<vmem>>
      %dma_start3A_369 = tpu.memref_squeeze %dma_start3A_368 : memref<1x125xi32, #tpu.memory_space<vmem>> -> memref<125xi32, #tpu.memory_space<vmem>>
      %dma_start3A_370 = arith.constant 0 : i32
      %dma_start3A_371 = arith.constant 0 : i32
      %dma_start3A_372 = tpu.memref_slice %arg17[%dma_start3A_370, %dma_start3A_371] : memref<10000x48xf32, #tpu.memory_space<vmem_shared>> -> memref<10000x48xf32, #tpu.memory_space<vmem_shared>>
      tpu.enqueue_indirect_dma source(%arg15 : memref<125x48xf32, #tpu.memory_space<vmem>>) target(%dma_start3A_372 : memref<10000x48xf32, #tpu.memory_space<vmem_shared>>) offsets(%dma_start3A_369 : memref<125xi32, #tpu.memory_space<vmem>>) semaphore(%arg33 : memref<!tpu.dma_semaphore, #tpu.memory_space<semaphore_mem>>) {add = true}
      %add3A_373 = arith.constant 7 : i32
      %add3A_374 = arith.addi %add3A_160, %add3A_373 : i32
      %ge3A_375 = arith.constant 2 : i32
      %ge3A_376 = arith.cmpi sge, %add3A_374, %ge3A_375 : i32
      %add3A_377 = arith.constant 6 : i32
      %add3A_378 = arith.addi %add3A_374, %add3A_377 : i32
      %lt3A_379 = arith.constant 80 : i32
      %lt3A_380 = arith.cmpi slt, %add3A_378, %lt3A_379 : i32
      %and3A_381 = arith.andi %ge3A_376, %lt3A_380 : i1
      %convert_element_type3A_382 = arith.extui %and3A_381 : i1 to i32
      %cond3A_383 = arith.constant 0 : i32
      %cond3A_384 = arith.cmpi ne, %convert_element_type3A_382, %cond3A_383 : i32
      scf.if %cond3A_384 {
        %dma_wait3A_404 = arith.constant 0 : i32
        %dma_wait3A_405 = tpu.memref_slice %arg8[%add3A_374, %dma_wait3A_404] : memref<80x125xi32, #tpu.memory_space<vmem>> -> memref<1x125xi32, #tpu.memory_space<vmem>>
        %dma_wait3A_406 = tpu.memref_squeeze %dma_wait3A_405 : memref<1x125xi32, #tpu.memory_space<vmem>> -> memref<125xi32, #tpu.memory_space<vmem>>
        %dma_wait3A_407 = arith.constant 0 : i32
        %dma_wait3A_408 = arith.constant 0 : i32
        %dma_wait3A_409 = tpu.memref_slice %arg17[%dma_wait3A_407, %dma_wait3A_408] : memref<10000x48xf32, #tpu.memory_space<vmem_shared>> -> memref<10000x48xf32, #tpu.memory_space<vmem_shared>>
        tpu.wait_indirect_dma semaphore(%arg32 : memref<!tpu.dma_semaphore, #tpu.memory_space<semaphore_mem>>) src(%arg14 : memref<125x48xf32, #tpu.memory_space<vmem>>) dst(%dma_wait3A_409 : memref<10000x48xf32, #tpu.memory_space<vmem_shared>>)
      } else {
      }
      %add3A_385 = arith.constant 6 : i32
      %add3A_386 = arith.addi %add3A_374, %add3A_385 : i32
      %lt3A_387 = arith.constant 80 : i32
      %lt3A_388 = arith.cmpi slt, %add3A_386, %lt3A_387 : i32
      %convert_element_type3A_389 = arith.extui %lt3A_388 : i1 to i32
      %cond3A_390 = arith.constant 0 : i32
      %cond3A_391 = arith.cmpi ne, %convert_element_type3A_389, %cond3A_390 : i32
      scf.if %cond3A_391 {
        %add3A_404 = arith.constant 6 : i32
        %add3A_405 = arith.addi %add3A_374, %add3A_404 : i32
        %dma_start3A_406 = arith.constant 0 : i32
        %dma_start3A_407 = tpu.memref_slice %arg7[%add3A_405, %dma_start3A_406] : memref<80x125xi32, #tpu.memory_space<vmem>> -> memref<1x125xi32, #tpu.memory_space<vmem>>
        %dma_start3A_408 = tpu.memref_squeeze %dma_start3A_407 : memref<1x125xi32, #tpu.memory_space<vmem>> -> memref<125xi32, #tpu.memory_space<vmem>>
        %dma_start3A_409 = arith.constant 0 : i32
        %dma_start3A_410 = arith.constant 0 : i32
        %dma_start3A_411 = tpu.memref_slice %arg18[%dma_start3A_409, %dma_start3A_410] : memref<10000x48xf32, #tpu.memory_space<vmem_shared>> -> memref<10000x48xf32, #tpu.memory_space<vmem_shared>>
        tpu.enqueue_indirect_dma source(%dma_start3A_411 : memref<10000x48xf32, #tpu.memory_space<vmem_shared>>) target(%arg14 : memref<125x48xf32, #tpu.memory_space<vmem>>) offsets(%dma_start3A_408 : memref<125xi32, #tpu.memory_space<vmem>>) semaphore(%arg24 : memref<!tpu.dma_semaphore, #tpu.memory_space<semaphore_mem>>)
      } else {
      }
      %dma_wait3A_392 = arith.constant 0 : i32
      %dma_wait3A_393 = tpu.memref_slice %arg7[%add3A_374, %dma_wait3A_392] : memref<80x125xi32, #tpu.memory_space<vmem>> -> memref<1x125xi32, #tpu.memory_space<vmem>>
      %dma_wait3A_394 = tpu.memref_squeeze %dma_wait3A_393 : memref<1x125xi32, #tpu.memory_space<vmem>> -> memref<125xi32, #tpu.memory_space<vmem>>
      %dma_wait3A_395 = arith.constant 0 : i32
      %dma_wait3A_396 = arith.constant 0 : i32
      %dma_wait3A_397 = tpu.memref_slice %arg18[%dma_wait3A_395, %dma_wait3A_396] : memref<10000x48xf32, #tpu.memory_space<vmem_shared>> -> memref<10000x48xf32, #tpu.memory_space<vmem_shared>>
      tpu.wait_indirect_dma semaphore(%arg26 : memref<!tpu.dma_semaphore, #tpu.memory_space<semaphore_mem>>) src(%dma_wait3A_397 : memref<10000x48xf32, #tpu.memory_space<vmem_shared>>) dst(%arg16 : memref<125x48xf32, #tpu.memory_space<vmem>>)
      %dma_start3A_398 = arith.constant 0 : i32
      %dma_start3A_399 = tpu.memref_slice %arg8[%add3A_374, %dma_start3A_398] : memref<80x125xi32, #tpu.memory_space<vmem>> -> memref<1x125xi32, #tpu.memory_space<vmem>>
      %dma_start3A_400 = tpu.memref_squeeze %dma_start3A_399 : memref<1x125xi32, #tpu.memory_space<vmem>> -> memref<125xi32, #tpu.memory_space<vmem>>
      %dma_start3A_401 = arith.constant 0 : i32
      %dma_start3A_402 = arith.constant 0 : i32
      %dma_start3A_403 = tpu.memref_slice %arg17[%dma_start3A_401, %dma_start3A_402] : memref<10000x48xf32, #tpu.memory_space<vmem_shared>> -> memref<10000x48xf32, #tpu.memory_space<vmem_shared>>
      tpu.enqueue_indirect_dma source(%arg16 : memref<125x48xf32, #tpu.memory_space<vmem>>) target(%dma_start3A_403 : memref<10000x48xf32, #tpu.memory_space<vmem_shared>>) offsets(%dma_start3A_400 : memref<125xi32, #tpu.memory_space<vmem>>) semaphore(%arg34 : memref<!tpu.dma_semaphore, #tpu.memory_space<semaphore_mem>>) {add = true}
    }
    %scan3A_94 = arith.constant 10 : i32
    %dma_wait3A_95 = arith.constant 0 : i32
    %dma_wait3A_96 = arith.constant 0 : i32
    %dma_wait3A_97 = tpu.memref_slice %arg8[%dma_wait3A_95, %dma_wait3A_96] : memref<80x125xi32, #tpu.memory_space<vmem>> -> memref<1x125xi32, #tpu.memory_space<vmem>>
    %dma_wait3A_98 = tpu.memref_squeeze %dma_wait3A_97 : memref<1x125xi32, #tpu.memory_space<vmem>> -> memref<125xi32, #tpu.memory_space<vmem>>
    %dma_wait3A_99 = arith.constant 0 : i32
    %dma_wait3A_100 = arith.constant 0 : i32
    %dma_wait3A_101 = tpu.memref_slice %arg17[%dma_wait3A_99, %dma_wait3A_100] : memref<10000x48xf32, #tpu.memory_space<vmem_shared>> -> memref<10000x48xf32, #tpu.memory_space<vmem_shared>>
    tpu.wait_indirect_dma semaphore(%arg27 : memref<!tpu.dma_semaphore, #tpu.memory_space<semaphore_mem>>) src(%arg9 : memref<125x48xf32, #tpu.memory_space<vmem>>) dst(%dma_wait3A_101 : memref<10000x48xf32, #tpu.memory_space<vmem_shared>>)
    %dma_wait3A_102 = arith.constant 1 : i32
    %dma_wait3A_103 = arith.constant 0 : i32
    %dma_wait3A_104 = tpu.memref_slice %arg8[%dma_wait3A_102, %dma_wait3A_103] : memref<80x125xi32, #tpu.memory_space<vmem>> -> memref<1x125xi32, #tpu.memory_space<vmem>>
    %dma_wait3A_105 = tpu.memref_squeeze %dma_wait3A_104 : memref<1x125xi32, #tpu.memory_space<vmem>> -> memref<125xi32, #tpu.memory_space<vmem>>
    %dma_wait3A_106 = arith.constant 0 : i32
    %dma_wait3A_107 = arith.constant 0 : i32
    %dma_wait3A_108 = tpu.memref_slice %arg17[%dma_wait3A_106, %dma_wait3A_107] : memref<10000x48xf32, #tpu.memory_space<vmem_shared>> -> memref<10000x48xf32, #tpu.memory_space<vmem_shared>>
    tpu.wait_indirect_dma semaphore(%arg28 : memref<!tpu.dma_semaphore, #tpu.memory_space<semaphore_mem>>) src(%arg10 : memref<125x48xf32, #tpu.memory_space<vmem>>) dst(%dma_wait3A_108 : memref<10000x48xf32, #tpu.memory_space<vmem_shared>>)
    %dma_wait3A_109 = arith.constant 2 : i32
    %dma_wait3A_110 = arith.constant 0 : i32
    %dma_wait3A_111 = tpu.memref_slice %arg8[%dma_wait3A_109, %dma_wait3A_110] : memref<80x125xi32, #tpu.memory_space<vmem>> -> memref<1x125xi32, #tpu.memory_space<vmem>>
    %dma_wait3A_112 = tpu.memref_squeeze %dma_wait3A_111 : memref<1x125xi32, #tpu.memory_space<vmem>> -> memref<125xi32, #tpu.memory_space<vmem>>
    %dma_wait3A_113 = arith.constant 0 : i32
    %dma_wait3A_114 = arith.constant 0 : i32
    %dma_wait3A_115 = tpu.memref_slice %arg17[%dma_wait3A_113, %dma_wait3A_114] : memref<10000x48xf32, #tpu.memory_space<vmem_shared>> -> memref<10000x48xf32, #tpu.memory_space<vmem_shared>>
    tpu.wait_indirect_dma semaphore(%arg29 : memref<!tpu.dma_semaphore, #tpu.memory_space<semaphore_mem>>) src(%arg11 : memref<125x48xf32, #tpu.memory_space<vmem>>) dst(%dma_wait3A_115 : memref<10000x48xf32, #tpu.memory_space<vmem_shared>>)
    %dma_wait3A_116 = arith.constant 3 : i32
    %dma_wait3A_117 = arith.constant 0 : i32
    %dma_wait3A_118 = tpu.memref_slice %arg8[%dma_wait3A_116, %dma_wait3A_117] : memref<80x125xi32, #tpu.memory_space<vmem>> -> memref<1x125xi32, #tpu.memory_space<vmem>>
    %dma_wait3A_119 = tpu.memref_squeeze %dma_wait3A_118 : memref<1x125xi32, #tpu.memory_space<vmem>> -> memref<125xi32, #tpu.memory_space<vmem>>
    %dma_wait3A_120 = arith.constant 0 : i32
    %dma_wait3A_121 = arith.constant 0 : i32
    %dma_wait3A_122 = tpu.memref_slice %arg17[%dma_wait3A_120, %dma_wait3A_121] : memref<10000x48xf32, #tpu.memory_space<vmem_shared>> -> memref<10000x48xf32, #tpu.memory_space<vmem_shared>>
    tpu.wait_indirect_dma semaphore(%arg30 : memref<!tpu.dma_semaphore, #tpu.memory_space<semaphore_mem>>) src(%arg12 : memref<125x48xf32, #tpu.memory_space<vmem>>) dst(%dma_wait3A_122 : memref<10000x48xf32, #tpu.memory_space<vmem_shared>>)
    %dma_wait3A_123 = arith.constant 4 : i32
    %dma_wait3A_124 = arith.constant 0 : i32
    %dma_wait3A_125 = tpu.memref_slice %arg8[%dma_wait3A_123, %dma_wait3A_124] : memref<80x125xi32, #tpu.memory_space<vmem>> -> memref<1x125xi32, #tpu.memory_space<vmem>>
    %dma_wait3A_126 = tpu.memref_squeeze %dma_wait3A_125 : memref<1x125xi32, #tpu.memory_space<vmem>> -> memref<125xi32, #tpu.memory_space<vmem>>
    %dma_wait3A_127 = arith.constant 0 : i32
    %dma_wait3A_128 = arith.constant 0 : i32
    %dma_wait3A_129 = tpu.memref_slice %arg17[%dma_wait3A_127, %dma_wait3A_128] : memref<10000x48xf32, #tpu.memory_space<vmem_shared>> -> memref<10000x48xf32, #tpu.memory_space<vmem_shared>>
    tpu.wait_indirect_dma semaphore(%arg31 : memref<!tpu.dma_semaphore, #tpu.memory_space<semaphore_mem>>) src(%arg13 : memref<125x48xf32, #tpu.memory_space<vmem>>) dst(%dma_wait3A_129 : memref<10000x48xf32, #tpu.memory_space<vmem_shared>>)
    %dma_wait3A_130 = arith.constant 5 : i32
    %dma_wait3A_131 = arith.constant 0 : i32
    %dma_wait3A_132 = tpu.memref_slice %arg8[%dma_wait3A_130, %dma_wait3A_131] : memref<80x125xi32, #tpu.memory_space<vmem>> -> memref<1x125xi32, #tpu.memory_space<vmem>>
    %dma_wait3A_133 = tpu.memref_squeeze %dma_wait3A_132 : memref<1x125xi32, #tpu.memory_space<vmem>> -> memref<125xi32, #tpu.memory_space<vmem>>
    %dma_wait3A_134 = arith.constant 0 : i32
    %dma_wait3A_135 = arith.constant 0 : i32
    %dma_wait3A_136 = tpu.memref_slice %arg17[%dma_wait3A_134, %dma_wait3A_135] : memref<10000x48xf32, #tpu.memory_space<vmem_shared>> -> memref<10000x48xf32, #tpu.memory_space<vmem_shared>>
    tpu.wait_indirect_dma semaphore(%arg32 : memref<!tpu.dma_semaphore, #tpu.memory_space<semaphore_mem>>) src(%arg14 : memref<125x48xf32, #tpu.memory_space<vmem>>) dst(%dma_wait3A_136 : memref<10000x48xf32, #tpu.memory_space<vmem_shared>>)
    %dma_wait3A_137 = arith.constant 6 : i32
    %dma_wait3A_138 = arith.constant 0 : i32
    %dma_wait3A_139 = tpu.memref_slice %arg8[%dma_wait3A_137, %dma_wait3A_138] : memref<80x125xi32, #tpu.memory_space<vmem>> -> memref<1x125xi32, #tpu.memory_space<vmem>>
    %dma_wait3A_140 = tpu.memref_squeeze %dma_wait3A_139 : memref<1x125xi32, #tpu.memory_space<vmem>> -> memref<125xi32, #tpu.memory_space<vmem>>
    %dma_wait3A_141 = arith.constant 0 : i32
    %dma_wait3A_142 = arith.constant 0 : i32
    %dma_wait3A_143 = tpu.memref_slice %arg17[%dma_wait3A_141, %dma_wait3A_142] : memref<10000x48xf32, #tpu.memory_space<vmem_shared>> -> memref<10000x48xf32, #tpu.memory_space<vmem_shared>>
    tpu.wait_indirect_dma semaphore(%arg33 : memref<!tpu.dma_semaphore, #tpu.memory_space<semaphore_mem>>) src(%arg15 : memref<125x48xf32, #tpu.memory_space<vmem>>) dst(%dma_wait3A_143 : memref<10000x48xf32, #tpu.memory_space<vmem_shared>>)
    %dma_wait3A_144 = arith.constant 7 : i32
    %dma_wait3A_145 = arith.constant 0 : i32
    %dma_wait3A_146 = tpu.memref_slice %arg8[%dma_wait3A_144, %dma_wait3A_145] : memref<80x125xi32, #tpu.memory_space<vmem>> -> memref<1x125xi32, #tpu.memory_space<vmem>>
    %dma_wait3A_147 = tpu.memref_squeeze %dma_wait3A_146 : memref<1x125xi32, #tpu.memory_space<vmem>> -> memref<125xi32, #tpu.memory_space<vmem>>
    %dma_wait3A_148 = arith.constant 0 : i32
    %dma_wait3A_149 = arith.constant 0 : i32
    %dma_wait3A_150 = tpu.memref_slice %arg17[%dma_wait3A_148, %dma_wait3A_149] : memref<10000x48xf32, #tpu.memory_space<vmem_shared>> -> memref<10000x48xf32, #tpu.memory_space<vmem_shared>>
    tpu.wait_indirect_dma semaphore(%arg34 : memref<!tpu.dma_semaphore, #tpu.memory_space<semaphore_mem>>) src(%arg16 : memref<125x48xf32, #tpu.memory_space<vmem>>) dst(%dma_wait3A_150 : memref<10000x48xf32, #tpu.memory_space<vmem_shared>>)
    %barrier3A_151 = arith.constant 0 : index
    tpu.barrier barrier_id(%barrier3A_151)
    %mul3A_152 = arith.constant 625 : i32
    %mul3A_153 = arith.muli %arg1, %mul3A_152 : i32
    %mul3A_154 = arith.constant 625 : i32
    %mul3A_155 = arith.muli %arg1, %mul3A_154 : i32
    "tpu.region"() ({
      %run_scoped3A = tpu.sem_alloc : memref<!tpu.dma_semaphore, #tpu.memory_space<semaphore_mem>>
      %dma_start3A_156 = arith.constant 0 : i32
      %dma_start3A_157 = tpu.memref_slice %arg6[%arg0, %mul3A_155, %dma_start3A_156] : memref<2x10000x48xf32, #tpu.memory_space<hbm>> -> memref<1x625x48xf32, #tpu.memory_space<hbm>>
      %dma_start3A_158 = tpu.memref_squeeze %dma_start3A_157 : memref<1x625x48xf32, #tpu.memory_space<hbm>> -> memref<625x48xf32, #tpu.memory_space<hbm>>
      %dma_start3A_159 = arith.constant 0 : i32
      %dma_start3A_160 = tpu.memref_slice %arg17[%mul3A_153, %dma_start3A_159] : memref<10000x48xf32, #tpu.memory_space<vmem_shared>> -> memref<625x48xf32, #tpu.memory_space<vmem_shared>>
      tpu.enqueue_dma source(%dma_start3A_160 : memref<625x48xf32, #tpu.memory_space<vmem_shared>>) target(%dma_start3A_158 : memref<625x48xf32, #tpu.memory_space<hbm>>) target_semaphore(%run_scoped3A : memref<!tpu.dma_semaphore, #tpu.memory_space<semaphore_mem>>)
      %dma_wait3A_161 = arith.constant 0 : i32
      %dma_wait3A_162 = tpu.memref_slice %arg6[%arg0, %mul3A_155, %dma_wait3A_161] : memref<2x10000x48xf32, #tpu.memory_space<hbm>> -> memref<1x625x48xf32, #tpu.memory_space<hbm>>
      %dma_wait3A_163 = tpu.memref_squeeze %dma_wait3A_162 : memref<1x625x48xf32, #tpu.memory_space<hbm>> -> memref<625x48xf32, #tpu.memory_space<hbm>>
      %dma_wait3A_164 = arith.constant 0 : i32
      %dma_wait3A_165 = tpu.memref_slice %arg17[%mul3A_153, %dma_wait3A_164] : memref<10000x48xf32, #tpu.memory_space<vmem_shared>> -> memref<625x48xf32, #tpu.memory_space<vmem_shared>>
      tpu.wait_dma2 semaphore(%run_scoped3A : memref<!tpu.dma_semaphore, #tpu.memory_space<semaphore_mem>>) src(%dma_wait3A_165 : memref<625x48xf32, #tpu.memory_space<vmem_shared>>) dst(%dma_wait3A_163 : memref<625x48xf32, #tpu.memory_space<hbm>>)
      tpu.yield
    }) : () -> ()
    return
  }
}

#map = affine_map<(d0, d1) -> (0, 0, 0)>
#map1 = affine_map<(d0, d1) -> (0, 0)>
module attributes {stable_mosaic.version = 14 : i64} {
  func.func @_deg_kernel(%arg0: i32, %arg1: i32, %arg2: memref<32x80x125xi32, #tpu.memory_space<hbm>>, %arg3: memref<125x16xf32, #tpu.memory_space<hbm>>, %arg4: memref<10000x16xf32, #tpu.memory_space<hbm>>, %arg5: memref<2x10000x16xf32, #tpu.memory_space<hbm>>, %arg6: memref<80x125xi32, #tpu.memory_space<vmem>>, %arg7: memref<125x16xf32, #tpu.memory_space<vmem>>, %arg8: memref<10000x16xf32, #tpu.memory_space<vmem_shared>>, %arg9: memref<!tpu.dma_semaphore, #tpu.memory_space<semaphore_mem>>) attributes {dimension_semantics = [#tpu.dimension_semantics<core_parallel>, #tpu.dimension_semantics<subcore_parallel>], iteration_bounds = array<i64: 2, 16>, scalar_prefetch = 0 : i64, scratch_operands = 4 : i64, tpu.core_type = #tpu.core_type<sc_vector_subcore>, window_params = [{transform_indices = #map}, {transform_indices = #map1}, {transform_indices = #map1}, {transform_indices = #map}]} {
    %mul3A = arith.constant 625 : i32
    %mul3A_0 = arith.muli %arg1, %mul3A : i32
    %mul3A_1 = arith.constant 625 : i32
    %mul3A_2 = arith.muli %arg1, %mul3A_1 : i32
    "tpu.region"() ({
      %run_scoped3A = tpu.sem_alloc : memref<!tpu.dma_semaphore, #tpu.memory_space<semaphore_mem>>
      %dma_start3A = arith.constant 0 : i32
      %dma_start3A_14 = tpu.memref_slice %arg8[%mul3A_2, %dma_start3A] : memref<10000x16xf32, #tpu.memory_space<vmem_shared>> -> memref<625x16xf32, #tpu.memory_space<vmem_shared>>
      %dma_start3A_15 = arith.constant 0 : i32
      %dma_start3A_16 = tpu.memref_slice %arg4[%mul3A_0, %dma_start3A_15] : memref<10000x16xf32, #tpu.memory_space<hbm>> -> memref<625x16xf32, #tpu.memory_space<hbm>>
      tpu.enqueue_dma source(%dma_start3A_16 : memref<625x16xf32, #tpu.memory_space<hbm>>) target(%dma_start3A_14 : memref<625x16xf32, #tpu.memory_space<vmem_shared>>) target_semaphore(%run_scoped3A : memref<!tpu.dma_semaphore, #tpu.memory_space<semaphore_mem>>)
      %dma_wait3A = arith.constant 0 : i32
      %dma_wait3A_17 = tpu.memref_slice %arg8[%mul3A_2, %dma_wait3A] : memref<10000x16xf32, #tpu.memory_space<vmem_shared>> -> memref<625x16xf32, #tpu.memory_space<vmem_shared>>
      %dma_wait3A_18 = arith.constant 0 : i32
      %dma_wait3A_19 = tpu.memref_slice %arg4[%mul3A_0, %dma_wait3A_18] : memref<10000x16xf32, #tpu.memory_space<hbm>> -> memref<625x16xf32, #tpu.memory_space<hbm>>
      tpu.wait_dma2 semaphore(%run_scoped3A : memref<!tpu.dma_semaphore, #tpu.memory_space<semaphore_mem>>) src(%dma_wait3A_19 : memref<625x16xf32, #tpu.memory_space<hbm>>) dst(%dma_wait3A_17 : memref<625x16xf32, #tpu.memory_space<vmem_shared>>)
      tpu.yield
    }) : () -> ()
    "tpu.region"() ({
      %run_scoped3A = tpu.sem_alloc : memref<!tpu.dma_semaphore, #tpu.memory_space<semaphore_mem>>
      tpu.enqueue_dma source(%arg3 : memref<125x16xf32, #tpu.memory_space<hbm>>) target(%arg7 : memref<125x16xf32, #tpu.memory_space<vmem>>) target_semaphore(%run_scoped3A : memref<!tpu.dma_semaphore, #tpu.memory_space<semaphore_mem>>)
      tpu.wait_dma2 semaphore(%run_scoped3A : memref<!tpu.dma_semaphore, #tpu.memory_space<semaphore_mem>>) src(%arg3 : memref<125x16xf32, #tpu.memory_space<hbm>>) dst(%arg7 : memref<125x16xf32, #tpu.memory_space<vmem>>)
      tpu.yield
    }) : () -> ()
    %mul3A_3 = arith.constant 2 : i32
    %mul3A_4 = arith.muli %arg1, %mul3A_3 : i32
    %add3A = arith.addi %mul3A_4, %arg0 : i32
    "tpu.region"() ({
      %run_scoped3A = tpu.sem_alloc : memref<!tpu.dma_semaphore, #tpu.memory_space<semaphore_mem>>
      %dma_start3A = arith.constant 0 : i32
      %dma_start3A_14 = arith.constant 0 : i32
      %dma_start3A_15 = tpu.memref_slice %arg2[%add3A, %dma_start3A, %dma_start3A_14] : memref<32x80x125xi32, #tpu.memory_space<hbm>> -> memref<1x80x125xi32, #tpu.memory_space<hbm>>
      %dma_start3A_16 = tpu.memref_squeeze %dma_start3A_15 : memref<1x80x125xi32, #tpu.memory_space<hbm>> -> memref<80x125xi32, #tpu.memory_space<hbm>>
      %dma_start3A_17 = arith.constant 0 : i32
      %dma_start3A_18 = arith.constant 0 : i32
      %dma_start3A_19 = tpu.memref_slice %arg2[%add3A, %dma_start3A_17, %dma_start3A_18] : memref<32x80x125xi32, #tpu.memory_space<hbm>> -> memref<1x80x125xi32, #tpu.memory_space<hbm>>
      %dma_start3A_20 = tpu.memref_squeeze %dma_start3A_19 : memref<1x80x125xi32, #tpu.memory_space<hbm>> -> memref<80x125xi32, #tpu.memory_space<hbm>>
      tpu.enqueue_dma source(%dma_start3A_20 : memref<80x125xi32, #tpu.memory_space<hbm>>) target(%arg6 : memref<80x125xi32, #tpu.memory_space<vmem>>) target_semaphore(%run_scoped3A : memref<!tpu.dma_semaphore, #tpu.memory_space<semaphore_mem>>)
      %dma_wait3A = arith.constant 0 : i32
      %dma_wait3A_21 = arith.constant 0 : i32
      %dma_wait3A_22 = tpu.memref_slice %arg2[%add3A, %dma_wait3A, %dma_wait3A_21] : memref<32x80x125xi32, #tpu.memory_space<hbm>> -> memref<1x80x125xi32, #tpu.memory_space<hbm>>
      %dma_wait3A_23 = tpu.memref_squeeze %dma_wait3A_22 : memref<1x80x125xi32, #tpu.memory_space<hbm>> -> memref<80x125xi32, #tpu.memory_space<hbm>>
      %dma_wait3A_24 = arith.constant 0 : i32
      %dma_wait3A_25 = arith.constant 0 : i32
      %dma_wait3A_26 = tpu.memref_slice %arg2[%add3A, %dma_wait3A_24, %dma_wait3A_25] : memref<32x80x125xi32, #tpu.memory_space<hbm>> -> memref<1x80x125xi32, #tpu.memory_space<hbm>>
      %dma_wait3A_27 = tpu.memref_squeeze %dma_wait3A_26 : memref<1x80x125xi32, #tpu.memory_space<hbm>> -> memref<80x125xi32, #tpu.memory_space<hbm>>
      tpu.wait_dma2 semaphore(%run_scoped3A : memref<!tpu.dma_semaphore, #tpu.memory_space<semaphore_mem>>) src(%dma_wait3A_27 : memref<80x125xi32, #tpu.memory_space<hbm>>) dst(%arg6 : memref<80x125xi32, #tpu.memory_space<vmem>>)
      tpu.yield
    }) : () -> ()
    %barrier3A = arith.constant 0 : index
    tpu.barrier barrier_id(%barrier3A)
    %scan3A = arith.constant 0 : i32
    %scan3A_5 = arith.constant 10 : i32
    %scan3A_6 = arith.addi %scan3A, %scan3A_5 : i32
    %scan3A_7 = arith.constant 1 : i32
    scf.for %scan3A_14 = %scan3A to %scan3A_6 step %scan3A_7  : i32 {
      %mul3A_15 = arith.constant 8 : i32
      %mul3A_16 = arith.muli %scan3A_14, %mul3A_15 : i32
      %add3A_17 = arith.constant 0 : i32
      %add3A_18 = arith.addi %add3A_17, %mul3A_16 : i32
      %add3A_19 = arith.constant 0 : i32
      %add3A_20 = arith.addi %add3A_18, %add3A_19 : i32
      %dma_start3A = arith.constant 0 : i32
      %dma_start3A_21 = tpu.memref_slice %arg6[%add3A_20, %dma_start3A] : memref<80x125xi32, #tpu.memory_space<vmem>> -> memref<1x125xi32, #tpu.memory_space<vmem>>
      %dma_start3A_22 = tpu.memref_squeeze %dma_start3A_21 : memref<1x125xi32, #tpu.memory_space<vmem>> -> memref<125xi32, #tpu.memory_space<vmem>>
      %dma_start3A_23 = arith.constant 0 : i32
      %dma_start3A_24 = arith.constant 0 : i32
      %dma_start3A_25 = tpu.memref_slice %arg8[%dma_start3A_23, %dma_start3A_24] : memref<10000x16xf32, #tpu.memory_space<vmem_shared>> -> memref<10000x16xf32, #tpu.memory_space<vmem_shared>>
      tpu.enqueue_indirect_dma source(%arg7 : memref<125x16xf32, #tpu.memory_space<vmem>>) target(%dma_start3A_25 : memref<10000x16xf32, #tpu.memory_space<vmem_shared>>) offsets(%dma_start3A_22 : memref<125xi32, #tpu.memory_space<vmem>>) semaphore(%arg9 : memref<!tpu.dma_semaphore, #tpu.memory_space<semaphore_mem>>) {add = true}
      %add3A_26 = arith.constant 1 : i32
      %add3A_27 = arith.addi %add3A_18, %add3A_26 : i32
      %dma_start3A_28 = arith.constant 0 : i32
      %dma_start3A_29 = tpu.memref_slice %arg6[%add3A_27, %dma_start3A_28] : memref<80x125xi32, #tpu.memory_space<vmem>> -> memref<1x125xi32, #tpu.memory_space<vmem>>
      %dma_start3A_30 = tpu.memref_squeeze %dma_start3A_29 : memref<1x125xi32, #tpu.memory_space<vmem>> -> memref<125xi32, #tpu.memory_space<vmem>>
      %dma_start3A_31 = arith.constant 0 : i32
      %dma_start3A_32 = arith.constant 0 : i32
      %dma_start3A_33 = tpu.memref_slice %arg8[%dma_start3A_31, %dma_start3A_32] : memref<10000x16xf32, #tpu.memory_space<vmem_shared>> -> memref<10000x16xf32, #tpu.memory_space<vmem_shared>>
      tpu.enqueue_indirect_dma source(%arg7 : memref<125x16xf32, #tpu.memory_space<vmem>>) target(%dma_start3A_33 : memref<10000x16xf32, #tpu.memory_space<vmem_shared>>) offsets(%dma_start3A_30 : memref<125xi32, #tpu.memory_space<vmem>>) semaphore(%arg9 : memref<!tpu.dma_semaphore, #tpu.memory_space<semaphore_mem>>) {add = true}
      %add3A_34 = arith.constant 2 : i32
      %add3A_35 = arith.addi %add3A_18, %add3A_34 : i32
      %dma_start3A_36 = arith.constant 0 : i32
      %dma_start3A_37 = tpu.memref_slice %arg6[%add3A_35, %dma_start3A_36] : memref<80x125xi32, #tpu.memory_space<vmem>> -> memref<1x125xi32, #tpu.memory_space<vmem>>
      %dma_start3A_38 = tpu.memref_squeeze %dma_start3A_37 : memref<1x125xi32, #tpu.memory_space<vmem>> -> memref<125xi32, #tpu.memory_space<vmem>>
      %dma_start3A_39 = arith.constant 0 : i32
      %dma_start3A_40 = arith.constant 0 : i32
      %dma_start3A_41 = tpu.memref_slice %arg8[%dma_start3A_39, %dma_start3A_40] : memref<10000x16xf32, #tpu.memory_space<vmem_shared>> -> memref<10000x16xf32, #tpu.memory_space<vmem_shared>>
      tpu.enqueue_indirect_dma source(%arg7 : memref<125x16xf32, #tpu.memory_space<vmem>>) target(%dma_start3A_41 : memref<10000x16xf32, #tpu.memory_space<vmem_shared>>) offsets(%dma_start3A_38 : memref<125xi32, #tpu.memory_space<vmem>>) semaphore(%arg9 : memref<!tpu.dma_semaphore, #tpu.memory_space<semaphore_mem>>) {add = true}
      %add3A_42 = arith.constant 3 : i32
      %add3A_43 = arith.addi %add3A_18, %add3A_42 : i32
      %dma_start3A_44 = arith.constant 0 : i32
      %dma_start3A_45 = tpu.memref_slice %arg6[%add3A_43, %dma_start3A_44] : memref<80x125xi32, #tpu.memory_space<vmem>> -> memref<1x125xi32, #tpu.memory_space<vmem>>
      %dma_start3A_46 = tpu.memref_squeeze %dma_start3A_45 : memref<1x125xi32, #tpu.memory_space<vmem>> -> memref<125xi32, #tpu.memory_space<vmem>>
      %dma_start3A_47 = arith.constant 0 : i32
      %dma_start3A_48 = arith.constant 0 : i32
      %dma_start3A_49 = tpu.memref_slice %arg8[%dma_start3A_47, %dma_start3A_48] : memref<10000x16xf32, #tpu.memory_space<vmem_shared>> -> memref<10000x16xf32, #tpu.memory_space<vmem_shared>>
      tpu.enqueue_indirect_dma source(%arg7 : memref<125x16xf32, #tpu.memory_space<vmem>>) target(%dma_start3A_49 : memref<10000x16xf32, #tpu.memory_space<vmem_shared>>) offsets(%dma_start3A_46 : memref<125xi32, #tpu.memory_space<vmem>>) semaphore(%arg9 : memref<!tpu.dma_semaphore, #tpu.memory_space<semaphore_mem>>) {add = true}
      %add3A_50 = arith.constant 4 : i32
      %add3A_51 = arith.addi %add3A_18, %add3A_50 : i32
      %dma_start3A_52 = arith.constant 0 : i32
      %dma_start3A_53 = tpu.memref_slice %arg6[%add3A_51, %dma_start3A_52] : memref<80x125xi32, #tpu.memory_space<vmem>> -> memref<1x125xi32, #tpu.memory_space<vmem>>
      %dma_start3A_54 = tpu.memref_squeeze %dma_start3A_53 : memref<1x125xi32, #tpu.memory_space<vmem>> -> memref<125xi32, #tpu.memory_space<vmem>>
      %dma_start3A_55 = arith.constant 0 : i32
      %dma_start3A_56 = arith.constant 0 : i32
      %dma_start3A_57 = tpu.memref_slice %arg8[%dma_start3A_55, %dma_start3A_56] : memref<10000x16xf32, #tpu.memory_space<vmem_shared>> -> memref<10000x16xf32, #tpu.memory_space<vmem_shared>>
      tpu.enqueue_indirect_dma source(%arg7 : memref<125x16xf32, #tpu.memory_space<vmem>>) target(%dma_start3A_57 : memref<10000x16xf32, #tpu.memory_space<vmem_shared>>) offsets(%dma_start3A_54 : memref<125xi32, #tpu.memory_space<vmem>>) semaphore(%arg9 : memref<!tpu.dma_semaphore, #tpu.memory_space<semaphore_mem>>) {add = true}
      %add3A_58 = arith.constant 5 : i32
      %add3A_59 = arith.addi %add3A_18, %add3A_58 : i32
      %dma_start3A_60 = arith.constant 0 : i32
      %dma_start3A_61 = tpu.memref_slice %arg6[%add3A_59, %dma_start3A_60] : memref<80x125xi32, #tpu.memory_space<vmem>> -> memref<1x125xi32, #tpu.memory_space<vmem>>
      %dma_start3A_62 = tpu.memref_squeeze %dma_start3A_61 : memref<1x125xi32, #tpu.memory_space<vmem>> -> memref<125xi32, #tpu.memory_space<vmem>>
      %dma_start3A_63 = arith.constant 0 : i32
      %dma_start3A_64 = arith.constant 0 : i32
      %dma_start3A_65 = tpu.memref_slice %arg8[%dma_start3A_63, %dma_start3A_64] : memref<10000x16xf32, #tpu.memory_space<vmem_shared>> -> memref<10000x16xf32, #tpu.memory_space<vmem_shared>>
      tpu.enqueue_indirect_dma source(%arg7 : memref<125x16xf32, #tpu.memory_space<vmem>>) target(%dma_start3A_65 : memref<10000x16xf32, #tpu.memory_space<vmem_shared>>) offsets(%dma_start3A_62 : memref<125xi32, #tpu.memory_space<vmem>>) semaphore(%arg9 : memref<!tpu.dma_semaphore, #tpu.memory_space<semaphore_mem>>) {add = true}
      %add3A_66 = arith.constant 6 : i32
      %add3A_67 = arith.addi %add3A_18, %add3A_66 : i32
      %dma_start3A_68 = arith.constant 0 : i32
      %dma_start3A_69 = tpu.memref_slice %arg6[%add3A_67, %dma_start3A_68] : memref<80x125xi32, #tpu.memory_space<vmem>> -> memref<1x125xi32, #tpu.memory_space<vmem>>
      %dma_start3A_70 = tpu.memref_squeeze %dma_start3A_69 : memref<1x125xi32, #tpu.memory_space<vmem>> -> memref<125xi32, #tpu.memory_space<vmem>>
      %dma_start3A_71 = arith.constant 0 : i32
      %dma_start3A_72 = arith.constant 0 : i32
      %dma_start3A_73 = tpu.memref_slice %arg8[%dma_start3A_71, %dma_start3A_72] : memref<10000x16xf32, #tpu.memory_space<vmem_shared>> -> memref<10000x16xf32, #tpu.memory_space<vmem_shared>>
      tpu.enqueue_indirect_dma source(%arg7 : memref<125x16xf32, #tpu.memory_space<vmem>>) target(%dma_start3A_73 : memref<10000x16xf32, #tpu.memory_space<vmem_shared>>) offsets(%dma_start3A_70 : memref<125xi32, #tpu.memory_space<vmem>>) semaphore(%arg9 : memref<!tpu.dma_semaphore, #tpu.memory_space<semaphore_mem>>) {add = true}
      %add3A_74 = arith.constant 7 : i32
      %add3A_75 = arith.addi %add3A_18, %add3A_74 : i32
      %dma_start3A_76 = arith.constant 0 : i32
      %dma_start3A_77 = tpu.memref_slice %arg6[%add3A_75, %dma_start3A_76] : memref<80x125xi32, #tpu.memory_space<vmem>> -> memref<1x125xi32, #tpu.memory_space<vmem>>
      %dma_start3A_78 = tpu.memref_squeeze %dma_start3A_77 : memref<1x125xi32, #tpu.memory_space<vmem>> -> memref<125xi32, #tpu.memory_space<vmem>>
      %dma_start3A_79 = arith.constant 0 : i32
      %dma_start3A_80 = arith.constant 0 : i32
      %dma_start3A_81 = tpu.memref_slice %arg8[%dma_start3A_79, %dma_start3A_80] : memref<10000x16xf32, #tpu.memory_space<vmem_shared>> -> memref<10000x16xf32, #tpu.memory_space<vmem_shared>>
      tpu.enqueue_indirect_dma source(%arg7 : memref<125x16xf32, #tpu.memory_space<vmem>>) target(%dma_start3A_81 : memref<10000x16xf32, #tpu.memory_space<vmem_shared>>) offsets(%dma_start3A_78 : memref<125xi32, #tpu.memory_space<vmem>>) semaphore(%arg9 : memref<!tpu.dma_semaphore, #tpu.memory_space<semaphore_mem>>) {add = true}
      %add3A_82 = arith.constant 0 : i32
      %add3A_83 = arith.addi %add3A_18, %add3A_82 : i32
      %dma_wait3A = arith.constant 0 : i32
      %dma_wait3A_84 = tpu.memref_slice %arg6[%add3A_83, %dma_wait3A] : memref<80x125xi32, #tpu.memory_space<vmem>> -> memref<1x125xi32, #tpu.memory_space<vmem>>
      %dma_wait3A_85 = tpu.memref_squeeze %dma_wait3A_84 : memref<1x125xi32, #tpu.memory_space<vmem>> -> memref<125xi32, #tpu.memory_space<vmem>>
      %dma_wait3A_86 = arith.constant 0 : i32
      %dma_wait3A_87 = arith.constant 0 : i32
      %dma_wait3A_88 = tpu.memref_slice %arg8[%dma_wait3A_86, %dma_wait3A_87] : memref<10000x16xf32, #tpu.memory_space<vmem_shared>> -> memref<10000x16xf32, #tpu.memory_space<vmem_shared>>
      tpu.wait_indirect_dma semaphore(%arg9 : memref<!tpu.dma_semaphore, #tpu.memory_space<semaphore_mem>>) src(%arg7 : memref<125x16xf32, #tpu.memory_space<vmem>>) dst(%dma_wait3A_88 : memref<10000x16xf32, #tpu.memory_space<vmem_shared>>)
      %add3A_89 = arith.constant 1 : i32
      %add3A_90 = arith.addi %add3A_18, %add3A_89 : i32
      %dma_wait3A_91 = arith.constant 0 : i32
      %dma_wait3A_92 = tpu.memref_slice %arg6[%add3A_90, %dma_wait3A_91] : memref<80x125xi32, #tpu.memory_space<vmem>> -> memref<1x125xi32, #tpu.memory_space<vmem>>
      %dma_wait3A_93 = tpu.memref_squeeze %dma_wait3A_92 : memref<1x125xi32, #tpu.memory_space<vmem>> -> memref<125xi32, #tpu.memory_space<vmem>>
      %dma_wait3A_94 = arith.constant 0 : i32
      %dma_wait3A_95 = arith.constant 0 : i32
      %dma_wait3A_96 = tpu.memref_slice %arg8[%dma_wait3A_94, %dma_wait3A_95] : memref<10000x16xf32, #tpu.memory_space<vmem_shared>> -> memref<10000x16xf32, #tpu.memory_space<vmem_shared>>
      tpu.wait_indirect_dma semaphore(%arg9 : memref<!tpu.dma_semaphore, #tpu.memory_space<semaphore_mem>>) src(%arg7 : memref<125x16xf32, #tpu.memory_space<vmem>>) dst(%dma_wait3A_96 : memref<10000x16xf32, #tpu.memory_space<vmem_shared>>)
      %add3A_97 = arith.constant 2 : i32
      %add3A_98 = arith.addi %add3A_18, %add3A_97 : i32
      %dma_wait3A_99 = arith.constant 0 : i32
      %dma_wait3A_100 = tpu.memref_slice %arg6[%add3A_98, %dma_wait3A_99] : memref<80x125xi32, #tpu.memory_space<vmem>> -> memref<1x125xi32, #tpu.memory_space<vmem>>
      %dma_wait3A_101 = tpu.memref_squeeze %dma_wait3A_100 : memref<1x125xi32, #tpu.memory_space<vmem>> -> memref<125xi32, #tpu.memory_space<vmem>>
      %dma_wait3A_102 = arith.constant 0 : i32
      %dma_wait3A_103 = arith.constant 0 : i32
      %dma_wait3A_104 = tpu.memref_slice %arg8[%dma_wait3A_102, %dma_wait3A_103] : memref<10000x16xf32, #tpu.memory_space<vmem_shared>> -> memref<10000x16xf32, #tpu.memory_space<vmem_shared>>
      tpu.wait_indirect_dma semaphore(%arg9 : memref<!tpu.dma_semaphore, #tpu.memory_space<semaphore_mem>>) src(%arg7 : memref<125x16xf32, #tpu.memory_space<vmem>>) dst(%dma_wait3A_104 : memref<10000x16xf32, #tpu.memory_space<vmem_shared>>)
      %add3A_105 = arith.constant 3 : i32
      %add3A_106 = arith.addi %add3A_18, %add3A_105 : i32
      %dma_wait3A_107 = arith.constant 0 : i32
      %dma_wait3A_108 = tpu.memref_slice %arg6[%add3A_106, %dma_wait3A_107] : memref<80x125xi32, #tpu.memory_space<vmem>> -> memref<1x125xi32, #tpu.memory_space<vmem>>
      %dma_wait3A_109 = tpu.memref_squeeze %dma_wait3A_108 : memref<1x125xi32, #tpu.memory_space<vmem>> -> memref<125xi32, #tpu.memory_space<vmem>>
      %dma_wait3A_110 = arith.constant 0 : i32
      %dma_wait3A_111 = arith.constant 0 : i32
      %dma_wait3A_112 = tpu.memref_slice %arg8[%dma_wait3A_110, %dma_wait3A_111] : memref<10000x16xf32, #tpu.memory_space<vmem_shared>> -> memref<10000x16xf32, #tpu.memory_space<vmem_shared>>
      tpu.wait_indirect_dma semaphore(%arg9 : memref<!tpu.dma_semaphore, #tpu.memory_space<semaphore_mem>>) src(%arg7 : memref<125x16xf32, #tpu.memory_space<vmem>>) dst(%dma_wait3A_112 : memref<10000x16xf32, #tpu.memory_space<vmem_shared>>)
      %add3A_113 = arith.constant 4 : i32
      %add3A_114 = arith.addi %add3A_18, %add3A_113 : i32
      %dma_wait3A_115 = arith.constant 0 : i32
      %dma_wait3A_116 = tpu.memref_slice %arg6[%add3A_114, %dma_wait3A_115] : memref<80x125xi32, #tpu.memory_space<vmem>> -> memref<1x125xi32, #tpu.memory_space<vmem>>
      %dma_wait3A_117 = tpu.memref_squeeze %dma_wait3A_116 : memref<1x125xi32, #tpu.memory_space<vmem>> -> memref<125xi32, #tpu.memory_space<vmem>>
      %dma_wait3A_118 = arith.constant 0 : i32
      %dma_wait3A_119 = arith.constant 0 : i32
      %dma_wait3A_120 = tpu.memref_slice %arg8[%dma_wait3A_118, %dma_wait3A_119] : memref<10000x16xf32, #tpu.memory_space<vmem_shared>> -> memref<10000x16xf32, #tpu.memory_space<vmem_shared>>
      tpu.wait_indirect_dma semaphore(%arg9 : memref<!tpu.dma_semaphore, #tpu.memory_space<semaphore_mem>>) src(%arg7 : memref<125x16xf32, #tpu.memory_space<vmem>>) dst(%dma_wait3A_120 : memref<10000x16xf32, #tpu.memory_space<vmem_shared>>)
      %add3A_121 = arith.constant 5 : i32
      %add3A_122 = arith.addi %add3A_18, %add3A_121 : i32
      %dma_wait3A_123 = arith.constant 0 : i32
      %dma_wait3A_124 = tpu.memref_slice %arg6[%add3A_122, %dma_wait3A_123] : memref<80x125xi32, #tpu.memory_space<vmem>> -> memref<1x125xi32, #tpu.memory_space<vmem>>
      %dma_wait3A_125 = tpu.memref_squeeze %dma_wait3A_124 : memref<1x125xi32, #tpu.memory_space<vmem>> -> memref<125xi32, #tpu.memory_space<vmem>>
      %dma_wait3A_126 = arith.constant 0 : i32
      %dma_wait3A_127 = arith.constant 0 : i32
      %dma_wait3A_128 = tpu.memref_slice %arg8[%dma_wait3A_126, %dma_wait3A_127] : memref<10000x16xf32, #tpu.memory_space<vmem_shared>> -> memref<10000x16xf32, #tpu.memory_space<vmem_shared>>
      tpu.wait_indirect_dma semaphore(%arg9 : memref<!tpu.dma_semaphore, #tpu.memory_space<semaphore_mem>>) src(%arg7 : memref<125x16xf32, #tpu.memory_space<vmem>>) dst(%dma_wait3A_128 : memref<10000x16xf32, #tpu.memory_space<vmem_shared>>)
      %add3A_129 = arith.constant 6 : i32
      %add3A_130 = arith.addi %add3A_18, %add3A_129 : i32
      %dma_wait3A_131 = arith.constant 0 : i32
      %dma_wait3A_132 = tpu.memref_slice %arg6[%add3A_130, %dma_wait3A_131] : memref<80x125xi32, #tpu.memory_space<vmem>> -> memref<1x125xi32, #tpu.memory_space<vmem>>
      %dma_wait3A_133 = tpu.memref_squeeze %dma_wait3A_132 : memref<1x125xi32, #tpu.memory_space<vmem>> -> memref<125xi32, #tpu.memory_space<vmem>>
      %dma_wait3A_134 = arith.constant 0 : i32
      %dma_wait3A_135 = arith.constant 0 : i32
      %dma_wait3A_136 = tpu.memref_slice %arg8[%dma_wait3A_134, %dma_wait3A_135] : memref<10000x16xf32, #tpu.memory_space<vmem_shared>> -> memref<10000x16xf32, #tpu.memory_space<vmem_shared>>
      tpu.wait_indirect_dma semaphore(%arg9 : memref<!tpu.dma_semaphore, #tpu.memory_space<semaphore_mem>>) src(%arg7 : memref<125x16xf32, #tpu.memory_space<vmem>>) dst(%dma_wait3A_136 : memref<10000x16xf32, #tpu.memory_space<vmem_shared>>)
      %add3A_137 = arith.constant 7 : i32
      %add3A_138 = arith.addi %add3A_18, %add3A_137 : i32
      %dma_wait3A_139 = arith.constant 0 : i32
      %dma_wait3A_140 = tpu.memref_slice %arg6[%add3A_138, %dma_wait3A_139] : memref<80x125xi32, #tpu.memory_space<vmem>> -> memref<1x125xi32, #tpu.memory_space<vmem>>
      %dma_wait3A_141 = tpu.memref_squeeze %dma_wait3A_140 : memref<1x125xi32, #tpu.memory_space<vmem>> -> memref<125xi32, #tpu.memory_space<vmem>>
      %dma_wait3A_142 = arith.constant 0 : i32
      %dma_wait3A_143 = arith.constant 0 : i32
      %dma_wait3A_144 = tpu.memref_slice %arg8[%dma_wait3A_142, %dma_wait3A_143] : memref<10000x16xf32, #tpu.memory_space<vmem_shared>> -> memref<10000x16xf32, #tpu.memory_space<vmem_shared>>
      tpu.wait_indirect_dma semaphore(%arg9 : memref<!tpu.dma_semaphore, #tpu.memory_space<semaphore_mem>>) src(%arg7 : memref<125x16xf32, #tpu.memory_space<vmem>>) dst(%dma_wait3A_144 : memref<10000x16xf32, #tpu.memory_space<vmem_shared>>)
    }
    %scan3A_8 = arith.constant 10 : i32
    %barrier3A_9 = arith.constant 0 : index
    tpu.barrier barrier_id(%barrier3A_9)
    %mul3A_10 = arith.constant 625 : i32
    %mul3A_11 = arith.muli %arg1, %mul3A_10 : i32
    %mul3A_12 = arith.constant 625 : i32
    %mul3A_13 = arith.muli %arg1, %mul3A_12 : i32
    "tpu.region"() ({
      %run_scoped3A = tpu.sem_alloc : memref<!tpu.dma_semaphore, #tpu.memory_space<semaphore_mem>>
      %dma_start3A = arith.constant 0 : i32
      %dma_start3A_14 = tpu.memref_slice %arg5[%arg0, %mul3A_13, %dma_start3A] : memref<2x10000x16xf32, #tpu.memory_space<hbm>> -> memref<1x625x16xf32, #tpu.memory_space<hbm>>
      %dma_start3A_15 = tpu.memref_squeeze %dma_start3A_14 : memref<1x625x16xf32, #tpu.memory_space<hbm>> -> memref<625x16xf32, #tpu.memory_space<hbm>>
      %dma_start3A_16 = arith.constant 0 : i32
      %dma_start3A_17 = tpu.memref_slice %arg8[%mul3A_11, %dma_start3A_16] : memref<10000x16xf32, #tpu.memory_space<vmem_shared>> -> memref<625x16xf32, #tpu.memory_space<vmem_shared>>
      tpu.enqueue_dma source(%dma_start3A_17 : memref<625x16xf32, #tpu.memory_space<vmem_shared>>) target(%dma_start3A_15 : memref<625x16xf32, #tpu.memory_space<hbm>>) target_semaphore(%run_scoped3A : memref<!tpu.dma_semaphore, #tpu.memory_space<semaphore_mem>>)
      %dma_wait3A = arith.constant 0 : i32
      %dma_wait3A_18 = tpu.memref_slice %arg5[%arg0, %mul3A_13, %dma_wait3A] : memref<2x10000x16xf32, #tpu.memory_space<hbm>> -> memref<1x625x16xf32, #tpu.memory_space<hbm>>
      %dma_wait3A_19 = tpu.memref_squeeze %dma_wait3A_18 : memref<1x625x16xf32, #tpu.memory_space<hbm>> -> memref<625x16xf32, #tpu.memory_space<hbm>>
      %dma_wait3A_20 = arith.constant 0 : i32
      %dma_wait3A_21 = tpu.memref_slice %arg8[%mul3A_11, %dma_wait3A_20] : memref<10000x16xf32, #tpu.memory_space<vmem_shared>> -> memref<625x16xf32, #tpu.memory_space<vmem_shared>>
      tpu.wait_dma2 semaphore(%run_scoped3A : memref<!tpu.dma_semaphore, #tpu.memory_space<semaphore_mem>>) src(%dma_wait3A_21 : memref<625x16xf32, #tpu.memory_space<vmem_shared>>) dst(%dma_wait3A_19 : memref<625x16xf32, #tpu.memory_space<hbm>>)
      tpu.yield
    }) : () -> ()
    return
  }
}

#map = affine_map<(d0, d1) -> (0, 0, 0)>
#map1 = affine_map<(d0, d1) -> (0, 0)>
module attributes {stable_mosaic.version = 14 : i64} {
  func.func @_hop2_kernel(%arg0: i32, %arg1: i32, %arg2: memref<2x10000x48xf32, #tpu.memory_space<hbm>>, %arg3: memref<10000x48xf32, #tpu.memory_space<hbm>>, %arg4: memref<10000x16xf32, #tpu.memory_space<hbm>>, %arg5: memref<32x80x125xi32, #tpu.memory_space<hbm>>, %arg6: memref<32x80x125xi32, #tpu.memory_space<hbm>>, %arg7: memref<10000x48xf32, #tpu.memory_space<hbm>>, %arg8: memref<2x10000x48xf32, #tpu.memory_space<hbm>>, %arg9: memref<10000x48xf32, #tpu.memory_space<hbm>>, %arg10: memref<80x125xi32, #tpu.memory_space<vmem>>, %arg11: memref<80x125xi32, #tpu.memory_space<vmem>>, %arg12: memref<125x48xf32, #tpu.memory_space<vmem>>, %arg13: memref<125x48xf32, #tpu.memory_space<vmem>>, %arg14: memref<125x48xf32, #tpu.memory_space<vmem>>, %arg15: memref<125x48xf32, #tpu.memory_space<vmem>>, %arg16: memref<125x48xf32, #tpu.memory_space<vmem>>, %arg17: memref<125x48xf32, #tpu.memory_space<vmem>>, %arg18: memref<125x48xf32, #tpu.memory_space<vmem>>, %arg19: memref<125x48xf32, #tpu.memory_space<vmem>>, %arg20: memref<10000x48xf32, #tpu.memory_space<vmem_shared>>, %arg21: memref<10000x48xf32, #tpu.memory_space<vmem_shared>>, %arg22: memref<125x16xf32, #tpu.memory_space<vmem>>, %arg23: memref<!tpu.dma_semaphore, #tpu.memory_space<semaphore_mem>>, %arg24: memref<!tpu.dma_semaphore, #tpu.memory_space<semaphore_mem>>, %arg25: memref<!tpu.dma_semaphore, #tpu.memory_space<semaphore_mem>>, %arg26: memref<!tpu.dma_semaphore, #tpu.memory_space<semaphore_mem>>, %arg27: memref<!tpu.dma_semaphore, #tpu.memory_space<semaphore_mem>>, %arg28: memref<!tpu.dma_semaphore, #tpu.memory_space<semaphore_mem>>, %arg29: memref<!tpu.dma_semaphore, #tpu.memory_space<semaphore_mem>>, %arg30: memref<!tpu.dma_semaphore, #tpu.memory_space<semaphore_mem>>, %arg31: memref<!tpu.dma_semaphore, #tpu.memory_space<semaphore_mem>>, %arg32: memref<!tpu.dma_semaphore, #tpu.memory_space<semaphore_mem>>, %arg33: memref<!tpu.dma_semaphore, #tpu.memory_space<semaphore_mem>>, %arg34: memref<!tpu.dma_semaphore, #tpu.memory_space<semaphore_mem>>, %arg35: memref<!tpu.dma_semaphore, #tpu.memory_space<semaphore_mem>>, %arg36: memref<!tpu.dma_semaphore, #tpu.memory_space<semaphore_mem>>, %arg37: memref<!tpu.dma_semaphore, #tpu.memory_space<semaphore_mem>>, %arg38: memref<!tpu.dma_semaphore, #tpu.memory_space<semaphore_mem>>) attributes {dimension_semantics = [#tpu.dimension_semantics<core_parallel>, #tpu.dimension_semantics<subcore_parallel>], iteration_bounds = array<i64: 2, 16>, scalar_prefetch = 0 : i64, scratch_operands = 29 : i64, tpu.core_type = #tpu.core_type<sc_vector_subcore>, window_params = [{transform_indices = #map}, {transform_indices = #map1}, {transform_indices = #map1}, {transform_indices = #map}, {transform_indices = #map}, {transform_indices = #map1}, {transform_indices = #map}, {transform_indices = #map1}]} {
    %scan3A = arith.constant 0 : i32
    %scan3A_0 = arith.constant 5 : i32
    %scan3A_1 = arith.addi %scan3A, %scan3A_0 : i32
    %scan3A_2 = arith.constant 1 : i32
    scf.for %scan3A_153 = %scan3A to %scan3A_1 step %scan3A_2  : i32 {
      %mul3A_154 = arith.constant 125 : i32
      %mul3A_155 = arith.muli %scan3A_153, %mul3A_154 : i32
      %add3A_156 = arith.constant 0 : i32
      %add3A_157 = arith.addi %add3A_156, %mul3A_155 : i32
      %mul3A_158 = arith.constant 625 : i32
      %mul3A_159 = arith.muli %arg1, %mul3A_158 : i32
      %add3A_160 = arith.addi %mul3A_159, %add3A_157 : i32
      %dma_start3A_161 = arith.constant 0 : i32
      %dma_start3A_162 = arith.constant 0 : i32
      %dma_start3A_163 = tpu.memref_slice %arg2[%dma_start3A_161, %add3A_160, %dma_start3A_162] : memref<2x10000x48xf32, #tpu.memory_space<hbm>> -> memref<1x125x48xf32, #tpu.memory_space<hbm>>
      %dma_start3A_164 = tpu.memref_squeeze %dma_start3A_163 : memref<1x125x48xf32, #tpu.memory_space<hbm>> -> memref<125x48xf32, #tpu.memory_space<hbm>>
      %dma_start3A_165 = arith.constant 0 : i32
      %dma_start3A_166 = tpu.memref_slice %arg2[%dma_start3A_161, %add3A_160, %dma_start3A_165] : memref<2x10000x48xf32, #tpu.memory_space<hbm>> -> memref<1x125x48xf32, #tpu.memory_space<hbm>>
      %dma_start3A_167 = tpu.memref_squeeze %dma_start3A_166 : memref<1x125x48xf32, #tpu.memory_space<hbm>> -> memref<125x48xf32, #tpu.memory_space<hbm>>
      tpu.enqueue_dma source(%dma_start3A_167 : memref<125x48xf32, #tpu.memory_space<hbm>>) target(%arg12 : memref<125x48xf32, #tpu.memory_space<vmem>>) target_semaphore(%arg23 : memref<!tpu.dma_semaphore, #tpu.memory_space<semaphore_mem>>)
      %dma_start3A_168 = arith.constant 1 : i32
      %dma_start3A_169 = arith.constant 0 : i32
      %dma_start3A_170 = tpu.memref_slice %arg2[%dma_start3A_168, %add3A_160, %dma_start3A_169] : memref<2x10000x48xf32, #tpu.memory_space<hbm>> -> memref<1x125x48xf32, #tpu.memory_space<hbm>>
      %dma_start3A_171 = tpu.memref_squeeze %dma_start3A_170 : memref<1x125x48xf32, #tpu.memory_space<hbm>> -> memref<125x48xf32, #tpu.memory_space<hbm>>
      %dma_start3A_172 = arith.constant 0 : i32
      %dma_start3A_173 = tpu.memref_slice %arg2[%dma_start3A_168, %add3A_160, %dma_start3A_172] : memref<2x10000x48xf32, #tpu.memory_space<hbm>> -> memref<1x125x48xf32, #tpu.memory_space<hbm>>
      %dma_start3A_174 = tpu.memref_squeeze %dma_start3A_173 : memref<1x125x48xf32, #tpu.memory_space<hbm>> -> memref<125x48xf32, #tpu.memory_space<hbm>>
      tpu.enqueue_dma source(%dma_start3A_174 : memref<125x48xf32, #tpu.memory_space<hbm>>) target(%arg13 : memref<125x48xf32, #tpu.memory_space<vmem>>) target_semaphore(%arg24 : memref<!tpu.dma_semaphore, #tpu.memory_space<semaphore_mem>>)
      %dma_start3A_175 = arith.constant 0 : i32
      %dma_start3A_176 = tpu.memref_slice %arg3[%add3A_160, %dma_start3A_175] : memref<10000x48xf32, #tpu.memory_space<hbm>> -> memref<125x48xf32, #tpu.memory_space<hbm>>
      %dma_start3A_177 = arith.constant 0 : i32
      %dma_start3A_178 = tpu.memref_slice %arg3[%add3A_160, %dma_start3A_177] : memref<10000x48xf32, #tpu.memory_space<hbm>> -> memref<125x48xf32, #tpu.memory_space<hbm>>
      tpu.enqueue_dma source(%dma_start3A_178 : memref<125x48xf32, #tpu.memory_space<hbm>>) target(%arg14 : memref<125x48xf32, #tpu.memory_space<vmem>>) target_semaphore(%arg25 : memref<!tpu.dma_semaphore, #tpu.memory_space<semaphore_mem>>)
      %dma_start3A_179 = arith.constant 0 : i32
      %dma_start3A_180 = tpu.memref_slice %arg4[%add3A_160, %dma_start3A_179] : memref<10000x16xf32, #tpu.memory_space<hbm>> -> memref<125x16xf32, #tpu.memory_space<hbm>>
      %dma_start3A_181 = arith.constant 0 : i32
      %dma_start3A_182 = tpu.memref_slice %arg4[%add3A_160, %dma_start3A_181] : memref<10000x16xf32, #tpu.memory_space<hbm>> -> memref<125x16xf32, #tpu.memory_space<hbm>>
      tpu.enqueue_dma source(%dma_start3A_182 : memref<125x16xf32, #tpu.memory_space<hbm>>) target(%arg22 : memref<125x16xf32, #tpu.memory_space<vmem>>) target_semaphore(%arg26 : memref<!tpu.dma_semaphore, #tpu.memory_space<semaphore_mem>>)
      %dma_wait3A_183 = arith.constant 0 : i32
      %dma_wait3A_184 = arith.constant 0 : i32
      %dma_wait3A_185 = tpu.memref_slice %arg2[%dma_wait3A_183, %add3A_160, %dma_wait3A_184] : memref<2x10000x48xf32, #tpu.memory_space<hbm>> -> memref<1x125x48xf32, #tpu.memory_space<hbm>>
      %dma_wait3A_186 = tpu.memref_squeeze %dma_wait3A_185 : memref<1x125x48xf32, #tpu.memory_space<hbm>> -> memref<125x48xf32, #tpu.memory_space<hbm>>
      %dma_wait3A_187 = arith.constant 0 : i32
      %dma_wait3A_188 = tpu.memref_slice %arg2[%dma_wait3A_183, %add3A_160, %dma_wait3A_187] : memref<2x10000x48xf32, #tpu.memory_space<hbm>> -> memref<1x125x48xf32, #tpu.memory_space<hbm>>
      %dma_wait3A_189 = tpu.memref_squeeze %dma_wait3A_188 : memref<1x125x48xf32, #tpu.memory_space<hbm>> -> memref<125x48xf32, #tpu.memory_space<hbm>>
      tpu.wait_dma2 semaphore(%arg23 : memref<!tpu.dma_semaphore, #tpu.memory_space<semaphore_mem>>) src(%dma_wait3A_189 : memref<125x48xf32, #tpu.memory_space<hbm>>) dst(%arg12 : memref<125x48xf32, #tpu.memory_space<vmem>>)
      %dma_wait3A_190 = arith.constant 1 : i32
      %dma_wait3A_191 = arith.constant 0 : i32
      %dma_wait3A_192 = tpu.memref_slice %arg2[%dma_wait3A_190, %add3A_160, %dma_wait3A_191] : memref<2x10000x48xf32, #tpu.memory_space<hbm>> -> memref<1x125x48xf32, #tpu.memory_space<hbm>>
      %dma_wait3A_193 = tpu.memref_squeeze %dma_wait3A_192 : memref<1x125x48xf32, #tpu.memory_space<hbm>> -> memref<125x48xf32, #tpu.memory_space<hbm>>
      %dma_wait3A_194 = arith.constant 0 : i32
      %dma_wait3A_195 = tpu.memref_slice %arg2[%dma_wait3A_190, %add3A_160, %dma_wait3A_194] : memref<2x10000x48xf32, #tpu.memory_space<hbm>> -> memref<1x125x48xf32, #tpu.memory_space<hbm>>
      %dma_wait3A_196 = tpu.memref_squeeze %dma_wait3A_195 : memref<1x125x48xf32, #tpu.memory_space<hbm>> -> memref<125x48xf32, #tpu.memory_space<hbm>>
      tpu.wait_dma2 semaphore(%arg24 : memref<!tpu.dma_semaphore, #tpu.memory_space<semaphore_mem>>) src(%dma_wait3A_196 : memref<125x48xf32, #tpu.memory_space<hbm>>) dst(%arg13 : memref<125x48xf32, #tpu.memory_space<vmem>>)
      %dma_wait3A_197 = arith.constant 0 : i32
      %dma_wait3A_198 = tpu.memref_slice %arg3[%add3A_160, %dma_wait3A_197] : memref<10000x48xf32, #tpu.memory_space<hbm>> -> memref<125x48xf32, #tpu.memory_space<hbm>>
      %dma_wait3A_199 = arith.constant 0 : i32
      %dma_wait3A_200 = tpu.memref_slice %arg3[%add3A_160, %dma_wait3A_199] : memref<10000x48xf32, #tpu.memory_space<hbm>> -> memref<125x48xf32, #tpu.memory_space<hbm>>
      tpu.wait_dma2 semaphore(%arg25 : memref<!tpu.dma_semaphore, #tpu.memory_space<semaphore_mem>>) src(%dma_wait3A_200 : memref<125x48xf32, #tpu.memory_space<hbm>>) dst(%arg14 : memref<125x48xf32, #tpu.memory_space<vmem>>)
      %dma_wait3A_201 = arith.constant 0 : i32
      %dma_wait3A_202 = tpu.memref_slice %arg4[%add3A_160, %dma_wait3A_201] : memref<10000x16xf32, #tpu.memory_space<hbm>> -> memref<125x16xf32, #tpu.memory_space<hbm>>
      %dma_wait3A_203 = arith.constant 0 : i32
      %dma_wait3A_204 = tpu.memref_slice %arg4[%add3A_160, %dma_wait3A_203] : memref<10000x16xf32, #tpu.memory_space<hbm>> -> memref<125x16xf32, #tpu.memory_space<hbm>>
      tpu.wait_dma2 semaphore(%arg26 : memref<!tpu.dma_semaphore, #tpu.memory_space<semaphore_mem>>) src(%dma_wait3A_204 : memref<125x16xf32, #tpu.memory_space<hbm>>) dst(%arg22 : memref<125x16xf32, #tpu.memory_space<vmem>>)
      %scan3A_205 = arith.constant 0 : i32
      %scan3A_206 = arith.constant 125 : i32
      %scan3A_207 = arith.addi %scan3A_205, %scan3A_206 : i32
      %scan3A_208 = arith.constant 1 : i32
      scf.for %scan3A_212 = %scan3A_205 to %scan3A_207 step %scan3A_208  : i32 {
        %mul3A_213 = arith.constant 1 : i32
        %mul3A_214 = arith.muli %scan3A_212, %mul3A_213 : i32
        %add3A_215 = arith.constant 0 : i32
        %add3A_216 = arith.addi %add3A_215, %mul3A_214 : i32
        %get3A = arith.index_cast %add3A_216 : i32 to index
        %get3A_217 = arith.constant 0 : index
        %get3A_218 = tpu.vector_load %arg22[%get3A, %get3A_217] {strides = array<i32>} : memref<125x16xf32, #tpu.memory_space<vmem>>, vector<1x16xf32>,
        %get3A_219 = vector.shape_cast %get3A_218 : vector<1x16xf32> to vector<16xf32>
        %get3A_220 = arith.index_cast %add3A_216 : i32 to index
        %get3A_221 = arith.constant 0 : index
        %get3A_222 = tpu.vector_load %arg12[%get3A_220, %get3A_221] {strides = array<i32>} : memref<125x48xf32, #tpu.memory_space<vmem>>, vector<1x16xf32>,
        %get3A_223 = vector.shape_cast %get3A_222 : vector<1x16xf32> to vector<16xf32>
        %get3A_224 = arith.index_cast %add3A_216 : i32 to index
        %get3A_225 = arith.constant 0 : index
        %get3A_226 = tpu.vector_load %arg13[%get3A_224, %get3A_225] {strides = array<i32>} : memref<125x48xf32, #tpu.memory_space<vmem>>, vector<1x16xf32>,
        %get3A_227 = vector.shape_cast %get3A_226 : vector<1x16xf32> to vector<16xf32>
        %add3A_228 = arith.addf %get3A_223, %get3A_227 : vector<16xf32>
        %get3A_229 = arith.index_cast %add3A_216 : i32 to index
        %get3A_230 = arith.constant 0 : index
        %get3A_231 = tpu.vector_load %arg14[%get3A_229, %get3A_230] {strides = array<i32>} : memref<125x48xf32, #tpu.memory_space<vmem>>, vector<1x16xf32>,
        %get3A_232 = vector.shape_cast %get3A_231 : vector<1x16xf32> to vector<16xf32>
        %add3A_233 = arith.addf %add3A_228, %get3A_232 : vector<16xf32>
        %mul3A_234 = arith.mulf %add3A_233, %get3A_219 : vector<16xf32>
        %swap3A = arith.index_cast %add3A_216 : i32 to index
        %swap3A_235 = arith.constant 0 : index
        %swap3A_236 = tpu.vector_load %arg14[%swap3A, %swap3A_235] {strides = array<i32>} : memref<125x48xf32, #tpu.memory_space<vmem>>, vector<1x16xf32>,
        %swap3A_237 = vector.shape_cast %swap3A_236 : vector<1x16xf32> to vector<16xf32>
        %swap3A_238 = vector.shape_cast %mul3A_234 : vector<16xf32> to vector<1x16xf32>
        tpu.vector_store %arg14[%swap3A, %swap3A_235], %swap3A_238 {strides = array<i32>} : memref<125x48xf32, #tpu.memory_space<vmem>>, vector<1x16xf32>,
        %get3A_239 = arith.index_cast %add3A_216 : i32 to index
        %get3A_240 = arith.constant 16 : index
        %get3A_241 = tpu.vector_load %arg12[%get3A_239, %get3A_240] {strides = array<i32>} : memref<125x48xf32, #tpu.memory_space<vmem>>, vector<1x16xf32>,
        %get3A_242 = vector.shape_cast %get3A_241 : vector<1x16xf32> to vector<16xf32>
        %get3A_243 = arith.index_cast %add3A_216 : i32 to index
        %get3A_244 = arith.constant 16 : index
        %get3A_245 = tpu.vector_load %arg13[%get3A_243, %get3A_244] {strides = array<i32>} : memref<125x48xf32, #tpu.memory_space<vmem>>, vector<1x16xf32>,
        %get3A_246 = vector.shape_cast %get3A_245 : vector<1x16xf32> to vector<16xf32>
        %add3A_247 = arith.addf %get3A_242, %get3A_246 : vector<16xf32>
        %get3A_248 = arith.index_cast %add3A_216 : i32 to index
        %get3A_249 = arith.constant 16 : index
        %get3A_250 = tpu.vector_load %arg14[%get3A_248, %get3A_249] {strides = array<i32>} : memref<125x48xf32, #tpu.memory_space<vmem>>, vector<1x16xf32>,
        %get3A_251 = vector.shape_cast %get3A_250 : vector<1x16xf32> to vector<16xf32>
        %add3A_252 = arith.addf %add3A_247, %get3A_251 : vector<16xf32>
        %mul3A_253 = arith.mulf %add3A_252, %get3A_219 : vector<16xf32>
        %swap3A_254 = arith.index_cast %add3A_216 : i32 to index
        %swap3A_255 = arith.constant 16 : index
        %swap3A_256 = tpu.vector_load %arg14[%swap3A_254, %swap3A_255] {strides = array<i32>} : memref<125x48xf32, #tpu.memory_space<vmem>>, vector<1x16xf32>,
        %swap3A_257 = vector.shape_cast %swap3A_256 : vector<1x16xf32> to vector<16xf32>
        %swap3A_258 = vector.shape_cast %mul3A_253 : vector<16xf32> to vector<1x16xf32>
        tpu.vector_store %arg14[%swap3A_254, %swap3A_255], %swap3A_258 {strides = array<i32>} : memref<125x48xf32, #tpu.memory_space<vmem>>, vector<1x16xf32>,
        %get3A_259 = arith.index_cast %add3A_216 : i32 to index
        %get3A_260 = arith.constant 32 : index
        %get3A_261 = tpu.vector_load %arg12[%get3A_259, %get3A_260] {strides = array<i32>} : memref<125x48xf32, #tpu.memory_space<vmem>>, vector<1x16xf32>,
        %get3A_262 = vector.shape_cast %get3A_261 : vector<1x16xf32> to vector<16xf32>
        %get3A_263 = arith.index_cast %add3A_216 : i32 to index
        %get3A_264 = arith.constant 32 : index
        %get3A_265 = tpu.vector_load %arg13[%get3A_263, %get3A_264] {strides = array<i32>} : memref<125x48xf32, #tpu.memory_space<vmem>>, vector<1x16xf32>,
        %get3A_266 = vector.shape_cast %get3A_265 : vector<1x16xf32> to vector<16xf32>
        %add3A_267 = arith.addf %get3A_262, %get3A_266 : vector<16xf32>
        %get3A_268 = arith.index_cast %add3A_216 : i32 to index
        %get3A_269 = arith.constant 32 : index
        %get3A_270 = tpu.vector_load %arg14[%get3A_268, %get3A_269] {strides = array<i32>} : memref<125x48xf32, #tpu.memory_space<vmem>>, vector<1x16xf32>,
        %get3A_271 = vector.shape_cast %get3A_270 : vector<1x16xf32> to vector<16xf32>
        %add3A_272 = arith.addf %add3A_267, %get3A_271 : vector<16xf32>
        %mul3A_273 = arith.mulf %add3A_272, %get3A_219 : vector<16xf32>
        %swap3A_274 = arith.index_cast %add3A_216 : i32 to index
        %swap3A_275 = arith.constant 32 : index
        %swap3A_276 = tpu.vector_load %arg14[%swap3A_274, %swap3A_275] {strides = array<i32>} : memref<125x48xf32, #tpu.memory_space<vmem>>, vector<1x16xf32>,
        %swap3A_277 = vector.shape_cast %swap3A_276 : vector<1x16xf32> to vector<16xf32>
        %swap3A_278 = vector.shape_cast %mul3A_273 : vector<16xf32> to vector<1x16xf32>
        tpu.vector_store %arg14[%swap3A_274, %swap3A_275], %swap3A_278 {strides = array<i32>} : memref<125x48xf32, #tpu.memory_space<vmem>>, vector<1x16xf32>,
      }
      %scan3A_209 = arith.constant 125 : i32
      "tpu.region"() ({
        %run_scoped3A = tpu.sem_alloc : memref<!tpu.dma_semaphore, #tpu.memory_space<semaphore_mem>>
        %dma_start3A_212 = arith.constant 0 : i32
        %dma_start3A_213 = tpu.memref_slice %arg21[%add3A_160, %dma_start3A_212] : memref<10000x48xf32, #tpu.memory_space<vmem_shared>> -> memref<125x48xf32, #tpu.memory_space<vmem_shared>>
        %dma_start3A_214 = arith.constant 0 : i32
        %dma_start3A_215 = tpu.memref_slice %arg21[%add3A_160, %dma_start3A_214] : memref<10000x48xf32, #tpu.memory_space<vmem_shared>> -> memref<125x48xf32, #tpu.memory_space<vmem_shared>>
        tpu.enqueue_dma source(%arg14 : memref<125x48xf32, #tpu.memory_space<vmem>>) target(%dma_start3A_215 : memref<125x48xf32, #tpu.memory_space<vmem_shared>>) target_semaphore(%run_scoped3A : memref<!tpu.dma_semaphore, #tpu.memory_space<semaphore_mem>>)
        %dma_wait3A_216 = arith.constant 0 : i32
        %dma_wait3A_217 = tpu.memref_slice %arg21[%add3A_160, %dma_wait3A_216] : memref<10000x48xf32, #tpu.memory_space<vmem_shared>> -> memref<125x48xf32, #tpu.memory_space<vmem_shared>>
        %dma_wait3A_218 = arith.constant 0 : i32
        %dma_wait3A_219 = tpu.memref_slice %arg21[%add3A_160, %dma_wait3A_218] : memref<10000x48xf32, #tpu.memory_space<vmem_shared>> -> memref<125x48xf32, #tpu.memory_space<vmem_shared>>
        tpu.wait_dma2 semaphore(%run_scoped3A : memref<!tpu.dma_semaphore, #tpu.memory_space<semaphore_mem>>) src(%arg14 : memref<125x48xf32, #tpu.memory_space<vmem>>) dst(%dma_wait3A_219 : memref<125x48xf32, #tpu.memory_space<vmem_shared>>)
        tpu.yield
      }) : () -> ()
      %eq3A = arith.constant 0 : i32
      %eq3A_210 = arith.cmpi eq, %arg0, %eq3A : i32
      %convert_element_type3A = arith.extui %eq3A_210 : i1 to i32
      %cond3A = arith.constant 0 : i32
      %cond3A_211 = arith.cmpi ne, %convert_element_type3A, %cond3A : i32
      scf.if %cond3A_211 {
        "tpu.region"() ({
          %run_scoped3A = tpu.sem_alloc : memref<!tpu.dma_semaphore, #tpu.memory_space<semaphore_mem>>
          %dma_start3A_212 = arith.constant 0 : i32
          %dma_start3A_213 = tpu.memref_slice %arg9[%add3A_160, %dma_start3A_212] : memref<10000x48xf32, #tpu.memory_space<hbm>> -> memref<125x48xf32, #tpu.memory_space<hbm>>
          %dma_start3A_214 = arith.constant 0 : i32
          %dma_start3A_215 = tpu.memref_slice %arg9[%add3A_160, %dma_start3A_214] : memref<10000x48xf32, #tpu.memory_space<hbm>> -> memref<125x48xf32, #tpu.memory_space<hbm>>
          tpu.enqueue_dma source(%arg14 : memref<125x48xf32, #tpu.memory_space<vmem>>) target(%dma_start3A_215 : memref<125x48xf32, #tpu.memory_space<hbm>>) target_semaphore(%run_scoped3A : memref<!tpu.dma_semaphore, #tpu.memory_space<semaphore_mem>>)
          %dma_wait3A_216 = arith.constant 0 : i32
          %dma_wait3A_217 = tpu.memref_slice %arg9[%add3A_160, %dma_wait3A_216] : memref<10000x48xf32, #tpu.memory_space<hbm>> -> memref<125x48xf32, #tpu.memory_space<hbm>>
          %dma_wait3A_218 = arith.constant 0 : i32
          %dma_wait3A_219 = tpu.memref_slice %arg9[%add3A_160, %dma_wait3A_218] : memref<10000x48xf32, #tpu.memory_space<hbm>> -> memref<125x48xf32, #tpu.memory_space<hbm>>
          tpu.wait_dma2 semaphore(%run_scoped3A : memref<!tpu.dma_semaphore, #tpu.memory_space<semaphore_mem>>) src(%arg14 : memref<125x48xf32, #tpu.memory_space<vmem>>) dst(%dma_wait3A_219 : memref<125x48xf32, #tpu.memory_space<hbm>>)
          tpu.yield
        }) : () -> ()
      } else {
      }
    }
    %scan3A_3 = arith.constant 5 : i32
    %mul3A = arith.constant 2 : i32
    %mul3A_4 = arith.muli %arg1, %mul3A : i32
    %add3A = arith.addi %mul3A_4, %arg0 : i32
    %mul3A_5 = arith.constant 625 : i32
    %mul3A_6 = arith.muli %arg1, %mul3A_5 : i32
    %dma_start3A = arith.constant 0 : i32
    %dma_start3A_7 = arith.constant 0 : i32
    %dma_start3A_8 = tpu.memref_slice %arg5[%add3A, %dma_start3A, %dma_start3A_7] : memref<32x80x125xi32, #tpu.memory_space<hbm>> -> memref<1x80x125xi32, #tpu.memory_space<hbm>>
    %dma_start3A_9 = tpu.memref_squeeze %dma_start3A_8 : memref<1x80x125xi32, #tpu.memory_space<hbm>> -> memref<80x125xi32, #tpu.memory_space<hbm>>
    %dma_start3A_10 = arith.constant 0 : i32
    %dma_start3A_11 = arith.constant 0 : i32
    %dma_start3A_12 = tpu.memref_slice %arg5[%add3A, %dma_start3A_10, %dma_start3A_11] : memref<32x80x125xi32, #tpu.memory_space<hbm>> -> memref<1x80x125xi32, #tpu.memory_space<hbm>>
    %dma_start3A_13 = tpu.memref_squeeze %dma_start3A_12 : memref<1x80x125xi32, #tpu.memory_space<hbm>> -> memref<80x125xi32, #tpu.memory_space<hbm>>
    tpu.enqueue_dma source(%dma_start3A_13 : memref<80x125xi32, #tpu.memory_space<hbm>>) target(%arg10 : memref<80x125xi32, #tpu.memory_space<vmem>>) target_semaphore(%arg31 : memref<!tpu.dma_semaphore, #tpu.memory_space<semaphore_mem>>)
    %dma_start3A_14 = arith.constant 0 : i32
    %dma_start3A_15 = arith.constant 0 : i32
    %dma_start3A_16 = tpu.memref_slice %arg6[%add3A, %dma_start3A_14, %dma_start3A_15] : memref<32x80x125xi32, #tpu.memory_space<hbm>> -> memref<1x80x125xi32, #tpu.memory_space<hbm>>
    %dma_start3A_17 = tpu.memref_squeeze %dma_start3A_16 : memref<1x80x125xi32, #tpu.memory_space<hbm>> -> memref<80x125xi32, #tpu.memory_space<hbm>>
    %dma_start3A_18 = arith.constant 0 : i32
    %dma_start3A_19 = arith.constant 0 : i32
    %dma_start3A_20 = tpu.memref_slice %arg6[%add3A, %dma_start3A_18, %dma_start3A_19] : memref<32x80x125xi32, #tpu.memory_space<hbm>> -> memref<1x80x125xi32, #tpu.memory_space<hbm>>
    %dma_start3A_21 = tpu.memref_squeeze %dma_start3A_20 : memref<1x80x125xi32, #tpu.memory_space<hbm>> -> memref<80x125xi32, #tpu.memory_space<hbm>>
    tpu.enqueue_dma source(%dma_start3A_21 : memref<80x125xi32, #tpu.memory_space<hbm>>) target(%arg11 : memref<80x125xi32, #tpu.memory_space<vmem>>) target_semaphore(%arg32 : memref<!tpu.dma_semaphore, #tpu.memory_space<semaphore_mem>>)
    %dma_start3A_22 = arith.constant 0 : i32
    %dma_start3A_23 = tpu.memref_slice %arg20[%mul3A_6, %dma_start3A_22] : memref<10000x48xf32, #tpu.memory_space<vmem_shared>> -> memref<625x48xf32, #tpu.memory_space<vmem_shared>>
    %dma_start3A_24 = arith.constant 0 : i32
    %dma_start3A_25 = tpu.memref_slice %arg7[%mul3A_6, %dma_start3A_24] : memref<10000x48xf32, #tpu.memory_space<hbm>> -> memref<625x48xf32, #tpu.memory_space<hbm>>
    tpu.enqueue_dma source(%dma_start3A_25 : memref<625x48xf32, #tpu.memory_space<hbm>>) target(%dma_start3A_23 : memref<625x48xf32, #tpu.memory_space<vmem_shared>>) target_semaphore(%arg33 : memref<!tpu.dma_semaphore, #tpu.memory_space<semaphore_mem>>)
    %dma_wait3A = arith.constant 0 : i32
    %dma_wait3A_26 = arith.constant 0 : i32
    %dma_wait3A_27 = tpu.memref_slice %arg5[%add3A, %dma_wait3A, %dma_wait3A_26] : memref<32x80x125xi32, #tpu.memory_space<hbm>> -> memref<1x80x125xi32, #tpu.memory_space<hbm>>
    %dma_wait3A_28 = tpu.memref_squeeze %dma_wait3A_27 : memref<1x80x125xi32, #tpu.memory_space<hbm>> -> memref<80x125xi32, #tpu.memory_space<hbm>>
    %dma_wait3A_29 = arith.constant 0 : i32
    %dma_wait3A_30 = arith.constant 0 : i32
    %dma_wait3A_31 = tpu.memref_slice %arg5[%add3A, %dma_wait3A_29, %dma_wait3A_30] : memref<32x80x125xi32, #tpu.memory_space<hbm>> -> memref<1x80x125xi32, #tpu.memory_space<hbm>>
    %dma_wait3A_32 = tpu.memref_squeeze %dma_wait3A_31 : memref<1x80x125xi32, #tpu.memory_space<hbm>> -> memref<80x125xi32, #tpu.memory_space<hbm>>
    tpu.wait_dma2 semaphore(%arg31 : memref<!tpu.dma_semaphore, #tpu.memory_space<semaphore_mem>>) src(%dma_wait3A_32 : memref<80x125xi32, #tpu.memory_space<hbm>>) dst(%arg10 : memref<80x125xi32, #tpu.memory_space<vmem>>)
    %dma_wait3A_33 = arith.constant 0 : i32
    %dma_wait3A_34 = arith.constant 0 : i32
    %dma_wait3A_35 = tpu.memref_slice %arg6[%add3A, %dma_wait3A_33, %dma_wait3A_34] : memref<32x80x125xi32, #tpu.memory_space<hbm>> -> memref<1x80x125xi32, #tpu.memory_space<hbm>>
    %dma_wait3A_36 = tpu.memref_squeeze %dma_wait3A_35 : memref<1x80x125xi32, #tpu.memory_space<hbm>> -> memref<80x125xi32, #tpu.memory_space<hbm>>
    %dma_wait3A_37 = arith.constant 0 : i32
    %dma_wait3A_38 = arith.constant 0 : i32
    %dma_wait3A_39 = tpu.memref_slice %arg6[%add3A, %dma_wait3A_37, %dma_wait3A_38] : memref<32x80x125xi32, #tpu.memory_space<hbm>> -> memref<1x80x125xi32, #tpu.memory_space<hbm>>
    %dma_wait3A_40 = tpu.memref_squeeze %dma_wait3A_39 : memref<1x80x125xi32, #tpu.memory_space<hbm>> -> memref<80x125xi32, #tpu.memory_space<hbm>>
    tpu.wait_dma2 semaphore(%arg32 : memref<!tpu.dma_semaphore, #tpu.memory_space<semaphore_mem>>) src(%dma_wait3A_40 : memref<80x125xi32, #tpu.memory_space<hbm>>) dst(%arg11 : memref<80x125xi32, #tpu.memory_space<vmem>>)
    %dma_wait3A_41 = arith.constant 0 : i32
    %dma_wait3A_42 = tpu.memref_slice %arg20[%mul3A_6, %dma_wait3A_41] : memref<10000x48xf32, #tpu.memory_space<vmem_shared>> -> memref<625x48xf32, #tpu.memory_space<vmem_shared>>
    %dma_wait3A_43 = arith.constant 0 : i32
    %dma_wait3A_44 = tpu.memref_slice %arg7[%mul3A_6, %dma_wait3A_43] : memref<10000x48xf32, #tpu.memory_space<hbm>> -> memref<625x48xf32, #tpu.memory_space<hbm>>
    tpu.wait_dma2 semaphore(%arg33 : memref<!tpu.dma_semaphore, #tpu.memory_space<semaphore_mem>>) src(%dma_wait3A_44 : memref<625x48xf32, #tpu.memory_space<hbm>>) dst(%dma_wait3A_42 : memref<625x48xf32, #tpu.memory_space<vmem_shared>>)
    %barrier3A = arith.constant 0 : index
    tpu.barrier barrier_id(%barrier3A)
    %dma_start3A_45 = arith.constant 0 : i32
    %dma_start3A_46 = arith.constant 0 : i32
    %dma_start3A_47 = tpu.memref_slice %arg10[%dma_start3A_45, %dma_start3A_46] : memref<80x125xi32, #tpu.memory_space<vmem>> -> memref<1x125xi32, #tpu.memory_space<vmem>>
    %dma_start3A_48 = tpu.memref_squeeze %dma_start3A_47 : memref<1x125xi32, #tpu.memory_space<vmem>> -> memref<125xi32, #tpu.memory_space<vmem>>
    %dma_start3A_49 = arith.constant 0 : i32
    %dma_start3A_50 = arith.constant 0 : i32
    %dma_start3A_51 = tpu.memref_slice %arg21[%dma_start3A_49, %dma_start3A_50] : memref<10000x48xf32, #tpu.memory_space<vmem_shared>> -> memref<10000x48xf32, #tpu.memory_space<vmem_shared>>
    tpu.enqueue_indirect_dma source(%dma_start3A_51 : memref<10000x48xf32, #tpu.memory_space<vmem_shared>>) target(%arg12 : memref<125x48xf32, #tpu.memory_space<vmem>>) offsets(%dma_start3A_48 : memref<125xi32, #tpu.memory_space<vmem>>) semaphore(%arg23 : memref<!tpu.dma_semaphore, #tpu.memory_space<semaphore_mem>>)
    %dma_start3A_52 = arith.constant 1 : i32
    %dma_start3A_53 = arith.constant 0 : i32
    %dma_start3A_54 = tpu.memref_slice %arg10[%dma_start3A_52, %dma_start3A_53] : memref<80x125xi32, #tpu.memory_space<vmem>> -> memref<1x125xi32, #tpu.memory_space<vmem>>
    %dma_start3A_55 = tpu.memref_squeeze %dma_start3A_54 : memref<1x125xi32, #tpu.memory_space<vmem>> -> memref<125xi32, #tpu.memory_space<vmem>>
    %dma_start3A_56 = arith.constant 0 : i32
    %dma_start3A_57 = arith.constant 0 : i32
    %dma_start3A_58 = tpu.memref_slice %arg21[%dma_start3A_56, %dma_start3A_57] : memref<10000x48xf32, #tpu.memory_space<vmem_shared>> -> memref<10000x48xf32, #tpu.memory_space<vmem_shared>>
    tpu.enqueue_indirect_dma source(%dma_start3A_58 : memref<10000x48xf32, #tpu.memory_space<vmem_shared>>) target(%arg13 : memref<125x48xf32, #tpu.memory_space<vmem>>) offsets(%dma_start3A_55 : memref<125xi32, #tpu.memory_space<vmem>>) semaphore(%arg24 : memref<!tpu.dma_semaphore, #tpu.memory_space<semaphore_mem>>)
    %dma_start3A_59 = arith.constant 2 : i32
    %dma_start3A_60 = arith.constant 0 : i32
    %dma_start3A_61 = tpu.memref_slice %arg10[%dma_start3A_59, %dma_start3A_60] : memref<80x125xi32, #tpu.memory_space<vmem>> -> memref<1x125xi32, #tpu.memory_space<vmem>>
    %dma_start3A_62 = tpu.memref_squeeze %dma_start3A_61 : memref<1x125xi32, #tpu.memory_space<vmem>> -> memref<125xi32, #tpu.memory_space<vmem>>
    %dma_start3A_63 = arith.constant 0 : i32
    %dma_start3A_64 = arith.constant 0 : i32
    %dma_start3A_65 = tpu.memref_slice %arg21[%dma_start3A_63, %dma_start3A_64] : memref<10000x48xf32, #tpu.memory_space<vmem_shared>> -> memref<10000x48xf32, #tpu.memory_space<vmem_shared>>
    tpu.enqueue_indirect_dma source(%dma_start3A_65 : memref<10000x48xf32, #tpu.memory_space<vmem_shared>>) target(%arg14 : memref<125x48xf32, #tpu.memory_space<vmem>>) offsets(%dma_start3A_62 : memref<125xi32, #tpu.memory_space<vmem>>) semaphore(%arg25 : memref<!tpu.dma_semaphore, #tpu.memory_space<semaphore_mem>>)
    %dma_start3A_66 = arith.constant 3 : i32
    %dma_start3A_67 = arith.constant 0 : i32
    %dma_start3A_68 = tpu.memref_slice %arg10[%dma_start3A_66, %dma_start3A_67] : memref<80x125xi32, #tpu.memory_space<vmem>> -> memref<1x125xi32, #tpu.memory_space<vmem>>
    %dma_start3A_69 = tpu.memref_squeeze %dma_start3A_68 : memref<1x125xi32, #tpu.memory_space<vmem>> -> memref<125xi32, #tpu.memory_space<vmem>>
    %dma_start3A_70 = arith.constant 0 : i32
    %dma_start3A_71 = arith.constant 0 : i32
    %dma_start3A_72 = tpu.memref_slice %arg21[%dma_start3A_70, %dma_start3A_71] : memref<10000x48xf32, #tpu.memory_space<vmem_shared>> -> memref<10000x48xf32, #tpu.memory_space<vmem_shared>>
    tpu.enqueue_indirect_dma source(%dma_start3A_72 : memref<10000x48xf32, #tpu.memory_space<vmem_shared>>) target(%arg15 : memref<125x48xf32, #tpu.memory_space<vmem>>) offsets(%dma_start3A_69 : memref<125xi32, #tpu.memory_space<vmem>>) semaphore(%arg26 : memref<!tpu.dma_semaphore, #tpu.memory_space<semaphore_mem>>)
    %dma_start3A_73 = arith.constant 4 : i32
    %dma_start3A_74 = arith.constant 0 : i32
    %dma_start3A_75 = tpu.memref_slice %arg10[%dma_start3A_73, %dma_start3A_74] : memref<80x125xi32, #tpu.memory_space<vmem>> -> memref<1x125xi32, #tpu.memory_space<vmem>>
    %dma_start3A_76 = tpu.memref_squeeze %dma_start3A_75 : memref<1x125xi32, #tpu.memory_space<vmem>> -> memref<125xi32, #tpu.memory_space<vmem>>
    %dma_start3A_77 = arith.constant 0 : i32
    %dma_start3A_78 = arith.constant 0 : i32
    %dma_start3A_79 = tpu.memref_slice %arg21[%dma_start3A_77, %dma_start3A_78] : memref<10000x48xf32, #tpu.memory_space<vmem_shared>> -> memref<10000x48xf32, #tpu.memory_space<vmem_shared>>
    tpu.enqueue_indirect_dma source(%dma_start3A_79 : memref<10000x48xf32, #tpu.memory_space<vmem_shared>>) target(%arg16 : memref<125x48xf32, #tpu.memory_space<vmem>>) offsets(%dma_start3A_76 : memref<125xi32, #tpu.memory_space<vmem>>) semaphore(%arg27 : memref<!tpu.dma_semaphore, #tpu.memory_space<semaphore_mem>>)
    %dma_start3A_80 = arith.constant 5 : i32
    %dma_start3A_81 = arith.constant 0 : i32
    %dma_start3A_82 = tpu.memref_slice %arg10[%dma_start3A_80, %dma_start3A_81] : memref<80x125xi32, #tpu.memory_space<vmem>> -> memref<1x125xi32, #tpu.memory_space<vmem>>
    %dma_start3A_83 = tpu.memref_squeeze %dma_start3A_82 : memref<1x125xi32, #tpu.memory_space<vmem>> -> memref<125xi32, #tpu.memory_space<vmem>>
    %dma_start3A_84 = arith.constant 0 : i32
    %dma_start3A_85 = arith.constant 0 : i32
    %dma_start3A_86 = tpu.memref_slice %arg21[%dma_start3A_84, %dma_start3A_85] : memref<10000x48xf32, #tpu.memory_space<vmem_shared>> -> memref<10000x48xf32, #tpu.memory_space<vmem_shared>>
    tpu.enqueue_indirect_dma source(%dma_start3A_86 : memref<10000x48xf32, #tpu.memory_space<vmem_shared>>) target(%arg17 : memref<125x48xf32, #tpu.memory_space<vmem>>) offsets(%dma_start3A_83 : memref<125xi32, #tpu.memory_space<vmem>>) semaphore(%arg28 : memref<!tpu.dma_semaphore, #tpu.memory_space<semaphore_mem>>)
    %scan3A_87 = arith.constant 0 : i32
    %scan3A_88 = arith.constant 10 : i32
    %scan3A_89 = arith.addi %scan3A_87, %scan3A_88 : i32
    %scan3A_90 = arith.constant 1 : i32
    scf.for %scan3A_153 = %scan3A_87 to %scan3A_89 step %scan3A_90  : i32 {
      %mul3A_154 = arith.constant 8 : i32
      %mul3A_155 = arith.muli %scan3A_153, %mul3A_154 : i32
      %add3A_156 = arith.constant 0 : i32
      %add3A_157 = arith.addi %add3A_156, %mul3A_155 : i32
      %add3A_158 = arith.constant 0 : i32
      %add3A_159 = arith.addi %add3A_157, %add3A_158 : i32
      %ge3A = arith.constant 2 : i32
      %ge3A_160 = arith.cmpi sge, %add3A_159, %ge3A : i32
      %add3A_161 = arith.constant 6 : i32
      %add3A_162 = arith.addi %add3A_159, %add3A_161 : i32
      %lt3A = arith.constant 80 : i32
      %lt3A_163 = arith.cmpi slt, %add3A_162, %lt3A : i32
      %and3A = arith.andi %ge3A_160, %lt3A_163 : i1
      %convert_element_type3A = arith.extui %and3A : i1 to i32
      %cond3A = arith.constant 0 : i32
      %cond3A_164 = arith.cmpi ne, %convert_element_type3A, %cond3A : i32
      scf.if %cond3A_164 {
        %dma_wait3A_401 = arith.constant 0 : i32
        %dma_wait3A_402 = tpu.memref_slice %arg11[%add3A_159, %dma_wait3A_401] : memref<80x125xi32, #tpu.memory_space<vmem>> -> memref<1x125xi32, #tpu.memory_space<vmem>>
        %dma_wait3A_403 = tpu.memref_squeeze %dma_wait3A_402 : memref<1x125xi32, #tpu.memory_space<vmem>> -> memref<125xi32, #tpu.memory_space<vmem>>
        %dma_wait3A_404 = arith.constant 0 : i32
        %dma_wait3A_405 = arith.constant 0 : i32
        %dma_wait3A_406 = tpu.memref_slice %arg20[%dma_wait3A_404, %dma_wait3A_405] : memref<10000x48xf32, #tpu.memory_space<vmem_shared>> -> memref<10000x48xf32, #tpu.memory_space<vmem_shared>>
        tpu.wait_indirect_dma semaphore(%arg37 : memref<!tpu.dma_semaphore, #tpu.memory_space<semaphore_mem>>) src(%arg18 : memref<125x48xf32, #tpu.memory_space<vmem>>) dst(%dma_wait3A_406 : memref<10000x48xf32, #tpu.memory_space<vmem_shared>>)
      } else {
      }
      %add3A_165 = arith.constant 6 : i32
      %add3A_166 = arith.addi %add3A_159, %add3A_165 : i32
      %lt3A_167 = arith.constant 80 : i32
      %lt3A_168 = arith.cmpi slt, %add3A_166, %lt3A_167 : i32
      %convert_element_type3A_169 = arith.extui %lt3A_168 : i1 to i32
      %cond3A_170 = arith.constant 0 : i32
      %cond3A_171 = arith.cmpi ne, %convert_element_type3A_169, %cond3A_170 : i32
      scf.if %cond3A_171 {
        %add3A_401 = arith.constant 6 : i32
        %add3A_402 = arith.addi %add3A_159, %add3A_401 : i32
        %dma_start3A_403 = arith.constant 0 : i32
        %dma_start3A_404 = tpu.memref_slice %arg10[%add3A_402, %dma_start3A_403] : memref<80x125xi32, #tpu.memory_space<vmem>> -> memref<1x125xi32, #tpu.memory_space<vmem>>
        %dma_start3A_405 = tpu.memref_squeeze %dma_start3A_404 : memref<1x125xi32, #tpu.memory_space<vmem>> -> memref<125xi32, #tpu.memory_space<vmem>>
        %dma_start3A_406 = arith.constant 0 : i32
        %dma_start3A_407 = arith.constant 0 : i32
        %dma_start3A_408 = tpu.memref_slice %arg21[%dma_start3A_406, %dma_start3A_407] : memref<10000x48xf32, #tpu.memory_space<vmem_shared>> -> memref<10000x48xf32, #tpu.memory_space<vmem_shared>>
        tpu.enqueue_indirect_dma source(%dma_start3A_408 : memref<10000x48xf32, #tpu.memory_space<vmem_shared>>) target(%arg18 : memref<125x48xf32, #tpu.memory_space<vmem>>) offsets(%dma_start3A_405 : memref<125xi32, #tpu.memory_space<vmem>>) semaphore(%arg29 : memref<!tpu.dma_semaphore, #tpu.memory_space<semaphore_mem>>)
      } else {
      }
      %dma_wait3A_172 = arith.constant 0 : i32
      %dma_wait3A_173 = tpu.memref_slice %arg10[%add3A_159, %dma_wait3A_172] : memref<80x125xi32, #tpu.memory_space<vmem>> -> memref<1x125xi32, #tpu.memory_space<vmem>>
      %dma_wait3A_174 = tpu.memref_squeeze %dma_wait3A_173 : memref<1x125xi32, #tpu.memory_space<vmem>> -> memref<125xi32, #tpu.memory_space<vmem>>
      %dma_wait3A_175 = arith.constant 0 : i32
      %dma_wait3A_176 = arith.constant 0 : i32
      %dma_wait3A_177 = tpu.memref_slice %arg21[%dma_wait3A_175, %dma_wait3A_176] : memref<10000x48xf32, #tpu.memory_space<vmem_shared>> -> memref<10000x48xf32, #tpu.memory_space<vmem_shared>>
      tpu.wait_indirect_dma semaphore(%arg23 : memref<!tpu.dma_semaphore, #tpu.memory_space<semaphore_mem>>) src(%dma_wait3A_177 : memref<10000x48xf32, #tpu.memory_space<vmem_shared>>) dst(%arg12 : memref<125x48xf32, #tpu.memory_space<vmem>>)
      %dma_start3A_178 = arith.constant 0 : i32
      %dma_start3A_179 = tpu.memref_slice %arg11[%add3A_159, %dma_start3A_178] : memref<80x125xi32, #tpu.memory_space<vmem>> -> memref<1x125xi32, #tpu.memory_space<vmem>>
      %dma_start3A_180 = tpu.memref_squeeze %dma_start3A_179 : memref<1x125xi32, #tpu.memory_space<vmem>> -> memref<125xi32, #tpu.memory_space<vmem>>
      %dma_start3A_181 = arith.constant 0 : i32
      %dma_start3A_182 = arith.constant 0 : i32
      %dma_start3A_183 = tpu.memref_slice %arg20[%dma_start3A_181, %dma_start3A_182] : memref<10000x48xf32, #tpu.memory_space<vmem_shared>> -> memref<10000x48xf32, #tpu.memory_space<vmem_shared>>
      tpu.enqueue_indirect_dma source(%arg12 : memref<125x48xf32, #tpu.memory_space<vmem>>) target(%dma_start3A_183 : memref<10000x48xf32, #tpu.memory_space<vmem_shared>>) offsets(%dma_start3A_180 : memref<125xi32, #tpu.memory_space<vmem>>) semaphore(%arg31 : memref<!tpu.dma_semaphore, #tpu.memory_space<semaphore_mem>>) {add = true}
      %add3A_184 = arith.constant 1 : i32
      %add3A_185 = arith.addi %add3A_157, %add3A_184 : i32
      %ge3A_186 = arith.constant 2 : i32
      %ge3A_187 = arith.cmpi sge, %add3A_185, %ge3A_186 : i32
      %add3A_188 = arith.constant 6 : i32
      %add3A_189 = arith.addi %add3A_185, %add3A_188 : i32
      %lt3A_190 = arith.constant 80 : i32
      %lt3A_191 = arith.cmpi slt, %add3A_189, %lt3A_190 : i32
      %and3A_192 = arith.andi %ge3A_187, %lt3A_191 : i1
      %convert_element_type3A_193 = arith.extui %and3A_192 : i1 to i32
      %cond3A_194 = arith.constant 0 : i32
      %cond3A_195 = arith.cmpi ne, %convert_element_type3A_193, %cond3A_194 : i32
      scf.if %cond3A_195 {
        %dma_wait3A_401 = arith.constant 0 : i32
        %dma_wait3A_402 = tpu.memref_slice %arg11[%add3A_185, %dma_wait3A_401] : memref<80x125xi32, #tpu.memory_space<vmem>> -> memref<1x125xi32, #tpu.memory_space<vmem>>
        %dma_wait3A_403 = tpu.memref_squeeze %dma_wait3A_402 : memref<1x125xi32, #tpu.memory_space<vmem>> -> memref<125xi32, #tpu.memory_space<vmem>>
        %dma_wait3A_404 = arith.constant 0 : i32
        %dma_wait3A_405 = arith.constant 0 : i32
        %dma_wait3A_406 = tpu.memref_slice %arg20[%dma_wait3A_404, %dma_wait3A_405] : memref<10000x48xf32, #tpu.memory_space<vmem_shared>> -> memref<10000x48xf32, #tpu.memory_space<vmem_shared>>
        tpu.wait_indirect_dma semaphore(%arg38 : memref<!tpu.dma_semaphore, #tpu.memory_space<semaphore_mem>>) src(%arg19 : memref<125x48xf32, #tpu.memory_space<vmem>>) dst(%dma_wait3A_406 : memref<10000x48xf32, #tpu.memory_space<vmem_shared>>)
      } else {
      }
      %add3A_196 = arith.constant 6 : i32
      %add3A_197 = arith.addi %add3A_185, %add3A_196 : i32
      %lt3A_198 = arith.constant 80 : i32
      %lt3A_199 = arith.cmpi slt, %add3A_197, %lt3A_198 : i32
      %convert_element_type3A_200 = arith.extui %lt3A_199 : i1 to i32
      %cond3A_201 = arith.constant 0 : i32
      %cond3A_202 = arith.cmpi ne, %convert_element_type3A_200, %cond3A_201 : i32
      scf.if %cond3A_202 {
        %add3A_401 = arith.constant 6 : i32
        %add3A_402 = arith.addi %add3A_185, %add3A_401 : i32
        %dma_start3A_403 = arith.constant 0 : i32
        %dma_start3A_404 = tpu.memref_slice %arg10[%add3A_402, %dma_start3A_403] : memref<80x125xi32, #tpu.memory_space<vmem>> -> memref<1x125xi32, #tpu.memory_space<vmem>>
        %dma_start3A_405 = tpu.memref_squeeze %dma_start3A_404 : memref<1x125xi32, #tpu.memory_space<vmem>> -> memref<125xi32, #tpu.memory_space<vmem>>
        %dma_start3A_406 = arith.constant 0 : i32
        %dma_start3A_407 = arith.constant 0 : i32
        %dma_start3A_408 = tpu.memref_slice %arg21[%dma_start3A_406, %dma_start3A_407] : memref<10000x48xf32, #tpu.memory_space<vmem_shared>> -> memref<10000x48xf32, #tpu.memory_space<vmem_shared>>
        tpu.enqueue_indirect_dma source(%dma_start3A_408 : memref<10000x48xf32, #tpu.memory_space<vmem_shared>>) target(%arg19 : memref<125x48xf32, #tpu.memory_space<vmem>>) offsets(%dma_start3A_405 : memref<125xi32, #tpu.memory_space<vmem>>) semaphore(%arg30 : memref<!tpu.dma_semaphore, #tpu.memory_space<semaphore_mem>>)
      } else {
      }
      %dma_wait3A_203 = arith.constant 0 : i32
      %dma_wait3A_204 = tpu.memref_slice %arg10[%add3A_185, %dma_wait3A_203] : memref<80x125xi32, #tpu.memory_space<vmem>> -> memref<1x125xi32, #tpu.memory_space<vmem>>
      %dma_wait3A_205 = tpu.memref_squeeze %dma_wait3A_204 : memref<1x125xi32, #tpu.memory_space<vmem>> -> memref<125xi32, #tpu.memory_space<vmem>>
      %dma_wait3A_206 = arith.constant 0 : i32
      %dma_wait3A_207 = arith.constant 0 : i32
      %dma_wait3A_208 = tpu.memref_slice %arg21[%dma_wait3A_206, %dma_wait3A_207] : memref<10000x48xf32, #tpu.memory_space<vmem_shared>> -> memref<10000x48xf32, #tpu.memory_space<vmem_shared>>
      tpu.wait_indirect_dma semaphore(%arg24 : memref<!tpu.dma_semaphore, #tpu.memory_space<semaphore_mem>>) src(%dma_wait3A_208 : memref<10000x48xf32, #tpu.memory_space<vmem_shared>>) dst(%arg13 : memref<125x48xf32, #tpu.memory_space<vmem>>)
      %dma_start3A_209 = arith.constant 0 : i32
      %dma_start3A_210 = tpu.memref_slice %arg11[%add3A_185, %dma_start3A_209] : memref<80x125xi32, #tpu.memory_space<vmem>> -> memref<1x125xi32, #tpu.memory_space<vmem>>
      %dma_start3A_211 = tpu.memref_squeeze %dma_start3A_210 : memref<1x125xi32, #tpu.memory_space<vmem>> -> memref<125xi32, #tpu.memory_space<vmem>>
      %dma_start3A_212 = arith.constant 0 : i32
      %dma_start3A_213 = arith.constant 0 : i32
      %dma_start3A_214 = tpu.memref_slice %arg20[%dma_start3A_212, %dma_start3A_213] : memref<10000x48xf32, #tpu.memory_space<vmem_shared>> -> memref<10000x48xf32, #tpu.memory_space<vmem_shared>>
      tpu.enqueue_indirect_dma source(%arg13 : memref<125x48xf32, #tpu.memory_space<vmem>>) target(%dma_start3A_214 : memref<10000x48xf32, #tpu.memory_space<vmem_shared>>) offsets(%dma_start3A_211 : memref<125xi32, #tpu.memory_space<vmem>>) semaphore(%arg32 : memref<!tpu.dma_semaphore, #tpu.memory_space<semaphore_mem>>) {add = true}
      %add3A_215 = arith.constant 2 : i32
      %add3A_216 = arith.addi %add3A_157, %add3A_215 : i32
      %ge3A_217 = arith.constant 2 : i32
      %ge3A_218 = arith.cmpi sge, %add3A_216, %ge3A_217 : i32
      %add3A_219 = arith.constant 6 : i32
      %add3A_220 = arith.addi %add3A_216, %add3A_219 : i32
      %lt3A_221 = arith.constant 80 : i32
      %lt3A_222 = arith.cmpi slt, %add3A_220, %lt3A_221 : i32
      %and3A_223 = arith.andi %ge3A_218, %lt3A_222 : i1
      %convert_element_type3A_224 = arith.extui %and3A_223 : i1 to i32
      %cond3A_225 = arith.constant 0 : i32
      %cond3A_226 = arith.cmpi ne, %convert_element_type3A_224, %cond3A_225 : i32
      scf.if %cond3A_226 {
        %dma_wait3A_401 = arith.constant 0 : i32
        %dma_wait3A_402 = tpu.memref_slice %arg11[%add3A_216, %dma_wait3A_401] : memref<80x125xi32, #tpu.memory_space<vmem>> -> memref<1x125xi32, #tpu.memory_space<vmem>>
        %dma_wait3A_403 = tpu.memref_squeeze %dma_wait3A_402 : memref<1x125xi32, #tpu.memory_space<vmem>> -> memref<125xi32, #tpu.memory_space<vmem>>
        %dma_wait3A_404 = arith.constant 0 : i32
        %dma_wait3A_405 = arith.constant 0 : i32
        %dma_wait3A_406 = tpu.memref_slice %arg20[%dma_wait3A_404, %dma_wait3A_405] : memref<10000x48xf32, #tpu.memory_space<vmem_shared>> -> memref<10000x48xf32, #tpu.memory_space<vmem_shared>>
        tpu.wait_indirect_dma semaphore(%arg31 : memref<!tpu.dma_semaphore, #tpu.memory_space<semaphore_mem>>) src(%arg12 : memref<125x48xf32, #tpu.memory_space<vmem>>) dst(%dma_wait3A_406 : memref<10000x48xf32, #tpu.memory_space<vmem_shared>>)
      } else {
      }
      %add3A_227 = arith.constant 6 : i32
      %add3A_228 = arith.addi %add3A_216, %add3A_227 : i32
      %lt3A_229 = arith.constant 80 : i32
      %lt3A_230 = arith.cmpi slt, %add3A_228, %lt3A_229 : i32
      %convert_element_type3A_231 = arith.extui %lt3A_230 : i1 to i32
      %cond3A_232 = arith.constant 0 : i32
      %cond3A_233 = arith.cmpi ne, %convert_element_type3A_231, %cond3A_232 : i32
      scf.if %cond3A_233 {
        %add3A_401 = arith.constant 6 : i32
        %add3A_402 = arith.addi %add3A_216, %add3A_401 : i32
        %dma_start3A_403 = arith.constant 0 : i32
        %dma_start3A_404 = tpu.memref_slice %arg10[%add3A_402, %dma_start3A_403] : memref<80x125xi32, #tpu.memory_space<vmem>> -> memref<1x125xi32, #tpu.memory_space<vmem>>
        %dma_start3A_405 = tpu.memref_squeeze %dma_start3A_404 : memref<1x125xi32, #tpu.memory_space<vmem>> -> memref<125xi32, #tpu.memory_space<vmem>>
        %dma_start3A_406 = arith.constant 0 : i32
        %dma_start3A_407 = arith.constant 0 : i32
        %dma_start3A_408 = tpu.memref_slice %arg21[%dma_start3A_406, %dma_start3A_407] : memref<10000x48xf32, #tpu.memory_space<vmem_shared>> -> memref<10000x48xf32, #tpu.memory_space<vmem_shared>>
        tpu.enqueue_indirect_dma source(%dma_start3A_408 : memref<10000x48xf32, #tpu.memory_space<vmem_shared>>) target(%arg12 : memref<125x48xf32, #tpu.memory_space<vmem>>) offsets(%dma_start3A_405 : memref<125xi32, #tpu.memory_space<vmem>>) semaphore(%arg23 : memref<!tpu.dma_semaphore, #tpu.memory_space<semaphore_mem>>)
      } else {
      }
      %dma_wait3A_234 = arith.constant 0 : i32
      %dma_wait3A_235 = tpu.memref_slice %arg10[%add3A_216, %dma_wait3A_234] : memref<80x125xi32, #tpu.memory_space<vmem>> -> memref<1x125xi32, #tpu.memory_space<vmem>>
      %dma_wait3A_236 = tpu.memref_squeeze %dma_wait3A_235 : memref<1x125xi32, #tpu.memory_space<vmem>> -> memref<125xi32, #tpu.memory_space<vmem>>
      %dma_wait3A_237 = arith.constant 0 : i32
      %dma_wait3A_238 = arith.constant 0 : i32
      %dma_wait3A_239 = tpu.memref_slice %arg21[%dma_wait3A_237, %dma_wait3A_238] : memref<10000x48xf32, #tpu.memory_space<vmem_shared>> -> memref<10000x48xf32, #tpu.memory_space<vmem_shared>>
      tpu.wait_indirect_dma semaphore(%arg25 : memref<!tpu.dma_semaphore, #tpu.memory_space<semaphore_mem>>) src(%dma_wait3A_239 : memref<10000x48xf32, #tpu.memory_space<vmem_shared>>) dst(%arg14 : memref<125x48xf32, #tpu.memory_space<vmem>>)
      %dma_start3A_240 = arith.constant 0 : i32
      %dma_start3A_241 = tpu.memref_slice %arg11[%add3A_216, %dma_start3A_240] : memref<80x125xi32, #tpu.memory_space<vmem>> -> memref<1x125xi32, #tpu.memory_space<vmem>>
      %dma_start3A_242 = tpu.memref_squeeze %dma_start3A_241 : memref<1x125xi32, #tpu.memory_space<vmem>> -> memref<125xi32, #tpu.memory_space<vmem>>
      %dma_start3A_243 = arith.constant 0 : i32
      %dma_start3A_244 = arith.constant 0 : i32
      %dma_start3A_245 = tpu.memref_slice %arg20[%dma_start3A_243, %dma_start3A_244] : memref<10000x48xf32, #tpu.memory_space<vmem_shared>> -> memref<10000x48xf32, #tpu.memory_space<vmem_shared>>
      tpu.enqueue_indirect_dma source(%arg14 : memref<125x48xf32, #tpu.memory_space<vmem>>) target(%dma_start3A_245 : memref<10000x48xf32, #tpu.memory_space<vmem_shared>>) offsets(%dma_start3A_242 : memref<125xi32, #tpu.memory_space<vmem>>) semaphore(%arg33 : memref<!tpu.dma_semaphore, #tpu.memory_space<semaphore_mem>>) {add = true}
      %add3A_246 = arith.constant 3 : i32
      %add3A_247 = arith.addi %add3A_157, %add3A_246 : i32
      %ge3A_248 = arith.constant 2 : i32
      %ge3A_249 = arith.cmpi sge, %add3A_247, %ge3A_248 : i32
      %add3A_250 = arith.constant 6 : i32
      %add3A_251 = arith.addi %add3A_247, %add3A_250 : i32
      %lt3A_252 = arith.constant 80 : i32
      %lt3A_253 = arith.cmpi slt, %add3A_251, %lt3A_252 : i32
      %and3A_254 = arith.andi %ge3A_249, %lt3A_253 : i1
      %convert_element_type3A_255 = arith.extui %and3A_254 : i1 to i32
      %cond3A_256 = arith.constant 0 : i32
      %cond3A_257 = arith.cmpi ne, %convert_element_type3A_255, %cond3A_256 : i32
      scf.if %cond3A_257 {
        %dma_wait3A_401 = arith.constant 0 : i32
        %dma_wait3A_402 = tpu.memref_slice %arg11[%add3A_247, %dma_wait3A_401] : memref<80x125xi32, #tpu.memory_space<vmem>> -> memref<1x125xi32, #tpu.memory_space<vmem>>
        %dma_wait3A_403 = tpu.memref_squeeze %dma_wait3A_402 : memref<1x125xi32, #tpu.memory_space<vmem>> -> memref<125xi32, #tpu.memory_space<vmem>>
        %dma_wait3A_404 = arith.constant 0 : i32
        %dma_wait3A_405 = arith.constant 0 : i32
        %dma_wait3A_406 = tpu.memref_slice %arg20[%dma_wait3A_404, %dma_wait3A_405] : memref<10000x48xf32, #tpu.memory_space<vmem_shared>> -> memref<10000x48xf32, #tpu.memory_space<vmem_shared>>
        tpu.wait_indirect_dma semaphore(%arg32 : memref<!tpu.dma_semaphore, #tpu.memory_space<semaphore_mem>>) src(%arg13 : memref<125x48xf32, #tpu.memory_space<vmem>>) dst(%dma_wait3A_406 : memref<10000x48xf32, #tpu.memory_space<vmem_shared>>)
      } else {
      }
      %add3A_258 = arith.constant 6 : i32
      %add3A_259 = arith.addi %add3A_247, %add3A_258 : i32
      %lt3A_260 = arith.constant 80 : i32
      %lt3A_261 = arith.cmpi slt, %add3A_259, %lt3A_260 : i32
      %convert_element_type3A_262 = arith.extui %lt3A_261 : i1 to i32
      %cond3A_263 = arith.constant 0 : i32
      %cond3A_264 = arith.cmpi ne, %convert_element_type3A_262, %cond3A_263 : i32
      scf.if %cond3A_264 {
        %add3A_401 = arith.constant 6 : i32
        %add3A_402 = arith.addi %add3A_247, %add3A_401 : i32
        %dma_start3A_403 = arith.constant 0 : i32
        %dma_start3A_404 = tpu.memref_slice %arg10[%add3A_402, %dma_start3A_403] : memref<80x125xi32, #tpu.memory_space<vmem>> -> memref<1x125xi32, #tpu.memory_space<vmem>>
        %dma_start3A_405 = tpu.memref_squeeze %dma_start3A_404 : memref<1x125xi32, #tpu.memory_space<vmem>> -> memref<125xi32, #tpu.memory_space<vmem>>
        %dma_start3A_406 = arith.constant 0 : i32
        %dma_start3A_407 = arith.constant 0 : i32
        %dma_start3A_408 = tpu.memref_slice %arg21[%dma_start3A_406, %dma_start3A_407] : memref<10000x48xf32, #tpu.memory_space<vmem_shared>> -> memref<10000x48xf32, #tpu.memory_space<vmem_shared>>
        tpu.enqueue_indirect_dma source(%dma_start3A_408 : memref<10000x48xf32, #tpu.memory_space<vmem_shared>>) target(%arg13 : memref<125x48xf32, #tpu.memory_space<vmem>>) offsets(%dma_start3A_405 : memref<125xi32, #tpu.memory_space<vmem>>) semaphore(%arg24 : memref<!tpu.dma_semaphore, #tpu.memory_space<semaphore_mem>>)
      } else {
      }
      %dma_wait3A_265 = arith.constant 0 : i32
      %dma_wait3A_266 = tpu.memref_slice %arg10[%add3A_247, %dma_wait3A_265] : memref<80x125xi32, #tpu.memory_space<vmem>> -> memref<1x125xi32, #tpu.memory_space<vmem>>
      %dma_wait3A_267 = tpu.memref_squeeze %dma_wait3A_266 : memref<1x125xi32, #tpu.memory_space<vmem>> -> memref<125xi32, #tpu.memory_space<vmem>>
      %dma_wait3A_268 = arith.constant 0 : i32
      %dma_wait3A_269 = arith.constant 0 : i32
      %dma_wait3A_270 = tpu.memref_slice %arg21[%dma_wait3A_268, %dma_wait3A_269] : memref<10000x48xf32, #tpu.memory_space<vmem_shared>> -> memref<10000x48xf32, #tpu.memory_space<vmem_shared>>
      tpu.wait_indirect_dma semaphore(%arg26 : memref<!tpu.dma_semaphore, #tpu.memory_space<semaphore_mem>>) src(%dma_wait3A_270 : memref<10000x48xf32, #tpu.memory_space<vmem_shared>>) dst(%arg15 : memref<125x48xf32, #tpu.memory_space<vmem>>)
      %dma_start3A_271 = arith.constant 0 : i32
      %dma_start3A_272 = tpu.memref_slice %arg11[%add3A_247, %dma_start3A_271] : memref<80x125xi32, #tpu.memory_space<vmem>> -> memref<1x125xi32, #tpu.memory_space<vmem>>
      %dma_start3A_273 = tpu.memref_squeeze %dma_start3A_272 : memref<1x125xi32, #tpu.memory_space<vmem>> -> memref<125xi32, #tpu.memory_space<vmem>>
      %dma_start3A_274 = arith.constant 0 : i32
      %dma_start3A_275 = arith.constant 0 : i32
      %dma_start3A_276 = tpu.memref_slice %arg20[%dma_start3A_274, %dma_start3A_275] : memref<10000x48xf32, #tpu.memory_space<vmem_shared>> -> memref<10000x48xf32, #tpu.memory_space<vmem_shared>>
      tpu.enqueue_indirect_dma source(%arg15 : memref<125x48xf32, #tpu.memory_space<vmem>>) target(%dma_start3A_276 : memref<10000x48xf32, #tpu.memory_space<vmem_shared>>) offsets(%dma_start3A_273 : memref<125xi32, #tpu.memory_space<vmem>>) semaphore(%arg34 : memref<!tpu.dma_semaphore, #tpu.memory_space<semaphore_mem>>) {add = true}
      %add3A_277 = arith.constant 4 : i32
      %add3A_278 = arith.addi %add3A_157, %add3A_277 : i32
      %ge3A_279 = arith.constant 2 : i32
      %ge3A_280 = arith.cmpi sge, %add3A_278, %ge3A_279 : i32
      %add3A_281 = arith.constant 6 : i32
      %add3A_282 = arith.addi %add3A_278, %add3A_281 : i32
      %lt3A_283 = arith.constant 80 : i32
      %lt3A_284 = arith.cmpi slt, %add3A_282, %lt3A_283 : i32
      %and3A_285 = arith.andi %ge3A_280, %lt3A_284 : i1
      %convert_element_type3A_286 = arith.extui %and3A_285 : i1 to i32
      %cond3A_287 = arith.constant 0 : i32
      %cond3A_288 = arith.cmpi ne, %convert_element_type3A_286, %cond3A_287 : i32
      scf.if %cond3A_288 {
        %dma_wait3A_401 = arith.constant 0 : i32
        %dma_wait3A_402 = tpu.memref_slice %arg11[%add3A_278, %dma_wait3A_401] : memref<80x125xi32, #tpu.memory_space<vmem>> -> memref<1x125xi32, #tpu.memory_space<vmem>>
        %dma_wait3A_403 = tpu.memref_squeeze %dma_wait3A_402 : memref<1x125xi32, #tpu.memory_space<vmem>> -> memref<125xi32, #tpu.memory_space<vmem>>
        %dma_wait3A_404 = arith.constant 0 : i32
        %dma_wait3A_405 = arith.constant 0 : i32
        %dma_wait3A_406 = tpu.memref_slice %arg20[%dma_wait3A_404, %dma_wait3A_405] : memref<10000x48xf32, #tpu.memory_space<vmem_shared>> -> memref<10000x48xf32, #tpu.memory_space<vmem_shared>>
        tpu.wait_indirect_dma semaphore(%arg33 : memref<!tpu.dma_semaphore, #tpu.memory_space<semaphore_mem>>) src(%arg14 : memref<125x48xf32, #tpu.memory_space<vmem>>) dst(%dma_wait3A_406 : memref<10000x48xf32, #tpu.memory_space<vmem_shared>>)
      } else {
      }
      %add3A_289 = arith.constant 6 : i32
      %add3A_290 = arith.addi %add3A_278, %add3A_289 : i32
      %lt3A_291 = arith.constant 80 : i32
      %lt3A_292 = arith.cmpi slt, %add3A_290, %lt3A_291 : i32
      %convert_element_type3A_293 = arith.extui %lt3A_292 : i1 to i32
      %cond3A_294 = arith.constant 0 : i32
      %cond3A_295 = arith.cmpi ne, %convert_element_type3A_293, %cond3A_294 : i32
      scf.if %cond3A_295 {
        %add3A_401 = arith.constant 6 : i32
        %add3A_402 = arith.addi %add3A_278, %add3A_401 : i32
        %dma_start3A_403 = arith.constant 0 : i32
        %dma_start3A_404 = tpu.memref_slice %arg10[%add3A_402, %dma_start3A_403] : memref<80x125xi32, #tpu.memory_space<vmem>> -> memref<1x125xi32, #tpu.memory_space<vmem>>
        %dma_start3A_405 = tpu.memref_squeeze %dma_start3A_404 : memref<1x125xi32, #tpu.memory_space<vmem>> -> memref<125xi32, #tpu.memory_space<vmem>>
        %dma_start3A_406 = arith.constant 0 : i32
        %dma_start3A_407 = arith.constant 0 : i32
        %dma_start3A_408 = tpu.memref_slice %arg21[%dma_start3A_406, %dma_start3A_407] : memref<10000x48xf32, #tpu.memory_space<vmem_shared>> -> memref<10000x48xf32, #tpu.memory_space<vmem_shared>>
        tpu.enqueue_indirect_dma source(%dma_start3A_408 : memref<10000x48xf32, #tpu.memory_space<vmem_shared>>) target(%arg14 : memref<125x48xf32, #tpu.memory_space<vmem>>) offsets(%dma_start3A_405 : memref<125xi32, #tpu.memory_space<vmem>>) semaphore(%arg25 : memref<!tpu.dma_semaphore, #tpu.memory_space<semaphore_mem>>)
      } else {
      }
      %dma_wait3A_296 = arith.constant 0 : i32
      %dma_wait3A_297 = tpu.memref_slice %arg10[%add3A_278, %dma_wait3A_296] : memref<80x125xi32, #tpu.memory_space<vmem>> -> memref<1x125xi32, #tpu.memory_space<vmem>>
      %dma_wait3A_298 = tpu.memref_squeeze %dma_wait3A_297 : memref<1x125xi32, #tpu.memory_space<vmem>> -> memref<125xi32, #tpu.memory_space<vmem>>
      %dma_wait3A_299 = arith.constant 0 : i32
      %dma_wait3A_300 = arith.constant 0 : i32
      %dma_wait3A_301 = tpu.memref_slice %arg21[%dma_wait3A_299, %dma_wait3A_300] : memref<10000x48xf32, #tpu.memory_space<vmem_shared>> -> memref<10000x48xf32, #tpu.memory_space<vmem_shared>>
      tpu.wait_indirect_dma semaphore(%arg27 : memref<!tpu.dma_semaphore, #tpu.memory_space<semaphore_mem>>) src(%dma_wait3A_301 : memref<10000x48xf32, #tpu.memory_space<vmem_shared>>) dst(%arg16 : memref<125x48xf32, #tpu.memory_space<vmem>>)
      %dma_start3A_302 = arith.constant 0 : i32
      %dma_start3A_303 = tpu.memref_slice %arg11[%add3A_278, %dma_start3A_302] : memref<80x125xi32, #tpu.memory_space<vmem>> -> memref<1x125xi32, #tpu.memory_space<vmem>>
      %dma_start3A_304 = tpu.memref_squeeze %dma_start3A_303 : memref<1x125xi32, #tpu.memory_space<vmem>> -> memref<125xi32, #tpu.memory_space<vmem>>
      %dma_start3A_305 = arith.constant 0 : i32
      %dma_start3A_306 = arith.constant 0 : i32
      %dma_start3A_307 = tpu.memref_slice %arg20[%dma_start3A_305, %dma_start3A_306] : memref<10000x48xf32, #tpu.memory_space<vmem_shared>> -> memref<10000x48xf32, #tpu.memory_space<vmem_shared>>
      tpu.enqueue_indirect_dma source(%arg16 : memref<125x48xf32, #tpu.memory_space<vmem>>) target(%dma_start3A_307 : memref<10000x48xf32, #tpu.memory_space<vmem_shared>>) offsets(%dma_start3A_304 : memref<125xi32, #tpu.memory_space<vmem>>) semaphore(%arg35 : memref<!tpu.dma_semaphore, #tpu.memory_space<semaphore_mem>>) {add = true}
      %add3A_308 = arith.constant 5 : i32
      %add3A_309 = arith.addi %add3A_157, %add3A_308 : i32
      %ge3A_310 = arith.constant 2 : i32
      %ge3A_311 = arith.cmpi sge, %add3A_309, %ge3A_310 : i32
      %add3A_312 = arith.constant 6 : i32
      %add3A_313 = arith.addi %add3A_309, %add3A_312 : i32
      %lt3A_314 = arith.constant 80 : i32
      %lt3A_315 = arith.cmpi slt, %add3A_313, %lt3A_314 : i32
      %and3A_316 = arith.andi %ge3A_311, %lt3A_315 : i1
      %convert_element_type3A_317 = arith.extui %and3A_316 : i1 to i32
      %cond3A_318 = arith.constant 0 : i32
      %cond3A_319 = arith.cmpi ne, %convert_element_type3A_317, %cond3A_318 : i32
      scf.if %cond3A_319 {
        %dma_wait3A_401 = arith.constant 0 : i32
        %dma_wait3A_402 = tpu.memref_slice %arg11[%add3A_309, %dma_wait3A_401] : memref<80x125xi32, #tpu.memory_space<vmem>> -> memref<1x125xi32, #tpu.memory_space<vmem>>
        %dma_wait3A_403 = tpu.memref_squeeze %dma_wait3A_402 : memref<1x125xi32, #tpu.memory_space<vmem>> -> memref<125xi32, #tpu.memory_space<vmem>>
        %dma_wait3A_404 = arith.constant 0 : i32
        %dma_wait3A_405 = arith.constant 0 : i32
        %dma_wait3A_406 = tpu.memref_slice %arg20[%dma_wait3A_404, %dma_wait3A_405] : memref<10000x48xf32, #tpu.memory_space<vmem_shared>> -> memref<10000x48xf32, #tpu.memory_space<vmem_shared>>
        tpu.wait_indirect_dma semaphore(%arg34 : memref<!tpu.dma_semaphore, #tpu.memory_space<semaphore_mem>>) src(%arg15 : memref<125x48xf32, #tpu.memory_space<vmem>>) dst(%dma_wait3A_406 : memref<10000x48xf32, #tpu.memory_space<vmem_shared>>)
      } else {
      }
      %add3A_320 = arith.constant 6 : i32
      %add3A_321 = arith.addi %add3A_309, %add3A_320 : i32
      %lt3A_322 = arith.constant 80 : i32
      %lt3A_323 = arith.cmpi slt, %add3A_321, %lt3A_322 : i32
      %convert_element_type3A_324 = arith.extui %lt3A_323 : i1 to i32
      %cond3A_325 = arith.constant 0 : i32
      %cond3A_326 = arith.cmpi ne, %convert_element_type3A_324, %cond3A_325 : i32
      scf.if %cond3A_326 {
        %add3A_401 = arith.constant 6 : i32
        %add3A_402 = arith.addi %add3A_309, %add3A_401 : i32
        %dma_start3A_403 = arith.constant 0 : i32
        %dma_start3A_404 = tpu.memref_slice %arg10[%add3A_402, %dma_start3A_403] : memref<80x125xi32, #tpu.memory_space<vmem>> -> memref<1x125xi32, #tpu.memory_space<vmem>>
        %dma_start3A_405 = tpu.memref_squeeze %dma_start3A_404 : memref<1x125xi32, #tpu.memory_space<vmem>> -> memref<125xi32, #tpu.memory_space<vmem>>
        %dma_start3A_406 = arith.constant 0 : i32
        %dma_start3A_407 = arith.constant 0 : i32
        %dma_start3A_408 = tpu.memref_slice %arg21[%dma_start3A_406, %dma_start3A_407] : memref<10000x48xf32, #tpu.memory_space<vmem_shared>> -> memref<10000x48xf32, #tpu.memory_space<vmem_shared>>
        tpu.enqueue_indirect_dma source(%dma_start3A_408 : memref<10000x48xf32, #tpu.memory_space<vmem_shared>>) target(%arg15 : memref<125x48xf32, #tpu.memory_space<vmem>>) offsets(%dma_start3A_405 : memref<125xi32, #tpu.memory_space<vmem>>) semaphore(%arg26 : memref<!tpu.dma_semaphore, #tpu.memory_space<semaphore_mem>>)
      } else {
      }
      %dma_wait3A_327 = arith.constant 0 : i32
      %dma_wait3A_328 = tpu.memref_slice %arg10[%add3A_309, %dma_wait3A_327] : memref<80x125xi32, #tpu.memory_space<vmem>> -> memref<1x125xi32, #tpu.memory_space<vmem>>
      %dma_wait3A_329 = tpu.memref_squeeze %dma_wait3A_328 : memref<1x125xi32, #tpu.memory_space<vmem>> -> memref<125xi32, #tpu.memory_space<vmem>>
      %dma_wait3A_330 = arith.constant 0 : i32
      %dma_wait3A_331 = arith.constant 0 : i32
      %dma_wait3A_332 = tpu.memref_slice %arg21[%dma_wait3A_330, %dma_wait3A_331] : memref<10000x48xf32, #tpu.memory_space<vmem_shared>> -> memref<10000x48xf32, #tpu.memory_space<vmem_shared>>
      tpu.wait_indirect_dma semaphore(%arg28 : memref<!tpu.dma_semaphore, #tpu.memory_space<semaphore_mem>>) src(%dma_wait3A_332 : memref<10000x48xf32, #tpu.memory_space<vmem_shared>>) dst(%arg17 : memref<125x48xf32, #tpu.memory_space<vmem>>)
      %dma_start3A_333 = arith.constant 0 : i32
      %dma_start3A_334 = tpu.memref_slice %arg11[%add3A_309, %dma_start3A_333] : memref<80x125xi32, #tpu.memory_space<vmem>> -> memref<1x125xi32, #tpu.memory_space<vmem>>
      %dma_start3A_335 = tpu.memref_squeeze %dma_start3A_334 : memref<1x125xi32, #tpu.memory_space<vmem>> -> memref<125xi32, #tpu.memory_space<vmem>>
      %dma_start3A_336 = arith.constant 0 : i32
      %dma_start3A_337 = arith.constant 0 : i32
      %dma_start3A_338 = tpu.memref_slice %arg20[%dma_start3A_336, %dma_start3A_337] : memref<10000x48xf32, #tpu.memory_space<vmem_shared>> -> memref<10000x48xf32, #tpu.memory_space<vmem_shared>>
      tpu.enqueue_indirect_dma source(%arg17 : memref<125x48xf32, #tpu.memory_space<vmem>>) target(%dma_start3A_338 : memref<10000x48xf32, #tpu.memory_space<vmem_shared>>) offsets(%dma_start3A_335 : memref<125xi32, #tpu.memory_space<vmem>>) semaphore(%arg36 : memref<!tpu.dma_semaphore, #tpu.memory_space<semaphore_mem>>) {add = true}
      %add3A_339 = arith.constant 6 : i32
      %add3A_340 = arith.addi %add3A_157, %add3A_339 : i32
      %ge3A_341 = arith.constant 2 : i32
      %ge3A_342 = arith.cmpi sge, %add3A_340, %ge3A_341 : i32
      %add3A_343 = arith.constant 6 : i32
      %add3A_344 = arith.addi %add3A_340, %add3A_343 : i32
      %lt3A_345 = arith.constant 80 : i32
      %lt3A_346 = arith.cmpi slt, %add3A_344, %lt3A_345 : i32
      %and3A_347 = arith.andi %ge3A_342, %lt3A_346 : i1
      %convert_element_type3A_348 = arith.extui %and3A_347 : i1 to i32
      %cond3A_349 = arith.constant 0 : i32
      %cond3A_350 = arith.cmpi ne, %convert_element_type3A_348, %cond3A_349 : i32
      scf.if %cond3A_350 {
        %dma_wait3A_401 = arith.constant 0 : i32
        %dma_wait3A_402 = tpu.memref_slice %arg11[%add3A_340, %dma_wait3A_401] : memref<80x125xi32, #tpu.memory_space<vmem>> -> memref<1x125xi32, #tpu.memory_space<vmem>>
        %dma_wait3A_403 = tpu.memref_squeeze %dma_wait3A_402 : memref<1x125xi32, #tpu.memory_space<vmem>> -> memref<125xi32, #tpu.memory_space<vmem>>
        %dma_wait3A_404 = arith.constant 0 : i32
        %dma_wait3A_405 = arith.constant 0 : i32
        %dma_wait3A_406 = tpu.memref_slice %arg20[%dma_wait3A_404, %dma_wait3A_405] : memref<10000x48xf32, #tpu.memory_space<vmem_shared>> -> memref<10000x48xf32, #tpu.memory_space<vmem_shared>>
        tpu.wait_indirect_dma semaphore(%arg35 : memref<!tpu.dma_semaphore, #tpu.memory_space<semaphore_mem>>) src(%arg16 : memref<125x48xf32, #tpu.memory_space<vmem>>) dst(%dma_wait3A_406 : memref<10000x48xf32, #tpu.memory_space<vmem_shared>>)
      } else {
      }
      %add3A_351 = arith.constant 6 : i32
      %add3A_352 = arith.addi %add3A_340, %add3A_351 : i32
      %lt3A_353 = arith.constant 80 : i32
      %lt3A_354 = arith.cmpi slt, %add3A_352, %lt3A_353 : i32
      %convert_element_type3A_355 = arith.extui %lt3A_354 : i1 to i32
      %cond3A_356 = arith.constant 0 : i32
      %cond3A_357 = arith.cmpi ne, %convert_element_type3A_355, %cond3A_356 : i32
      scf.if %cond3A_357 {
        %add3A_401 = arith.constant 6 : i32
        %add3A_402 = arith.addi %add3A_340, %add3A_401 : i32
        %dma_start3A_403 = arith.constant 0 : i32
        %dma_start3A_404 = tpu.memref_slice %arg10[%add3A_402, %dma_start3A_403] : memref<80x125xi32, #tpu.memory_space<vmem>> -> memref<1x125xi32, #tpu.memory_space<vmem>>
        %dma_start3A_405 = tpu.memref_squeeze %dma_start3A_404 : memref<1x125xi32, #tpu.memory_space<vmem>> -> memref<125xi32, #tpu.memory_space<vmem>>
        %dma_start3A_406 = arith.constant 0 : i32
        %dma_start3A_407 = arith.constant 0 : i32
        %dma_start3A_408 = tpu.memref_slice %arg21[%dma_start3A_406, %dma_start3A_407] : memref<10000x48xf32, #tpu.memory_space<vmem_shared>> -> memref<10000x48xf32, #tpu.memory_space<vmem_shared>>
        tpu.enqueue_indirect_dma source(%dma_start3A_408 : memref<10000x48xf32, #tpu.memory_space<vmem_shared>>) target(%arg16 : memref<125x48xf32, #tpu.memory_space<vmem>>) offsets(%dma_start3A_405 : memref<125xi32, #tpu.memory_space<vmem>>) semaphore(%arg27 : memref<!tpu.dma_semaphore, #tpu.memory_space<semaphore_mem>>)
      } else {
      }
      %dma_wait3A_358 = arith.constant 0 : i32
      %dma_wait3A_359 = tpu.memref_slice %arg10[%add3A_340, %dma_wait3A_358] : memref<80x125xi32, #tpu.memory_space<vmem>> -> memref<1x125xi32, #tpu.memory_space<vmem>>
      %dma_wait3A_360 = tpu.memref_squeeze %dma_wait3A_359 : memref<1x125xi32, #tpu.memory_space<vmem>> -> memref<125xi32, #tpu.memory_space<vmem>>
      %dma_wait3A_361 = arith.constant 0 : i32
      %dma_wait3A_362 = arith.constant 0 : i32
      %dma_wait3A_363 = tpu.memref_slice %arg21[%dma_wait3A_361, %dma_wait3A_362] : memref<10000x48xf32, #tpu.memory_space<vmem_shared>> -> memref<10000x48xf32, #tpu.memory_space<vmem_shared>>
      tpu.wait_indirect_dma semaphore(%arg29 : memref<!tpu.dma_semaphore, #tpu.memory_space<semaphore_mem>>) src(%dma_wait3A_363 : memref<10000x48xf32, #tpu.memory_space<vmem_shared>>) dst(%arg18 : memref<125x48xf32, #tpu.memory_space<vmem>>)
      %dma_start3A_364 = arith.constant 0 : i32
      %dma_start3A_365 = tpu.memref_slice %arg11[%add3A_340, %dma_start3A_364] : memref<80x125xi32, #tpu.memory_space<vmem>> -> memref<1x125xi32, #tpu.memory_space<vmem>>
      %dma_start3A_366 = tpu.memref_squeeze %dma_start3A_365 : memref<1x125xi32, #tpu.memory_space<vmem>> -> memref<125xi32, #tpu.memory_space<vmem>>
      %dma_start3A_367 = arith.constant 0 : i32
      %dma_start3A_368 = arith.constant 0 : i32
      %dma_start3A_369 = tpu.memref_slice %arg20[%dma_start3A_367, %dma_start3A_368] : memref<10000x48xf32, #tpu.memory_space<vmem_shared>> -> memref<10000x48xf32, #tpu.memory_space<vmem_shared>>
      tpu.enqueue_indirect_dma source(%arg18 : memref<125x48xf32, #tpu.memory_space<vmem>>) target(%dma_start3A_369 : memref<10000x48xf32, #tpu.memory_space<vmem_shared>>) offsets(%dma_start3A_366 : memref<125xi32, #tpu.memory_space<vmem>>) semaphore(%arg37 : memref<!tpu.dma_semaphore, #tpu.memory_space<semaphore_mem>>) {add = true}
      %add3A_370 = arith.constant 7 : i32
      %add3A_371 = arith.addi %add3A_157, %add3A_370 : i32
      %ge3A_372 = arith.constant 2 : i32
      %ge3A_373 = arith.cmpi sge, %add3A_371, %ge3A_372 : i32
      %add3A_374 = arith.constant 6 : i32
      %add3A_375 = arith.addi %add3A_371, %add3A_374 : i32
      %lt3A_376 = arith.constant 80 : i32
      %lt3A_377 = arith.cmpi slt, %add3A_375, %lt3A_376 : i32
      %and3A_378 = arith.andi %ge3A_373, %lt3A_377 : i1
      %convert_element_type3A_379 = arith.extui %and3A_378 : i1 to i32
      %cond3A_380 = arith.constant 0 : i32
      %cond3A_381 = arith.cmpi ne, %convert_element_type3A_379, %cond3A_380 : i32
      scf.if %cond3A_381 {
        %dma_wait3A_401 = arith.constant 0 : i32
        %dma_wait3A_402 = tpu.memref_slice %arg11[%add3A_371, %dma_wait3A_401] : memref<80x125xi32, #tpu.memory_space<vmem>> -> memref<1x125xi32, #tpu.memory_space<vmem>>
        %dma_wait3A_403 = tpu.memref_squeeze %dma_wait3A_402 : memref<1x125xi32, #tpu.memory_space<vmem>> -> memref<125xi32, #tpu.memory_space<vmem>>
        %dma_wait3A_404 = arith.constant 0 : i32
        %dma_wait3A_405 = arith.constant 0 : i32
        %dma_wait3A_406 = tpu.memref_slice %arg20[%dma_wait3A_404, %dma_wait3A_405] : memref<10000x48xf32, #tpu.memory_space<vmem_shared>> -> memref<10000x48xf32, #tpu.memory_space<vmem_shared>>
        tpu.wait_indirect_dma semaphore(%arg36 : memref<!tpu.dma_semaphore, #tpu.memory_space<semaphore_mem>>) src(%arg17 : memref<125x48xf32, #tpu.memory_space<vmem>>) dst(%dma_wait3A_406 : memref<10000x48xf32, #tpu.memory_space<vmem_shared>>)
      } else {
      }
      %add3A_382 = arith.constant 6 : i32
      %add3A_383 = arith.addi %add3A_371, %add3A_382 : i32
      %lt3A_384 = arith.constant 80 : i32
      %lt3A_385 = arith.cmpi slt, %add3A_383, %lt3A_384 : i32
      %convert_element_type3A_386 = arith.extui %lt3A_385 : i1 to i32
      %cond3A_387 = arith.constant 0 : i32
      %cond3A_388 = arith.cmpi ne, %convert_element_type3A_386, %cond3A_387 : i32
      scf.if %cond3A_388 {
        %add3A_401 = arith.constant 6 : i32
        %add3A_402 = arith.addi %add3A_371, %add3A_401 : i32
        %dma_start3A_403 = arith.constant 0 : i32
        %dma_start3A_404 = tpu.memref_slice %arg10[%add3A_402, %dma_start3A_403] : memref<80x125xi32, #tpu.memory_space<vmem>> -> memref<1x125xi32, #tpu.memory_space<vmem>>
        %dma_start3A_405 = tpu.memref_squeeze %dma_start3A_404 : memref<1x125xi32, #tpu.memory_space<vmem>> -> memref<125xi32, #tpu.memory_space<vmem>>
        %dma_start3A_406 = arith.constant 0 : i32
        %dma_start3A_407 = arith.constant 0 : i32
        %dma_start3A_408 = tpu.memref_slice %arg21[%dma_start3A_406, %dma_start3A_407] : memref<10000x48xf32, #tpu.memory_space<vmem_shared>> -> memref<10000x48xf32, #tpu.memory_space<vmem_shared>>
        tpu.enqueue_indirect_dma source(%dma_start3A_408 : memref<10000x48xf32, #tpu.memory_space<vmem_shared>>) target(%arg17 : memref<125x48xf32, #tpu.memory_space<vmem>>) offsets(%dma_start3A_405 : memref<125xi32, #tpu.memory_space<vmem>>) semaphore(%arg28 : memref<!tpu.dma_semaphore, #tpu.memory_space<semaphore_mem>>)
      } else {
      }
      %dma_wait3A_389 = arith.constant 0 : i32
      %dma_wait3A_390 = tpu.memref_slice %arg10[%add3A_371, %dma_wait3A_389] : memref<80x125xi32, #tpu.memory_space<vmem>> -> memref<1x125xi32, #tpu.memory_space<vmem>>
      %dma_wait3A_391 = tpu.memref_squeeze %dma_wait3A_390 : memref<1x125xi32, #tpu.memory_space<vmem>> -> memref<125xi32, #tpu.memory_space<vmem>>
      %dma_wait3A_392 = arith.constant 0 : i32
      %dma_wait3A_393 = arith.constant 0 : i32
      %dma_wait3A_394 = tpu.memref_slice %arg21[%dma_wait3A_392, %dma_wait3A_393] : memref<10000x48xf32, #tpu.memory_space<vmem_shared>> -> memref<10000x48xf32, #tpu.memory_space<vmem_shared>>
      tpu.wait_indirect_dma semaphore(%arg30 : memref<!tpu.dma_semaphore, #tpu.memory_space<semaphore_mem>>) src(%dma_wait3A_394 : memref<10000x48xf32, #tpu.memory_space<vmem_shared>>) dst(%arg19 : memref<125x48xf32, #tpu.memory_space<vmem>>)
      %dma_start3A_395 = arith.constant 0 : i32
      %dma_start3A_396 = tpu.memref_slice %arg11[%add3A_371, %dma_start3A_395] : memref<80x125xi32, #tpu.memory_space<vmem>> -> memref<1x125xi32, #tpu.memory_space<vmem>>
      %dma_start3A_397 = tpu.memref_squeeze %dma_start3A_396 : memref<1x125xi32, #tpu.memory_space<vmem>> -> memref<125xi32, #tpu.memory_space<vmem>>
      %dma_start3A_398 = arith.constant 0 : i32
      %dma_start3A_399 = arith.constant 0 : i32
      %dma_start3A_400 = tpu.memref_slice %arg20[%dma_start3A_398, %dma_start3A_399] : memref<10000x48xf32, #tpu.memory_space<vmem_shared>> -> memref<10000x48xf32, #tpu.memory_space<vmem_shared>>
      tpu.enqueue_indirect_dma source(%arg19 : memref<125x48xf32, #tpu.memory_space<vmem>>) target(%dma_start3A_400 : memref<10000x48xf32, #tpu.memory_space<vmem_shared>>) offsets(%dma_start3A_397 : memref<125xi32, #tpu.memory_space<vmem>>) semaphore(%arg38 : memref<!tpu.dma_semaphore, #tpu.memory_space<semaphore_mem>>) {add = true}
    }
    %scan3A_91 = arith.constant 10 : i32
    %dma_wait3A_92 = arith.constant 0 : i32
    %dma_wait3A_93 = arith.constant 0 : i32
    %dma_wait3A_94 = tpu.memref_slice %arg11[%dma_wait3A_92, %dma_wait3A_93] : memref<80x125xi32, #tpu.memory_space<vmem>> -> memref<1x125xi32, #tpu.memory_space<vmem>>
    %dma_wait3A_95 = tpu.memref_squeeze %dma_wait3A_94 : memref<1x125xi32, #tpu.memory_space<vmem>> -> memref<125xi32, #tpu.memory_space<vmem>>
    %dma_wait3A_96 = arith.constant 0 : i32
    %dma_wait3A_97 = arith.constant 0 : i32
    %dma_wait3A_98 = tpu.memref_slice %arg20[%dma_wait3A_96, %dma_wait3A_97] : memref<10000x48xf32, #tpu.memory_space<vmem_shared>> -> memref<10000x48xf32, #tpu.memory_space<vmem_shared>>
    tpu.wait_indirect_dma semaphore(%arg31 : memref<!tpu.dma_semaphore, #tpu.memory_space<semaphore_mem>>) src(%arg12 : memref<125x48xf32, #tpu.memory_space<vmem>>) dst(%dma_wait3A_98 : memref<10000x48xf32, #tpu.memory_space<vmem_shared>>)
    %dma_wait3A_99 = arith.constant 1 : i32
    %dma_wait3A_100 = arith.constant 0 : i32
    %dma_wait3A_101 = tpu.memref_slice %arg11[%dma_wait3A_99, %dma_wait3A_100] : memref<80x125xi32, #tpu.memory_space<vmem>> -> memref<1x125xi32, #tpu.memory_space<vmem>>
    %dma_wait3A_102 = tpu.memref_squeeze %dma_wait3A_101 : memref<1x125xi32, #tpu.memory_space<vmem>> -> memref<125xi32, #tpu.memory_space<vmem>>
    %dma_wait3A_103 = arith.constant 0 : i32
    %dma_wait3A_104 = arith.constant 0 : i32
    %dma_wait3A_105 = tpu.memref_slice %arg20[%dma_wait3A_103, %dma_wait3A_104] : memref<10000x48xf32, #tpu.memory_space<vmem_shared>> -> memref<10000x48xf32, #tpu.memory_space<vmem_shared>>
    tpu.wait_indirect_dma semaphore(%arg32 : memref<!tpu.dma_semaphore, #tpu.memory_space<semaphore_mem>>) src(%arg13 : memref<125x48xf32, #tpu.memory_space<vmem>>) dst(%dma_wait3A_105 : memref<10000x48xf32, #tpu.memory_space<vmem_shared>>)
    %dma_wait3A_106 = arith.constant 2 : i32
    %dma_wait3A_107 = arith.constant 0 : i32
    %dma_wait3A_108 = tpu.memref_slice %arg11[%dma_wait3A_106, %dma_wait3A_107] : memref<80x125xi32, #tpu.memory_space<vmem>> -> memref<1x125xi32, #tpu.memory_space<vmem>>
    %dma_wait3A_109 = tpu.memref_squeeze %dma_wait3A_108 : memref<1x125xi32, #tpu.memory_space<vmem>> -> memref<125xi32, #tpu.memory_space<vmem>>
    %dma_wait3A_110 = arith.constant 0 : i32
    %dma_wait3A_111 = arith.constant 0 : i32
    %dma_wait3A_112 = tpu.memref_slice %arg20[%dma_wait3A_110, %dma_wait3A_111] : memref<10000x48xf32, #tpu.memory_space<vmem_shared>> -> memref<10000x48xf32, #tpu.memory_space<vmem_shared>>
    tpu.wait_indirect_dma semaphore(%arg33 : memref<!tpu.dma_semaphore, #tpu.memory_space<semaphore_mem>>) src(%arg14 : memref<125x48xf32, #tpu.memory_space<vmem>>) dst(%dma_wait3A_112 : memref<10000x48xf32, #tpu.memory_space<vmem_shared>>)
    %dma_wait3A_113 = arith.constant 3 : i32
    %dma_wait3A_114 = arith.constant 0 : i32
    %dma_wait3A_115 = tpu.memref_slice %arg11[%dma_wait3A_113, %dma_wait3A_114] : memref<80x125xi32, #tpu.memory_space<vmem>> -> memref<1x125xi32, #tpu.memory_space<vmem>>
    %dma_wait3A_116 = tpu.memref_squeeze %dma_wait3A_115 : memref<1x125xi32, #tpu.memory_space<vmem>> -> memref<125xi32, #tpu.memory_space<vmem>>
    %dma_wait3A_117 = arith.constant 0 : i32
    %dma_wait3A_118 = arith.constant 0 : i32
    %dma_wait3A_119 = tpu.memref_slice %arg20[%dma_wait3A_117, %dma_wait3A_118] : memref<10000x48xf32, #tpu.memory_space<vmem_shared>> -> memref<10000x48xf32, #tpu.memory_space<vmem_shared>>
    tpu.wait_indirect_dma semaphore(%arg34 : memref<!tpu.dma_semaphore, #tpu.memory_space<semaphore_mem>>) src(%arg15 : memref<125x48xf32, #tpu.memory_space<vmem>>) dst(%dma_wait3A_119 : memref<10000x48xf32, #tpu.memory_space<vmem_shared>>)
    %dma_wait3A_120 = arith.constant 4 : i32
    %dma_wait3A_121 = arith.constant 0 : i32
    %dma_wait3A_122 = tpu.memref_slice %arg11[%dma_wait3A_120, %dma_wait3A_121] : memref<80x125xi32, #tpu.memory_space<vmem>> -> memref<1x125xi32, #tpu.memory_space<vmem>>
    %dma_wait3A_123 = tpu.memref_squeeze %dma_wait3A_122 : memref<1x125xi32, #tpu.memory_space<vmem>> -> memref<125xi32, #tpu.memory_space<vmem>>
    %dma_wait3A_124 = arith.constant 0 : i32
    %dma_wait3A_125 = arith.constant 0 : i32
    %dma_wait3A_126 = tpu.memref_slice %arg20[%dma_wait3A_124, %dma_wait3A_125] : memref<10000x48xf32, #tpu.memory_space<vmem_shared>> -> memref<10000x48xf32, #tpu.memory_space<vmem_shared>>
    tpu.wait_indirect_dma semaphore(%arg35 : memref<!tpu.dma_semaphore, #tpu.memory_space<semaphore_mem>>) src(%arg16 : memref<125x48xf32, #tpu.memory_space<vmem>>) dst(%dma_wait3A_126 : memref<10000x48xf32, #tpu.memory_space<vmem_shared>>)
    %dma_wait3A_127 = arith.constant 5 : i32
    %dma_wait3A_128 = arith.constant 0 : i32
    %dma_wait3A_129 = tpu.memref_slice %arg11[%dma_wait3A_127, %dma_wait3A_128] : memref<80x125xi32, #tpu.memory_space<vmem>> -> memref<1x125xi32, #tpu.memory_space<vmem>>
    %dma_wait3A_130 = tpu.memref_squeeze %dma_wait3A_129 : memref<1x125xi32, #tpu.memory_space<vmem>> -> memref<125xi32, #tpu.memory_space<vmem>>
    %dma_wait3A_131 = arith.constant 0 : i32
    %dma_wait3A_132 = arith.constant 0 : i32
    %dma_wait3A_133 = tpu.memref_slice %arg20[%dma_wait3A_131, %dma_wait3A_132] : memref<10000x48xf32, #tpu.memory_space<vmem_shared>> -> memref<10000x48xf32, #tpu.memory_space<vmem_shared>>
    tpu.wait_indirect_dma semaphore(%arg36 : memref<!tpu.dma_semaphore, #tpu.memory_space<semaphore_mem>>) src(%arg17 : memref<125x48xf32, #tpu.memory_space<vmem>>) dst(%dma_wait3A_133 : memref<10000x48xf32, #tpu.memory_space<vmem_shared>>)
    %dma_wait3A_134 = arith.constant 6 : i32
    %dma_wait3A_135 = arith.constant 0 : i32
    %dma_wait3A_136 = tpu.memref_slice %arg11[%dma_wait3A_134, %dma_wait3A_135] : memref<80x125xi32, #tpu.memory_space<vmem>> -> memref<1x125xi32, #tpu.memory_space<vmem>>
    %dma_wait3A_137 = tpu.memref_squeeze %dma_wait3A_136 : memref<1x125xi32, #tpu.memory_space<vmem>> -> memref<125xi32, #tpu.memory_space<vmem>>
    %dma_wait3A_138 = arith.constant 0 : i32
    %dma_wait3A_139 = arith.constant 0 : i32
    %dma_wait3A_140 = tpu.memref_slice %arg20[%dma_wait3A_138, %dma_wait3A_139] : memref<10000x48xf32, #tpu.memory_space<vmem_shared>> -> memref<10000x48xf32, #tpu.memory_space<vmem_shared>>
    tpu.wait_indirect_dma semaphore(%arg37 : memref<!tpu.dma_semaphore, #tpu.memory_space<semaphore_mem>>) src(%arg18 : memref<125x48xf32, #tpu.memory_space<vmem>>) dst(%dma_wait3A_140 : memref<10000x48xf32, #tpu.memory_space<vmem_shared>>)
    %dma_wait3A_141 = arith.constant 7 : i32
    %dma_wait3A_142 = arith.constant 0 : i32
    %dma_wait3A_143 = tpu.memref_slice %arg11[%dma_wait3A_141, %dma_wait3A_142] : memref<80x125xi32, #tpu.memory_space<vmem>> -> memref<1x125xi32, #tpu.memory_space<vmem>>
    %dma_wait3A_144 = tpu.memref_squeeze %dma_wait3A_143 : memref<1x125xi32, #tpu.memory_space<vmem>> -> memref<125xi32, #tpu.memory_space<vmem>>
    %dma_wait3A_145 = arith.constant 0 : i32
    %dma_wait3A_146 = arith.constant 0 : i32
    %dma_wait3A_147 = tpu.memref_slice %arg20[%dma_wait3A_145, %dma_wait3A_146] : memref<10000x48xf32, #tpu.memory_space<vmem_shared>> -> memref<10000x48xf32, #tpu.memory_space<vmem_shared>>
    tpu.wait_indirect_dma semaphore(%arg38 : memref<!tpu.dma_semaphore, #tpu.memory_space<semaphore_mem>>) src(%arg19 : memref<125x48xf32, #tpu.memory_space<vmem>>) dst(%dma_wait3A_147 : memref<10000x48xf32, #tpu.memory_space<vmem_shared>>)
    %barrier3A_148 = arith.constant 0 : index
    tpu.barrier barrier_id(%barrier3A_148)
    %mul3A_149 = arith.constant 625 : i32
    %mul3A_150 = arith.muli %arg1, %mul3A_149 : i32
    %mul3A_151 = arith.constant 625 : i32
    %mul3A_152 = arith.muli %arg1, %mul3A_151 : i32
    "tpu.region"() ({
      %run_scoped3A = tpu.sem_alloc : memref<!tpu.dma_semaphore, #tpu.memory_space<semaphore_mem>>
      %dma_start3A_153 = arith.constant 0 : i32
      %dma_start3A_154 = tpu.memref_slice %arg8[%arg0, %mul3A_152, %dma_start3A_153] : memref<2x10000x48xf32, #tpu.memory_space<hbm>> -> memref<1x625x48xf32, #tpu.memory_space<hbm>>
      %dma_start3A_155 = tpu.memref_squeeze %dma_start3A_154 : memref<1x625x48xf32, #tpu.memory_space<hbm>> -> memref<625x48xf32, #tpu.memory_space<hbm>>
      %dma_start3A_156 = arith.constant 0 : i32
      %dma_start3A_157 = tpu.memref_slice %arg20[%mul3A_150, %dma_start3A_156] : memref<10000x48xf32, #tpu.memory_space<vmem_shared>> -> memref<625x48xf32, #tpu.memory_space<vmem_shared>>
      tpu.enqueue_dma source(%dma_start3A_157 : memref<625x48xf32, #tpu.memory_space<vmem_shared>>) target(%dma_start3A_155 : memref<625x48xf32, #tpu.memory_space<hbm>>) target_semaphore(%run_scoped3A : memref<!tpu.dma_semaphore, #tpu.memory_space<semaphore_mem>>)
      %dma_wait3A_158 = arith.constant 0 : i32
      %dma_wait3A_159 = tpu.memref_slice %arg8[%arg0, %mul3A_152, %dma_wait3A_158] : memref<2x10000x48xf32, #tpu.memory_space<hbm>> -> memref<1x625x48xf32, #tpu.memory_space<hbm>>
      %dma_wait3A_160 = tpu.memref_squeeze %dma_wait3A_159 : memref<1x625x48xf32, #tpu.memory_space<hbm>> -> memref<625x48xf32, #tpu.memory_space<hbm>>
      %dma_wait3A_161 = arith.constant 0 : i32
      %dma_wait3A_162 = tpu.memref_slice %arg20[%mul3A_150, %dma_wait3A_161] : memref<10000x48xf32, #tpu.memory_space<vmem_shared>> -> memref<625x48xf32, #tpu.memory_space<vmem_shared>>
      tpu.wait_dma2 semaphore(%run_scoped3A : memref<!tpu.dma_semaphore, #tpu.memory_space<semaphore_mem>>) src(%dma_wait3A_162 : memref<625x48xf32, #tpu.memory_space<vmem_shared>>) dst(%dma_wait3A_160 : memref<625x48xf32, #tpu.memory_space<hbm>>)
      tpu.yield
    }) : () -> ()
    return
  }
}

module attributes {stable_mosaic.version = 14 : i64} {
  func.func @_prep_body(%arg0: i32, %arg1: memref<2000x128xf32, #tpu.memory_space<vmem>>, %arg2: memref<48x128xf32, #tpu.memory_space<vmem>>, %arg3: memref<1x2000x16xf32, #tpu.memory_space<vmem>>, %arg4: memref<1x2000x16xf32, #tpu.memory_space<vmem>>, %arg5: memref<2000x48xf32, #tpu.memory_space<vmem>>, %arg6: memref<2000x16xf32, #tpu.memory_space<vmem>>) attributes {dimension_semantics = [#tpu.dimension_semantics<arbitrary>], iteration_bounds = array<i64: 5>, scalar_prefetch = 0 : i64, scratch_operands = 0 : i64, tpu.core_type = #tpu.core_type<tc>, window_params = [{transform_indices = @transform_0, window_bounds = array<i64: 2000, 128>}, {pipeline_mode = #tpu.pipeline_mode<synchronous>, transform_indices = @transform_1, window_bounds = array<i64: 48, 128>}, {transform_indices = @transform_2, window_bounds = array<i64: 1, 2000, 16>}, {transform_indices = @transform_3, window_bounds = array<i64: 1, 2000, 16>}, {transform_indices = @transform_4, window_bounds = array<i64: 2000, 48>}, {transform_indices = @transform_5, window_bounds = array<i64: 2000, 16>}]} {
    %get3A = arith.constant 0 : index
    %get3A_0 = arith.constant 0 : index
    %get3A_1 = arith.constant 0 : index
    %get3A_2 = vector.load %arg3[%get3A, %get3A_0, %get3A_1] : memref<1x2000x16xf32, #tpu.memory_space<vmem>>, vector<1x2000x1xf32>
    %get3A_3 = vector.shape_cast %get3A_2 : vector<1x2000x1xf32> to vector<2000x1xf32>
    %add3A = arith.constant 1.000000e+00 : f32
    %add3A_4 = vector.broadcast %add3A : f32 to vector<2000x1xf32>
    %add3A_5 = arith.addf %add3A_4, %get3A_3 : vector<2000x1xf32>
    %get3A_6 = arith.constant 0 : index
    %get3A_7 = arith.constant 0 : index
    %get3A_8 = arith.constant 0 : index
    %get3A_9 = vector.load %arg4[%get3A_6, %get3A_7, %get3A_8] : memref<1x2000x16xf32, #tpu.memory_space<vmem>>, vector<1x2000x1xf32>
    %get3A_10 = vector.shape_cast %get3A_9 : vector<1x2000x1xf32> to vector<2000x1xf32>
    %add3A_11 = arith.addf %add3A_5, %get3A_10 : vector<2000x1xf32>
    %get3A_12 = arith.constant 0 : index
    %get3A_13 = arith.constant 0 : index
    %get3A_14 = vector.load %arg1[%get3A_12, %get3A_13] : memref<2000x128xf32, #tpu.memory_space<vmem>>, vector<2000x128xf32>
    %get3A_15 = arith.constant 0 : index
    %get3A_16 = arith.constant 0 : index
    %get3A_17 = vector.load %arg2[%get3A_15, %get3A_16] : memref<48x128xf32, #tpu.memory_space<vmem>>, vector<48x128xf32>
    %dot_general3A = arith.constant dense<0.000000e+00> : vector<2000x48xf32>
    %dot_general3A_18 = tpu.matmul %get3A_14, %get3A_17, %dot_general3A {dimension_numbers = #tpu.dot_dimension_numbers<[1], [1], [0], [0], [0, 0, 1, 0], [], []>, transpose_lhs_hint = false} : vector<2000x128xf32>, vector<48x128xf32>, vector<2000x48xf32> -> vector<2000x48xf32>
    %rsqrt3A = math.rsqrt %add3A_11 : vector<2000x1xf32>
    %mul3A = vector.broadcast %rsqrt3A : vector<2000x1xf32> to vector<2000x48xf32>
    %mul3A_19 = arith.mulf %dot_general3A_18, %mul3A : vector<2000x48xf32>
    %swap3A = arith.constant 0 : index
    %swap3A_20 = arith.constant 0 : index
    %swap3A_21 = vector.load %arg5[%swap3A, %swap3A_20] : memref<2000x48xf32, #tpu.memory_space<vmem>>, vector<2000x48xf32>
    tpu.vector_store %arg5[%swap3A, %swap3A_20], %mul3A_19 {strides = array<i32>} : memref<2000x48xf32, #tpu.memory_space<vmem>>, vector<2000x48xf32>,
    %div3A = arith.constant 1.000000e+00 : f32
    %div3A_22 = vector.broadcast %div3A : f32 to vector<2000x1xf32>
    %div3A_23 = arith.divf %div3A_22, %add3A_11 : vector<2000x1xf32>
    %broadcast_in_dim3A = vector.shape_cast %div3A_23 : vector<2000x1xf32> to vector<2000x1xf32>
    %broadcast_in_dim3A_24 = vector.broadcast %broadcast_in_dim3A : vector<2000x1xf32> to vector<2000x16xf32>
    %swap3A_25 = arith.constant 0 : index
    %swap3A_26 = arith.constant 0 : index
    %swap3A_27 = vector.load %arg6[%swap3A_25, %swap3A_26] : memref<2000x16xf32, #tpu.memory_space<vmem>>, vector<2000x16xf32>
    tpu.vector_store %arg6[%swap3A_25, %swap3A_26], %broadcast_in_dim3A_24 {strides = array<i32>} : memref<2000x16xf32, #tpu.memory_space<vmem>>, vector<2000x16xf32>,
    return
  }
  func.func @transform_0(%arg0: i32) -> (i32, i32) {
    %c0_i32 = arith.constant 0 : i32
    %c0_i32_0 = arith.constant 0 : i32
    return %arg0, %c0_i32 : i32, i32
  }
  func.func @transform_1(%arg0: i32) -> (i32, i32) {
    %c0_i32 = arith.constant 0 : i32
    %c0_i32_0 = arith.constant 0 : i32
    %c0_i32_1 = arith.constant 0 : i32
    return %c0_i32, %c0_i32_0 : i32, i32
  }
  func.func @transform_2(%arg0: i32) -> (i32, i32, i32) {
    %c0_i32 = arith.constant 0 : i32
    %c0_i32_0 = arith.constant 0 : i32
    %c0_i32_1 = arith.constant 0 : i32
    return %c0_i32, %arg0, %c0_i32_0 : i32, i32, i32
  }
  func.func @transform_3(%arg0: i32) -> (i32, i32, i32) {
    %c1_i32 = arith.constant 1 : i32
    %c0_i32 = arith.constant 0 : i32
    %c0_i32_0 = arith.constant 0 : i32
    return %c1_i32, %arg0, %c0_i32 : i32, i32, i32
  }
  func.func @transform_4(%arg0: i32) -> (i32, i32) {
    %c0_i32 = arith.constant 0 : i32
    %c0_i32_0 = arith.constant 0 : i32
    return %arg0, %c0_i32 : i32, i32
  }
  func.func @transform_5(%arg0: i32) -> (i32, i32) {
    %c0_i32 = arith.constant 0 : i32
    %c0_i32_0 = arith.constant 0 : i32
    return %arg0, %c0_i32 : i32, i32
  }
}

module attributes {stable_mosaic.version = 14 : i64} {
  func.func @_final_body(%arg0: i32, %arg1: memref<1x2000x48xf32, #tpu.memory_space<vmem>>, %arg2: memref<1x2000x48xf32, #tpu.memory_space<vmem>>, %arg3: memref<2000x48xf32, #tpu.memory_space<vmem>>, %arg4: memref<1x2000x16xf32, #tpu.memory_space<vmem>>, %arg5: memref<1x2000x16xf32, #tpu.memory_space<vmem>>, %arg6: memref<1x48xf32, #tpu.memory_space<vmem>>, %arg7: memref<2000x40xf32, #tpu.memory_space<vmem>>) attributes {dimension_semantics = [#tpu.dimension_semantics<arbitrary>], iteration_bounds = array<i64: 5>, scalar_prefetch = 0 : i64, scratch_operands = 0 : i64, tpu.core_type = #tpu.core_type<tc>, window_params = [{transform_indices = @transform_0, window_bounds = array<i64: 1, 2000, 48>}, {transform_indices = @transform_1, window_bounds = array<i64: 1, 2000, 48>}, {transform_indices = @transform_2, window_bounds = array<i64: 2000, 48>}, {transform_indices = @transform_3, window_bounds = array<i64: 1, 2000, 16>}, {transform_indices = @transform_4, window_bounds = array<i64: 1, 2000, 16>}, {pipeline_mode = #tpu.pipeline_mode<synchronous>, transform_indices = @transform_5, window_bounds = array<i64: 1, 48>}, {transform_indices = @transform_6, window_bounds = array<i64: 2000, 40>}]} {
    %get3A = arith.constant 0 : index
    %get3A_0 = arith.constant 0 : index
    %get3A_1 = arith.constant 0 : index
    %get3A_2 = vector.load %arg4[%get3A, %get3A_0, %get3A_1] : memref<1x2000x16xf32, #tpu.memory_space<vmem>>, vector<1x2000x1xf32>
    %get3A_3 = vector.shape_cast %get3A_2 : vector<1x2000x1xf32> to vector<2000x1xf32>
    %add3A = arith.constant 1.000000e+00 : f32
    %add3A_4 = vector.broadcast %add3A : f32 to vector<2000x1xf32>
    %add3A_5 = arith.addf %add3A_4, %get3A_3 : vector<2000x1xf32>
    %get3A_6 = arith.constant 0 : index
    %get3A_7 = arith.constant 0 : index
    %get3A_8 = arith.constant 0 : index
    %get3A_9 = vector.load %arg5[%get3A_6, %get3A_7, %get3A_8] : memref<1x2000x16xf32, #tpu.memory_space<vmem>>, vector<1x2000x1xf32>
    %get3A_10 = vector.shape_cast %get3A_9 : vector<1x2000x1xf32> to vector<2000x1xf32>
    %add3A_11 = arith.addf %add3A_5, %get3A_10 : vector<2000x1xf32>
    %get3A_12 = arith.constant 0 : index
    %get3A_13 = arith.constant 0 : index
    %get3A_14 = arith.constant 0 : index
    %get3A_15 = vector.load %arg1[%get3A_12, %get3A_13, %get3A_14] : memref<1x2000x48xf32, #tpu.memory_space<vmem>>, vector<1x2000x48xf32>
    %get3A_16 = vector.shape_cast %get3A_15 : vector<1x2000x48xf32> to vector<2000x48xf32>
    %get3A_17 = arith.constant 0 : index
    %get3A_18 = arith.constant 0 : index
    %get3A_19 = arith.constant 0 : index
    %get3A_20 = vector.load %arg2[%get3A_17, %get3A_18, %get3A_19] : memref<1x2000x48xf32, #tpu.memory_space<vmem>>, vector<1x2000x48xf32>
    %get3A_21 = vector.shape_cast %get3A_20 : vector<1x2000x48xf32> to vector<2000x48xf32>
    %add3A_22 = arith.addf %get3A_16, %get3A_21 : vector<2000x48xf32>
    %get3A_23 = arith.constant 0 : index
    %get3A_24 = arith.constant 0 : index
    %get3A_25 = vector.load %arg3[%get3A_23, %get3A_24] : memref<2000x48xf32, #tpu.memory_space<vmem>>, vector<2000x48xf32>
    %add3A_26 = arith.addf %add3A_22, %get3A_25 : vector<2000x48xf32>
    %rsqrt3A = math.rsqrt %add3A_11 : vector<2000x1xf32>
    %mul3A = vector.broadcast %rsqrt3A : vector<2000x1xf32> to vector<2000x48xf32>
    %mul3A_27 = arith.mulf %add3A_26, %mul3A : vector<2000x48xf32>
    %get3A_28 = arith.constant 0 : index
    %get3A_29 = arith.constant 0 : index
    %get3A_30 = vector.load %arg6[%get3A_28, %get3A_29] : memref<1x48xf32, #tpu.memory_space<vmem>>, vector<1x48xf32>
    %add3A_31 = vector.broadcast %get3A_30 : vector<1x48xf32> to vector<2000x48xf32>
    %add3A_32 = arith.addf %mul3A_27, %add3A_31 : vector<2000x48xf32>
    %iota3A = tpu.iota {dimensions = array<i32: 1>} : vector<2000x48xi32>
    %lt3A = arith.constant 40 : i32
    %lt3A_33 = vector.broadcast %lt3A : i32 to vector<2000x48xi32>
    %lt3A_34 = arith.cmpi slt, %iota3A, %lt3A_33 : vector<2000x48xi32>
    %jit3A = arith.constant -1.000000e+30 : f32
    %broadcast_in_dim3A = vector.broadcast %jit3A : f32 to vector<2000x48xf32>
    %select_n3A = arith.select %lt3A_34, %add3A_32, %broadcast_in_dim3A : vector<2000x48xi1>, vector<2000x48xf32>
    %reduce_max3A = arith.constant dense<0xFF800000> : vector<2000xf32>
    %reduce_max3A_35 = vector.multi_reduction <maximumf>, %select_n3A, %reduce_max3A [1] : vector<2000x48xf32> to vector<2000xf32>
    %broadcast_in_dim3A_36 = vector.shape_cast %reduce_max3A_35 : vector<2000xf32> to vector<2000x1xf32>
    %sub3A = vector.broadcast %broadcast_in_dim3A_36 : vector<2000x1xf32> to vector<2000x48xf32>
    %sub3A_37 = arith.subf %add3A_32, %sub3A : vector<2000x48xf32>
    %exp3A = math.exp %sub3A_37 : vector<2000x48xf32>
    %jit3A_38 = arith.constant 0.000000e+00 : f32
    %broadcast_in_dim3A_39 = vector.broadcast %jit3A_38 : f32 to vector<2000x48xf32>
    %select_n3A_40 = arith.select %lt3A_34, %exp3A, %broadcast_in_dim3A_39 : vector<2000x48xi1>, vector<2000x48xf32>
    %reduce_sum3A = arith.constant dense<0.000000e+00> : vector<2000xf32>
    %reduce_sum3A_41 = vector.multi_reduction <add>, %select_n3A_40, %reduce_sum3A [1] : vector<2000x48xf32> to vector<2000xf32>
    %broadcast_in_dim3A_42 = vector.shape_cast %reduce_sum3A_41 : vector<2000xf32> to vector<2000x1xf32>
    %log3A = math.log %broadcast_in_dim3A_42 : vector<2000x1xf32>
    %sub3A_43 = vector.broadcast %broadcast_in_dim3A_36 : vector<2000x1xf32> to vector<2000x48xf32>
    %sub3A_44 = arith.subf %add3A_32, %sub3A_43 : vector<2000x48xf32>
    %sub3A_45 = vector.broadcast %log3A : vector<2000x1xf32> to vector<2000x48xf32>
    %sub3A_46 = arith.subf %sub3A_44, %sub3A_45 : vector<2000x48xf32>
    %slice3A = vector.extract_strided_slice %sub3A_46 {offsets = [0, 0], sizes = [2000, 40], strides = [1, 1]} : vector<2000x48xf32> to vector<2000x40xf32>
    %swap3A = arith.constant 0 : index
    %swap3A_47 = arith.constant 0 : index
    %swap3A_48 = vector.load %arg7[%swap3A, %swap3A_47] : memref<2000x40xf32, #tpu.memory_space<vmem>>, vector<2000x40xf32>
    tpu.vector_store %arg7[%swap3A, %swap3A_47], %slice3A {strides = array<i32>} : memref<2000x40xf32, #tpu.memory_space<vmem>>, vector<2000x40xf32>,
    return
  }
  func.func @transform_0(%arg0: i32) -> (i32, i32, i32) {
    %c0_i32 = arith.constant 0 : i32
    %c0_i32_0 = arith.constant 0 : i32
    %c0_i32_1 = arith.constant 0 : i32
    return %c0_i32, %arg0, %c0_i32_0 : i32, i32, i32
  }
  func.func @transform_1(%arg0: i32) -> (i32, i32, i32) {
    %c1_i32 = arith.constant 1 : i32
    %c0_i32 = arith.constant 0 : i32
    %c0_i32_0 = arith.constant 0 : i32
    return %c1_i32, %arg0, %c0_i32 : i32, i32, i32
  }
  func.func @transform_2(%arg0: i32) -> (i32, i32) {
    %c0_i32 = arith.constant 0 : i32
    %c0_i32_0 = arith.constant 0 : i32
    return %arg0, %c0_i32 : i32, i32
  }
  func.func @transform_3(%arg0: i32) -> (i32, i32, i32) {
    %c0_i32 = arith.constant 0 : i32
    %c0_i32_0 = arith.constant 0 : i32
    %c0_i32_1 = arith.constant 0 : i32
    return %c0_i32, %arg0, %c0_i32_0 : i32, i32, i32
  }
  func.func @transform_4(%arg0: i32) -> (i32, i32, i32) {
    %c1_i32 = arith.constant 1 : i32
    %c0_i32 = arith.constant 0 : i32
    %c0_i32_0 = arith.constant 0 : i32
    return %c1_i32, %arg0, %c0_i32 : i32, i32, i32
  }
  func.func @transform_5(%arg0: i32) -> (i32, i32) {
    %c0_i32 = arith.constant 0 : i32
    %c0_i32_0 = arith.constant 0 : i32
    %c0_i32_1 = arith.constant 0 : i32
    return %c0_i32, %c0_i32_0 : i32, i32
  }
  func.func @transform_6(%arg0: i32) -> (i32, i32) {
    %c0_i32 = arith.constant 0 : i32
    %c0_i32_0 = arith.constant 0 : i32
    return %arg0, %c0_i32 : i32, i32
  }
}

</mosaic_0001>

<sc_bundles>
// kernel: kernel.10.cloned.1.call-start
scs
__scs_entry_jumppad:
0x0: {  	(pc) =	sbr.rel $0x88, $3  }
0x1: {  	(tag) =	ssettag $0x0;
	lr =	simm.s32 $0x1  }
0x2: {  	[smem:$0x3F9D] =	sst lr;
	_ =	strace $0xD0000000  }
0x3: {  	_ = 	snop  }
0x4: {  	_ = 	snop  }
0x5: {  	_ = 	snop  }
0x6: {  	_ = 	snop  }
0x7: {  	_ = 	snop  }
__scs_overlays_trampoline_lowered:
0x8: {  	[smem:$0x3FAC] =	sst s0  }
0x9: {  	[smem:$0x3FAD] =	sst s1  }
0xa: {  	[smem:$0x3FAE] =	sst s2  }
0xb: {  	[smem:$0x3FAF] =	sst s3  }
0xc: {  	[smem:$0x3FB0] =	sst s4  }
0xd: {  	[smem:$0x3FB1] =	sst s5  }
0xe: {  	[smem:$0x3FB2] =	sst s6  }
0xf: {  	[smem:$0x3FB3] =	sst s7  }
0x10: {  	[smem:$0x3FB4] =	sst s8  }
0x11: {  	[smem:$0x3FB5] =	sst s9;
	s0 =	simm.s32 @!p0 $0x0  }
0x12: {  	s1 =	sld [smem:$0x3F9B];
	s0 =	simm.s32 @p0 $0x1  }
0x13: {  	[smem:$0x3FB6] =	sst s0;
	s0 =	simm.s32 @!p1 $0x0  }
0x14: {  	s2 =	sld [smem:$0x3F9A];
	s0 =	simm.s32 @p1 $0x1  }
0x15: {  	[smem:$0x3FB7] =	sst s0;
	s0 =	simm.s32 @!p2 $0x0  }
0x16: {  	s3 =	sld [smem:$0x3FDB];
	s0 =	simm.s32 @p2 $0x1  }
0x17: {  	s4 =	simm.s32 $0x1BF5;
	[smem:$0x3FB9] =	sst s0  }
0x18: {  	s0 =	sld [smem:$0x3F9C];
	_ =	swait.ge [sflag:s4], $0x0  }
0x19: {  	s7 =	sld [smem:$0x3F9D]  }
0x1a: {  	s8 =	sadd.s32 $0xFFFFE003, lr  }
0x1b: {  	s9 =	sadd.s32 $0xFFFFFEF7, lr;
	s5 =	simm.s32 $0xFFFFFFFF;
	p2 =	slt.u32 s8, $0xFFFFF086  }
0x1c: {  	p1 =	slt.u32 s9, $0xF7A;
	s5 =	simm.s32 @!p2 $0x0  }
0x1d: {  	s5 =	simm.s32 @p1 $0x1;
	p0 =	seq.s32 s7, s2  }
0x1e: {  	s7 =	smul.u32 @!p0 $0xF7A, s2;
	p2 =	seq.s32 @!p0 s5, $0x0  }
0x1f: {  	s9 =	smul.u32 $0xF7A, s1;
	s8 =	simm.s32 @!p0 $0x1BF5;
	p2 =	por !p2, p0  }
0x20: {  	[sflag:s8] =	ssyncset.s32 @!p0 $0xFFFFF086;
	s6 =	sadd.s32 @!p0 s3, s7;
	s7 =	simm.s32 @!p0 $0x108  }
0x21: {  	s3 =	sadd.s32 s3, s9;
	s6 =	sadd.s32 @!p0 $0x88, s6;
	s7 =	simm.s32 @p2 $0x1082  }
0x22: {  	[simem:s7], [sflag:s8] =	dma.local @!p0 [hbm:s6], $0xF7A  }
0x23: {  	s9 =	sor.u32 $0xD0000000, s2;
	s6 =	simm.s32 $0x108;
	_ =	swait.ge @!p0 [sflag:s8], $0x0  }
0x24: {  	s3 =	sadd.s32 $0x88, s3;
	s6 =	simm.s32 @!p1 $0x1082;
	[sflag:s4] =	ssyncset.s32 $0xFFFFF086  }
0x25: {  	[simem:s6], [sflag:s4] =	dma.local [hbm:s3], $0xF7A  }
0x26: {  	[smem:$0x3F9D] =	sst s1;
	(tag) =	ssettag s2;
	_ =	strace s9  }
0x27: {  	s1 =	sld [smem:$0x3FAD]  }
0x28: {  	s2 =	sld [smem:$0x3FAE]  }
0x29: {  	s4 =	sld [smem:$0x3FB0]  }
0x2a: {  	p0 =	seq.s32 s5, $0x0;
	s5 =	sld [smem:$0x3FB1]  }
0x2b: {  	s6 =	sld [smem:$0x3FB2]  }
0x2c: {  	s7 =	sld [smem:$0x3FB3]  }
0x2d: {  	s3 =	simm.s32 $0x108;
	s8 =	sld [smem:$0x3FB4]  }
0x2e: {  	s3 =	simm.s32 @!p0 $0x1082;
	s9 =	sld [smem:$0x3FB5]  }
0x2f: {  	lr =	sadd.s32 s0, s3;
	s0 =	sld [smem:$0x3FAC]  }
0x30: {  	s3 =	sld [smem:$0x3FAF]  }
0x31: {  	[smem:$0x3FB8] =	sst s10  }
0x32: {  	s10 =	sld [smem:$0x3FB6];
	_ =	sdelay $0x3  }
0x33: {  	p0 =	seq.s32 s10, $0x1;
	s10 =	sld [smem:$0x3FB8];
	_ =	sdelay $0x3  }
0x34: {  	[smem:$0x3FB8] =	sst s10  }
0x35: {  	s10 =	sld [smem:$0x3FB7];
	_ =	sdelay $0x3  }
0x36: {  	p1 =	seq.s32 s10, $0x1;
	s10 =	sld [smem:$0x3FB8];
	_ =	sdelay $0x3  }
0x37: {  	[smem:$0x3FB8] =	sst s10  }
0x38: {  	s10 =	sld [smem:$0x3FB9]  }
0x39: {  	_ = 	snop;
	(pc) =	sbr.ind lr, $3  }
0x3a: {  	_ = 	snop  }
0x3b: {  	_ = 	snop  }
0x3c: {  	p2 =	seq.s32 s10, $0x1;
	s10 =	sld [smem:$0x3FB8]  }
0x3d: {  	_ =	shalt  }
0x3e: {  	_ =	shalt  }
0x3f: {  	_ =	shalt  }
0x40: {  	_ =	shalt  }
0x41: {  	_ =	shalt  }
0x42: {  	_ =	shalt  }
0x43: {  	_ =	shalt  }
0x44: {  	_ =	shalt  }
0x45: {  	_ =	shalt  }
0x46: {  	_ =	shalt  }
0x47: {  	_ =	shalt  }
0x48: {  	_ =	shalt  }
0x49: {  	_ =	shalt  }
0x4a: {  	_ =	shalt  }
0x4b: {  	_ =	shalt  }
0x4c: {  	_ =	shalt  }
0x4d: {  	_ =	shalt  }
0x4e: {  	_ =	shalt  }
0x4f: {  	_ =	shalt  }
0x50: {  	_ =	shalt  }
0x51: {  	_ =	shalt  }
0x52: {  	_ =	shalt  }
0x53: {  	_ =	shalt  }
0x54: {  	_ =	shalt  }
0x55: {  	_ =	shalt  }
0x56: {  	_ =	shalt  }
0x57: {  	_ =	shalt  }
0x58: {  	_ =	shalt  }
0x59: {  	_ =	shalt  }
0x5a: {  	_ =	shalt  }
0x5b: {  	_ =	shalt  }
0x5c: {  	_ =	shalt  }
0x5d: {  	_ =	shalt  }
0x5e: {  	_ =	shalt  }
0x5f: {  	_ =	shalt  }
0x60: {  	_ =	shalt  }
0x61: {  	_ =	shalt  }
0x62: {  	_ =	shalt  }
0x63: {  	_ =	shalt  }
0x64: {  	_ =	shalt  }
0x65: {  	_ =	shalt  }
0x66: {  	_ =	shalt  }
0x67: {  	_ =	shalt  }
0x68: {  	_ =	shalt  }
0x69: {  	_ =	shalt  }
0x6a: {  	_ =	shalt  }
0x6b: {  	_ =	shalt  }
0x6c: {  	_ =	shalt  }
0x6d: {  	_ =	shalt  }
0x6e: {  	_ =	shalt  }
0x6f: {  	_ =	shalt  }
0x70: {  	_ =	shalt  }
0x71: {  	_ =	shalt  }
0x72: {  	_ =	shalt  }
0x73: {  	_ =	shalt  }
0x74: {  	_ =	shalt  }
0x75: {  	_ =	shalt  }
0x76: {  	_ =	shalt  }
0x77: {  	_ =	shalt  }
0x78: {  	_ =	shalt  }
0x79: {  	_ =	shalt  }
0x7a: {  	_ =	shalt  }
0x7b: {  	_ =	shalt  }
0x7c: {  	_ =	shalt  }
0x7d: {  	_ =	shalt  }
0x7e: {  	_ =	shalt  }
0x7f: {  	_ =	shalt  }
0x80: {  	_ =	shalt  }
0x81: {  	_ =	shalt  }
0x82: {  	_ =	shalt  }
0x83: {  	_ =	shalt  }
0x84: {  	_ =	shalt  }
0x85: {  	_ =	shalt  }
0x86: {  	_ =	shalt  }
0x87: {  	_ =	shalt  }
.Lfunc_end0:
.L_simem_size_0:
called_computation.1_lowered:
.L_overlay_start_0:
0x88: {  	s2 =	sld [smem:$0x3FD9]  }
0x89: {  	s3 =	sld [smem:$0x3FFE];
	_ =	sdelay $0x1  }
0x8a: {  	s1 =	srdreg.scid  }
0x8b: {  	s0 =	sand.u32 $0x1, s1  }
0x8c: {  	s17 =	sshll.u32 s0, $0xA;
	s2 =	sadd.s32 s3, s2  }
0x8d: {  	s2 =	sadd.s32 s2, s17  }
0x8e: {  	[smem:$0x3FC4] =	sst s2  }
0x8f: {  	_ = 	snop  }
0x90: {  	s2 =	sld [smem:$0x3FD0];
	(tm) =	ssettm $0x1  }
0x91: {  	s18 =	sld [smem:$0x3FFB];
	_ =	sdelay $0x3  }
0x92: {  	_ =	strace s18  }
0x93: {  	s3 =	sld [smem:$0x3FFC];
	_ =	sdelay $0x3  }
0x94: {  	_ =	strace s3  }
0x95: {  	s3 =	sld [smem:$0x3FFD];
	_ =	sdelay $0x3  }
0x96: {  	_ =	strace s3  }
0x97: {  	_ =	strace $0x8FFFFFFF  }
0x98: {  	s19 =	sld [smem:$0x3FDB];
	_ =	sdelay $0x1  }
0x99: {  	s4 =	simm.s32 $_scs_section_size  }
0x9a: {  	s5 =	simm.s32 $_size__tile_overlayer_lowered;
	s6 =	simm.s32 $_tile_overlayer_lowered  }
0x9b: {  	s22 =	simm.s32 $0x1BFF;
	s21 =	sshll.u32 s6, $0x1;
	s3 =	sadd.s32 s4, s19  }
0x9c: {  	s7 =	simm.s32 $0x0;
	s20 =	sshll.u32 s5, $0x1;
	s5 =	sadd.s32 s21, s3  }
0x9d: {  	[timem:s7], [sflag:s22] =	dma.local [hbm:s5], s20  }
0x9e: {  	_ =	swait.ge [sflag:s22], s20  }
0x9f: {  	s4 =	ssub.s32 $0x0, s20;
	[sflag:s22] =	ssyncset.done $0x0  }
0xa0: {  	[sflag:s22] =	ssyncadd.s32 s4;
	_ =	sdelay $0x1  }
0xa1: {  	s23 =	simm.s32 $0x1B8B  }
0xa2: {  	_ =	swait.ge [sflag:s23], $0x1  }
0xa3: {  	[sflag:s23] =	ssyncset.done $0x0  }
0xa4: {  	s25 =	simm.s32 $0x1B8E;
	s24 =	sld [smem:$0x3FFE];
	[sflag:s23] =	ssyncadd.s32 $0xFFFFFFFF  }
0xa5: {  	s26 =	simm.s32 $execute0_lowered;
	[smem:$0x3FD2] =	sst s25  }
0xa6: {  	s5 =	sshll.u32 s26, $0x1;
	_ =	strace $0x80000049;
	[dreg:$0x1] =	wrdreg $0xFFFFFFFF  }
0xa7: {  	s28 =	simm.s32 $_size_execute0_lowered;
	s3 =	sadd.s32 s3, s5;
	[dreg:$0x0] =	wrdreg $0x0  }
0xa8: {  	s5 =	sshll.u32 s28, $0x1;
	[dreg:$0x2] =	wrdreg s3  }
0xa9: {  	[dreg:$0x3] =	wrdreg s5  }
0xaa: {  	[dreg:$0x4] =	wrdreg $0xC0  }
0xab: {  	_ =	task [dreg:s7], $0x5FFFF  }
0xac: {  	[dreg:$0x1] =	wrdreg $0xFFFFFFFF  }
0xad: {  	[dreg:$0x0] =	wrdreg $0x60  }
0xae: {  	[dreg:$0x2] =	wrdreg s24  }
0xaf: {  	[dreg:$0x3] =	wrdreg s2  }
0xb0: {  	[dreg:$0x4] =	wrdreg $0x10B800  }
0xb1: {  	[dreg:$0x5] =	wrdreg $0x180B00  }
0xb2: {  	[dreg:$0x6] =	wrdreg $0x9  }
0xb3: {  	_ =	task.clear_ibuf [dreg:s7], $0x7FFFF;
	_ =	strace $0x90000049  }
0xb4: {  	s29 =	simm.s32 $0x9;
	_ =	strace $0x8000004B  }
0xb5: {  	_ =	swait.ge [sflag:s29], $0x1  }
0xb6: {  	[sflag:s29] =	ssyncadd.s32 $0xFFFFFFFF  }
0xb7: {  	_ =	strace $0x9000004B  }
0xb8: {  	_ =	sfence  }
0xb9: {  	s30 =	sld [smem:$0x0];
	_ =	sdelay $0x2  }
0xba: {  	s31 =	sshll.u32 s1, $0xD;
	s1 =	sshrl.u32 s1, $0x2  }
0xbb: {  	s3 =	sand.u32 $0x4000, s31;
	s1 =	sadd.s32 s1, s30  }
0xbc: {  	s0 =	sor.u32 s3, s0;
	s1 =	sshll.u32 s1, $0x11  }
0xbd: {  	s0 =	sor.u32 s1, s0  }
0xbe: {  	s0 =	sadd.s32 $0x8F2B, s0  }
0xbf: {  	[sflag:s0] =	ssyncadd.remote.s32 $0x1  }
0xc0: {  	_ =	sfence.sel $0xFFFF  }
0xc1: {  	[dreg:$0x0] =	wrdreg $0xFFFFFFFF;
	(pc) =	sbr.abs _section_cstart, $3  }
0xc2: {  	[dreg:$0x1] =	wrdreg $0xFFFFFFFF  }
0xc3: {  	_ =	task.clear_ibuf [dreg:s7], $0x2FFFF;
	_ =	strace $0x9FFFFFFF  }
0xc4: {  	(tm) =	ssettm $0x7FFFFFFF  }
0xc5: {  	_ =	shalt  }
tec
execute0_lowered:
.L_overlay_start_1:
0x0: {  	(tag) =	ssettag $0x1  }
0x1: {  	s0 =	rddreg [dreg:$0x0]  }
0x2: {  	s1 =	rddreg [dreg:$0x1]  }
0x3: {  	s2 =	rddreg [dreg:$0x2]  }
0x4: {  	s3 =	rddreg [dreg:$0x3]  }
0x5: {  	s10 =	stileid.u32;
	s4 =	srdreg.scid;
	s6 =	simm.s32 $0x0  }
0x6: {  	s11 =	simm.s32 $0xB;
	s31 =	simm.s32 $0xDCA0;
	s13 =	simm.s32 $0x1  }
0x7: {  	s28 =	simm.s32 $0x6;
	s30 =	simm.s32 $0x8;
	s29 =	simm.s32 $0x6770  }
0x8: {  	s5 =	smul.u32 $0x7530, s10;
	s4 =	sand.u32 $0x1, s4;
	[smem:$0x7FF] =	sst s6  }
0x9: {  	s16 =	sshll.u32 s10, $0x1;
	s21 =	sshll.u32 s10, $0x6;
	s10 =	simm.s32 $0xA  }
0xa: {  	s7 =	smul.u32 $0x75300, s4;
	_ =	strace $0x8000004A;
	s6 =	sor.u32 s4, s16  }
0xb: {  	s4 =	ssub.s32 $0x2, s4;
	s22 =	sor.u32 $0x1C0B, s21;
	[dreg:$0x9] =	wrdreg s21  }
0xc: {  	s25 =	sor.u32 $0x1C0C, s21;
	s21 =	simm.s32 $0x7D;
	[dreg:$0x5] =	wrdreg s31  }
0xd: {  	s8 =	sshrl.u32 s5, $0x3;
	s6 =	smul.u32 $0x500, s6;
	[dreg:$0xa] =	wrdreg s22  }
0xe: {  	s17 =	sshrl.u32 s4, $0x1;
	s19 =	sadd.s32 s5, s2;
	[dreg:$0xf] =	wrdreg s25  }
0xf: {  	s25 =	simm.s32 $0x2;
	s7 =	sadd.s32 s5, s7;
	s8 =	sadd.s32 s8, s0  }
0x10: {  	s4 =	ssub.s32 s4, s17;
	s5 =	sadd.s32 s5, s3;
	s1 =	sadd.s32 s1, s6  }
0x11: {  	s7 =	sshrl.u32 s7, $0x3;
	s20 =	sadd.s32 $0x68400, s8;
	[dreg:$0x7] =	wrdreg s1  }
0x12: {  	s9 =	sadd.s32 s6, s0;
	s23 =	sadd.s32 $0x1200, s8;
	[dreg:$0x8] =	wrdreg s20  }
0x13: {  	s24 =	smax.u32 s4, $0x1;
	s26 =	sshrl.u32 s5, $0x3;
	[dreg:$0xb] =	wrdreg s23  }
0x14: {  	s8 =	simm.s32 $0xC;
	s4 =	simm.s32 $0x0;
	[dreg:$0xd] =	wrdreg s24  }
0x15: {  	s0 =	sadd.s32 s7, s0;
	s18 =	sadd.s32 $0x10200, s9;
	[dreg:$0x10] =	wrdreg s26  }
0x16: {  	s7 =	sshrl.u32 s19, $0x3;
	s9 =	simm.s32 $0x9;
	[dreg:$0x6] =	wrdreg s18  }
0x17: {  	s23 =	simm.s32 $0xF410;
	s0 =	sadd.s32 $0x77000, s0;
	[dreg:$0xe] =	wrdreg s7  }
0x18: {  	s26 =	simm.s32 $0x4;
	s24 =	simm.s32 $0x5000;
	[dreg:$0xc] =	wrdreg s0  }
.LBB2_1:
0x19: {  	[dreg:$0x11] =	wrdreg s4  }
0x1a: {  	s18 =	rddreg [dreg:$0x6]  }
0x1b: {  	s19 =	rddreg [dreg:$0x7]  }
0x1c: {  	s0 =	simm.s32 $0x0;
	s20 =	rddreg [dreg:$0x8]  }
0x1d: {  	[tilespmem:s0], [sflag:$0x9] =	stream.linear.gather [hbm4b:s18+s0], $0x2800, $0x38;
	[tilespmem:$0x1F5E0] =	vst v63  }
0x1e: {  	s5 =	simm.s32 $0x2800;
	s22 =	rddreg [dreg:$0xa]  }
0x1f: {  	[tilespmem:s5], [sflag:$0xA] =	stream.linear.gather [hbm4b:s19+s0], $0x2800, $0x38;
	[tilespmem:$0x1F5E0] =	vst v63  }
0x20: {  	[spmem:s7], [sflag:s22] =	dma.local [hbm:s20], $0xEA6  }
0x21: {  	s4 =	rddreg [dreg:$0xb]  }
0x22: {  	s5 =	rddreg [dreg:$0xf]  }
0x23: {  	s6 =	rddreg [dreg:$0x10]  }
0x24: {  	[spmem:s6], [sflag:s5] =	dma.local [hbm:s4], $0xEA6  }
0x25: {  	_ =	swait.ge [sflag:s8], $0xEA6  }
0x26: {  	[sflag:s8] =	ssyncset.done $0x0  }
0x27: {  	[sflag:s8] =	ssyncadd.s32 $0xFFFFF15A  }
0x28: {  	_ =	swait.ge [sflag:s9], $0x2800  }
0x29: {  	[sflag:s9] =	ssyncset.done $0x0  }
0x2a: {  	[sflag:s9] =	ssyncadd.s32 $0xFFFFD800  }
0x2b: {  	_ =	swait.ge [sflag:s10], $0x2800  }
0x2c: {  	[sflag:s10] =	ssyncset.done $0x0  }
0x2d: {  	[sflag:s10] =	ssyncadd.s32 $0xFFFFD800  }
0x2e: {  	_ =	swait.ge [sflag:s11], $0xEA6  }
0x2f: {  	[sflag:s11] =	ssyncset.done $0x0  }
0x30: {  	[sflag:s11] =	ssyncadd.s32 $0xFFFFF15A  }
0x31: {  	s31 =	simm.s32 $0x5000;
	[bflag:$0x0] =	sbarrier.arrive $0xFFFF  }
0x32: {  	[tilespmem:s31], [sflag:$0x1] =	stream.indirect.gather [spmem:s3], $0x30, s0, s21, $0xb8;
	[tilespmem:$0x1F5E0] =	vst v63  }
0x33: {  	s7 =	simm.s32 $0x6770;
	s6 =	simm.s32 $0x80  }
0x34: {  	[tilespmem:s7], [sflag:$0x2] =	stream.indirect.gather [spmem:s3], $0x30, s6, s21, $0xb8;
	[tilespmem:$0x1F5E0] =	vst v63  }
0x35: {  	s8 =	simm.s32 $0x100;
	s9 =	simm.s32 $0x7EE0  }
0x36: {  	[tilespmem:s9], [sflag:$0x3] =	stream.indirect.gather [spmem:s3], $0x30, s8, s21, $0xb8;
	[tilespmem:$0x1F5E0] =	vst v63  }
0x37: {  	s10 =	simm.s32 $0x180;
	s11 =	simm.s32 $0x9650  }
0x38: {  	[tilespmem:s11], [sflag:$0x4] =	stream.indirect.gather [spmem:s3], $0x30, s10, s21, $0xb8;
	[tilespmem:$0x1F5E0] =	vst v63  }
0x39: {  	s12 =	simm.s32 $0x200;
	s1 =	simm.s32 $0xADC0;
	p0 =	por $0x1, $0x1  }
0x3a: {  	[tilespmem:s1], [sflag:$0x5] =	stream.indirect.gather [spmem:s3], $0x30, s12, s21, $0xb8;
	[tilespmem:$0x1F5E0] =	vst v63  }
0x3b: {  	s14 =	simm.s32 $0x280;
	s15 =	simm.s32 $0xC530;
	s0 =	simm.s32 @!p0 $0xF  }
0x3c: {  	[tilespmem:s15], [sflag:$0x6] =	stream.indirect.gather [spmem:s3], $0x30, s14, s21, $0xb8;
	[tilespmem:$0x1F5E0] =	vst v63  }
0x3d: {  	_ =	swait.ge @!p0 [sflag:s0], $0x1770  }
0x3e: {  	[sflag:s0] =	ssyncset.done @!p0 $0x0  }
0x3f: {  	s17 =	simm.s32 $0x300;
	s16 =	rddreg [dreg:$0x5];
	[sflag:s0] =	ssyncadd.s32 @!p0 $0xFFFFE890  }
0x40: {  	[tilespmem:s16], [sflag:$0x7] =	stream.indirect.gather [spmem:s3], $0x30, s17, s21, $0xb8;
	[tilespmem:$0x1F5E0] =	vst v63  }
0x41: {  	_ =	swait.ge [sflag:s13], $0x1770  }
0x42: {  	[sflag:s13] =	ssyncset.done $0x0  }
0x43: {  	s18 =	simm.s32 $0x2800;
	s4 =	simm.s32 @!p0 $0x10;
	[sflag:s13] =	ssyncadd.s32 $0xFFFFE890  }
0x44: {  	[spmem:s2] =	stream.indirect.scatter.add.f32 [tilespmem:s31], [sflag:$0x9], $0x30, s18, s21, $0xb8;
	[tilespmem:$0x1F5E0] =	vst v63  }
0x45: {  	_ =	swait.ge @!p0 [sflag:s4], $0x1770  }
0x46: {  	[sflag:s4] =	ssyncset.done @!p0 $0x0  }
0x47: {  	s19 =	simm.s32 $0x380;
	[sflag:s4] =	ssyncadd.s32 @!p0 $0xFFFFE890  }
0x48: {  	[tilespmem:s23], [sflag:$0x8] =	stream.indirect.gather [spmem:s3], $0x30, s19, s21, $0xb8;
	[tilespmem:$0x1F5E0] =	vst v63  }
0x49: {  	_ =	swait.ge [sflag:s25], $0x1770  }
0x4a: {  	p0 =	por $0x0, $0x0;
	[sflag:s25] =	ssyncset.done $0x0  }
0x4b: {  	s20 =	simm.s32 $0x2880;
	s5 =	simm.s32 @p0 $0x3;
	[sflag:s25] =	ssyncadd.s32 $0xFFFFE890  }
0x4c: {  	[spmem:s2] =	stream.indirect.scatter.add.f32 [tilespmem:s7], [sflag:$0xA], $0x30, s20, s21, $0xb8;
	[tilespmem:$0x1F5E0] =	vst v63  }
0x4d: {  	_ =	swait.ge @p0 [sflag:s5], $0x1770  }
0x4e: {  	s0 =	simm.s32 @p0 $0x2900;
	s4 =	simm.s32 @p0 $0x7D;
	[sflag:s5] =	ssyncset.done @p0 $0x0  }
0x4f: {  	s6 =	simm.s32 @p0 $0x7EE0;
	[sflag:s5] =	ssyncadd.s32 @p0 $0xFFFFE890;
	s5 =	simm.s32 @!p0 $0x9  }
0x50: {  	[spmem:s2] =	stream.indirect.scatter.add.f32 @p0 [tilespmem:s6], [sflag:$0xB], $0x30, s0, s4, $0xb8;
	[tilespmem:$0x1F5E0] =	vst v63  }
0x51: {  	_ =	swait.ge @!p0 [sflag:s5], $0x1770  }
0x52: {  	s7 =	simm.s32 @!p0 $0x5000;
	s6 =	simm.s32 @!p0 $0x400;
	[sflag:s5] =	ssyncset.done @!p0 $0x0  }
0x53: {  	s0 =	simm.s32 @!p0 $0x7D;
	[sflag:s5] =	ssyncadd.s32 @!p0 $0xFFFFE890;
	s5 =	simm.s32 @!p0 $0x3  }
0x54: {  	[tilespmem:s7], [sflag:$0x1] =	stream.indirect.gather @!p0 [spmem:s3], $0x30, s6, s0, $0xb8;
	[tilespmem:$0x1F5E0] =	vst v63  }
0x55: {  	_ =	swait.ge @!p0 [sflag:s5], $0x1770  }
0x56: {  	s6 =	simm.s32 @!p0 $0x2900;
	[sflag:s5] =	ssyncset.done @!p0 $0x0  }
0x57: {  	s7 =	simm.s32 @!p0 $0x7EE0;
	[sflag:s5] =	ssyncadd.s32 @!p0 $0xFFFFE890;
	s5 =	simm.s32 @!p0 $0xA  }
0x58: {  	[spmem:s2] =	stream.indirect.scatter.add.f32 @!p0 [tilespmem:s7], [sflag:$0xB], $0x30, s6, s0, $0xb8;
	[tilespmem:$0x1F5E0] =	vst v63  }
0x59: {  	_ =	swait.ge @!p0 [sflag:s5], $0x1770  }
0x5a: {  	[sflag:s5] =	ssyncset.done @!p0 $0x0  }
0x5b: {  	s6 =	simm.s32 @!p0 $0x480;
	[sflag:s5] =	ssyncadd.s32 @!p0 $0xFFFFE890;
	s5 =	simm.s32 @!p0 $0x6770  }
0x5c: {  	[tilespmem:s5], [sflag:$0x2] =	stream.indirect.gather @!p0 [spmem:s3], $0x30, s6, s0, $0xb8;
	[tilespmem:$0x1F5E0] =	vst v63  }
0x5d: {  	_ =	swait.ge [sflag:s26], $0x1770  }
0x5e: {  	[sflag:s26] =	ssyncset.done $0x0  }
0x5f: {  	s22 =	simm.s32 $0x2980;
	s6 =	simm.s32 @p0 $0x5;
	[sflag:s26] =	ssyncadd.s32 $0xFFFFE890  }
0x60: {  	[spmem:s2] =	stream.indirect.scatter.add.f32 [tilespmem:s11], [sflag:$0xC], $0x30, s22, s21, $0xb8;
	[tilespmem:$0x1F5E0] =	vst v63  }
0x61: {  	_ =	swait.ge @p0 [sflag:s6], $0x1770  }
0x62: {  	[sflag:s6] =	ssyncset.done @p0 $0x0  }
0x63: {  	s5 =	simm.s32 @p0 $0x2A00;
	[sflag:s6] =	ssyncadd.s32 @p0 $0xFFFFE890;
	s6 =	simm.s32 @p0 $0xADC0  }
0x64: {  	[spmem:s2] =	stream.indirect.scatter.add.f32 @p0 [tilespmem:s6], [sflag:$0xD], $0x30, s5, s4, $0xb8;
	[tilespmem:$0x1F5E0] =	vst v63  }
0x65: {  	s5 =	simm.s32 @!p0 $0xB  }
0x66: {  	_ =	swait.ge @!p0 [sflag:s5], $0x1770  }
0x67: {  	[sflag:s5] =	ssyncset.done @!p0 $0x0  }
0x68: {  	s6 =	simm.s32 @!p0 $0x500;
	[sflag:s5] =	ssyncadd.s32 @!p0 $0xFFFFE890;
	s5 =	simm.s32 @!p0 $0x5  }
0x69: {  	[tilespmem:s7], [sflag:$0x3] =	stream.indirect.gather @!p0 [spmem:s3], $0x30, s6, s0, $0xb8;
	[tilespmem:$0x1F5E0] =	vst v63  }
0x6a: {  	_ =	swait.ge @!p0 [sflag:s5], $0x1770  }
0x6b: {  	s6 =	simm.s32 @!p0 $0x2A00;
	[sflag:s5] =	ssyncset.done @!p0 $0x0  }
0x6c: {  	s7 =	simm.s32 @!p0 $0xADC0;
	[sflag:s5] =	ssyncadd.s32 @!p0 $0xFFFFE890;
	s5 =	simm.s32 @!p0 $0xC  }
0x6d: {  	[spmem:s2] =	stream.indirect.scatter.add.f32 @!p0 [tilespmem:s7], [sflag:$0xD], $0x30, s6, s0, $0xb8;
	[tilespmem:$0x1F5E0] =	vst v63  }
0x6e: {  	_ =	swait.ge @!p0 [sflag:s5], $0x1770  }
0x6f: {  	[sflag:s5] =	ssyncset.done @!p0 $0x0  }
0x70: {  	s6 =	simm.s32 @!p0 $0x580;
	[sflag:s5] =	ssyncadd.s32 @!p0 $0xFFFFE890;
	s5 =	simm.s32 @!p0 $0x9650  }
0x71: {  	[tilespmem:s5], [sflag:$0x4] =	stream.indirect.gather @!p0 [spmem:s3], $0x30, s6, s0, $0xb8;
	[tilespmem:$0x1F5E0] =	vst v63  }
0x72: {  	_ =	swait.ge [sflag:s28], $0x1770  }
0x73: {  	[sflag:s28] =	ssyncset.done $0x0  }
0x74: {  	s31 =	simm.s32 $0x2A80;
	s6 =	simm.s32 @p0 $0x7;
	[sflag:s28] =	ssyncadd.s32 $0xFFFFE890  }
0x75: {  	[spmem:s2] =	stream.indirect.scatter.add.f32 [tilespmem:s15], [sflag:$0xE], $0x30, s31, s21, $0xb8;
	[tilespmem:$0x1F5E0] =	vst v63  }
0x76: {  	_ =	swait.ge @p0 [sflag:s6], $0x1770  }
0x77: {  	[sflag:s6] =	ssyncset.done @p0 $0x0  }
0x78: {  	s5 =	simm.s32 @p0 $0x2B00;
	[sflag:s6] =	ssyncadd.s32 @p0 $0xFFFFE890;
	s6 =	simm.s32 @p0 $0xDCA0  }
0x79: {  	[spmem:s2] =	stream.indirect.scatter.add.f32 @p0 [tilespmem:s6], [sflag:$0xF], $0x30, s5, s4, $0xb8;
	[tilespmem:$0x1F5E0] =	vst v63  }
0x7a: {  	s4 =	simm.s32 @!p0 $0xD  }
0x7b: {  	_ =	swait.ge @!p0 [sflag:s4], $0x1770  }
0x7c: {  	[sflag:s4] =	ssyncset.done @!p0 $0x0  }
0x7d: {  	[sflag:s4] =	ssyncadd.s32 @!p0 $0xFFFFE890;
	s4 =	simm.s32 @!p0 $0x600  }
0x7e: {  	[tilespmem:s7], [sflag:$0x5] =	stream.indirect.gather @!p0 [spmem:s3], $0x30, s4, s0, $0xb8;
	[tilespmem:$0x1F5E0] =	vst v63  }
0x7f: {  	s4 =	simm.s32 @!p0 $0x7  }
0x80: {  	_ =	swait.ge @!p0 [sflag:s4], $0x1770  }
0x81: {  	[sflag:s4] =	ssyncset.done @!p0 $0x0  }
0x82: {  	s5 =	simm.s32 @!p0 $0x2B00;
	[sflag:s4] =	ssyncadd.s32 @!p0 $0xFFFFE890;
	s4 =	simm.s32 @!p0 $0xDCA0  }
0x83: {  	[spmem:s2] =	stream.indirect.scatter.add.f32 @!p0 [tilespmem:s4], [sflag:$0xF], $0x30, s5, s0, $0xb8;
	[tilespmem:$0x1F5E0] =	vst v63  }
0x84: {  	s4 =	simm.s32 @!p0 $0xE  }
0x85: {  	p1 =	por $0x0, $0x0;
	_ =	swait.ge @!p0 [sflag:s4], $0x1770  }
0x86: {  	s10 =	simm.s32 $0x2000;
	s1 =	simm.s32 $0xC530;
	[sflag:s4] =	ssyncset.done @!p0 $0x0  }
0x87: {  	s5 =	simm.s32 @!p0 $0x680;
	[sflag:s4] =	ssyncadd.s32 @!p0 $0xFFFFE890;
	s4 =	simm.s32 @!p0 $0xC530  }
0x88: {  	[tilespmem:s4], [sflag:$0x6] =	stream.indirect.gather @!p0 [spmem:s3], $0x30, s5, s0, $0xb8;
	[tilespmem:$0x1F5E0] =	vst v63  }
0x89: {  	s12 =	simm.s32 $0x1000;
	s11 =	simm.s32 $0x2B80;
	_ =	swait.ge [sflag:s30], $0x1770  }
.LBB2_2:
0x8a: {  	[sflag:s30] =	ssyncset.done $0x0  }
0x8b: {  	s0 =	simm.s32 @!p1 $0xF;
	[sflag:s30] =	ssyncadd.s32 $0xFFFFE890  }
0x8c: {  	[spmem:s2] =	stream.indirect.scatter.add.f32 [tilespmem:s23], [sflag:$0x10], $0x30, s11, s21, $0xb8;
	[tilespmem:$0x1F5E0] =	vst v63  }
0x8d: {  	_ =	swait.ge @!p1 [sflag:s0], $0x1770  }
0x8e: {  	s15 =	sshra.s32 s12, $0x2;
	[sflag:s0] =	ssyncset.done @!p1 $0x0  }
0x8f: {  	s6 =	sadd.s32 $0x300, s15;
	s5 =	rddreg [dreg:$0x5];
	[sflag:s0] =	ssyncadd.s32 @!p1 $0xFFFFE890  }
0x90: {  	[tilespmem:s5], [sflag:$0x7] =	stream.indirect.gather [spmem:s3], $0x30, s6, s21, $0xb8;
	[tilespmem:$0x1F5E0] =	vst v63  }
0x91: {  	_ =	swait.ge [sflag:s13], $0x1770  }
0x92: {  	[sflag:s13] =	ssyncset.done $0x0  }
0x93: {  	s7 =	sadd.s32 $0x2800, s15;
	s5 =	simm.s32 @!p1 $0x10;
	[sflag:s13] =	ssyncadd.s32 $0xFFFFE890  }
0x94: {  	[spmem:s2] =	stream.indirect.scatter.add.f32 [tilespmem:s24], [sflag:$0x9], $0x30, s7, s21, $0xb8;
	[tilespmem:$0x1F5E0] =	vst v63  }
0x95: {  	_ =	swait.ge @!p1 [sflag:s5], $0x1770  }
0x96: {  	[sflag:s5] =	ssyncset.done @!p1 $0x0  }
0x97: {  	s8 =	sadd.s32 $0x380, s15;
	[sflag:s5] =	ssyncadd.s32 @!p1 $0xFFFFE890  }
0x98: {  	[tilespmem:s23], [sflag:$0x8] =	stream.indirect.gather [spmem:s3], $0x30, s8, s21, $0xb8;
	[tilespmem:$0x1F5E0] =	vst v63  }
0x99: {  	_ =	swait.ge [sflag:s25], $0x1770  }
0x9a: {  	p1 =	seq.s32 s12, $0x9000;
	[sflag:s25] =	ssyncset.done $0x0  }
0x9b: {  	s9 =	sadd.s32 $0x2880, s15;
	s5 =	simm.s32 @p1 $0x3;
	[sflag:s25] =	ssyncadd.s32 $0xFFFFE890  }
0x9c: {  	[spmem:s2] =	stream.indirect.scatter.add.f32 [tilespmem:s29], [sflag:$0xA], $0x30, s9, s21, $0xb8;
	[tilespmem:$0x1F5E0] =	vst v63  }
0x9d: {  	s6 =	sshra.s32 @p1 s12, $0x2;
	_ =	swait.ge @p1 [sflag:s5], $0x1770  }
0x9e: {  	s8 =	simm.s32 @p1 $0x7D;
	s7 =	simm.s32 @p1 $0x7EE0;
	[sflag:s5] =	ssyncset.done @p1 $0x0  }
0x9f: {  	s0 =	sadd.s32 @p1 $0x2900, s6;
	[sflag:s5] =	ssyncadd.s32 @p1 $0xFFFFE890;
	s5 =	simm.s32 @!p1 $0x9  }
0xa0: {  	[spmem:s2] =	stream.indirect.scatter.add.f32 @p1 [tilespmem:s7], [sflag:$0xB], $0x30, s0, s8, $0xb8;
	[tilespmem:$0x1F5E0] =	vst v63  }
0xa1: {  	s12 =	sshra.s32 @!p1 s12, $0x2;
	_ =	swait.ge @!p1 [sflag:s5], $0x1770  }
0xa2: {  	s16 =	simm.s32 @!p1 $0x7D;
	s31 =	sadd.s32 @!p1 $0x400, s12;
	[sflag:s5] =	ssyncset.done @!p1 $0x0  }
0xa3: {  	s7 =	simm.s32 @!p1 $0x5000;
	[sflag:s5] =	ssyncadd.s32 @!p1 $0xFFFFE890;
	s5 =	simm.s32 @!p1 $0x3  }
0xa4: {  	[tilespmem:s7], [sflag:$0x1] =	stream.indirect.gather @!p1 [spmem:s3], $0x30, s31, s16, $0xb8;
	[tilespmem:$0x1F5E0] =	vst v63  }
0xa5: {  	_ =	swait.ge @!p1 [sflag:s5], $0x1770  }
0xa6: {  	s20 =	simm.s32 @!p1 $0x7EE0;
	[sflag:s5] =	ssyncset.done @!p1 $0x0  }
0xa7: {  	s9 =	simm.s32 @!p1 $0xA;
	s0 =	sadd.s32 @!p1 $0x2900, s12;
	[sflag:s5] =	ssyncadd.s32 @!p1 $0xFFFFE890  }
0xa8: {  	[spmem:s2] =	stream.indirect.scatter.add.f32 @!p1 [tilespmem:s20], [sflag:$0xB], $0x30, s0, s16, $0xb8;
	[tilespmem:$0x1F5E0] =	vst v63  }
0xa9: {  	_ =	swait.ge @!p1 [sflag:s9], $0x1770  }
0xaa: {  	s4 =	smov.u32 s10;
	s22 =	simm.s32 @!p1 $0x6770;
	[sflag:s9] =	ssyncset.done @!p1 $0x0  }
0xab: {  	s14 =	sadd.s32 @!p1 $0x480, s12;
	s17 =	sadd.s32 @p1 $0x2A00, s6;
	[sflag:s9] =	ssyncadd.s32 @!p1 $0xFFFFE890  }
0xac: {  	[tilespmem:s22], [sflag:$0x2] =	stream.indirect.gather @!p1 [spmem:s3], $0x30, s14, s16, $0xb8;
	[tilespmem:$0x1F5E0] =	vst v63  }
0xad: {  	s18 =	sadd.s32 @!p1 $0x500, s12;
	s19 =	sadd.s32 @!p1 $0x2A00, s12;
	_ =	swait.ge [sflag:s26], $0x1770  }
0xae: {  	s7 =	sadd.s32 @!p1 $0x580, s12;
	s9 =	simm.s32 @p1 $0x5;
	[sflag:s26] =	ssyncset.done $0x0  }
0xaf: {  	s14 =	sadd.s32 $0x2980, s15;
	s22 =	simm.s32 $0x9650;
	[sflag:s26] =	ssyncadd.s32 $0xFFFFE890  }
0xb0: {  	[spmem:s2] =	stream.indirect.scatter.add.f32 [tilespmem:s22], [sflag:$0xC], $0x30, s14, s21, $0xb8;
	[tilespmem:$0x1F5E0] =	vst v63  }
0xb1: {  	s31 =	sadd.s32 @!p1 $0x680, s12;
	s5 =	sadd.s32 @!p1 $0x600, s12;
	_ =	swait.ge @p1 [sflag:s9], $0x1770  }
0xb2: {  	s0 =	sadd.s32 @!p1 $0x2B00, s12;
	s12 =	smov.u32 s4;
	[sflag:s9] =	ssyncset.done @p1 $0x0  }
0xb3: {  	s4 =	simm.s32 @p1 $0xADC0;
	[sflag:s9] =	ssyncadd.s32 @p1 $0xFFFFE890;
	s9 =	simm.s32 @!p1 $0xB  }
0xb4: {  	[spmem:s2] =	stream.indirect.scatter.add.f32 @p1 [tilespmem:s4], [sflag:$0xD], $0x30, s17, s8, $0xb8;
	[tilespmem:$0x1F5E0] =	vst v63  }
0xb5: {  	_ =	swait.ge @!p1 [sflag:s9], $0x1770  }
0xb6: {  	[sflag:s9] =	ssyncset.done @!p1 $0x0  }
0xb7: {  	s4 =	simm.s32 @!p1 $0x5;
	[sflag:s9] =	ssyncadd.s32 @!p1 $0xFFFFE890  }
0xb8: {  	[tilespmem:s20], [sflag:$0x3] =	stream.indirect.gather @!p1 [spmem:s3], $0x30, s18, s16, $0xb8;
	[tilespmem:$0x1F5E0] =	vst v63  }
0xb9: {  	_ =	swait.ge @!p1 [sflag:s4], $0x1770  }
0xba: {  	[sflag:s4] =	ssyncset.done @!p1 $0x0  }
0xbb: {  	s9 =	simm.s32 @!p1 $0xADC0;
	[sflag:s4] =	ssyncadd.s32 @!p1 $0xFFFFE890;
	s4 =	simm.s32 @!p1 $0xC  }
0xbc: {  	[spmem:s2] =	stream.indirect.scatter.add.f32 @!p1 [tilespmem:s9], [sflag:$0xD], $0x30, s19, s16, $0xb8;
	[tilespmem:$0x1F5E0] =	vst v63  }
0xbd: {  	_ =	swait.ge @!p1 [sflag:s4], $0x1770  }
0xbe: {  	[sflag:s4] =	ssyncset.done @!p1 $0x0  }
0xbf: {  	s14 =	simm.s32 @!p1 $0x9650;
	[sflag:s4] =	ssyncadd.s32 @!p1 $0xFFFFE890  }
0xc0: {  	[tilespmem:s14], [sflag:$0x4] =	stream.indirect.gather @!p1 [spmem:s3], $0x30, s7, s16, $0xb8;
	[tilespmem:$0x1F5E0] =	vst v63  }
0xc1: {  	_ =	swait.ge [sflag:s28], $0x1770  }
0xc2: {  	[sflag:s28] =	ssyncset.done $0x0  }
0xc3: {  	s22 =	sadd.s32 $0x2A80, s15;
	s7 =	simm.s32 @p1 $0x7;
	[sflag:s28] =	ssyncadd.s32 $0xFFFFE890  }
0xc4: {  	[spmem:s2] =	stream.indirect.scatter.add.f32 [tilespmem:s1], [sflag:$0xE], $0x30, s22, s21, $0xb8;
	[tilespmem:$0x1F5E0] =	vst v63  }
0xc5: {  	_ =	swait.ge @p1 [sflag:s7], $0x1770  }
0xc6: {  	s6 =	sadd.s32 @p1 $0x2B00, s6;
	[sflag:s7] =	ssyncset.done @p1 $0x0  }
0xc7: {  	s4 =	simm.s32 @p1 $0xDCA0;
	[sflag:s7] =	ssyncadd.s32 @p1 $0xFFFFE890;
	s7 =	simm.s32 @!p1 $0xD  }
0xc8: {  	[spmem:s2] =	stream.indirect.scatter.add.f32 @p1 [tilespmem:s4], [sflag:$0xF], $0x30, s6, s8, $0xb8;
	[tilespmem:$0x1F5E0] =	vst v63  }
0xc9: {  	_ =	swait.ge @!p1 [sflag:s7], $0x1770  }
0xca: {  	[sflag:s7] =	ssyncset.done @!p1 $0x0  }
0xcb: {  	s4 =	simm.s32 @!p1 $0x7;
	[sflag:s7] =	ssyncadd.s32 @!p1 $0xFFFFE890  }
0xcc: {  	[tilespmem:s9], [sflag:$0x5] =	stream.indirect.gather @!p1 [spmem:s3], $0x30, s5, s16, $0xb8;
	[tilespmem:$0x1F5E0] =	vst v63  }
0xcd: {  	s10 =	sadd.s32 $0x1000, s10;
	_ =	swait.ge @!p1 [sflag:s4], $0x1770  }
0xce: {  	p0 =	sne.s32 s10, $0xA000;
	[sflag:s4] =	ssyncset.done @!p1 $0x0  }
0xcf: {  	s5 =	simm.s32 @!p1 $0xDCA0;
	[sflag:s4] =	ssyncadd.s32 @!p1 $0xFFFFE890;
	s4 =	simm.s32 @!p1 $0xE  }
0xd0: {  	[spmem:s2] =	stream.indirect.scatter.add.f32 @!p1 [tilespmem:s5], [sflag:$0xF], $0x30, s0, s16, $0xb8;
	[tilespmem:$0x1F5E0] =	vst v63  }
.Ltmp0:
0xd1: {  	_ =	swait.ge @!p1 [sflag:s4], $0x1770;
	(pc) =	sbr.rel @p0 .LBB2_2-.Ltmp0, $4  }
0xd2: {  	[sflag:s4] =	ssyncset.done @!p1 $0x0  }
0xd3: {  	s0 =	simm.s32 @!p1 $0xC530;
	[sflag:s4] =	ssyncadd.s32 @!p1 $0xFFFFE890  }
0xd4: {  	[tilespmem:s0], [sflag:$0x6] =	stream.indirect.gather @!p1 [spmem:s3], $0x30, s31, s16, $0xb8;
	[tilespmem:$0x1F5E0] =	vst v63  }
0xd5: {  	s11 =	sadd.s32 $0x2B80, s15;
	p1 =	seq.s32 s12, $0x0;
	_ =	swait.ge [sflag:s30], $0x1770  }
0xd6: {  	[sflag:s30] =	ssyncset.done $0x0  }
0xd7: {  	s0 =	simm.s32 @!p1 $0xF;
	[sflag:s30] =	ssyncadd.s32 $0xFFFFE890  }
0xd8: {  	[spmem:s2] =	stream.indirect.scatter.add.f32 [tilespmem:s23], [sflag:$0x10], $0x30, s11, s21, $0xb8;
	[tilespmem:$0x1F5E0] =	vst v63  }
0xd9: {  	_ =	swait.ge @!p1 [sflag:s0], $0x1770  }
0xda: {  	s10 =	sshra.s32 s12, $0x2;
	[sflag:s0] =	ssyncset.done @!p1 $0x0  }
0xdb: {  	s17 =	sadd.s32 $0x300, s10;
	s4 =	rddreg [dreg:$0x5];
	[sflag:s0] =	ssyncadd.s32 @!p1 $0xFFFFE890  }
0xdc: {  	[tilespmem:s4], [sflag:$0x7] =	stream.indirect.gather [spmem:s3], $0x30, s17, s21, $0xb8;
	[tilespmem:$0x1F5E0] =	vst v63  }
0xdd: {  	_ =	swait.ge [sflag:s13], $0x1770  }
0xde: {  	[sflag:s13] =	ssyncset.done $0x0  }
0xdf: {  	s18 =	sadd.s32 $0x2800, s10;
	s4 =	simm.s32 @!p1 $0x10;
	[sflag:s13] =	ssyncadd.s32 $0xFFFFE890  }
0xe0: {  	[spmem:s2] =	stream.indirect.scatter.add.f32 [tilespmem:s24], [sflag:$0x9], $0x30, s18, s21, $0xb8;
	[tilespmem:$0x1F5E0] =	vst v63  }
0xe1: {  	_ =	swait.ge @!p1 [sflag:s4], $0x1770  }
0xe2: {  	[sflag:s4] =	ssyncset.done @!p1 $0x0  }
0xe3: {  	s19 =	sadd.s32 $0x380, s10;
	[sflag:s4] =	ssyncadd.s32 @!p1 $0xFFFFE890  }
0xe4: {  	[tilespmem:s23], [sflag:$0x8] =	stream.indirect.gather [spmem:s3], $0x30, s19, s21, $0xb8;
	[tilespmem:$0x1F5E0] =	vst v63  }
0xe5: {  	_ =	swait.ge [sflag:s25], $0x1770  }
0xe6: {  	p0 =	seq.s32 s12, $0x9000;
	[sflag:s25] =	ssyncset.done $0x0  }
0xe7: {  	s20 =	sadd.s32 $0x2880, s10;
	s4 =	simm.s32 @p0 $0x3;
	[sflag:s25] =	ssyncadd.s32 $0xFFFFE890  }
0xe8: {  	[spmem:s2] =	stream.indirect.scatter.add.f32 [tilespmem:s29], [sflag:$0xA], $0x30, s20, s21, $0xb8;
	[tilespmem:$0x1F5E0] =	vst v63  }
0xe9: {  	s5 =	sshra.s32 @p0 s12, $0x2;
	_ =	swait.ge @p0 [sflag:s4], $0x1770  }
0xea: {  	s6 =	simm.s32 @p0 $0x7D;
	s7 =	simm.s32 @p0 $0x7EE0;
	[sflag:s4] =	ssyncset.done @p0 $0x0  }
0xeb: {  	s8 =	simm.s32 @!p0 $0x9;
	s0 =	sadd.s32 @p0 $0x2900, s5;
	[sflag:s4] =	ssyncadd.s32 @p0 $0xFFFFE890  }
0xec: {  	[spmem:s2] =	stream.indirect.scatter.add.f32 @p0 [tilespmem:s7], [sflag:$0xB], $0x30, s0, s6, $0xb8;
	[tilespmem:$0x1F5E0] =	vst v63  }
0xed: {  	s9 =	simm.s32 @!p0 $0x5000;
	_ =	swait.ge @!p0 [sflag:s8], $0x1770  }
0xee: {  	s4 =	simm.s32 @!p0 $0x7D;
	s0 =	sshra.s32 @!p0 s12, $0x2;
	[sflag:s8] =	ssyncset.done @!p0 $0x0  }
0xef: {  	s7 =	sadd.s32 @!p0 $0x400, s0;
	[sflag:s8] =	ssyncadd.s32 @!p0 $0xFFFFE890;
	s8 =	simm.s32 @!p0 $0x3  }
0xf0: {  	[tilespmem:s9], [sflag:$0x1] =	stream.indirect.gather @!p0 [spmem:s3], $0x30, s7, s4, $0xb8;
	[tilespmem:$0x1F5E0] =	vst v63  }
0xf1: {  	_ =	swait.ge @!p0 [sflag:s8], $0x1770  }
0xf2: {  	s7 =	sadd.s32 @!p0 $0x2900, s0;
	[sflag:s8] =	ssyncset.done @!p0 $0x0  }
0xf3: {  	s9 =	simm.s32 @!p0 $0x7EE0;
	[sflag:s8] =	ssyncadd.s32 @!p0 $0xFFFFE890;
	s8 =	simm.s32 @!p0 $0xA  }
0xf4: {  	[spmem:s2] =	stream.indirect.scatter.add.f32 @!p0 [tilespmem:s9], [sflag:$0xB], $0x30, s7, s4, $0xb8;
	[tilespmem:$0x1F5E0] =	vst v63  }
0xf5: {  	_ =	swait.ge @!p0 [sflag:s8], $0x1770  }
0xf6: {  	[sflag:s8] =	ssyncset.done @!p0 $0x0  }
0xf7: {  	s7 =	sadd.s32 @!p0 $0x480, s0;
	[sflag:s8] =	ssyncadd.s32 @!p0 $0xFFFFE890;
	s8 =	simm.s32 @!p0 $0x6770  }
0xf8: {  	[tilespmem:s8], [sflag:$0x2] =	stream.indirect.gather @!p0 [spmem:s3], $0x30, s7, s4, $0xb8;
	[tilespmem:$0x1F5E0] =	vst v63  }
0xf9: {  	_ =	swait.ge [sflag:s26], $0x1770  }
0xfa: {  	s31 =	simm.s32 $0x9650;
	[sflag:s26] =	ssyncset.done $0x0  }
0xfb: {  	s22 =	sadd.s32 $0x2980, s10;
	s8 =	simm.s32 @p0 $0x5;
	[sflag:s26] =	ssyncadd.s32 $0xFFFFE890  }
0xfc: {  	[spmem:s2] =	stream.indirect.scatter.add.f32 [tilespmem:s31], [sflag:$0xC], $0x30, s22, s21, $0xb8;
	[tilespmem:$0x1F5E0] =	vst v63  }
0xfd: {  	_ =	swait.ge @p0 [sflag:s8], $0x1770  }
0xfe: {  	[sflag:s8] =	ssyncset.done @p0 $0x0  }
0xff: {  	s7 =	sadd.s32 @p0 $0x2A00, s5;
	[sflag:s8] =	ssyncadd.s32 @p0 $0xFFFFE890;
	s8 =	simm.s32 @p0 $0xADC0  }
0x100: {  	[spmem:s2] =	stream.indirect.scatter.add.f32 @p0 [tilespmem:s8], [sflag:$0xD], $0x30, s7, s6, $0xb8;
	[tilespmem:$0x1F5E0] =	vst v63  }
0x101: {  	s7 =	simm.s32 @!p0 $0xB  }
0x102: {  	_ =	swait.ge @!p0 [sflag:s7], $0x1770  }
0x103: {  	[sflag:s7] =	ssyncset.done @!p0 $0x0  }
0x104: {  	s8 =	sadd.s32 @!p0 $0x500, s0;
	[sflag:s7] =	ssyncadd.s32 @!p0 $0xFFFFE890;
	s7 =	simm.s32 @!p0 $0x5  }
0x105: {  	[tilespmem:s9], [sflag:$0x3] =	stream.indirect.gather @!p0 [spmem:s3], $0x30, s8, s4, $0xb8;
	[tilespmem:$0x1F5E0] =	vst v63  }
0x106: {  	_ =	swait.ge @!p0 [sflag:s7], $0x1770  }
0x107: {  	s8 =	sadd.s32 @!p0 $0x2A00, s0;
	[sflag:s7] =	ssyncset.done @!p0 $0x0  }
0x108: {  	s9 =	simm.s32 @!p0 $0xADC0;
	[sflag:s7] =	ssyncadd.s32 @!p0 $0xFFFFE890;
	s7 =	simm.s32 @!p0 $0xC  }
0x109: {  	[spmem:s2] =	stream.indirect.scatter.add.f32 @!p0 [tilespmem:s9], [sflag:$0xD], $0x30, s8, s4, $0xb8;
	[tilespmem:$0x1F5E0] =	vst v63  }
0x10a: {  	_ =	swait.ge @!p0 [sflag:s7], $0x1770  }
0x10b: {  	[sflag:s7] =	ssyncset.done @!p0 $0x0  }
0x10c: {  	s8 =	sadd.s32 @!p0 $0x580, s0;
	[sflag:s7] =	ssyncadd.s32 @!p0 $0xFFFFE890;
	s7 =	simm.s32 @!p0 $0x9650  }
0x10d: {  	[tilespmem:s7], [sflag:$0x4] =	stream.indirect.gather @!p0 [spmem:s3], $0x30, s8, s4, $0xb8;
	[tilespmem:$0x1F5E0] =	vst v63  }
0x10e: {  	_ =	swait.ge [sflag:s28], $0x1770  }
0x10f: {  	[sflag:s28] =	ssyncset.done $0x0  }
0x110: {  	s11 =	sadd.s32 $0x2A80, s10;
	s7 =	simm.s32 @p0 $0x7;
	[sflag:s28] =	ssyncadd.s32 $0xFFFFE890  }
0x111: {  	[spmem:s2] =	stream.indirect.scatter.add.f32 [tilespmem:s1], [sflag:$0xE], $0x30, s11, s21, $0xb8;
	[tilespmem:$0x1F5E0] =	vst v63  }
0x112: {  	_ =	swait.ge @p0 [sflag:s7], $0x1770  }
0x113: {  	[sflag:s7] =	ssyncset.done @p0 $0x0  }
0x114: {  	s5 =	sadd.s32 @p0 $0x2B00, s5;
	[sflag:s7] =	ssyncadd.s32 @p0 $0xFFFFE890;
	s7 =	simm.s32 @p0 $0xDCA0  }
0x115: {  	[spmem:s2] =	stream.indirect.scatter.add.f32 @p0 [tilespmem:s7], [sflag:$0xF], $0x30, s5, s6, $0xb8;
	[tilespmem:$0x1F5E0] =	vst v63  }
0x116: {  	s5 =	simm.s32 @!p0 $0xD  }
0x117: {  	_ =	swait.ge @!p0 [sflag:s5], $0x1770  }
0x118: {  	[sflag:s5] =	ssyncset.done @!p0 $0x0  }
0x119: {  	[sflag:s5] =	ssyncadd.s32 @!p0 $0xFFFFE890;
	s5 =	sadd.s32 @!p0 $0x600, s0  }
0x11a: {  	[tilespmem:s9], [sflag:$0x5] =	stream.indirect.gather @!p0 [spmem:s3], $0x30, s5, s4, $0xb8;
	[tilespmem:$0x1F5E0] =	vst v63  }
0x11b: {  	s5 =	simm.s32 @!p0 $0x7  }
0x11c: {  	_ =	swait.ge @!p0 [sflag:s5], $0x1770  }
0x11d: {  	[sflag:s5] =	ssyncset.done @!p0 $0x0  }
0x11e: {  	s6 =	sadd.s32 @!p0 $0x2B00, s0;
	[sflag:s5] =	ssyncadd.s32 @!p0 $0xFFFFE890;
	s5 =	simm.s32 @!p0 $0xDCA0  }
0x11f: {  	[spmem:s2] =	stream.indirect.scatter.add.f32 @!p0 [tilespmem:s5], [sflag:$0xF], $0x30, s6, s4, $0xb8;
	[tilespmem:$0x1F5E0] =	vst v63  }
0x120: {  	s5 =	simm.s32 @!p0 $0xE  }
0x121: {  	_ =	swait.ge @!p0 [sflag:s5], $0x1770  }
0x122: {  	[sflag:s5] =	ssyncset.done @!p0 $0x0  }
0x123: {  	s0 =	sadd.s32 @!p0 $0x680, s0;
	[sflag:s5] =	ssyncadd.s32 @!p0 $0xFFFFE890;
	s5 =	simm.s32 @!p0 $0xC530  }
0x124: {  	[tilespmem:s5], [sflag:$0x6] =	stream.indirect.gather @!p0 [spmem:s3], $0x30, s0, s4, $0xb8;
	[tilespmem:$0x1F5E0] =	vst v63  }
0x125: {  	_ =	swait.ge [sflag:s30], $0x1770  }
0x126: {  	[sflag:s30] =	ssyncset.done $0x0  }
0x127: {  	s12 =	sadd.s32 $0x2B80, s10;
	s9 =	simm.s32 $0x9;
	[sflag:s30] =	ssyncadd.s32 $0xFFFFE890  }
0x128: {  	[spmem:s2] =	stream.indirect.scatter.add.f32 [tilespmem:s23], [sflag:$0x10], $0x30, s12, s21, $0xb8;
	[tilespmem:$0x1F5E0] =	vst v63  }
0x129: {  	_ =	swait.ge [sflag:s9], $0x1770  }
0x12a: {  	[sflag:s9] =	ssyncset.done $0x0  }
0x12b: {  	s10 =	simm.s32 $0xA;
	[sflag:s9] =	ssyncadd.s32 $0xFFFFE890  }
0x12c: {  	_ =	swait.ge [sflag:s10], $0x1770  }
0x12d: {  	[sflag:s10] =	ssyncset.done $0x0  }
0x12e: {  	s11 =	simm.s32 $0xB;
	[sflag:s10] =	ssyncadd.s32 $0xFFFFE890  }
0x12f: {  	_ =	swait.ge [sflag:s11], $0x1770  }
0x130: {  	[sflag:s11] =	ssyncset.done $0x0  }
0x131: {  	s8 =	simm.s32 $0xC;
	[sflag:s11] =	ssyncadd.s32 $0xFFFFE890  }
0x132: {  	_ =	swait.ge [sflag:s8], $0x1770  }
0x133: {  	[sflag:s8] =	ssyncset.done $0x0  }
0x134: {  	s14 =	simm.s32 $0xD;
	[sflag:s8] =	ssyncadd.s32 $0xFFFFE890  }
0x135: {  	_ =	swait.ge [sflag:s14], $0x1770  }
0x136: {  	[sflag:s14] =	ssyncset.done $0x0  }
0x137: {  	s15 =	simm.s32 $0xE;
	[sflag:s14] =	ssyncadd.s32 $0xFFFFE890  }
0x138: {  	_ =	swait.ge [sflag:s15], $0x1770  }
0x139: {  	[sflag:s15] =	ssyncset.done $0x0  }
0x13a: {  	s16 =	simm.s32 $0xF;
	[sflag:s15] =	ssyncadd.s32 $0xFFFFE890  }
0x13b: {  	_ =	swait.ge [sflag:s16], $0x1770  }
0x13c: {  	[sflag:s16] =	ssyncset.done $0x0  }
0x13d: {  	s17 =	simm.s32 $0x10;
	[sflag:s16] =	ssyncadd.s32 $0xFFFFE890  }
0x13e: {  	_ =	swait.ge [sflag:s17], $0x1770  }
0x13f: {  	[sflag:s17] =	ssyncset.done $0x0  }
0x140: {  	[sflag:s17] =	ssyncadd.s32 $0xFFFFE890  }
0x141: {  	[bflag:$0x0] =	sbarrier.arrive $0xFFFF  }
0x142: {  	s18 =	rddreg [dreg:$0x9]  }
0x143: {  	s19 =	rddreg [dreg:$0xc]  }
0x144: {  	s20 =	simm.s32 $0x11;
	s7 =	rddreg [dreg:$0xe];
	s0 =	sor.u32 $0x1C11, s18  }
0x145: {  	[hbm:s19], [sflag:s0] =	dma.local [spmem:s7], $0xEA6  }
0x146: {  	_ =	swait.ge [sflag:s20], $0xEA6  }
0x147: {  	s22 =	rddreg [dreg:$0x11]  }
0x148: {  	s31 =	rddreg [dreg:$0xd];
	s4 =	sadd.s32 $0x1, s22  }
0x149: {  	p0 =	sne.s32 s4, s31  }
.Ltmp1:
0x14a: {  	_ = 	snop;
	(pc) =	sbr.rel @p0 .LBB2_1-.Ltmp1, $3  }
0x14b: {  	_ =	sdelay $0x1  }
0x14c: {  	[sflag:s20] =	ssyncset.done $0x0  }
0x14d: {  	[sflag:s20] =	ssyncadd.s32 $0xFFFFF15A  }
0x14e: {  	_ =	sfence.sel $0x180000  }
0x14f: {  	[bflag:$0x0] =	sbarrier.arrive $0xFFFF  }
0x150: {  	_ =	strace $0x9000004A  }
0x151: {  	s0 =	stileid.u32;
	[bflag:$0x2] =	sbarrier.arrive $0xFFFF  }
0x152: {  	p0 =	sne.s32 s0, $0x0;
	s0 =	rddreg [dreg:$0x4]  }
0x153: {  	s0 =	sadd.s32 @!p0 $0x100000, s0  }
0x154: {  	[sflag:s0] =	ssyncadd.tile.s32 @!p0 $0x1;
	_ =	shalt  }
.Lfunc_end2:
_tile_overlayer_lowered:
.L_overlay_start_2:
0x155: {  	(tag) =	ssettag $0x2  }
0x156: {  	s0 =	rddreg [dreg:$0x0];
	s2 =	stileid.u32  }
0x157: {  	s1 =	rddreg [dreg:$0x1];
	p0 =	sne.s32 s2, $0x0  }
0x158: {  	s3 =	rddreg [dreg:$0x2];
	[bflag:$0x3] =	sbarrier.arrive $0xFFFF;
	s2 =	simm.s32 @!p0 $0x1C11  }
0x159: {  	[timem:s3], [sflag:s2] =	dma.local @!p0 [hbm:s0], s1  }
0x15a: {  	s0 =	simm.s32 @!p0 $0x11  }
0x15b: {  	_ =	swait.ge @!p0 [sflag:s0], s1  }
0x15c: {  	s1 =	ssub.s32 @!p0 $0x0, s1;
	[sflag:s0] =	ssyncset.done @!p0 $0x0  }
0x15d: {  	[sflag:s0] =	ssyncadd.s32 @!p0 s1  }
0x15e: {  	[bflag:$0x3] =	sbarrier.arrive $0xFFFF  }
0x15f: {  	_ =	shalt  }

// kernel: kernel.13.cloned.1.call-start
scs
__scs_entry_jumppad:
0x0: {  	(pc) =	sbr.rel $0x88, $3  }
0x1: {  	(tag) =	ssettag $0x0;
	lr =	simm.s32 $0x1  }
0x2: {  	[smem:$0x3F9D] =	sst lr;
	_ =	strace $0xD0000000  }
0x3: {  	_ = 	snop  }
0x4: {  	_ = 	snop  }
0x5: {  	_ = 	snop  }
0x6: {  	_ = 	snop  }
0x7: {  	_ = 	snop  }
__scs_overlays_trampoline_lowered:
0x8: {  	[smem:$0x3FAC] =	sst s0  }
0x9: {  	[smem:$0x3FAD] =	sst s1  }
0xa: {  	[smem:$0x3FAE] =	sst s2  }
0xb: {  	[smem:$0x3FAF] =	sst s3  }
0xc: {  	[smem:$0x3FB0] =	sst s4  }
0xd: {  	[smem:$0x3FB1] =	sst s5  }
0xe: {  	[smem:$0x3FB2] =	sst s6  }
0xf: {  	[smem:$0x3FB3] =	sst s7  }
0x10: {  	[smem:$0x3FB4] =	sst s8  }
0x11: {  	[smem:$0x3FB5] =	sst s9;
	s0 =	simm.s32 @!p0 $0x0  }
0x12: {  	s1 =	sld [smem:$0x3F9B];
	s0 =	simm.s32 @p0 $0x1  }
0x13: {  	[smem:$0x3FB6] =	sst s0;
	s0 =	simm.s32 @!p1 $0x0  }
0x14: {  	s2 =	sld [smem:$0x3F9A];
	s0 =	simm.s32 @p1 $0x1  }
0x15: {  	[smem:$0x3FB7] =	sst s0;
	s0 =	simm.s32 @!p2 $0x0  }
0x16: {  	s3 =	sld [smem:$0x3FDB];
	s0 =	simm.s32 @p2 $0x1  }
0x17: {  	s4 =	simm.s32 $0x1BF5;
	[smem:$0x3FB9] =	sst s0  }
0x18: {  	s0 =	sld [smem:$0x3F9C];
	_ =	swait.ge [sflag:s4], $0x0  }
0x19: {  	s7 =	sld [smem:$0x3F9D]  }
0x1a: {  	s8 =	sadd.s32 $0xFFFFE003, lr  }
0x1b: {  	s9 =	sadd.s32 $0xFFFFFEF7, lr;
	s5 =	simm.s32 $0xFFFFFFFF;
	p2 =	slt.u32 s8, $0xFFFFF086  }
0x1c: {  	p1 =	slt.u32 s9, $0xF7A;
	s5 =	simm.s32 @!p2 $0x0  }
0x1d: {  	s5 =	simm.s32 @p1 $0x1;
	p0 =	seq.s32 s7, s2  }
0x1e: {  	s7 =	smul.u32 @!p0 $0xF7A, s2;
	p2 =	seq.s32 @!p0 s5, $0x0  }
0x1f: {  	s9 =	smul.u32 $0xF7A, s1;
	s8 =	simm.s32 @!p0 $0x1BF5;
	p2 =	por !p2, p0  }
0x20: {  	[sflag:s8] =	ssyncset.s32 @!p0 $0xFFFFF086;
	s6 =	sadd.s32 @!p0 s3, s7;
	s7 =	simm.s32 @!p0 $0x108  }
0x21: {  	s3 =	sadd.s32 s3, s9;
	s6 =	sadd.s32 @!p0 $0x88, s6;
	s7 =	simm.s32 @p2 $0x1082  }
0x22: {  	[simem:s7], [sflag:s8] =	dma.local @!p0 [hbm:s6], $0xF7A  }
0x23: {  	s9 =	sor.u32 $0xD0000000, s2;
	s6 =	simm.s32 $0x108;
	_ =	swait.ge @!p0 [sflag:s8], $0x0  }
0x24: {  	s3 =	sadd.s32 $0x88, s3;
	s6 =	simm.s32 @!p1 $0x1082;
	[sflag:s4] =	ssyncset.s32 $0xFFFFF086  }
0x25: {  	[simem:s6], [sflag:s4] =	dma.local [hbm:s3], $0xF7A  }
0x26: {  	[smem:$0x3F9D] =	sst s1;
	(tag) =	ssettag s2;
	_ =	strace s9  }
0x27: {  	s1 =	sld [smem:$0x3FAD]  }
0x28: {  	s2 =	sld [smem:$0x3FAE]  }
0x29: {  	s4 =	sld [smem:$0x3FB0]  }
0x2a: {  	p0 =	seq.s32 s5, $0x0;
	s5 =	sld [smem:$0x3FB1]  }
0x2b: {  	s6 =	sld [smem:$0x3FB2]  }
0x2c: {  	s7 =	sld [smem:$0x3FB3]  }
0x2d: {  	s3 =	simm.s32 $0x108;
	s8 =	sld [smem:$0x3FB4]  }
0x2e: {  	s3 =	simm.s32 @!p0 $0x1082;
	s9 =	sld [smem:$0x3FB5]  }
0x2f: {  	lr =	sadd.s32 s0, s3;
	s0 =	sld [smem:$0x3FAC]  }
0x30: {  	s3 =	sld [smem:$0x3FAF]  }
0x31: {  	[smem:$0x3FB8] =	sst s10  }
0x32: {  	s10 =	sld [smem:$0x3FB6];
	_ =	sdelay $0x3  }
0x33: {  	p0 =	seq.s32 s10, $0x1;
	s10 =	sld [smem:$0x3FB8];
	_ =	sdelay $0x3  }
0x34: {  	[smem:$0x3FB8] =	sst s10  }
0x35: {  	s10 =	sld [smem:$0x3FB7];
	_ =	sdelay $0x3  }
0x36: {  	p1 =	seq.s32 s10, $0x1;
	s10 =	sld [smem:$0x3FB8];
	_ =	sdelay $0x3  }
0x37: {  	[smem:$0x3FB8] =	sst s10  }
0x38: {  	s10 =	sld [smem:$0x3FB9]  }
0x39: {  	_ = 	snop;
	(pc) =	sbr.ind lr, $3  }
0x3a: {  	_ = 	snop  }
0x3b: {  	_ = 	snop  }
0x3c: {  	p2 =	seq.s32 s10, $0x1;
	s10 =	sld [smem:$0x3FB8]  }
0x3d: {  	_ =	shalt  }
0x3e: {  	_ =	shalt  }
0x3f: {  	_ =	shalt  }
0x40: {  	_ =	shalt  }
0x41: {  	_ =	shalt  }
0x42: {  	_ =	shalt  }
0x43: {  	_ =	shalt  }
0x44: {  	_ =	shalt  }
0x45: {  	_ =	shalt  }
0x46: {  	_ =	shalt  }
0x47: {  	_ =	shalt  }
0x48: {  	_ =	shalt  }
0x49: {  	_ =	shalt  }
0x4a: {  	_ =	shalt  }
0x4b: {  	_ =	shalt  }
0x4c: {  	_ =	shalt  }
0x4d: {  	_ =	shalt  }
0x4e: {  	_ =	shalt  }
0x4f: {  	_ =	shalt  }
0x50: {  	_ =	shalt  }
0x51: {  	_ =	shalt  }
0x52: {  	_ =	shalt  }
0x53: {  	_ =	shalt  }
0x54: {  	_ =	shalt  }
0x55: {  	_ =	shalt  }
0x56: {  	_ =	shalt  }
0x57: {  	_ =	shalt  }
0x58: {  	_ =	shalt  }
0x59: {  	_ =	shalt  }
0x5a: {  	_ =	shalt  }
0x5b: {  	_ =	shalt  }
0x5c: {  	_ =	shalt  }
0x5d: {  	_ =	shalt  }
0x5e: {  	_ =	shalt  }
0x5f: {  	_ =	shalt  }
0x60: {  	_ =	shalt  }
0x61: {  	_ =	shalt  }
0x62: {  	_ =	shalt  }
0x63: {  	_ =	shalt  }
0x64: {  	_ =	shalt  }
0x65: {  	_ =	shalt  }
0x66: {  	_ =	shalt  }
0x67: {  	_ =	shalt  }
0x68: {  	_ =	shalt  }
0x69: {  	_ =	shalt  }
0x6a: {  	_ =	shalt  }
0x6b: {  	_ =	shalt  }
0x6c: {  	_ =	shalt  }
0x6d: {  	_ =	shalt  }
0x6e: {  	_ =	shalt  }
0x6f: {  	_ =	shalt  }
0x70: {  	_ =	shalt  }
0x71: {  	_ =	shalt  }
0x72: {  	_ =	shalt  }
0x73: {  	_ =	shalt  }
0x74: {  	_ =	shalt  }
0x75: {  	_ =	shalt  }
0x76: {  	_ =	shalt  }
0x77: {  	_ =	shalt  }
0x78: {  	_ =	shalt  }
0x79: {  	_ =	shalt  }
0x7a: {  	_ =	shalt  }
0x7b: {  	_ =	shalt  }
0x7c: {  	_ =	shalt  }
0x7d: {  	_ =	shalt  }
0x7e: {  	_ =	shalt  }
0x7f: {  	_ =	shalt  }
0x80: {  	_ =	shalt  }
0x81: {  	_ =	shalt  }
0x82: {  	_ =	shalt  }
0x83: {  	_ =	shalt  }
0x84: {  	_ =	shalt  }
0x85: {  	_ =	shalt  }
0x86: {  	_ =	shalt  }
0x87: {  	_ =	shalt  }
.Lfunc_end0:
.L_simem_size_0:
called_computation.2_lowered:
.L_overlay_start_0:
0x88: {  	s2 =	sld [smem:$0x3FD9]  }
0x89: {  	s3 =	sld [smem:$0x3FFE];
	_ =	sdelay $0x1  }
0x8a: {  	s1 =	srdreg.scid  }
0x8b: {  	s0 =	sand.u32 $0x1, s1  }
0x8c: {  	s17 =	sshll.u32 s0, $0xA;
	s2 =	sadd.s32 s3, s2  }
0x8d: {  	s2 =	sadd.s32 s2, s17  }
0x8e: {  	[smem:$0x3FC4] =	sst s2  }
0x8f: {  	_ = 	snop  }
0x90: {  	s2 =	sld [smem:$0x3FD0];
	(tm) =	ssettm $0x1  }
0x91: {  	s18 =	sld [smem:$0x3FFB];
	_ =	sdelay $0x3  }
0x92: {  	_ =	strace s18  }
0x93: {  	s3 =	sld [smem:$0x3FFC];
	_ =	sdelay $0x3  }
0x94: {  	_ =	strace s3  }
0x95: {  	s3 =	sld [smem:$0x3FFD];
	_ =	sdelay $0x3  }
0x96: {  	_ =	strace s3  }
0x97: {  	_ =	strace $0x8FFFFFFF  }
0x98: {  	s19 =	sld [smem:$0x3FDB];
	_ =	sdelay $0x1  }
0x99: {  	s4 =	simm.s32 $_scs_section_size  }
0x9a: {  	s5 =	simm.s32 $_size__tile_overlayer_lowered;
	s6 =	simm.s32 $_tile_overlayer_lowered  }
0x9b: {  	s22 =	simm.s32 $0x1BFF;
	s21 =	sshll.u32 s6, $0x1;
	s3 =	sadd.s32 s4, s19  }
0x9c: {  	s7 =	simm.s32 $0x0;
	s20 =	sshll.u32 s5, $0x1;
	s5 =	sadd.s32 s21, s3  }
0x9d: {  	[timem:s7], [sflag:s22] =	dma.local [hbm:s5], s20  }
0x9e: {  	_ =	swait.ge [sflag:s22], s20  }
0x9f: {  	s4 =	ssub.s32 $0x0, s20;
	[sflag:s22] =	ssyncset.done $0x0  }
0xa0: {  	[sflag:s22] =	ssyncadd.s32 s4;
	_ =	sdelay $0x1  }
0xa1: {  	s23 =	simm.s32 $0x1B8B  }
0xa2: {  	_ =	swait.ge [sflag:s23], $0x1  }
0xa3: {  	[sflag:s23] =	ssyncset.done $0x0  }
0xa4: {  	s25 =	simm.s32 $0x1B8E;
	s24 =	sld [smem:$0x3FFE];
	[sflag:s23] =	ssyncadd.s32 $0xFFFFFFFF  }
0xa5: {  	s26 =	simm.s32 $execute0_lowered;
	[smem:$0x3FD2] =	sst s25  }
0xa6: {  	s5 =	sshll.u32 s26, $0x1;
	_ =	strace $0x8000004C;
	[dreg:$0x1] =	wrdreg $0xFFFFFFFF  }
0xa7: {  	s28 =	simm.s32 $_size_execute0_lowered;
	s3 =	sadd.s32 s3, s5;
	[dreg:$0x0] =	wrdreg $0x0  }
0xa8: {  	s5 =	sshll.u32 s28, $0x1;
	[dreg:$0x2] =	wrdreg s3  }
0xa9: {  	[dreg:$0x3] =	wrdreg s5  }
0xaa: {  	[dreg:$0x4] =	wrdreg $0xC0  }
0xab: {  	_ =	task [dreg:s7], $0x5FFFF  }
0xac: {  	[dreg:$0x1] =	wrdreg $0xFFFFFFFF  }
0xad: {  	[dreg:$0x0] =	wrdreg $0x60  }
0xae: {  	[dreg:$0x2] =	wrdreg s24  }
0xaf: {  	[dreg:$0x3] =	wrdreg s2  }
0xb0: {  	[dreg:$0x4] =	wrdreg $0x180B00  }
0xb1: {  	[dreg:$0x5] =	wrdreg $0x10B800  }
0xb2: {  	[dreg:$0x6] =	wrdreg $0x9  }
0xb3: {  	_ =	task.clear_ibuf [dreg:s7], $0x7FFFF;
	_ =	strace $0x9000004C  }
0xb4: {  	s29 =	simm.s32 $0x9;
	_ =	strace $0x8000004E  }
0xb5: {  	_ =	swait.ge [sflag:s29], $0x1  }
0xb6: {  	[sflag:s29] =	ssyncadd.s32 $0xFFFFFFFF  }
0xb7: {  	_ =	strace $0x9000004E  }
0xb8: {  	_ =	sfence  }
0xb9: {  	s30 =	sld [smem:$0x0];
	_ =	sdelay $0x2  }
0xba: {  	s31 =	sshll.u32 s1, $0xD;
	s1 =	sshrl.u32 s1, $0x2  }
0xbb: {  	s3 =	sand.u32 $0x4000, s31;
	s1 =	sadd.s32 s1, s30  }
0xbc: {  	s0 =	sor.u32 s3, s0;
	s1 =	sshll.u32 s1, $0x11  }
0xbd: {  	s0 =	sor.u32 s1, s0  }
0xbe: {  	s0 =	sadd.s32 $0x8F2B, s0  }
0xbf: {  	[sflag:s0] =	ssyncadd.remote.s32 $0x1  }
0xc0: {  	_ =	sfence.sel $0xFFFF  }
0xc1: {  	[dreg:$0x0] =	wrdreg $0xFFFFFFFF;
	(pc) =	sbr.abs _section_cstart, $3  }
0xc2: {  	[dreg:$0x1] =	wrdreg $0xFFFFFFFF  }
0xc3: {  	_ =	task.clear_ibuf [dreg:s7], $0x2FFFF;
	_ =	strace $0x9FFFFFFF  }
0xc4: {  	(tm) =	ssettm $0x7FFFFFFF  }
0xc5: {  	_ =	shalt  }
tec
execute0_lowered:
.L_overlay_start_1:
0x0: {  	(tag) =	ssettag $0x1  }
0x1: {  	s0 =	rddreg [dreg:$0x0]  }
0x2: {  	s1 =	srdreg.scid;
	s4 =	rddreg [dreg:$0x1]  }
0x3: {  	s7 =	stileid.u32;
	s2 =	rddreg [dreg:$0x2]  }
0x4: {  	s14 =	simm.s32 $0x0;
	s16 =	simm.s32 $0x5000;
	s17 =	simm.s32 $0x6770  }
0x5: {  	s26 =	simm.s32 $0xDCA0;
	s28 =	simm.s32 $0xB;
	s29 =	simm.s32 $0x7D  }
0x6: {  	s30 =	simm.s32 $0xC530;
	s31 =	simm.s32 $0xF410;
	s1 =	sand.u32 $0x1, s1  }
0x7: {  	s3 =	sshll.u32 s7, $0x1;
	s6 =	smul.u32 $0x7530, s7;
	[smem:$0x7FF] =	sst s14  }
0x8: {  	s15 =	sadd.s32 $0x77000, s0;
	s18 =	sadd.s32 $0x1200, s0;
	s21 =	sadd.s32 $0x94600, s0  }
0x9: {  	s7 =	smul.u32 $0x271, s7;
	s5 =	sor.u32 s1, s3;
	s3 =	rddreg [dreg:$0x3]  }
0xa: {  	s8 =	smul.u32 $0x75300, s1;
	_ =	strace $0x8000004D;
	[dreg:$0x5] =	wrdreg s26  }
0xb: {  	s11 =	ssub.s32 $0x2, s1;
	p0 =	sne.s32 s1, $0x0;
	[dreg:$0x7] =	wrdreg s15  }
0xc: {  	s26 =	simm.s32 $0xA;
	s1 =	simm.s32 $0x6;
	[dreg:$0x8] =	wrdreg s18  }
0xd: {  	[dreg:$0x9] =	wrdreg s21;
	s5 =	smul.u32 $0x500, s5;
	s9 =	sshrl.u32 s6, $0x3  }
0xe: {  	s19 =	sshrl.u32 s11, $0x1;
	s23 =	sadd.s32 s6, s3;
	[dreg:$0xb] =	wrdreg s7  }
0xf: {  	s8 =	sadd.s32 s6, s8;
	s12 =	sadd.s32 s9, s0;
	s20 =	ssub.s32 s11, s19  }
0x10: {  	[dreg:$0xe] =	wrdreg s23;
	s9 =	simm.s32 $0x7EE0;
	s19 =	simm.s32 $0x1  }
0x11: {  	s23 =	simm.s32 $0x3;
	s10 =	sadd.s32 s5, s0;
	s4 =	sadd.s32 s4, s5  }
0x12: {  	s8 =	sshrl.u32 s8, $0x3;
	s24 =	sadd.s32 $0x68400, s12;
	[dreg:$0xd] =	wrdreg s4  }
0x13: {  	s13 =	sadd.s32 s8, s0;
	s22 =	sadd.s32 $0x10200, s10;
	[dreg:$0xf] =	wrdreg s24  }
0x14: {  	s8 =	sadd.s32 $0x99600, s0;
	s0 =	smax.u32 s20, $0x1;
	[dreg:$0xc] =	wrdreg s22  }
0x15: {  	s20 =	simm.s32 $0x2;
	s24 =	simm.s32 $0x12;
	[dreg:$0x11] =	wrdreg s0  }
0x16: {  	s25 =	sadd.s32 $0xA8200, s13;
	s22 =	simm.s32 $0x4;
	[dreg:$0xa] =	wrdreg s8  }
0x17: {  	s0 =	simm.s32 $0x8;
	[dreg:$0x10] =	wrdreg s25;
	s25 =	simm.s32 $0x9  }
.LBB2_1:
0x18: {  	s10 =	simm.s32 $0x0  }
.LBB2_2:
0x19: {  	s4 =	smul.u32 $0x7D, s10;
	_ =	sdelay $0x1  }
0x1a: {  	s4 =	sadd.s32 s7, s4  }
0x1b: {  	s12 =	smul.u32 $0x30, s4;
	_ =	sdelay $0x1  }
0x1c: {  	s11 =	sshrl.u32 s12, $0x3  }
0x1d: {  	s6 =	simm.s32 $0x0;
	s5 =	sadd.s32 s15, s11  }
0x1e: {  	[tilespmem:s16], [sflag:$0x1] =	stream.linear.gather [hbm4b:s5+s6], $0x1770, $0x38;
	[tilespmem:$0x1FDB0] =	vst v63  }
0x1f: {  	s5 =	sadd.s32 $0xEA60, s5  }
0x20: {  	[tilespmem:s17], [sflag:$0x2] =	stream.linear.gather [hbm4b:s5+s6], $0x1770, $0x38;
	[tilespmem:$0x1FDB0] =	vst v63  }
0x21: {  	s4 =	sshll.u32 s4, $0x1;
	s13 =	sadd.s32 s18, s11  }
0x22: {  	[tilespmem:s9], [sflag:$0x3] =	stream.linear.gather [hbm4b:s13+s6], $0x1770, $0x38;
	[tilespmem:$0x1FDB0] =	vst v63  }
0x23: {  	s13 =	sadd.s32 s21, s4;
	s4 =	simm.s32 $0x1F5E0  }
0x24: {  	[tilespmem:s4], [sflag:$0x4] =	stream.linear.gather [hbm4b:s13+s6], $0x7D0, $0x38;
	[tilespmem:$0x1FDB0] =	vst v63  }
0x25: {  	_ =	swait.ge [sflag:s19], $0x1770  }
0x26: {  	[sflag:s19] =	ssyncset.done $0x0  }
0x27: {  	[sflag:s19] =	ssyncadd.s32 $0xFFFFE890  }
0x28: {  	_ =	swait.ge [sflag:s20], $0x1770  }
0x29: {  	[sflag:s20] =	ssyncset.done $0x0  }
0x2a: {  	[sflag:s20] =	ssyncadd.s32 $0xFFFFE890  }
0x2b: {  	_ =	swait.ge [sflag:s23], $0x1770  }
0x2c: {  	[sflag:s23] =	ssyncset.done $0x0  }
0x2d: {  	[sflag:s23] =	ssyncadd.s32 $0xFFFFE890  }
0x2e: {  	_ =	swait.ge [sflag:s22], $0x7D0  }
0x2f: {  	[sflag:s22] =	ssyncset.done $0x0  }
0x30: {  	s5 =	simm.s32 $0x0;
	[sflag:s22] =	ssyncadd.s32 $0xFFFFF830  }
0x31: {  	v7 =	vld [tilespmem:s5+$0x6790]  }
0x32: {  	v0 =	vld [tilespmem:s5+$0x6770]  }
0x33: {  	v5 =	vld [tilespmem:s5+$0x5010]  }
0x34: {  	v6 =	vld [tilespmem:s5+$0x6780]  }
0x35: {  	v8 =	vld [tilespmem:s5+$0x5020]  }
0x36: {  	v2 =	vld [tilespmem:s5+$0x7F00]  }
0x37: {  	v3 =	vld [tilespmem:s5+$0x7EF0]  }
0x38: {  	v4 =	vld [tilespmem:s5+$0x5000]  }
0x39: {  	v1 =	vld [tilespmem:s4+$0x0]  }
0x3a: {  	s6 =	simm.s32 $0xC0;
	v6 =	vadd.f32 v6, v5;
	v5 =	vld [tilespmem:s5+$0x7EE0];
	v7 =	vadd.f32 v7, v8  }
.LBB2_3:
0x3b: {  	s13 =	sshra.s32 s6, $0x2;
	p1 =	sne.s32 s6, $0x5D00;
	s6 =	sadd.s32 $0xC0, s6  }
0x3c: {  	v8 =	vld [tilespmem:s13+$0x6790];
	v3 =	vadd.f32 v3, v6;
	v2 =	vadd.f32 v2, v7  }
0x3d: {  	v4 =	vadd.f32 v0, v4;
	v0 =	vld [tilespmem:s13+$0x6770]  }
0x3e: {  	v6 =	vld [tilespmem:s13+$0x5010];
	v3 =	vmul.f32 v3, v1;
	v2 =	vmul.f32 v2, v1  }
0x3f: {  	v7 =	vld [tilespmem:s13+$0x6780];
	v4 =	vadd.f32 v5, v4  }
0x40: {  	v9 =	vld [tilespmem:s13+$0x5020];
	[tilespmem:s5+$0x7F00] =	vst v2  }
.Ltmp0:
0x41: {  	v2 =	vld [tilespmem:s13+$0x7F00];
	v1 =	vmul.f32 v4, v1;
	[tilespmem:s5+$0x7EF0] =	vst v3;
	(pc) =	sbr.rel @p1 .LBB2_3-.Ltmp0, $4  }
0x42: {  	v3 =	vld [tilespmem:s13+$0x7EF0]  }
0x43: {  	s4 =	sadd.s32 $0x10, s4;
	v4 =	vld [tilespmem:s13+$0x5000];
	[tilespmem:s5+$0x7EE0] =	vst v1;
	s5 =	smov.u32 s13  }
0x44: {  	v1 =	vld [tilespmem:s4+$0x0];
	v6 =	vadd.f32 v7, v6  }
0x45: {  	v5 =	vld [tilespmem:s5+$0x7EE0];
	v7 =	vadd.f32 v8, v9  }
0x46: {  	_ =	sdelay $0x1  }
0x47: {  	v2 =	vadd.f32 v2, v7;
	v0 =	vadd.f32 v0, v4  }
0x48: {  	v3 =	vadd.f32 v3, v6  }
0x49: {  	v2 =	vmul.f32 v2, v1;
	v0 =	vadd.f32 v5, v0  }
0x4a: {  	v3 =	vmul.f32 v3, v1  }
0x4b: {  	[tilespmem:s5+$0x7F00] =	vst v2;
	v0 =	vmul.f32 v0, v1  }
0x4c: {  	[tilespmem:s5+$0x7EF0] =	vst v3  }
0x4d: {  	s4 =	sadd.s32 s12, s2;
	[tilespmem:s5+$0x7EE0] =	vst v0  }
0x4e: {  	[spmem:s4] =	stream.linear.scatter [tilespmem:s9], [sflag:$0x12], $0x1770, $0x38;
	[tilespmem:$0x1FDB0] =	vst v63  }
0x4f: {  	s10 =	sadd.s32 $0x1, s10;
	_ =	swait.ge [sflag:s24], $0x1770  }
0x50: {  	s6 =	simm.s32 @!p0 $0x7EE0;
	p1 =	sne.s32 s10, $0x5;
	[sflag:s24] =	ssyncset.done $0x0  }
0x51: {  	s5 =	simm.s32 @!p0 $0x0;
	s4 =	sadd.s32 @!p0 s8, s11;
	[sflag:s24] =	ssyncadd.s32 $0xFFFFE890  }
0x52: {  	[hbm4b:s4+s5] =	stream.linear.scatter @!p0 [tilespmem:s6], [sflag:$0x11], $0x1770, $0x38;
	[tilespmem:$0x1FDB0] =	vst v63  }
.Ltmp1:
0x53: {  	_ = 	snop;
	(pc) =	sbr.rel @p1 .LBB2_2-.Ltmp1, $4  }
0x54: {  	s4 =	simm.s32 @!p0 $0x11  }
0x55: {  	_ =	swait.ge @!p0 [sflag:s4], $0x1770  }
0x56: {  	[sflag:s4] =	ssyncset.done @!p0 $0x0  }
0x57: {  	[sflag:s4] =	ssyncadd.s32 @!p0 $0xFFFFE890  }
0x58: {  	[dreg:$0x6] =	wrdreg s14  }
0x59: {  	s5 =	rddreg [dreg:$0xc]  }
0x5a: {  	s18 =	rddreg [dreg:$0xd]  }
0x5b: {  	s4 =	simm.s32 $0x0;
	s21 =	stileid.u32;
	s23 =	rddreg [dreg:$0xe]  }
0x5c: {  	[tilespmem:s4], [sflag:$0x9] =	stream.linear.gather [hbm4b:s5+s4], $0x2800, $0x38;
	[tilespmem:$0x1FDB0] =	vst v63  }
0x5d: {  	s24 =	rddreg [dreg:$0xf];
	s5 =	sshll.u32 s21, $0x6  }
0x5e: {  	s7 =	sshrl.u32 s23, $0x3;
	[dreg:$0x12] =	wrdreg s5  }
0x5f: {  	s6 =	simm.s32 $0x2800;
	s5 =	sor.u32 $0x1C0B, s5;
	[dreg:$0x13] =	wrdreg s7  }
0x60: {  	[tilespmem:s6], [sflag:$0xA] =	stream.linear.gather [hbm4b:s18+s4], $0x2800, $0x38;
	[tilespmem:$0x1FDB0] =	vst v63  }
0x61: {  	[spmem:s7], [sflag:s5] =	dma.local [hbm:s24], $0xEA6  }
0x62: {  	_ =	swait.ge [sflag:s25], $0x2800  }
0x63: {  	[sflag:s25] =	ssyncset.done $0x0  }
0x64: {  	[sflag:s25] =	ssyncadd.s32 $0xFFFFD800  }
0x65: {  	_ =	swait.ge [sflag:s26], $0x2800  }
0x66: {  	[sflag:s26] =	ssyncset.done $0x0  }
0x67: {  	[sflag:s26] =	ssyncadd.s32 $0xFFFFD800  }
0x68: {  	_ =	swait.ge [sflag:s28], $0xEA6  }
0x69: {  	[sflag:s28] =	ssyncset.done $0x0  }
0x6a: {  	[sflag:s28] =	ssyncadd.s32 $0xFFFFF15A  }
0x6b: {  	[bflag:$0x0] =	sbarrier.arrive $0xFFFF  }
0x6c: {  	[tilespmem:s16], [sflag:$0x1] =	stream.indirect.gather [spmem:s2], $0x30, s4, s29, $0xb8;
	[tilespmem:$0x1FDB0] =	vst v63  }
0x6d: {  	s8 =	simm.s32 $0x80  }
0x6e: {  	[tilespmem:s17], [sflag:$0x2] =	stream.indirect.gather [spmem:s2], $0x30, s8, s29, $0xb8;
	[tilespmem:$0x1FDB0] =	vst v63  }
0x6f: {  	s10 =	simm.s32 $0x100  }
0x70: {  	[tilespmem:s9], [sflag:$0x3] =	stream.indirect.gather [spmem:s2], $0x30, s10, s29, $0xb8;
	[tilespmem:$0x1FDB0] =	vst v63  }
0x71: {  	s11 =	simm.s32 $0x180;
	s12 =	simm.s32 $0x9650  }
0x72: {  	[tilespmem:s12], [sflag:$0x4] =	stream.indirect.gather [spmem:s2], $0x30, s11, s29, $0xb8;
	[tilespmem:$0x1FDB0] =	vst v63  }
0x73: {  	s13 =	simm.s32 $0x200;
	s14 =	simm.s32 $0xADC0;
	p1 =	por $0x1, $0x1  }
0x74: {  	[tilespmem:s14], [sflag:$0x5] =	stream.indirect.gather [spmem:s2], $0x30, s13, s29, $0xb8;
	[tilespmem:$0x1FDB0] =	vst v63  }
0x75: {  	s15 =	simm.s32 $0x280;
	s4 =	simm.s32 @!p1 $0xF  }
0x76: {  	[tilespmem:s30], [sflag:$0x6] =	stream.indirect.gather [spmem:s2], $0x30, s15, s29, $0xb8;
	[tilespmem:$0x1FDB0] =	vst v63  }
0x77: {  	_ =	swait.ge @!p1 [sflag:s4], $0x1770  }
0x78: {  	[sflag:s4] =	ssyncset.done @!p1 $0x0  }
0x79: {  	s21 =	simm.s32 $0x300;
	s18 =	rddreg [dreg:$0x5];
	[sflag:s4] =	ssyncadd.s32 @!p1 $0xFFFFE890  }
0x7a: {  	[tilespmem:s18], [sflag:$0x7] =	stream.indirect.gather [spmem:s2], $0x30, s21, s29, $0xb8;
	[tilespmem:$0x1FDB0] =	vst v63  }
0x7b: {  	_ =	swait.ge [sflag:s19], $0x1770  }
0x7c: {  	[sflag:s19] =	ssyncset.done $0x0  }
0x7d: {  	s23 =	simm.s32 $0x2800;
	s5 =	simm.s32 @!p1 $0x10;
	[sflag:s19] =	ssyncadd.s32 $0xFFFFE890  }
0x7e: {  	[spmem:s3] =	stream.indirect.scatter.add.f32 [tilespmem:s16], [sflag:$0x9], $0x30, s23, s29, $0xb8;
	[tilespmem:$0x1FDB0] =	vst v63  }
0x7f: {  	_ =	swait.ge @!p1 [sflag:s5], $0x1770  }
0x80: {  	[sflag:s5] =	ssyncset.done @!p1 $0x0  }
0x81: {  	s24 =	simm.s32 $0x380;
	[sflag:s5] =	ssyncadd.s32 @!p1 $0xFFFFE890  }
0x82: {  	[tilespmem:s31], [sflag:$0x8] =	stream.indirect.gather [spmem:s2], $0x30, s24, s29, $0xb8;
	[tilespmem:$0x1FDB0] =	vst v63  }
0x83: {  	_ =	swait.ge [sflag:s20], $0x1770  }
0x84: {  	p1 =	por $0x0, $0x0;
	[sflag:s20] =	ssyncset.done $0x0  }
0x85: {  	s25 =	simm.s32 $0x2880;
	s6 =	simm.s32 @p1 $0x3;
	[sflag:s20] =	ssyncadd.s32 $0xFFFFE890  }
0x86: {  	[spmem:s3] =	stream.indirect.scatter.add.f32 [tilespmem:s17], [sflag:$0xA], $0x30, s25, s29, $0xb8;
	[tilespmem:$0x1FDB0] =	vst v63  }
0x87: {  	_ =	swait.ge @p1 [sflag:s6], $0x1770  }
0x88: {  	s4 =	simm.s32 @p1 $0x2900;
	s5 =	simm.s32 @p1 $0x7D;
	[sflag:s6] =	ssyncset.done @p1 $0x0  }
0x89: {  	s10 =	simm.s32 @p1 $0x7EE0;
	[sflag:s6] =	ssyncadd.s32 @p1 $0xFFFFE890;
	s6 =	simm.s32 @!p1 $0x9  }
0x8a: {  	[spmem:s3] =	stream.indirect.scatter.add.f32 @p1 [tilespmem:s10], [sflag:$0xB], $0x30, s4, s5, $0xb8;
	[tilespmem:$0x1FDB0] =	vst v63  }
0x8b: {  	_ =	swait.ge @!p1 [sflag:s6], $0x1770  }
0x8c: {  	s11 =	simm.s32 @!p1 $0x5000;
	s10 =	simm.s32 @!p1 $0x400;
	[sflag:s6] =	ssyncset.done @!p1 $0x0  }
0x8d: {  	s4 =	simm.s32 @!p1 $0x7D;
	[sflag:s6] =	ssyncadd.s32 @!p1 $0xFFFFE890;
	s6 =	simm.s32 @!p1 $0x3  }
0x8e: {  	[tilespmem:s11], [sflag:$0x1] =	stream.indirect.gather @!p1 [spmem:s2], $0x30, s10, s4, $0xb8;
	[tilespmem:$0x1FDB0] =	vst v63  }
0x8f: {  	_ =	swait.ge @!p1 [sflag:s6], $0x1770  }
0x90: {  	s10 =	simm.s32 @!p1 $0x2900;
	[sflag:s6] =	ssyncset.done @!p1 $0x0  }
0x91: {  	s11 =	simm.s32 @!p1 $0x7EE0;
	[sflag:s6] =	ssyncadd.s32 @!p1 $0xFFFFE890;
	s6 =	simm.s32 @!p1 $0xA  }
0x92: {  	[spmem:s3] =	stream.indirect.scatter.add.f32 @!p1 [tilespmem:s11], [sflag:$0xB], $0x30, s10, s4, $0xb8;
	[tilespmem:$0x1FDB0] =	vst v63  }
0x93: {  	_ =	swait.ge @!p1 [sflag:s6], $0x1770  }
0x94: {  	[sflag:s6] =	ssyncset.done @!p1 $0x0  }
0x95: {  	s10 =	simm.s32 @!p1 $0x480;
	[sflag:s6] =	ssyncadd.s32 @!p1 $0xFFFFE890;
	s6 =	simm.s32 @!p1 $0x6770  }
0x96: {  	[tilespmem:s6], [sflag:$0x2] =	stream.indirect.gather @!p1 [spmem:s2], $0x30, s10, s4, $0xb8;
	[tilespmem:$0x1FDB0] =	vst v63  }
0x97: {  	_ =	swait.ge [sflag:s22], $0x1770  }
0x98: {  	[sflag:s22] =	ssyncset.done $0x0  }
0x99: {  	s26 =	simm.s32 $0x2980;
	s10 =	simm.s32 @p1 $0x5;
	[sflag:s22] =	ssyncadd.s32 $0xFFFFE890  }
0x9a: {  	[spmem:s3] =	stream.indirect.scatter.add.f32 [tilespmem:s12], [sflag:$0xC], $0x30, s26, s29, $0xb8;
	[tilespmem:$0x1FDB0] =	vst v63  }
0x9b: {  	_ =	swait.ge @p1 [sflag:s10], $0x1770  }
0x9c: {  	[sflag:s10] =	ssyncset.done @p1 $0x0  }
0x9d: {  	s6 =	simm.s32 @p1 $0x2A00;
	[sflag:s10] =	ssyncadd.s32 @p1 $0xFFFFE890;
	s10 =	simm.s32 @p1 $0xADC0  }
0x9e: {  	[spmem:s3] =	stream.indirect.scatter.add.f32 @p1 [tilespmem:s10], [sflag:$0xD], $0x30, s6, s5, $0xb8;
	[tilespmem:$0x1FDB0] =	vst v63  }
0x9f: {  	s6 =	simm.s32 @!p1 $0xB  }
0xa0: {  	_ =	swait.ge @!p1 [sflag:s6], $0x1770  }
0xa1: {  	[sflag:s6] =	ssyncset.done @!p1 $0x0  }
0xa2: {  	s10 =	simm.s32 @!p1 $0x500;
	[sflag:s6] =	ssyncadd.s32 @!p1 $0xFFFFE890;
	s6 =	simm.s32 @!p1 $0x5  }
0xa3: {  	[tilespmem:s11], [sflag:$0x3] =	stream.indirect.gather @!p1 [spmem:s2], $0x30, s10, s4, $0xb8;
	[tilespmem:$0x1FDB0] =	vst v63  }
0xa4: {  	_ =	swait.ge @!p1 [sflag:s6], $0x1770  }
0xa5: {  	s10 =	simm.s32 @!p1 $0x2A00;
	[sflag:s6] =	ssyncset.done @!p1 $0x0  }
0xa6: {  	s11 =	simm.s32 @!p1 $0xADC0;
	[sflag:s6] =	ssyncadd.s32 @!p1 $0xFFFFE890;
	s6 =	simm.s32 @!p1 $0xC  }
0xa7: {  	[spmem:s3] =	stream.indirect.scatter.add.f32 @!p1 [tilespmem:s11], [sflag:$0xD], $0x30, s10, s4, $0xb8;
	[tilespmem:$0x1FDB0] =	vst v63  }
0xa8: {  	_ =	swait.ge @!p1 [sflag:s6], $0x1770  }
0xa9: {  	[sflag:s6] =	ssyncset.done @!p1 $0x0  }
0xaa: {  	s10 =	simm.s32 @!p1 $0x580;
	[sflag:s6] =	ssyncadd.s32 @!p1 $0xFFFFE890;
	s6 =	simm.s32 @!p1 $0x9650  }
0xab: {  	[tilespmem:s6], [sflag:$0x4] =	stream.indirect.gather @!p1 [spmem:s2], $0x30, s10, s4, $0xb8;
	[tilespmem:$0x1FDB0] =	vst v63  }
0xac: {  	_ =	swait.ge [sflag:s1], $0x1770  }
0xad: {  	[sflag:s1] =	ssyncset.done $0x0  }
0xae: {  	s28 =	simm.s32 $0x2A80;
	s10 =	simm.s32 @p1 $0x7;
	[sflag:s1] =	ssyncadd.s32 $0xFFFFE890  }
0xaf: {  	[spmem:s3] =	stream.indirect.scatter.add.f32 [tilespmem:s30], [sflag:$0xE], $0x30, s28, s29, $0xb8;
	[tilespmem:$0x1FDB0] =	vst v63  }
0xb0: {  	_ =	swait.ge @p1 [sflag:s10], $0x1770  }
0xb1: {  	[sflag:s10] =	ssyncset.done @p1 $0x0  }
0xb2: {  	s6 =	simm.s32 @p1 $0x2B00;
	[sflag:s10] =	ssyncadd.s32 @p1 $0xFFFFE890;
	s10 =	simm.s32 @p1 $0xDCA0  }
0xb3: {  	[spmem:s3] =	stream.indirect.scatter.add.f32 @p1 [tilespmem:s10], [sflag:$0xF], $0x30, s6, s5, $0xb8;
	[tilespmem:$0x1FDB0] =	vst v63  }
0xb4: {  	s5 =	simm.s32 @!p1 $0xD  }
0xb5: {  	_ =	swait.ge @!p1 [sflag:s5], $0x1770  }
0xb6: {  	[sflag:s5] =	ssyncset.done @!p1 $0x0  }
0xb7: {  	[sflag:s5] =	ssyncadd.s32 @!p1 $0xFFFFE890;
	s5 =	simm.s32 @!p1 $0x600  }
0xb8: {  	[tilespmem:s11], [sflag:$0x5] =	stream.indirect.gather @!p1 [spmem:s2], $0x30, s5, s4, $0xb8;
	[tilespmem:$0x1FDB0] =	vst v63  }
0xb9: {  	s5 =	simm.s32 @!p1 $0x7  }
0xba: {  	_ =	swait.ge @!p1 [sflag:s5], $0x1770  }
0xbb: {  	[sflag:s5] =	ssyncset.done @!p1 $0x0  }
0xbc: {  	s6 =	simm.s32 @!p1 $0x2B00;
	[sflag:s5] =	ssyncadd.s32 @!p1 $0xFFFFE890;
	s5 =	simm.s32 @!p1 $0xDCA0  }
0xbd: {  	[spmem:s3] =	stream.indirect.scatter.add.f32 @!p1 [tilespmem:s5], [sflag:$0xF], $0x30, s6, s4, $0xb8;
	[tilespmem:$0x1FDB0] =	vst v63  }
0xbe: {  	s5 =	simm.s32 @!p1 $0xE  }
0xbf: {  	_ =	swait.ge @!p1 [sflag:s5], $0x1770  }
0xc0: {  	p2 =	por $0x0, $0x0;
	s14 =	simm.s32 $0x1000;
	[sflag:s5] =	ssyncset.done @!p1 $0x0  }
0xc1: {  	s6 =	simm.s32 @!p1 $0x680;
	[sflag:s5] =	ssyncadd.s32 @!p1 $0xFFFFE890;
	s5 =	simm.s32 @!p1 $0xC530  }
0xc2: {  	[tilespmem:s5], [sflag:$0x6] =	stream.indirect.gather @!p1 [spmem:s2], $0x30, s6, s4, $0xb8;
	[tilespmem:$0x1FDB0] =	vst v63  }
0xc3: {  	s13 =	simm.s32 $0x2B80;
	s12 =	simm.s32 $0x2000;
	_ =	swait.ge [sflag:s0], $0x1770  }
.LBB2_6:
0xc4: {  	[sflag:s0] =	ssyncset.done $0x0  }
0xc5: {  	s4 =	simm.s32 @!p2 $0xF;
	[sflag:s0] =	ssyncadd.s32 $0xFFFFE890  }
0xc6: {  	[spmem:s3] =	stream.indirect.scatter.add.f32 [tilespmem:s31], [sflag:$0x10], $0x30, s13, s29, $0xb8;
	[tilespmem:$0x1FDB0] =	vst v63  }
0xc7: {  	_ =	swait.ge @!p2 [sflag:s4], $0x1770  }
0xc8: {  	s15 =	sshra.s32 s14, $0x2;
	[sflag:s4] =	ssyncset.done @!p2 $0x0  }
0xc9: {  	s23 =	sadd.s32 $0x300, s15;
	s5 =	rddreg [dreg:$0x5];
	[sflag:s4] =	ssyncadd.s32 @!p2 $0xFFFFE890  }
0xca: {  	[tilespmem:s5], [sflag:$0x7] =	stream.indirect.gather [spmem:s2], $0x30, s23, s29, $0xb8;
	[tilespmem:$0x1FDB0] =	vst v63  }
0xcb: {  	_ =	swait.ge [sflag:s19], $0x1770  }
0xcc: {  	[sflag:s19] =	ssyncset.done $0x0  }
0xcd: {  	s24 =	sadd.s32 $0x2800, s15;
	s5 =	simm.s32 @!p2 $0x10;
	[sflag:s19] =	ssyncadd.s32 $0xFFFFE890  }
0xce: {  	[spmem:s3] =	stream.indirect.scatter.add.f32 [tilespmem:s16], [sflag:$0x9], $0x30, s24, s29, $0xb8;
	[tilespmem:$0x1FDB0] =	vst v63  }
0xcf: {  	_ =	swait.ge @!p2 [sflag:s5], $0x1770  }
0xd0: {  	[sflag:s5] =	ssyncset.done @!p2 $0x0  }
0xd1: {  	s25 =	sadd.s32 $0x380, s15;
	[sflag:s5] =	ssyncadd.s32 @!p2 $0xFFFFE890  }
0xd2: {  	[tilespmem:s31], [sflag:$0x8] =	stream.indirect.gather [spmem:s2], $0x30, s25, s29, $0xb8;
	[tilespmem:$0x1FDB0] =	vst v63  }
0xd3: {  	_ =	swait.ge [sflag:s20], $0x1770  }
0xd4: {  	p2 =	seq.s32 s14, $0x9000;
	[sflag:s20] =	ssyncset.done $0x0  }
0xd5: {  	s26 =	sadd.s32 $0x2880, s15;
	s5 =	simm.s32 @p2 $0x3;
	[sflag:s20] =	ssyncadd.s32 $0xFFFFE890  }
0xd6: {  	[spmem:s3] =	stream.indirect.scatter.add.f32 [tilespmem:s17], [sflag:$0xA], $0x30, s26, s29, $0xb8;
	[tilespmem:$0x1FDB0] =	vst v63  }
0xd7: {  	s10 =	sshra.s32 @p2 s14, $0x2;
	_ =	swait.ge @p2 [sflag:s5], $0x1770  }
0xd8: {  	s6 =	simm.s32 @p2 $0x7EE0;
	s4 =	sadd.s32 @p2 $0x2900, s10;
	[sflag:s5] =	ssyncset.done @p2 $0x0  }
0xd9: {  	s26 =	simm.s32 @p2 $0x7D;
	[sflag:s5] =	ssyncadd.s32 @p2 $0xFFFFE890;
	s5 =	simm.s32 @!p2 $0x9  }
0xda: {  	[spmem:s3] =	stream.indirect.scatter.add.f32 @p2 [tilespmem:s6], [sflag:$0xB], $0x30, s4, s26, $0xb8;
	[tilespmem:$0x1FDB0] =	vst v63  }
0xdb: {  	s14 =	sshra.s32 @!p2 s14, $0x2;
	_ =	swait.ge @!p2 [sflag:s5], $0x1770  }
0xdc: {  	s25 =	simm.s32 @!p2 $0x7D;
	s11 =	sadd.s32 @!p2 $0x400, s14;
	[sflag:s5] =	ssyncset.done @!p2 $0x0  }
0xdd: {  	s6 =	simm.s32 @!p2 $0x5000;
	[sflag:s5] =	ssyncadd.s32 @!p2 $0xFFFFE890;
	s5 =	simm.s32 @!p2 $0x3  }
0xde: {  	[tilespmem:s6], [sflag:$0x1] =	stream.indirect.gather @!p2 [spmem:s2], $0x30, s11, s25, $0xb8;
	[tilespmem:$0x1FDB0] =	vst v63  }
0xdf: {  	s28 =	smov.u32 s12;
	s21 =	simm.s32 @!p2 $0x7EE0;
	_ =	swait.ge @!p2 [sflag:s5], $0x1770  }
0xe0: {  	s23 =	simm.s32 @!p2 $0xA;
	s24 =	simm.s32 @!p2 $0x6770;
	[sflag:s5] =	ssyncset.done @!p2 $0x0  }
0xe1: {  	s7 =	sadd.s32 @!p2 $0x480, s14;
	s4 =	sadd.s32 @!p2 $0x2900, s14;
	[sflag:s5] =	ssyncadd.s32 @!p2 $0xFFFFE890  }
0xe2: {  	[spmem:s3] =	stream.indirect.scatter.add.f32 @!p2 [tilespmem:s21], [sflag:$0xB], $0x30, s4, s25, $0xb8;
	[tilespmem:$0x1FDB0] =	vst v63  }
0xe3: {  	s8 =	sadd.s32 @p2 $0x2A00, s10;
	s9 =	sadd.s32 @!p2 $0x500, s14;
	_ =	swait.ge @!p2 [sflag:s23], $0x1770  }
0xe4: {  	s18 =	sadd.s32 @!p2 $0x2A00, s14;
	s6 =	sadd.s32 @!p2 $0x580, s14;
	[sflag:s23] =	ssyncset.done @!p2 $0x0  }
0xe5: {  	s11 =	sadd.s32 @!p2 $0x2B00, s14;
	s5 =	sadd.s32 @p2 $0x2B00, s10;
	[sflag:s23] =	ssyncadd.s32 @!p2 $0xFFFFE890  }
0xe6: {  	[tilespmem:s24], [sflag:$0x2] =	stream.indirect.gather @!p2 [spmem:s2], $0x30, s7, s25, $0xb8;
	[tilespmem:$0x1FDB0] =	vst v63  }
0xe7: {  	s10 =	sadd.s32 @!p2 $0x680, s14;
	s4 =	sadd.s32 @!p2 $0x600, s14;
	_ =	swait.ge [sflag:s22], $0x1770  }
0xe8: {  	s14 =	smov.u32 s28;
	s28 =	sadd.s32 $0x2980, s15;
	[sflag:s22] =	ssyncset.done $0x0  }
0xe9: {  	s23 =	simm.s32 @p2 $0x5;
	s24 =	simm.s32 $0x9650;
	[sflag:s22] =	ssyncadd.s32 $0xFFFFE890  }
0xea: {  	[spmem:s3] =	stream.indirect.scatter.add.f32 [tilespmem:s24], [sflag:$0xC], $0x30, s28, s29, $0xb8;
	[tilespmem:$0x1FDB0] =	vst v63  }
0xeb: {  	_ =	swait.ge @p2 [sflag:s23], $0x1770  }
0xec: {  	[sflag:s23] =	ssyncset.done @p2 $0x0  }
0xed: {  	s7 =	simm.s32 @p2 $0xADC0;
	[sflag:s23] =	ssyncadd.s32 @p2 $0xFFFFE890;
	s23 =	simm.s32 @!p2 $0xB  }
0xee: {  	[spmem:s3] =	stream.indirect.scatter.add.f32 @p2 [tilespmem:s7], [sflag:$0xD], $0x30, s8, s26, $0xb8;
	[tilespmem:$0x1FDB0] =	vst v63  }
0xef: {  	_ =	swait.ge @!p2 [sflag:s23], $0x1770  }
0xf0: {  	[sflag:s23] =	ssyncset.done @!p2 $0x0  }
0xf1: {  	s7 =	simm.s32 @!p2 $0x5;
	[sflag:s23] =	ssyncadd.s32 @!p2 $0xFFFFE890  }
0xf2: {  	[tilespmem:s21], [sflag:$0x3] =	stream.indirect.gather @!p2 [spmem:s2], $0x30, s9, s25, $0xb8;
	[tilespmem:$0x1FDB0] =	vst v63  }
0xf3: {  	_ =	swait.ge @!p2 [sflag:s7], $0x1770  }
0xf4: {  	[sflag:s7] =	ssyncset.done @!p2 $0x0  }
0xf5: {  	s8 =	simm.s32 @!p2 $0xADC0;
	[sflag:s7] =	ssyncadd.s32 @!p2 $0xFFFFE890;
	s7 =	simm.s32 @!p2 $0xC  }
0xf6: {  	[spmem:s3] =	stream.indirect.scatter.add.f32 @!p2 [tilespmem:s8], [sflag:$0xD], $0x30, s18, s25, $0xb8;
	[tilespmem:$0x1FDB0] =	vst v63  }
0xf7: {  	_ =	swait.ge @!p2 [sflag:s7], $0x1770  }
0xf8: {  	[sflag:s7] =	ssyncset.done @!p2 $0x0  }
0xf9: {  	s9 =	simm.s32 @!p2 $0x9650;
	[sflag:s7] =	ssyncadd.s32 @!p2 $0xFFFFE890  }
0xfa: {  	[tilespmem:s9], [sflag:$0x4] =	stream.indirect.gather @!p2 [spmem:s2], $0x30, s6, s25, $0xb8;
	[tilespmem:$0x1FDB0] =	vst v63  }
0xfb: {  	_ =	swait.ge [sflag:s1], $0x1770  }
0xfc: {  	[sflag:s1] =	ssyncset.done $0x0  }
0xfd: {  	s28 =	sadd.s32 $0x2A80, s15;
	s7 =	simm.s32 @p2 $0x7;
	[sflag:s1] =	ssyncadd.s32 $0xFFFFE890  }
0xfe: {  	[spmem:s3] =	stream.indirect.scatter.add.f32 [tilespmem:s30], [sflag:$0xE], $0x30, s28, s29, $0xb8;
	[tilespmem:$0x1FDB0] =	vst v63  }
0xff: {  	_ =	swait.ge @p2 [sflag:s7], $0x1770  }
0x100: {  	[sflag:s7] =	ssyncset.done @p2 $0x0  }
0x101: {  	s6 =	simm.s32 @p2 $0xDCA0;
	[sflag:s7] =	ssyncadd.s32 @p2 $0xFFFFE890;
	s7 =	simm.s32 @!p2 $0xD  }
0x102: {  	[spmem:s3] =	stream.indirect.scatter.add.f32 @p2 [tilespmem:s6], [sflag:$0xF], $0x30, s5, s26, $0xb8;
	[tilespmem:$0x1FDB0] =	vst v63  }
0x103: {  	_ =	swait.ge @!p2 [sflag:s7], $0x1770  }
0x104: {  	[sflag:s7] =	ssyncset.done @!p2 $0x0  }
0x105: {  	s5 =	simm.s32 @!p2 $0x7;
	[sflag:s7] =	ssyncadd.s32 @!p2 $0xFFFFE890  }
0x106: {  	[tilespmem:s8], [sflag:$0x5] =	stream.indirect.gather @!p2 [spmem:s2], $0x30, s4, s25, $0xb8;
	[tilespmem:$0x1FDB0] =	vst v63  }
0x107: {  	s12 =	sadd.s32 $0x1000, s12;
	_ =	swait.ge @!p2 [sflag:s5], $0x1770  }
0x108: {  	p1 =	sne.s32 s12, $0xA000;
	[sflag:s5] =	ssyncset.done @!p2 $0x0  }
0x109: {  	s4 =	simm.s32 @!p2 $0xDCA0;
	[sflag:s5] =	ssyncadd.s32 @!p2 $0xFFFFE890;
	s5 =	simm.s32 @!p2 $0xE  }
0x10a: {  	[spmem:s3] =	stream.indirect.scatter.add.f32 @!p2 [tilespmem:s4], [sflag:$0xF], $0x30, s11, s25, $0xb8;
	[tilespmem:$0x1FDB0] =	vst v63  }
.Ltmp2:
0x10b: {  	_ =	swait.ge @!p2 [sflag:s5], $0x1770;
	(pc) =	sbr.rel @p1 .LBB2_6-.Ltmp2, $4  }
0x10c: {  	[sflag:s5] =	ssyncset.done @!p2 $0x0  }
0x10d: {  	s4 =	simm.s32 @!p2 $0xC530;
	[sflag:s5] =	ssyncadd.s32 @!p2 $0xFFFFE890  }
0x10e: {  	[tilespmem:s4], [sflag:$0x6] =	stream.indirect.gather @!p2 [spmem:s2], $0x30, s10, s25, $0xb8;
	[tilespmem:$0x1FDB0] =	vst v63  }
0x10f: {  	s13 =	sadd.s32 $0x2B80, s15;
	p2 =	seq.s32 s14, $0x0;
	_ =	swait.ge [sflag:s0], $0x1770  }
0x110: {  	[sflag:s0] =	ssyncset.done $0x0  }
0x111: {  	s4 =	simm.s32 @!p2 $0xF;
	[sflag:s0] =	ssyncadd.s32 $0xFFFFE890  }
0x112: {  	[spmem:s3] =	stream.indirect.scatter.add.f32 [tilespmem:s31], [sflag:$0x10], $0x30, s13, s29, $0xb8;
	[tilespmem:$0x1FDB0] =	vst v63  }
0x113: {  	_ =	swait.ge @!p2 [sflag:s4], $0x1770  }
0x114: {  	s12 =	sshra.s32 s14, $0x2;
	[sflag:s4] =	ssyncset.done @!p2 $0x0  }
0x115: {  	s18 =	sadd.s32 $0x300, s12;
	s5 =	rddreg [dreg:$0x5];
	[sflag:s4] =	ssyncadd.s32 @!p2 $0xFFFFE890  }
0x116: {  	[tilespmem:s5], [sflag:$0x7] =	stream.indirect.gather [spmem:s2], $0x30, s18, s29, $0xb8;
	[tilespmem:$0x1FDB0] =	vst v63  }
0x117: {  	_ =	swait.ge [sflag:s19], $0x1770  }
0x118: {  	[sflag:s19] =	ssyncset.done $0x0  }
0x119: {  	s21 =	sadd.s32 $0x2800, s12;
	s5 =	simm.s32 @!p2 $0x10;
	[sflag:s19] =	ssyncadd.s32 $0xFFFFE890  }
0x11a: {  	[spmem:s3] =	stream.indirect.scatter.add.f32 [tilespmem:s16], [sflag:$0x9], $0x30, s21, s29, $0xb8;
	[tilespmem:$0x1FDB0] =	vst v63  }
0x11b: {  	_ =	swait.ge @!p2 [sflag:s5], $0x1770  }
0x11c: {  	[sflag:s5] =	ssyncset.done @!p2 $0x0  }
0x11d: {  	s23 =	sadd.s32 $0x380, s12;
	[sflag:s5] =	ssyncadd.s32 @!p2 $0xFFFFE890  }
0x11e: {  	[tilespmem:s31], [sflag:$0x8] =	stream.indirect.gather [spmem:s2], $0x30, s23, s29, $0xb8;
	[tilespmem:$0x1FDB0] =	vst v63  }
0x11f: {  	_ =	swait.ge [sflag:s20], $0x1770  }
0x120: {  	p1 =	seq.s32 s14, $0x9000;
	[sflag:s20] =	ssyncset.done $0x0  }
0x121: {  	s25 =	sadd.s32 $0x2880, s12;
	s5 =	simm.s32 @p1 $0x3;
	[sflag:s20] =	ssyncadd.s32 $0xFFFFE890  }
0x122: {  	[spmem:s3] =	stream.indirect.scatter.add.f32 [tilespmem:s17], [sflag:$0xA], $0x30, s25, s29, $0xb8;
	[tilespmem:$0x1FDB0] =	vst v63  }
0x123: {  	s10 =	sshra.s32 @p1 s14, $0x2;
	_ =	swait.ge @p1 [sflag:s5], $0x1770  }
0x124: {  	s11 =	simm.s32 @p1 $0x7D;
	s6 =	simm.s32 @p1 $0x7EE0;
	[sflag:s5] =	ssyncset.done @p1 $0x0  }
0x125: {  	s7 =	simm.s32 @!p1 $0x9;
	s4 =	sadd.s32 @p1 $0x2900, s10;
	[sflag:s5] =	ssyncadd.s32 @p1 $0xFFFFE890  }
0x126: {  	[spmem:s3] =	stream.indirect.scatter.add.f32 @p1 [tilespmem:s6], [sflag:$0xB], $0x30, s4, s11, $0xb8;
	[tilespmem:$0x1FDB0] =	vst v63  }
0x127: {  	s8 =	simm.s32 @!p1 $0x5000;
	_ =	swait.ge @!p1 [sflag:s7], $0x1770  }
0x128: {  	s5 =	simm.s32 @!p1 $0x7D;
	s4 =	sshra.s32 @!p1 s14, $0x2;
	[sflag:s7] =	ssyncset.done @!p1 $0x0  }
0x129: {  	s6 =	sadd.s32 @!p1 $0x400, s4;
	[sflag:s7] =	ssyncadd.s32 @!p1 $0xFFFFE890;
	s7 =	simm.s32 @!p1 $0x3  }
0x12a: {  	[tilespmem:s8], [sflag:$0x1] =	stream.indirect.gather @!p1 [spmem:s2], $0x30, s6, s5, $0xb8;
	[tilespmem:$0x1FDB0] =	vst v63  }
0x12b: {  	_ =	swait.ge @!p1 [sflag:s7], $0x1770  }
0x12c: {  	s6 =	sadd.s32 @!p1 $0x2900, s4;
	[sflag:s7] =	ssyncset.done @!p1 $0x0  }
0x12d: {  	s8 =	simm.s32 @!p1 $0x7EE0;
	[sflag:s7] =	ssyncadd.s32 @!p1 $0xFFFFE890;
	s7 =	simm.s32 @!p1 $0xA  }
0x12e: {  	[spmem:s3] =	stream.indirect.scatter.add.f32 @!p1 [tilespmem:s8], [sflag:$0xB], $0x30, s6, s5, $0xb8;
	[tilespmem:$0x1FDB0] =	vst v63  }
0x12f: {  	_ =	swait.ge @!p1 [sflag:s7], $0x1770  }
0x130: {  	[sflag:s7] =	ssyncset.done @!p1 $0x0  }
0x131: {  	s6 =	sadd.s32 @!p1 $0x480, s4;
	[sflag:s7] =	ssyncadd.s32 @!p1 $0xFFFFE890;
	s7 =	simm.s32 @!p1 $0x6770  }
0x132: {  	[tilespmem:s7], [sflag:$0x2] =	stream.indirect.gather @!p1 [spmem:s2], $0x30, s6, s5, $0xb8;
	[tilespmem:$0x1FDB0] =	vst v63  }
0x133: {  	_ =	swait.ge [sflag:s22], $0x1770  }
0x134: {  	[sflag:s22] =	ssyncset.done $0x0  }
0x135: {  	s26 =	sadd.s32 $0x2980, s12;
	s7 =	simm.s32 @p1 $0x5;
	[sflag:s22] =	ssyncadd.s32 $0xFFFFE890  }
0x136: {  	[spmem:s3] =	stream.indirect.scatter.add.f32 [tilespmem:s24], [sflag:$0xC], $0x30, s26, s29, $0xb8;
	[tilespmem:$0x1FDB0] =	vst v63  }
0x137: {  	_ =	swait.ge @p1 [sflag:s7], $0x1770  }
0x138: {  	[sflag:s7] =	ssyncset.done @p1 $0x0  }
0x139: {  	s6 =	sadd.s32 @p1 $0x2A00, s10;
	[sflag:s7] =	ssyncadd.s32 @p1 $0xFFFFE890;
	s7 =	simm.s32 @p1 $0xADC0  }
0x13a: {  	[spmem:s3] =	stream.indirect.scatter.add.f32 @p1 [tilespmem:s7], [sflag:$0xD], $0x30, s6, s11, $0xb8;
	[tilespmem:$0x1FDB0] =	vst v63  }
0x13b: {  	s6 =	simm.s32 @!p1 $0xB  }
0x13c: {  	_ =	swait.ge @!p1 [sflag:s6], $0x1770  }
0x13d: {  	[sflag:s6] =	ssyncset.done @!p1 $0x0  }
0x13e: {  	s7 =	sadd.s32 @!p1 $0x500, s4;
	[sflag:s6] =	ssyncadd.s32 @!p1 $0xFFFFE890;
	s6 =	simm.s32 @!p1 $0x5  }
0x13f: {  	[tilespmem:s8], [sflag:$0x3] =	stream.indirect.gather @!p1 [spmem:s2], $0x30, s7, s5, $0xb8;
	[tilespmem:$0x1FDB0] =	vst v63  }
0x140: {  	_ =	swait.ge @!p1 [sflag:s6], $0x1770  }
0x141: {  	s7 =	sadd.s32 @!p1 $0x2A00, s4;
	[sflag:s6] =	ssyncset.done @!p1 $0x0  }
0x142: {  	s8 =	simm.s32 @!p1 $0xADC0;
	[sflag:s6] =	ssyncadd.s32 @!p1 $0xFFFFE890;
	s6 =	simm.s32 @!p1 $0xC  }
0x143: {  	[spmem:s3] =	stream.indirect.scatter.add.f32 @!p1 [tilespmem:s8], [sflag:$0xD], $0x30, s7, s5, $0xb8;
	[tilespmem:$0x1FDB0] =	vst v63  }
0x144: {  	_ =	swait.ge @!p1 [sflag:s6], $0x1770  }
0x145: {  	[sflag:s6] =	ssyncset.done @!p1 $0x0  }
0x146: {  	s7 =	sadd.s32 @!p1 $0x580, s4;
	[sflag:s6] =	ssyncadd.s32 @!p1 $0xFFFFE890;
	s6 =	simm.s32 @!p1 $0x9650  }
0x147: {  	[tilespmem:s6], [sflag:$0x4] =	stream.indirect.gather @!p1 [spmem:s2], $0x30, s7, s5, $0xb8;
	[tilespmem:$0x1FDB0] =	vst v63  }
0x148: {  	_ =	swait.ge [sflag:s1], $0x1770  }
0x149: {  	[sflag:s1] =	ssyncset.done $0x0  }
0x14a: {  	s7 =	sadd.s32 $0x2A80, s12;
	s6 =	simm.s32 @p1 $0x7;
	[sflag:s1] =	ssyncadd.s32 $0xFFFFE890  }
0x14b: {  	[spmem:s3] =	stream.indirect.scatter.add.f32 [tilespmem:s30], [sflag:$0xE], $0x30, s7, s29, $0xb8;
	[tilespmem:$0x1FDB0] =	vst v63  }
0x14c: {  	_ =	swait.ge @p1 [sflag:s6], $0x1770  }
0x14d: {  	[sflag:s6] =	ssyncset.done @p1 $0x0  }
0x14e: {  	s7 =	sadd.s32 @p1 $0x2B00, s10;
	[sflag:s6] =	ssyncadd.s32 @p1 $0xFFFFE890;
	s6 =	simm.s32 @p1 $0xDCA0  }
0x14f: {  	[spmem:s3] =	stream.indirect.scatter.add.f32 @p1 [tilespmem:s6], [sflag:$0xF], $0x30, s7, s11, $0xb8;
	[tilespmem:$0x1FDB0] =	vst v63  }
0x150: {  	s6 =	simm.s32 @!p1 $0xD  }
0x151: {  	_ =	swait.ge @!p1 [sflag:s6], $0x1770  }
0x152: {  	[sflag:s6] =	ssyncset.done @!p1 $0x0  }
0x153: {  	[sflag:s6] =	ssyncadd.s32 @!p1 $0xFFFFE890;
	s6 =	sadd.s32 @!p1 $0x600, s4  }
0x154: {  	[tilespmem:s8], [sflag:$0x5] =	stream.indirect.gather @!p1 [spmem:s2], $0x30, s6, s5, $0xb8;
	[tilespmem:$0x1FDB0] =	vst v63  }
0x155: {  	s6 =	simm.s32 @!p1 $0x7  }
0x156: {  	_ =	swait.ge @!p1 [sflag:s6], $0x1770  }
0x157: {  	[sflag:s6] =	ssyncset.done @!p1 $0x0  }
0x158: {  	s7 =	sadd.s32 @!p1 $0x2B00, s4;
	[sflag:s6] =	ssyncadd.s32 @!p1 $0xFFFFE890;
	s6 =	simm.s32 @!p1 $0xDCA0  }
0x159: {  	[spmem:s3] =	stream.indirect.scatter.add.f32 @!p1 [tilespmem:s6], [sflag:$0xF], $0x30, s7, s5, $0xb8;
	[tilespmem:$0x1FDB0] =	vst v63  }
0x15a: {  	s6 =	simm.s32 @!p1 $0xE  }
0x15b: {  	_ =	swait.ge @!p1 [sflag:s6], $0x1770  }
0x15c: {  	[sflag:s6] =	ssyncset.done @!p1 $0x0  }
0x15d: {  	s4 =	sadd.s32 @!p1 $0x680, s4;
	[sflag:s6] =	ssyncadd.s32 @!p1 $0xFFFFE890;
	s6 =	simm.s32 @!p1 $0xC530  }
0x15e: {  	[tilespmem:s6], [sflag:$0x6] =	stream.indirect.gather @!p1 [spmem:s2], $0x30, s4, s5, $0xb8;
	[tilespmem:$0x1FDB0] =	vst v63  }
0x15f: {  	_ =	swait.ge [sflag:s0], $0x1770  }
0x160: {  	[sflag:s0] =	ssyncset.done $0x0  }
0x161: {  	s25 =	simm.s32 $0x9;
	s8 =	sadd.s32 $0x2B80, s12;
	[sflag:s0] =	ssyncadd.s32 $0xFFFFE890  }
0x162: {  	[spmem:s3] =	stream.indirect.scatter.add.f32 [tilespmem:s31], [sflag:$0x10], $0x30, s8, s29, $0xb8;
	[tilespmem:$0x1FDB0] =	vst v63  }
0x163: {  	_ =	swait.ge [sflag:s25], $0x1770  }
0x164: {  	[sflag:s25] =	ssyncset.done $0x0  }
0x165: {  	s26 =	simm.s32 $0xA;
	[sflag:s25] =	ssyncadd.s32 $0xFFFFE890  }
0x166: {  	_ =	swait.ge [sflag:s26], $0x1770  }
0x167: {  	[sflag:s26] =	ssyncset.done $0x0  }
0x168: {  	s28 =	simm.s32 $0xB;
	[sflag:s26] =	ssyncadd.s32 $0xFFFFE890  }
0x169: {  	_ =	swait.ge [sflag:s28], $0x1770  }
0x16a: {  	[sflag:s28] =	ssyncset.done $0x0  }
0x16b: {  	s9 =	simm.s32 $0xC;
	[sflag:s28] =	ssyncadd.s32 $0xFFFFE890  }
0x16c: {  	_ =	swait.ge [sflag:s9], $0x1770  }
0x16d: {  	[sflag:s9] =	ssyncset.done $0x0  }
0x16e: {  	s10 =	simm.s32 $0xD;
	[sflag:s9] =	ssyncadd.s32 $0xFFFFE890  }
0x16f: {  	_ =	swait.ge [sflag:s10], $0x1770  }
0x170: {  	[sflag:s10] =	ssyncset.done $0x0  }
0x171: {  	s11 =	simm.s32 $0xE;
	[sflag:s10] =	ssyncadd.s32 $0xFFFFE890  }
0x172: {  	_ =	swait.ge [sflag:s11], $0x1770  }
0x173: {  	[sflag:s11] =	ssyncset.done $0x0  }
0x174: {  	s12 =	simm.s32 $0xF;
	[sflag:s11] =	ssyncadd.s32 $0xFFFFE890  }
0x175: {  	_ =	swait.ge [sflag:s12], $0x1770  }
0x176: {  	[sflag:s12] =	ssyncset.done $0x0  }
0x177: {  	s13 =	simm.s32 $0x10;
	[sflag:s12] =	ssyncadd.s32 $0xFFFFE890  }
0x178: {  	_ =	swait.ge [sflag:s13], $0x1770  }
0x179: {  	[sflag:s13] =	ssyncset.done $0x0  }
0x17a: {  	[sflag:s13] =	ssyncadd.s32 $0xFFFFE890  }
0x17b: {  	[bflag:$0x0] =	sbarrier.arrive $0xFFFF  }
0x17c: {  	s14 =	rddreg [dreg:$0x12]  }
0x17d: {  	s15 =	rddreg [dreg:$0x10]  }
0x17e: {  	s21 =	simm.s32 $0x11;
	s18 =	rddreg [dreg:$0x13];
	s4 =	sor.u32 $0x1C11, s14  }
0x17f: {  	[hbm:s15], [sflag:s4] =	dma.local [spmem:s18], $0xEA6  }
0x180: {  	_ =	swait.ge [sflag:s21], $0xEA6  }
0x181: {  	s23 =	rddreg [dreg:$0x6]  }
0x182: {  	s24 =	rddreg [dreg:$0x11];
	s14 =	sadd.s32 $0x1, s23  }
0x183: {  	p1 =	sne.s32 s14, s24  }
.Ltmp3:
0x184: {  	s15 =	rddreg [dreg:$0x7];
	(pc) =	sbr.rel @p1 .LBB2_1-.Ltmp3, $4  }
0x185: {  	s18 =	rddreg [dreg:$0x8]  }
0x186: {  	[sflag:s21] =	ssyncset.done $0x0;
	s8 =	rddreg [dreg:$0xa]  }
0x187: {  	s9 =	simm.s32 $0x7EE0;
	s7 =	rddreg [dreg:$0xb];
	[sflag:s21] =	ssyncadd.s32 $0xFFFFF15A  }
0x188: {  	s21 =	rddreg [dreg:$0x9];
	s23 =	simm.s32 $0x3;
	s24 =	simm.s32 $0x12  }
0x189: {  	_ =	sfence.sel $0x180000  }
0x18a: {  	[bflag:$0x0] =	sbarrier.arrive $0xFFFF  }
0x18b: {  	_ =	strace $0x9000004D  }
0x18c: {  	s0 =	stileid.u32;
	[bflag:$0x2] =	sbarrier.arrive $0xFFFF  }
0x18d: {  	p0 =	sne.s32 s0, $0x0;
	s0 =	rddreg [dreg:$0x4]  }
0x18e: {  	s0 =	sadd.s32 @!p0 $0x100000, s0  }
0x18f: {  	[sflag:s0] =	ssyncadd.tile.s32 @!p0 $0x1;
	_ =	shalt  }
.Lfunc_end2:
_tile_overlayer_lowered:
.L_overlay_start_2:
0x190: {  	(tag) =	ssettag $0x2  }
0x191: {  	s0 =	rddreg [dreg:$0x0];
	s2 =	stileid.u32  }
0x192: {  	s1 =	rddreg [dreg:$0x1];
	p0 =	sne.s32 s2, $0x0  }
0x193: {  	s3 =	rddreg [dreg:$0x2];
	[bflag:$0x3] =	sbarrier.arrive $0xFFFF;
	s2 =	simm.s32 @!p0 $0x1C11  }
0x194: {  	[timem:s3], [sflag:s2] =	dma.local @!p0 [hbm:s0], s1  }
0x195: {  	s0 =	simm.s32 @!p0 $0x11  }
0x196: {  	_ =	swait.ge @!p0 [sflag:s0], s1  }
0x197: {  	s1 =	ssub.s32 @!p0 $0x0, s1;
	[sflag:s0] =	ssyncset.done @!p0 $0x0  }
0x198: {  	[sflag:s0] =	ssyncadd.s32 @!p0 s1  }
0x199: {  	[bflag:$0x3] =	sbarrier.arrive $0xFFFF  }
0x19a: {  	_ =	shalt  }

// kernel: kernel.7.cloned.1.call-start
scs
__scs_entry_jumppad:
0x0: {  	(pc) =	sbr.rel $0x88, $3  }
0x1: {  	(tag) =	ssettag $0x0;
	lr =	simm.s32 $0x1  }
0x2: {  	[smem:$0x3F9D] =	sst lr;
	_ =	strace $0xD0000000  }
0x3: {  	_ = 	snop  }
0x4: {  	_ = 	snop  }
0x5: {  	_ = 	snop  }
0x6: {  	_ = 	snop  }
0x7: {  	_ = 	snop  }
__scs_overlays_trampoline_lowered:
0x8: {  	[smem:$0x3FAC] =	sst s0  }
0x9: {  	[smem:$0x3FAD] =	sst s1  }
0xa: {  	[smem:$0x3FAE] =	sst s2  }
0xb: {  	[smem:$0x3FAF] =	sst s3  }
0xc: {  	[smem:$0x3FB0] =	sst s4  }
0xd: {  	[smem:$0x3FB1] =	sst s5  }
0xe: {  	[smem:$0x3FB2] =	sst s6  }
0xf: {  	[smem:$0x3FB3] =	sst s7  }
0x10: {  	[smem:$0x3FB4] =	sst s8  }
0x11: {  	[smem:$0x3FB5] =	sst s9;
	s0 =	simm.s32 @!p0 $0x0  }
0x12: {  	s1 =	sld [smem:$0x3F9B];
	s0 =	simm.s32 @p0 $0x1  }
0x13: {  	[smem:$0x3FB6] =	sst s0;
	s0 =	simm.s32 @!p1 $0x0  }
0x14: {  	s2 =	sld [smem:$0x3F9A];
	s0 =	simm.s32 @p1 $0x1  }
0x15: {  	[smem:$0x3FB7] =	sst s0;
	s0 =	simm.s32 @!p2 $0x0  }
0x16: {  	s3 =	sld [smem:$0x3FDB];
	s0 =	simm.s32 @p2 $0x1  }
0x17: {  	s4 =	simm.s32 $0x1BF5;
	[smem:$0x3FB9] =	sst s0  }
0x18: {  	s0 =	sld [smem:$0x3F9C];
	_ =	swait.ge [sflag:s4], $0x0  }
0x19: {  	s7 =	sld [smem:$0x3F9D]  }
0x1a: {  	s8 =	sadd.s32 $0xFFFFE003, lr  }
0x1b: {  	s9 =	sadd.s32 $0xFFFFFEF7, lr;
	s5 =	simm.s32 $0xFFFFFFFF;
	p2 =	slt.u32 s8, $0xFFFFF086  }
0x1c: {  	p1 =	slt.u32 s9, $0xF7A;
	s5 =	simm.s32 @!p2 $0x0  }
0x1d: {  	s5 =	simm.s32 @p1 $0x1;
	p0 =	seq.s32 s7, s2  }
0x1e: {  	s7 =	smul.u32 @!p0 $0xF7A, s2;
	p2 =	seq.s32 @!p0 s5, $0x0  }
0x1f: {  	s9 =	smul.u32 $0xF7A, s1;
	s8 =	simm.s32 @!p0 $0x1BF5;
	p2 =	por !p2, p0  }
0x20: {  	[sflag:s8] =	ssyncset.s32 @!p0 $0xFFFFF086;
	s6 =	sadd.s32 @!p0 s3, s7;
	s7 =	simm.s32 @!p0 $0x108  }
0x21: {  	s3 =	sadd.s32 s3, s9;
	s6 =	sadd.s32 @!p0 $0x88, s6;
	s7 =	simm.s32 @p2 $0x1082  }
0x22: {  	[simem:s7], [sflag:s8] =	dma.local @!p0 [hbm:s6], $0xF7A  }
0x23: {  	s9 =	sor.u32 $0xD0000000, s2;
	s6 =	simm.s32 $0x108;
	_ =	swait.ge @!p0 [sflag:s8], $0x0  }
0x24: {  	s3 =	sadd.s32 $0x88, s3;
	s6 =	simm.s32 @!p1 $0x1082;
	[sflag:s4] =	ssyncset.s32 $0xFFFFF086  }
0x25: {  	[simem:s6], [sflag:s4] =	dma.local [hbm:s3], $0xF7A  }
0x26: {  	[smem:$0x3F9D] =	sst s1;
	(tag) =	ssettag s2;
	_ =	strace s9  }
0x27: {  	s1 =	sld [smem:$0x3FAD]  }
0x28: {  	s2 =	sld [smem:$0x3FAE]  }
0x29: {  	s4 =	sld [smem:$0x3FB0]  }
0x2a: {  	p0 =	seq.s32 s5, $0x0;
	s5 =	sld [smem:$0x3FB1]  }
0x2b: {  	s6 =	sld [smem:$0x3FB2]  }
0x2c: {  	s7 =	sld [smem:$0x3FB3]  }
0x2d: {  	s3 =	simm.s32 $0x108;
	s8 =	sld [smem:$0x3FB4]  }
0x2e: {  	s3 =	simm.s32 @!p0 $0x1082;
	s9 =	sld [smem:$0x3FB5]  }
0x2f: {  	lr =	sadd.s32 s0, s3;
	s0 =	sld [smem:$0x3FAC]  }
0x30: {  	s3 =	sld [smem:$0x3FAF]  }
0x31: {  	[smem:$0x3FB8] =	sst s10  }
0x32: {  	s10 =	sld [smem:$0x3FB6];
	_ =	sdelay $0x3  }
0x33: {  	p0 =	seq.s32 s10, $0x1;
	s10 =	sld [smem:$0x3FB8];
	_ =	sdelay $0x3  }
0x34: {  	[smem:$0x3FB8] =	sst s10  }
0x35: {  	s10 =	sld [smem:$0x3FB7];
	_ =	sdelay $0x3  }
0x36: {  	p1 =	seq.s32 s10, $0x1;
	s10 =	sld [smem:$0x3FB8];
	_ =	sdelay $0x3  }
0x37: {  	[smem:$0x3FB8] =	sst s10  }
0x38: {  	s10 =	sld [smem:$0x3FB9]  }
0x39: {  	_ = 	snop;
	(pc) =	sbr.ind lr, $3  }
0x3a: {  	_ = 	snop  }
0x3b: {  	_ = 	snop  }
0x3c: {  	p2 =	seq.s32 s10, $0x1;
	s10 =	sld [smem:$0x3FB8]  }
0x3d: {  	_ =	shalt  }
0x3e: {  	_ =	shalt  }
0x3f: {  	_ =	shalt  }
0x40: {  	_ =	shalt  }
0x41: {  	_ =	shalt  }
0x42: {  	_ =	shalt  }
0x43: {  	_ =	shalt  }
0x44: {  	_ =	shalt  }
0x45: {  	_ =	shalt  }
0x46: {  	_ =	shalt  }
0x47: {  	_ =	shalt  }
0x48: {  	_ =	shalt  }
0x49: {  	_ =	shalt  }
0x4a: {  	_ =	shalt  }
0x4b: {  	_ =	shalt  }
0x4c: {  	_ =	shalt  }
0x4d: {  	_ =	shalt  }
0x4e: {  	_ =	shalt  }
0x4f: {  	_ =	shalt  }
0x50: {  	_ =	shalt  }
0x51: {  	_ =	shalt  }
0x52: {  	_ =	shalt  }
0x53: {  	_ =	shalt  }
0x54: {  	_ =	shalt  }
0x55: {  	_ =	shalt  }
0x56: {  	_ =	shalt  }
0x57: {  	_ =	shalt  }
0x58: {  	_ =	shalt  }
0x59: {  	_ =	shalt  }
0x5a: {  	_ =	shalt  }
0x5b: {  	_ =	shalt  }
0x5c: {  	_ =	shalt  }
0x5d: {  	_ =	shalt  }
0x5e: {  	_ =	shalt  }
0x5f: {  	_ =	shalt  }
0x60: {  	_ =	shalt  }
0x61: {  	_ =	shalt  }
0x62: {  	_ =	shalt  }
0x63: {  	_ =	shalt  }
0x64: {  	_ =	shalt  }
0x65: {  	_ =	shalt  }
0x66: {  	_ =	shalt  }
0x67: {  	_ =	shalt  }
0x68: {  	_ =	shalt  }
0x69: {  	_ =	shalt  }
0x6a: {  	_ =	shalt  }
0x6b: {  	_ =	shalt  }
0x6c: {  	_ =	shalt  }
0x6d: {  	_ =	shalt  }
0x6e: {  	_ =	shalt  }
0x6f: {  	_ =	shalt  }
0x70: {  	_ =	shalt  }
0x71: {  	_ =	shalt  }
0x72: {  	_ =	shalt  }
0x73: {  	_ =	shalt  }
0x74: {  	_ =	shalt  }
0x75: {  	_ =	shalt  }
0x76: {  	_ =	shalt  }
0x77: {  	_ =	shalt  }
0x78: {  	_ =	shalt  }
0x79: {  	_ =	shalt  }
0x7a: {  	_ =	shalt  }
0x7b: {  	_ =	shalt  }
0x7c: {  	_ =	shalt  }
0x7d: {  	_ =	shalt  }
0x7e: {  	_ =	shalt  }
0x7f: {  	_ =	shalt  }
0x80: {  	_ =	shalt  }
0x81: {  	_ =	shalt  }
0x82: {  	_ =	shalt  }
0x83: {  	_ =	shalt  }
0x84: {  	_ =	shalt  }
0x85: {  	_ =	shalt  }
0x86: {  	_ =	shalt  }
0x87: {  	_ =	shalt  }
.Lfunc_end0:
.L_simem_size_0:
called_computation_lowered:
.L_overlay_start_0:
0x88: {  	s2 =	sld [smem:$0x3FD9]  }
0x89: {  	s3 =	sld [smem:$0x3FFE];
	_ =	sdelay $0x1  }
0x8a: {  	s1 =	srdreg.scid  }
0x8b: {  	s0 =	sand.u32 $0x1, s1  }
0x8c: {  	s17 =	sshll.u32 s0, $0xA;
	s2 =	sadd.s32 s3, s2  }
0x8d: {  	s2 =	sadd.s32 s2, s17  }
0x8e: {  	[smem:$0x3FC4] =	sst s2  }
0x8f: {  	_ = 	snop  }
0x90: {  	s2 =	sld [smem:$0x3FD0];
	(tm) =	ssettm $0x1  }
0x91: {  	s18 =	sld [smem:$0x3FFB];
	_ =	sdelay $0x3  }
0x92: {  	_ =	strace s18  }
0x93: {  	s3 =	sld [smem:$0x3FFC];
	_ =	sdelay $0x3  }
0x94: {  	_ =	strace s3  }
0x95: {  	s3 =	sld [smem:$0x3FFD];
	_ =	sdelay $0x3  }
0x96: {  	_ =	strace s3  }
0x97: {  	_ =	strace $0x8FFFFFFF  }
0x98: {  	s19 =	sld [smem:$0x3FDB];
	_ =	sdelay $0x1  }
0x99: {  	s4 =	simm.s32 $_scs_section_size  }
0x9a: {  	s5 =	simm.s32 $_size__tile_overlayer_lowered;
	s6 =	simm.s32 $_tile_overlayer_lowered  }
0x9b: {  	s22 =	simm.s32 $0x1BFF;
	s21 =	sshll.u32 s6, $0x1;
	s3 =	sadd.s32 s4, s19  }
0x9c: {  	s7 =	simm.s32 $0x0;
	s20 =	sshll.u32 s5, $0x1;
	s5 =	sadd.s32 s21, s3  }
0x9d: {  	[timem:s7], [sflag:s22] =	dma.local [hbm:s5], s20  }
0x9e: {  	_ =	swait.ge [sflag:s22], s20  }
0x9f: {  	s4 =	ssub.s32 $0x0, s20;
	[sflag:s22] =	ssyncset.done $0x0  }
0xa0: {  	[sflag:s22] =	ssyncadd.s32 s4;
	_ =	sdelay $0x1  }
0xa1: {  	s23 =	simm.s32 $0x1B8B  }
0xa2: {  	_ =	swait.ge [sflag:s23], $0x1  }
0xa3: {  	[sflag:s23] =	ssyncset.done $0x0  }
0xa4: {  	s25 =	simm.s32 $0x1B8E;
	s24 =	sld [smem:$0x3FFE];
	[sflag:s23] =	ssyncadd.s32 $0xFFFFFFFF  }
0xa5: {  	s26 =	simm.s32 $execute0_lowered;
	[smem:$0x3FD2] =	sst s25  }
0xa6: {  	s5 =	sshll.u32 s26, $0x1;
	_ =	strace $0x80000046;
	[dreg:$0x1] =	wrdreg $0xFFFFFFFF  }
0xa7: {  	s28 =	simm.s32 $_size_execute0_lowered;
	s3 =	sadd.s32 s3, s5;
	[dreg:$0x0] =	wrdreg $0x0  }
0xa8: {  	s5 =	sshll.u32 s28, $0x1;
	[dreg:$0x2] =	wrdreg s3  }
0xa9: {  	[dreg:$0x3] =	wrdreg s5  }
0xaa: {  	[dreg:$0x4] =	wrdreg $0xC0  }
0xab: {  	_ =	task [dreg:s7], $0x5FFFF  }
0xac: {  	[dreg:$0x1] =	wrdreg $0xFFFFFFFF  }
0xad: {  	[dreg:$0x0] =	wrdreg $0x60  }
0xae: {  	[dreg:$0x2] =	wrdreg s2  }
0xaf: {  	[dreg:$0x3] =	wrdreg s24  }
0xb0: {  	[dreg:$0x4] =	wrdreg $0x2FD00  }
0xb1: {  	[dreg:$0x5] =	wrdreg $0x9  }
0xb2: {  	_ =	task.clear_ibuf [dreg:s7], $0x6FFFF;
	_ =	strace $0x90000046  }
0xb3: {  	s29 =	simm.s32 $0x9;
	_ =	strace $0x80000048  }
0xb4: {  	_ =	swait.ge [sflag:s29], $0x1  }
0xb5: {  	[sflag:s29] =	ssyncadd.s32 $0xFFFFFFFF  }
0xb6: {  	_ =	strace $0x90000048  }
0xb7: {  	_ =	sfence  }
0xb8: {  	s30 =	sld [smem:$0x0];
	_ =	sdelay $0x2  }
0xb9: {  	s31 =	sshll.u32 s1, $0xD;
	s1 =	sshrl.u32 s1, $0x2  }
0xba: {  	s3 =	sand.u32 $0x4000, s31;
	s1 =	sadd.s32 s1, s30  }
0xbb: {  	s0 =	sor.u32 s3, s0;
	s1 =	sshll.u32 s1, $0x11  }
0xbc: {  	s0 =	sor.u32 s1, s0  }
0xbd: {  	s0 =	sadd.s32 $0x8F2B, s0  }
0xbe: {  	[sflag:s0] =	ssyncadd.remote.s32 $0x1  }
0xbf: {  	_ =	sfence.sel $0xFFFF  }
0xc0: {  	[dreg:$0x0] =	wrdreg $0xFFFFFFFF;
	(pc) =	sbr.abs _section_cstart, $3  }
0xc1: {  	[dreg:$0x1] =	wrdreg $0xFFFFFFFF  }
0xc2: {  	_ =	task.clear_ibuf [dreg:s7], $0x2FFFF;
	_ =	strace $0x9FFFFFFF  }
0xc3: {  	(tm) =	ssettm $0x7FFFFFFF  }
tec
execute0_lowered:
.L_overlay_start_1:
0x0: {  	(tag) =	ssettag $0x1  }
0x1: {  	s7 =	rddreg [dreg:$0x0]  }
0x2: {  	s5 =	rddreg [dreg:$0x1]  }
0x3: {  	s2 =	rddreg [dreg:$0x2]  }
0x4: {  	s0 =	rddreg [dreg:$0x3]  }
0x5: {  	s1 =	stileid.u32;
	s4 =	srdreg.scid;
	s3 =	simm.s32 $0x0  }
0x6: {  	s14 =	simm.s32 $0x1;
	s15 =	simm.s32 $0x0;
	s6 =	smul.u32 $0x2710, s1  }
0x7: {  	s8 =	sand.u32 $0x1, s4;
	[smem:$0x7FF] =	sst s3;
	s4 =	sadd.s32 $0x1200, s5  }
0x8: {  	s12 =	sshll.u32 s1, $0x1;
	s31 =	sshll.u32 s1, $0x6;
	s9 =	smul.u32 $0x27100, s8  }
0x9: {  	_ =	strace $0x80000047;
	s11 =	ssub.s32 $0x2, s8;
	s8 =	sor.u32 s8, s12  }
0xa: {  	s12 =	simm.s32 $0x2800;
	s10 =	sshrl.u32 s6, $0x3;
	s30 =	sshrl.u32 s11, $0x1  }
0xb: {  	s8 =	smul.u32 $0x500, s8;
	s13 =	sadd.s32 s6, s2;
	s9 =	sadd.s32 s6, s9  }
0xc: {  	s10 =	sadd.s32 s10, s5;
	s11 =	ssub.s32 s11, s30;
	s9 =	sshrl.u32 s9, $0x3  }
0xd: {  	s6 =	sor.u32 $0x1C02, s31;
	s7 =	sadd.s32 s7, s8;
	s9 =	sadd.s32 s9, s5  }
0xe: {  	s5 =	sadd.s32 $0x1400, s10;
	s10 =	sshrl.u32 s13, $0x3;
	s13 =	simm.s32 $0x7D  }
0xf: {  	s8 =	sadd.s32 $0x6400, s9;
	s9 =	smax.u32 s11, $0x1;
	s11 =	simm.s32 $0x2  }
.LBB2_1:
0x10: {  	[spmem:s10], [sflag:s6] =	dma.local [hbm:s5], $0x4E2  }
0x11: {  	_ =	swait.ge [sflag:s11], $0x4E2  }
0x12: {  	[sflag:s11] =	ssyncset.done $0x0  }
0x13: {  	[sflag:s11] =	ssyncadd.s32 $0xFFFFFB1E  }
0x14: {  	[tilespmem:s12], [sflag:$0x2] =	stream.linear.gather [hbm4b:s4+s3], $0x7D0, $0x38;
	[tilespmem:$0x56E0] =	vst v63  }
0x15: {  	_ =	swait.ge [sflag:s11], $0x7D0  }
0x16: {  	[sflag:s11] =	ssyncset.done $0x0  }
0x17: {  	[sflag:s11] =	ssyncadd.s32 $0xFFFFF830  }
0x18: {  	[tilespmem:s3], [sflag:$0x2] =	stream.linear.gather [hbm4b:s7+s3], $0x2800, $0x38;
	[tilespmem:$0x56E0] =	vst v63  }
0x19: {  	_ =	swait.ge [sflag:s11], $0x2800  }
0x1a: {  	[sflag:s11] =	ssyncset.done $0x0  }
0x1b: {  	[sflag:s11] =	ssyncadd.s32 $0xFFFFD800  }
0x1c: {  	s16 =	simm.s32 $0x0;
	[bflag:$0x0] =	sbarrier.arrive $0xFFFF  }
0x1d: {  	[spmem:s2] =	stream.indirect.scatter.add.f32 [tilespmem:s12], [sflag:$0x1], $0x10, s16, s13, $0xb8;
	[tilespmem:$0x56E0] =	vst v63  }
0x1e: {  	s24 =	simm.s32 $0x80  }
0x1f: {  	[spmem:s2] =	stream.indirect.scatter.add.f32 [tilespmem:s12], [sflag:$0x1], $0x10, s24, s13, $0xb8;
	[tilespmem:$0x56E0] =	vst v63  }
0x20: {  	s25 =	simm.s32 $0x100  }
0x21: {  	[spmem:s2] =	stream.indirect.scatter.add.f32 [tilespmem:s12], [sflag:$0x1], $0x10, s25, s13, $0xb8;
	[tilespmem:$0x56E0] =	vst v63  }
0x22: {  	s26 =	simm.s32 $0x180  }
0x23: {  	[spmem:s2] =	stream.indirect.scatter.add.f32 [tilespmem:s12], [sflag:$0x1], $0x10, s26, s13, $0xb8;
	[tilespmem:$0x56E0] =	vst v63  }
0x24: {  	s28 =	simm.s32 $0x200  }
0x25: {  	[spmem:s2] =	stream.indirect.scatter.add.f32 [tilespmem:s12], [sflag:$0x1], $0x10, s28, s13, $0xb8;
	[tilespmem:$0x56E0] =	vst v63  }
0x26: {  	s29 =	simm.s32 $0x280  }
0x27: {  	[spmem:s2] =	stream.indirect.scatter.add.f32 [tilespmem:s12], [sflag:$0x1], $0x10, s29, s13, $0xb8;
	[tilespmem:$0x56E0] =	vst v63  }
0x28: {  	s30 =	simm.s32 $0x300  }
0x29: {  	[spmem:s2] =	stream.indirect.scatter.add.f32 [tilespmem:s12], [sflag:$0x1], $0x10, s30, s13, $0xb8;
	[tilespmem:$0x56E0] =	vst v63  }
0x2a: {  	s31 =	simm.s32 $0x380  }
0x2b: {  	[spmem:s2] =	stream.indirect.scatter.add.f32 [tilespmem:s12], [sflag:$0x1], $0x10, s31, s13, $0xb8;
	[tilespmem:$0x56E0] =	vst v63  }
0x2c: {  	_ =	swait.ge [sflag:s14], $0x7D0  }
0x2d: {  	[sflag:s14] =	ssyncset.done $0x0  }
0x2e: {  	[sflag:s14] =	ssyncadd.s32 $0xFFFFF830  }
0x2f: {  	_ =	swait.ge [sflag:s14], $0x7D0  }
0x30: {  	[sflag:s14] =	ssyncset.done $0x0  }
0x31: {  	[sflag:s14] =	ssyncadd.s32 $0xFFFFF830  }
0x32: {  	_ =	swait.ge [sflag:s14], $0x7D0  }
0x33: {  	[sflag:s14] =	ssyncset.done $0x0  }
0x34: {  	[sflag:s14] =	ssyncadd.s32 $0xFFFFF830  }
0x35: {  	_ =	swait.ge [sflag:s14], $0x7D0  }
0x36: {  	[sflag:s14] =	ssyncset.done $0x0  }
0x37: {  	[sflag:s14] =	ssyncadd.s32 $0xFFFFF830  }
0x38: {  	_ =	swait.ge [sflag:s14], $0x7D0  }
0x39: {  	[sflag:s14] =	ssyncset.done $0x0  }
0x3a: {  	[sflag:s14] =	ssyncadd.s32 $0xFFFFF830  }
0x3b: {  	_ =	swait.ge [sflag:s14], $0x7D0  }
0x3c: {  	[sflag:s14] =	ssyncset.done $0x0  }
0x3d: {  	[sflag:s14] =	ssyncadd.s32 $0xFFFFF830  }
0x3e: {  	_ =	swait.ge [sflag:s14], $0x7D0  }
0x3f: {  	[sflag:s14] =	ssyncset.done $0x0  }
0x40: {  	[sflag:s14] =	ssyncadd.s32 $0xFFFFF830  }
0x41: {  	_ =	swait.ge [sflag:s14], $0x7D0  }
0x42: {  	s18 =	simm.s32 $0x2000;
	s16 =	simm.s32 $0x1000;
	[sflag:s14] =	ssyncset.done $0x0  }
.LBB2_2:
0x43: {  	s19 =	sshra.s32 s16, $0x2  }
0x44: {  	[sflag:s14] =	ssyncadd.s32 $0xFFFFF830;
	s16 =	smov.u32 s18;
	s17 =	sadd.s32 $0x1000, s18  }
0x45: {  	[spmem:s2] =	stream.indirect.scatter.add.f32 [tilespmem:s12], [sflag:$0x1], $0x10, s19, s13, $0xb8;
	[tilespmem:$0x56E0] =	vst v63  }
0x46: {  	p0 =	sne.s32 s18, $0x9000;
	s18 =	sadd.s32 $0x80, s19  }
0x47: {  	[spmem:s2] =	stream.indirect.scatter.add.f32 [tilespmem:s12], [sflag:$0x1], $0x10, s18, s13, $0xb8;
	[tilespmem:$0x56E0] =	vst v63  }
0x48: {  	s18 =	sadd.s32 $0x100, s19  }
0x49: {  	[spmem:s2] =	stream.indirect.scatter.add.f32 [tilespmem:s12], [sflag:$0x1], $0x10, s18, s13, $0xb8;
	[tilespmem:$0x56E0] =	vst v63  }
0x4a: {  	s18 =	sadd.s32 $0x180, s19  }
0x4b: {  	[spmem:s2] =	stream.indirect.scatter.add.f32 [tilespmem:s12], [sflag:$0x1], $0x10, s18, s13, $0xb8;
	[tilespmem:$0x56E0] =	vst v63  }
0x4c: {  	s18 =	sadd.s32 $0x200, s19  }
0x4d: {  	[spmem:s2] =	stream.indirect.scatter.add.f32 [tilespmem:s12], [sflag:$0x1], $0x10, s18, s13, $0xb8;
	[tilespmem:$0x56E0] =	vst v63  }
0x4e: {  	s18 =	sadd.s32 $0x280, s19  }
0x4f: {  	[spmem:s2] =	stream.indirect.scatter.add.f32 [tilespmem:s12], [sflag:$0x1], $0x10, s18, s13, $0xb8;
	[tilespmem:$0x56E0] =	vst v63  }
0x50: {  	s18 =	sadd.s32 $0x300, s19  }
0x51: {  	[spmem:s2] =	stream.indirect.scatter.add.f32 [tilespmem:s12], [sflag:$0x1], $0x10, s18, s13, $0xb8;
	[tilespmem:$0x56E0] =	vst v63  }
0x52: {  	s18 =	sadd.s32 $0x380, s19  }
0x53: {  	[spmem:s2] =	stream.indirect.scatter.add.f32 [tilespmem:s12], [sflag:$0x1], $0x10, s18, s13, $0xb8;
	[tilespmem:$0x56E0] =	vst v63  }
0x54: {  	_ =	swait.ge [sflag:s14], $0x7D0  }
0x55: {  	[sflag:s14] =	ssyncset.done $0x0  }
0x56: {  	[sflag:s14] =	ssyncadd.s32 $0xFFFFF830  }
0x57: {  	_ =	swait.ge [sflag:s14], $0x7D0  }
0x58: {  	[sflag:s14] =	ssyncset.done $0x0  }
0x59: {  	[sflag:s14] =	ssyncadd.s32 $0xFFFFF830  }
0x5a: {  	_ =	swait.ge [sflag:s14], $0x7D0  }
0x5b: {  	[sflag:s14] =	ssyncset.done $0x0  }
0x5c: {  	[sflag:s14] =	ssyncadd.s32 $0xFFFFF830  }
0x5d: {  	_ =	swait.ge [sflag:s14], $0x7D0  }
0x5e: {  	[sflag:s14] =	ssyncset.done $0x0  }
0x5f: {  	[sflag:s14] =	ssyncadd.s32 $0xFFFFF830  }
0x60: {  	_ =	swait.ge [sflag:s14], $0x7D0  }
0x61: {  	[sflag:s14] =	ssyncset.done $0x0  }
0x62: {  	[sflag:s14] =	ssyncadd.s32 $0xFFFFF830  }
0x63: {  	_ =	swait.ge [sflag:s14], $0x7D0  }
0x64: {  	[sflag:s14] =	ssyncset.done $0x0  }
0x65: {  	[sflag:s14] =	ssyncadd.s32 $0xFFFFF830  }
.Ltmp0:
0x66: {  	_ =	swait.ge [sflag:s14], $0x7D0;
	(pc) =	sbr.rel @p0 .LBB2_2-.Ltmp0, $4  }
0x67: {  	[sflag:s14] =	ssyncset.done $0x0  }
0x68: {  	[sflag:s14] =	ssyncadd.s32 $0xFFFFF830  }
0x69: {  	_ =	swait.ge [sflag:s14], $0x7D0  }
0x6a: {  	s18 =	smov.u32 s17;
	[sflag:s14] =	ssyncset.done $0x0  }
0x6b: {  	s16 =	sshra.s32 s16, $0x2;
	[sflag:s14] =	ssyncadd.s32 $0xFFFFF830  }
0x6c: {  	[spmem:s2] =	stream.indirect.scatter.add.f32 [tilespmem:s12], [sflag:$0x1], $0x10, s16, s13, $0xb8;
	[tilespmem:$0x56E0] =	vst v63  }
0x6d: {  	s17 =	sadd.s32 $0x80, s16  }
0x6e: {  	[spmem:s2] =	stream.indirect.scatter.add.f32 [tilespmem:s12], [sflag:$0x1], $0x10, s17, s13, $0xb8;
	[tilespmem:$0x56E0] =	vst v63  }
0x6f: {  	s26 =	sadd.s32 $0x100, s16  }
0x70: {  	[spmem:s2] =	stream.indirect.scatter.add.f32 [tilespmem:s12], [sflag:$0x1], $0x10, s26, s13, $0xb8;
	[tilespmem:$0x56E0] =	vst v63  }
0x71: {  	s28 =	sadd.s32 $0x180, s16  }
0x72: {  	[spmem:s2] =	stream.indirect.scatter.add.f32 [tilespmem:s12], [sflag:$0x1], $0x10, s28, s13, $0xb8;
	[tilespmem:$0x56E0] =	vst v63  }
0x73: {  	s29 =	sadd.s32 $0x200, s16  }
0x74: {  	[spmem:s2] =	stream.indirect.scatter.add.f32 [tilespmem:s12], [sflag:$0x1], $0x10, s29, s13, $0xb8;
	[tilespmem:$0x56E0] =	vst v63  }
0x75: {  	s30 =	sadd.s32 $0x280, s16  }
0x76: {  	[spmem:s2] =	stream.indirect.scatter.add.f32 [tilespmem:s12], [sflag:$0x1], $0x10, s30, s13, $0xb8;
	[tilespmem:$0x56E0] =	vst v63  }
0x77: {  	s31 =	sadd.s32 $0x300, s16  }
0x78: {  	[spmem:s2] =	stream.indirect.scatter.add.f32 [tilespmem:s12], [sflag:$0x1], $0x10, s31, s13, $0xb8;
	[tilespmem:$0x56E0] =	vst v63  }
0x79: {  	s16 =	sadd.s32 $0x380, s16  }
0x7a: {  	[spmem:s2] =	stream.indirect.scatter.add.f32 [tilespmem:s12], [sflag:$0x1], $0x10, s16, s13, $0xb8;
	[tilespmem:$0x56E0] =	vst v63  }
0x7b: {  	_ =	swait.ge [sflag:s14], $0x7D0  }
0x7c: {  	[sflag:s14] =	ssyncset.done $0x0  }
0x7d: {  	[sflag:s14] =	ssyncadd.s32 $0xFFFFF830  }
0x7e: {  	_ =	swait.ge [sflag:s14], $0x7D0  }
0x7f: {  	[sflag:s14] =	ssyncset.done $0x0  }
0x80: {  	[sflag:s14] =	ssyncadd.s32 $0xFFFFF830  }
0x81: {  	_ =	swait.ge [sflag:s14], $0x7D0  }
0x82: {  	[sflag:s14] =	ssyncset.done $0x0  }
0x83: {  	[sflag:s14] =	ssyncadd.s32 $0xFFFFF830  }
0x84: {  	_ =	swait.ge [sflag:s14], $0x7D0  }
0x85: {  	[sflag:s14] =	ssyncset.done $0x0  }
0x86: {  	[sflag:s14] =	ssyncadd.s32 $0xFFFFF830  }
0x87: {  	_ =	swait.ge [sflag:s14], $0x7D0  }
0x88: {  	[sflag:s14] =	ssyncset.done $0x0  }
0x89: {  	[sflag:s14] =	ssyncadd.s32 $0xFFFFF830  }
0x8a: {  	_ =	swait.ge [sflag:s14], $0x7D0  }
0x8b: {  	[sflag:s14] =	ssyncset.done $0x0  }
0x8c: {  	[sflag:s14] =	ssyncadd.s32 $0xFFFFF830  }
0x8d: {  	_ =	swait.ge [sflag:s14], $0x7D0  }
0x8e: {  	[sflag:s14] =	ssyncset.done $0x0  }
0x8f: {  	[sflag:s14] =	ssyncadd.s32 $0xFFFFF830  }
0x90: {  	_ =	swait.ge [sflag:s14], $0x7D0  }
0x91: {  	s15 =	sadd.s32 $0x1, s15;
	[sflag:s14] =	ssyncset.done $0x0  }
0x92: {  	p0 =	sne.s32 s15, s9;
	[sflag:s14] =	ssyncadd.s32 $0xFFFFF830  }
.Ltmp1:
0x93: {  	[bflag:$0x0] =	sbarrier.arrive $0xFFFF;
	(pc) =	sbr.rel @p0 .LBB2_1-.Ltmp1, $4  }
0x94: {  	[hbm:s8], [sflag:s6] =	dma.local [spmem:s10], $0x4E2  }
0x95: {  	_ =	swait.ge [sflag:s11], $0x4E2  }
0x96: {  	[sflag:s11] =	ssyncset.done $0x0  }
0x97: {  	[sflag:s11] =	ssyncadd.s32 $0xFFFFFB1E  }
0x98: {  	_ =	sfence.sel $0x180000  }
0x99: {  	[bflag:$0x0] =	sbarrier.arrive $0xFFFF  }
0x9a: {  	p0 =	sne.s32 s1, $0x0;
	_ =	strace $0x90000047  }
0x9b: {  	s0 =	sadd.s32 @!p0 $0x100000, s0;
	[bflag:$0x2] =	sbarrier.arrive $0xFFFF  }
0x9c: {  	[sflag:s0] =	ssyncadd.tile.s32 @!p0 $0x1;
	_ =	shalt  }
.Lfunc_end2:
_tile_overlayer_lowered:
.L_overlay_start_2:
0x9d: {  	(tag) =	ssettag $0x2  }
0x9e: {  	s0 =	rddreg [dreg:$0x0];
	s2 =	stileid.u32  }
0x9f: {  	s1 =	rddreg [dreg:$0x1];
	p0 =	sne.s32 s2, $0x0  }
0xa0: {  	s3 =	rddreg [dreg:$0x2];
	[bflag:$0x3] =	sbarrier.arrive $0xFFFF;
	s2 =	simm.s32 @!p0 $0x1C02  }
0xa1: {  	[timem:s3], [sflag:s2] =	dma.local @!p0 [hbm:s0], s1  }
0xa2: {  	s0 =	simm.s32 @!p0 $0x2  }
0xa3: {  	_ =	swait.ge @!p0 [sflag:s0], s1  }
0xa4: {  	s1 =	ssub.s32 @!p0 $0x0, s1;
	[sflag:s0] =	ssyncset.done @!p0 $0x0  }
0xa5: {  	[sflag:s0] =	ssyncadd.s32 @!p0 s1  }
0xa6: {  	[bflag:$0x3] =	sbarrier.arrive $0xFFFF  }
0xa7: {  	_ =	shalt  }

</sc_bundles>
